<compile_context>
chip_gen: v7x
topology: tpu7x:2x2x1
jax: 0.10.2.dev20260603
libtpu: 0.0.44.dev20260713+nightly
codegen_flags: <defaults>
</compile_context>

<pallas_src>
import functools

import jax
import jax.numpy as jnp
from jax import lax
from jax.experimental import pallas as pl
from jax.experimental.pallas import tpu as pltpu
from jax.experimental.pallas import tpu_sc as plsc

_NE = 8
_NN = 10000
_DF = 128
_EDGES = 320000
_DC = _NE * _DF

_NC = 2
_NS = 16
_NW = _NC * _NS
_EPW = _EDGES // _NW
_CH = 16
_NCH = _EPW // _CH
_L = 16


def _tc_normalize(z, sqrt_c):
    nb = 400

    def body(c_ref, z_ref, o_ref):
        x = z_ref[0]
        n = jnp.sqrt(jnp.sum(x * x, axis=1, keepdims=True))
        o_ref[...] = x / jnp.maximum(n, 1e-12) * c_ref[0]

    return pl.pallas_call(
        body,
        grid=(_NE, _NN // nb),
        in_specs=[
            pl.BlockSpec((1, 1, _DF), lambda k, n: (k, 0, 0)),
            pl.BlockSpec((1, nb, _DF), lambda k, n: (k, n, 0)),
        ],
        out_specs=pl.BlockSpec((nb, _DF), lambda k, n: (n, k)),
        out_shape=jax.ShapeDtypeStruct((_NN, _DC), jnp.float32),
    )(sqrt_c, z)


def _sc_gather_dot(table, src, dst):
    mesh = plsc.VectorSubcoreMesh(core_axis_name="c", subcore_axis_name="s")

    @functools.partial(
        pl.kernel,
        mesh=mesh,
        out_type=jax.ShapeDtypeStruct((_EDGES,), jnp.float32),
        scratch_types=[
            pltpu.VMEM((_EPW,), jnp.int32),
            pltpu.VMEM((_EPW,), jnp.int32),
            pltpu.VMEM((_EPW,), jnp.float32),
            pltpu.VMEM((_CH, _DC), jnp.float32),
            pltpu.VMEM((_CH, _DC), jnp.float32),
            pltpu.VMEM((_CH, _DC), jnp.float32),
            pltpu.VMEM((_CH, _DC), jnp.float32),
            pltpu.VMEM((_CH, _DC), jnp.float32),
            pltpu.VMEM((_CH, _DC), jnp.float32),
            pltpu.SemaphoreType.DMA,
            pltpu.SemaphoreType.DMA,
            pltpu.SemaphoreType.DMA,
        ],
    )
    def k(table_hbm, src_hbm, dst_hbm, out_hbm,
          src_v, dst_v, out_v, srows0, drows0, srows1, drows1,
          srows2, drows2, sem0, sem1, sem2):
        wid = lax.axis_index("s") * _NC + lax.axis_index("c")
        base = pl.multiple_of(wid * _EPW, 8)
        pltpu.sync_copy(src_hbm.at[pl.ds(base, _EPW)], src_v)
        pltpu.sync_copy(dst_hbm.at[pl.ds(base, _EPW)], dst_v)

        lanes = jnp.arange(_L, dtype=jnp.int32)
        perms = [lanes ^ s for s in (8, 4, 2, 1)]
        def start(g, sbuf, dbuf, sem):
            off = pl.multiple_of(g * _CH, _CH)
            pltpu.async_copy(table_hbm.at[src_v[pl.ds(off, _CH)]], sbuf, sem)
            pltpu.async_copy(table_hbm.at[dst_v[pl.ds(off, _CH)]], dbuf, sem)

        def wait(sbuf, dbuf, sem):
            pltpu.make_async_copy(table_hbm.at[pl.ds(0, _CH)], sbuf, sem).wait()
            pltpu.make_async_copy(table_hbm.at[pl.ds(0, _CH)], dbuf, sem).wait()

        def compute(g, sbuf, dbuf):
            def edge_body(e, res):
                acc = sbuf[e, pl.ds(0, _L)] * dbuf[e, pl.ds(0, _L)]
                for j in range(1, _DC // _L):
                    acc = acc + (sbuf[e, pl.ds(j * _L, _L)] *
                                 dbuf[e, pl.ds(j * _L, _L)])
                for p in perms:
                    acc = acc + acc.at[p].get(mode="promise_in_bounds")
                return jnp.where(lanes == e, acc, res)

            res = lax.fori_loop(0, _CH, edge_body,
                                jnp.zeros((_L,), jnp.float32))
            off = pl.multiple_of(g * _CH, _CH)
            out_v[pl.ds(off, _CH)] = jnp.clip(res, 0.0, 1.0)

        bufs = ((srows0, drows0, sem0),
                (srows1, drows1, sem1),
                (srows2, drows2, sem2))
        for b in range(3):
            start(b, *bufs[b])

        def ring_body(g, carry):
            c0 = 3 * g
            for b in range(3):
                sbuf, dbuf, sem = bufs[b]
                wait(sbuf, dbuf, sem)
                compute(c0 + b, sbuf, dbuf)

                @pl.when(c0 + b + 3 < _NCH)
                def _():
                    start(c0 + b + 3, sbuf, dbuf, sem)
            return carry

        lax.fori_loop(0, (_NCH - 1) // 3, ring_body, 0)
        wait(*bufs[0])
        compute(_NCH - 1, bufs[0][0], bufs[0][1])
        pltpu.sync_copy(out_v, out_hbm.at[pl.ds(base, _EPW)])

    return k(table, src, dst)


def kernel(z, z_conc, edge_index, noise_scale, tau, num_experts):
    del z_conc, noise_scale
    betas = jnp.linspace(1e-4, 0.02, _NE)
    alphas_cumprod = jnp.cumprod(1.0 - betas)
    sqrt_one_minus = jnp.sqrt(1.0 - alphas_cumprod)
    cumulative_blend = jnp.flip(jnp.cumsum(jnp.flip(sqrt_one_minus)))
    tau_c = jnp.clip(jnp.asarray(tau, jnp.int32), 1, _NE)
    ne_c = jnp.clip(jnp.asarray(num_experts, jnp.int32), 1, _NE)
    nf = jnp.take(cumulative_blend, tau_c - 1)
    ls = jnp.arange(1, _NE + 1)
    inc = jnp.logical_and(ls >= tau_c, ls <= ne_c).astype(jnp.float32)
    c = sqrt_one_minus * inc / nf
    sqrt_c = jnp.broadcast_to(jnp.sqrt(c)[:, None, None], (_NE, 1, _DF))

    table = _tc_normalize(z, sqrt_c)
    ei = edge_index.astype(jnp.int32)
    return _sc_gather_dot(table, ei[0], ei[1])

# --- scband reference (transcript-rebuilt; emitter-appended) ---
"""Pipeline reference for scband-b-hgme-65970697666593 (READ-ONLY COPY).

The authoritative reference and input builder live on the scoring server;
editing this copy changes nothing except your own understanding.
"""

import jax, jax.numpy as jnp
import numpy as np

NUM_EXPERTS = 8
N_NODES = 10000
D_FEAT = 128
N_EDGES = 320000


def _blend_params(num_experts):
    betas = jnp.linspace(1e-4, 0.02, num_experts)
    alphas = 1.0 - betas
    alphas_cumprod = jnp.cumprod(alphas)
    sqrt_one_minus = jnp.sqrt(1.0 - alphas_cumprod)
    cumulative_blend = jnp.flip(jnp.cumsum(jnp.flip(sqrt_one_minus)))
    return sqrt_one_minus, cumulative_blend


def _l2_normalize(x, axis=1, eps=1e-12):
    n = jnp.linalg.norm(x, axis=axis, keepdims=True)
    return x / jnp.maximum(n, eps)


def _clamp_level(idx, hi):
    return jnp.clip(jnp.asarray(idx, dtype=jnp.int32), 1, hi)


def setup_inputs(seed=0) -> dict:
    key = jax.random.key(seed)
    k1, k2, k3 = jax.random.split(key, 3)
    z = jax.random.normal(k1, (NUM_EXPERTS, N_NODES, D_FEAT), dtype=jnp.float32)
    z_conc = jax.random.normal(k2, (NUM_EXPERTS, N_NODES, D_FEAT), dtype=jnp.float32)
    edge_index = jax.random.randint(k3, (2, N_EDGES), 0, N_NODES, dtype=jnp.int64)
    noise_scale = jnp.asarray(0.02, dtype=jnp.float32)
    return {"z": z, "z_conc": z_conc, "edge_index": edge_index, "noise_scale": noise_scale, "tau": 1, "num_experts": NUM_EXPERTS}


def reference(z, z_conc, edge_index, noise_scale, tau, num_experts):
    sqrt_one_minus, cumulative_blend = _blend_params(NUM_EXPERTS)
    tau_c = _clamp_level(tau, NUM_EXPERTS)
    ne_c = _clamp_level(num_experts, NUM_EXPERTS)
    norm_factor = jnp.take(cumulative_blend, tau_c - 1)
    src = edge_index[0]
    dst = edge_index[1]
    value = jnp.zeros((edge_index.shape[1],), dtype=jnp.float32)
    for l in range(1, NUM_EXPERTS + 1):
        k = l - 1
        factor = sqrt_one_minus[l - 1]
        mean = _l2_normalize(z[k], axis=1)
        conc = jnp.nan_to_num(z_conc[k], nan=0.0, posinf=0.0, neginf=0.0)
        conc = jnp.sum(conc, axis=1, keepdims=True)
        conc = jax.nn.softplus(conc) + 1e-3  # concentration (unused under deterministic vMF-mode sampling)
        sampled_z = mean  # deterministic surrogate: mode of VonMisesFisher(mean, conc)
        emb = _l2_normalize(mean + noise_scale * sampled_z, axis=1)
        sim_k = jnp.sum(jnp.take(emb, src, axis=0) * jnp.take(emb, dst, axis=0), axis=1)
        include = jnp.logical_and(l >= tau_c, l <= ne_c)
        value = value + jnp.where(include, factor * sim_k, jnp.zeros_like(sim_k))
    value = value / norm_factor
    return jnp.clip(value, 0.0, 1.0)

if __name__ == "__main__":
    import jax
    _d = setup_inputs()
    print(jax.jit(kernel)(*tuple(_d.values())))

</pallas_src>

<mosaic_0001>
#map = affine_map<(d0, d1) -> (0, 0)>
#map1 = affine_map<(d0, d1) -> (0)>
module attributes {stable_mosaic.version = 14 : i64} {
  func.func @k(%arg0: i32, %arg1: i32, %arg2: memref<10000x1024xf32, #tpu.memory_space<hbm>>, %arg3: memref<320000xi32, #tpu.memory_space<hbm>>, %arg4: memref<320000xi32, #tpu.memory_space<hbm>>, %arg5: memref<320000xf32, #tpu.memory_space<hbm>>, %arg6: memref<10000xi32, #tpu.memory_space<vmem>>, %arg7: memref<10000xi32, #tpu.memory_space<vmem>>, %arg8: memref<10000xf32, #tpu.memory_space<vmem>>, %arg9: memref<16x1024xf32, #tpu.memory_space<vmem>>, %arg10: memref<16x1024xf32, #tpu.memory_space<vmem>>, %arg11: memref<16x1024xf32, #tpu.memory_space<vmem>>, %arg12: memref<16x1024xf32, #tpu.memory_space<vmem>>, %arg13: memref<16x1024xf32, #tpu.memory_space<vmem>>, %arg14: memref<16x1024xf32, #tpu.memory_space<vmem>>, %arg15: memref<!tpu.dma_semaphore, #tpu.memory_space<semaphore_mem>>, %arg16: memref<!tpu.dma_semaphore, #tpu.memory_space<semaphore_mem>>, %arg17: memref<!tpu.dma_semaphore, #tpu.memory_space<semaphore_mem>>) attributes {dimension_semantics = [#tpu.dimension_semantics<core_parallel>, #tpu.dimension_semantics<subcore_parallel>], iteration_bounds = array<i64: 2, 16>, scalar_prefetch = 0 : i64, scratch_operands = 12 : i64, tpu.core_type = #tpu.core_type<sc_vector_subcore>, window_params = [{transform_indices = #map}, {transform_indices = #map1}, {transform_indices = #map1}, {transform_indices = #map1}]} {
    %mul3A = arith.constant 2 : i32
    %mul3A_0 = arith.muli %arg1, %mul3A : i32
    %add3A = arith.addi %mul3A_0, %arg0 : i32
    %mul3A_1 = arith.constant 10000 : i32
    %mul3A_2 = arith.muli %add3A, %mul3A_1 : i32
    %multiple_of3A = tpu.assume_multiple %mul3A_2, 8 : i32
    "tpu.region"() ({
      %run_scoped3A = tpu.sem_alloc : memref<!tpu.dma_semaphore, #tpu.memory_space<semaphore_mem>>
      %dma_start3A_85 = tpu.memref_slice %arg3[%multiple_of3A] : memref<320000xi32, #tpu.memory_space<hbm>> -> memref<10000xi32, #tpu.memory_space<hbm>>
      %dma_start3A_86 = tpu.memref_slice %arg3[%multiple_of3A] : memref<320000xi32, #tpu.memory_space<hbm>> -> memref<10000xi32, #tpu.memory_space<hbm>>
      tpu.enqueue_dma source(%dma_start3A_86 : memref<10000xi32, #tpu.memory_space<hbm>>) target(%arg6 : memref<10000xi32, #tpu.memory_space<vmem>>) target_semaphore(%run_scoped3A : memref<!tpu.dma_semaphore, #tpu.memory_space<semaphore_mem>>)
      %dma_wait3A_87 = tpu.memref_slice %arg3[%multiple_of3A] : memref<320000xi32, #tpu.memory_space<hbm>> -> memref<10000xi32, #tpu.memory_space<hbm>>
      %dma_wait3A_88 = tpu.memref_slice %arg3[%multiple_of3A] : memref<320000xi32, #tpu.memory_space<hbm>> -> memref<10000xi32, #tpu.memory_space<hbm>>
      tpu.wait_dma2 semaphore(%run_scoped3A : memref<!tpu.dma_semaphore, #tpu.memory_space<semaphore_mem>>) src(%dma_wait3A_88 : memref<10000xi32, #tpu.memory_space<hbm>>) dst(%arg6 : memref<10000xi32, #tpu.memory_space<vmem>>)
      tpu.yield
    }) : () -> ()
    "tpu.region"() ({
      %run_scoped3A = tpu.sem_alloc : memref<!tpu.dma_semaphore, #tpu.memory_space<semaphore_mem>>
      %dma_start3A_85 = tpu.memref_slice %arg4[%multiple_of3A] : memref<320000xi32, #tpu.memory_space<hbm>> -> memref<10000xi32, #tpu.memory_space<hbm>>
      %dma_start3A_86 = tpu.memref_slice %arg4[%multiple_of3A] : memref<320000xi32, #tpu.memory_space<hbm>> -> memref<10000xi32, #tpu.memory_space<hbm>>
      tpu.enqueue_dma source(%dma_start3A_86 : memref<10000xi32, #tpu.memory_space<hbm>>) target(%arg7 : memref<10000xi32, #tpu.memory_space<vmem>>) target_semaphore(%run_scoped3A : memref<!tpu.dma_semaphore, #tpu.memory_space<semaphore_mem>>)
      %dma_wait3A_87 = tpu.memref_slice %arg4[%multiple_of3A] : memref<320000xi32, #tpu.memory_space<hbm>> -> memref<10000xi32, #tpu.memory_space<hbm>>
      %dma_wait3A_88 = tpu.memref_slice %arg4[%multiple_of3A] : memref<320000xi32, #tpu.memory_space<hbm>> -> memref<10000xi32, #tpu.memory_space<hbm>>
      tpu.wait_dma2 semaphore(%run_scoped3A : memref<!tpu.dma_semaphore, #tpu.memory_space<semaphore_mem>>) src(%dma_wait3A_88 : memref<10000xi32, #tpu.memory_space<hbm>>) dst(%arg7 : memref<10000xi32, #tpu.memory_space<vmem>>)
      tpu.yield
    }) : () -> ()
    %iota3A = tpu.iota {dimensions = array<i32: 0>} : vector<16xi32>
    %xor3A = arith.constant 8 : i32
    %xor3A_3 = vector.broadcast %xor3A : i32 to vector<16xi32>
    %xor3A_4 = arith.xori %iota3A, %xor3A_3 : vector<16xi32>
    %xor3A_5 = arith.constant 4 : i32
    %xor3A_6 = vector.broadcast %xor3A_5 : i32 to vector<16xi32>
    %xor3A_7 = arith.xori %iota3A, %xor3A_6 : vector<16xi32>
    %xor3A_8 = arith.constant 2 : i32
    %xor3A_9 = vector.broadcast %xor3A_8 : i32 to vector<16xi32>
    %xor3A_10 = arith.xori %iota3A, %xor3A_9 : vector<16xi32>
    %xor3A_11 = arith.constant 1 : i32
    %xor3A_12 = vector.broadcast %xor3A_11 : i32 to vector<16xi32>
    %xor3A_13 = arith.xori %iota3A, %xor3A_12 : vector<16xi32>
    %multiple_of3A_14 = arith.constant 0 : i32
    %multiple_of3A_15 = tpu.assume_multiple %multiple_of3A_14, 16 : i32
    %get3A = arith.index_cast %multiple_of3A_15 : i32 to index
    %get3A_16 = tpu.vector_load %arg6[%get3A] {strides = array<i32>} : memref<10000xi32, #tpu.memory_space<vmem>>, vector<16xi32>,
    %get3A_17 = vector.shape_cast %get3A_16 : vector<16xi32> to vector<16xi32>
    %dma_start3A = arith.constant 0 : i32
    %dma_start3A_18 = arith.constant 0 : i32
    %dma_start3A_19 = tpu.memref_slice %arg2[%dma_start3A, %dma_start3A_18] : memref<10000x1024xf32, #tpu.memory_space<hbm>> -> memref<10000x1024xf32, #tpu.memory_space<hbm>>
    tpu.enqueue_indirect_dma source(%dma_start3A_19 : memref<10000x1024xf32, #tpu.memory_space<hbm>>) target(%arg9 : memref<16x1024xf32, #tpu.memory_space<vmem>>) offsets(%get3A_17 : vector<16xi32>) semaphore(%arg15 : memref<!tpu.dma_semaphore, #tpu.memory_space<semaphore_mem>>)
    %get3A_20 = arith.index_cast %multiple_of3A_15 : i32 to index
    %get3A_21 = tpu.vector_load %arg7[%get3A_20] {strides = array<i32>} : memref<10000xi32, #tpu.memory_space<vmem>>, vector<16xi32>,
    %get3A_22 = vector.shape_cast %get3A_21 : vector<16xi32> to vector<16xi32>
    %dma_start3A_23 = arith.constant 0 : i32
    %dma_start3A_24 = arith.constant 0 : i32
    %dma_start3A_25 = tpu.memref_slice %arg2[%dma_start3A_23, %dma_start3A_24] : memref<10000x1024xf32, #tpu.memory_space<hbm>> -> memref<10000x1024xf32, #tpu.memory_space<hbm>>
    tpu.enqueue_indirect_dma source(%dma_start3A_25 : memref<10000x1024xf32, #tpu.memory_space<hbm>>) target(%arg10 : memref<16x1024xf32, #tpu.memory_space<vmem>>) offsets(%get3A_22 : vector<16xi32>) semaphore(%arg15 : memref<!tpu.dma_semaphore, #tpu.memory_space<semaphore_mem>>)
    %multiple_of3A_26 = arith.constant 16 : i32
    %multiple_of3A_27 = tpu.assume_multiple %multiple_of3A_26, 16 : i32
    %get3A_28 = arith.index_cast %multiple_of3A_27 : i32 to index
    %get3A_29 = tpu.vector_load %arg6[%get3A_28] {strides = array<i32>} : memref<10000xi32, #tpu.memory_space<vmem>>, vector<16xi32>,
    %get3A_30 = vector.shape_cast %get3A_29 : vector<16xi32> to vector<16xi32>
    %dma_start3A_31 = arith.constant 0 : i32
    %dma_start3A_32 = arith.constant 0 : i32
    %dma_start3A_33 = tpu.memref_slice %arg2[%dma_start3A_31, %dma_start3A_32] : memref<10000x1024xf32, #tpu.memory_space<hbm>> -> memref<10000x1024xf32, #tpu.memory_space<hbm>>
    tpu.enqueue_indirect_dma source(%dma_start3A_33 : memref<10000x1024xf32, #tpu.memory_space<hbm>>) target(%arg11 : memref<16x1024xf32, #tpu.memory_space<vmem>>) offsets(%get3A_30 : vector<16xi32>) semaphore(%arg16 : memref<!tpu.dma_semaphore, #tpu.memory_space<semaphore_mem>>)
    %get3A_34 = arith.index_cast %multiple_of3A_27 : i32 to index
    %get3A_35 = tpu.vector_load %arg7[%get3A_34] {strides = array<i32>} : memref<10000xi32, #tpu.memory_space<vmem>>, vector<16xi32>,
    %get3A_36 = vector.shape_cast %get3A_35 : vector<16xi32> to vector<16xi32>
    %dma_start3A_37 = arith.constant 0 : i32
    %dma_start3A_38 = arith.constant 0 : i32
    %dma_start3A_39 = tpu.memref_slice %arg2[%dma_start3A_37, %dma_start3A_38] : memref<10000x1024xf32, #tpu.memory_space<hbm>> -> memref<10000x1024xf32, #tpu.memory_space<hbm>>
    tpu.enqueue_indirect_dma source(%dma_start3A_39 : memref<10000x1024xf32, #tpu.memory_space<hbm>>) target(%arg12 : memref<16x1024xf32, #tpu.memory_space<vmem>>) offsets(%get3A_36 : vector<16xi32>) semaphore(%arg16 : memref<!tpu.dma_semaphore, #tpu.memory_space<semaphore_mem>>)
    %multiple_of3A_40 = arith.constant 32 : i32
    %multiple_of3A_41 = tpu.assume_multiple %multiple_of3A_40, 16 : i32
    %get3A_42 = arith.index_cast %multiple_of3A_41 : i32 to index
    %get3A_43 = tpu.vector_load %arg6[%get3A_42] {strides = array<i32>} : memref<10000xi32, #tpu.memory_space<vmem>>, vector<16xi32>,
    %get3A_44 = vector.shape_cast %get3A_43 : vector<16xi32> to vector<16xi32>
    %dma_start3A_45 = arith.constant 0 : i32
    %dma_start3A_46 = arith.constant 0 : i32
    %dma_start3A_47 = tpu.memref_slice %arg2[%dma_start3A_45, %dma_start3A_46] : memref<10000x1024xf32, #tpu.memory_space<hbm>> -> memref<10000x1024xf32, #tpu.memory_space<hbm>>
    tpu.enqueue_indirect_dma source(%dma_start3A_47 : memref<10000x1024xf32, #tpu.memory_space<hbm>>) target(%arg13 : memref<16x1024xf32, #tpu.memory_space<vmem>>) offsets(%get3A_44 : vector<16xi32>) semaphore(%arg17 : memref<!tpu.dma_semaphore, #tpu.memory_space<semaphore_mem>>)
    %get3A_48 = arith.index_cast %multiple_of3A_41 : i32 to index
    %get3A_49 = tpu.vector_load %arg7[%get3A_48] {strides = array<i32>} : memref<10000xi32, #tpu.memory_space<vmem>>, vector<16xi32>,
    %get3A_50 = vector.shape_cast %get3A_49 : vector<16xi32> to vector<16xi32>
    %dma_start3A_51 = arith.constant 0 : i32
    %dma_start3A_52 = arith.constant 0 : i32
    %dma_start3A_53 = tpu.memref_slice %arg2[%dma_start3A_51, %dma_start3A_52] : memref<10000x1024xf32, #tpu.memory_space<hbm>> -> memref<10000x1024xf32, #tpu.memory_space<hbm>>
    tpu.enqueue_indirect_dma source(%dma_start3A_53 : memref<10000x1024xf32, #tpu.memory_space<hbm>>) target(%arg14 : memref<16x1024xf32, #tpu.memory_space<vmem>>) offsets(%get3A_50 : vector<16xi32>) semaphore(%arg17 : memref<!tpu.dma_semaphore, #tpu.memory_space<semaphore_mem>>)
    %scan3A = arith.constant 0 : i32
    %scan3A_54 = arith.constant 0 : i32
    %scan3A_55 = arith.constant 208 : i32
    %scan3A_56 = arith.addi %scan3A_54, %scan3A_55 : i32
    %scan3A_57 = arith.constant 1 : i32
    scf.for %scan3A_85 = %scan3A_54 to %scan3A_56 step %scan3A_57  : i32 {
      %mul3A_86 = arith.constant 3 : i32
      %mul3A_87 = arith.muli %mul3A_86, %scan3A_85 : i32
      %dma_wait3A_88 = arith.constant 0 : i32
      %dma_wait3A_89 = arith.constant 0 : i32
      %dma_wait3A_90 = tpu.memref_slice %arg2[%dma_wait3A_88, %dma_wait3A_89] : memref<10000x1024xf32, #tpu.memory_space<hbm>> -> memref<16x1024xf32, #tpu.memory_space<hbm>>
      %dma_wait3A_91 = arith.constant 0 : i32
      %dma_wait3A_92 = arith.constant 0 : i32
      %dma_wait3A_93 = tpu.memref_slice %arg2[%dma_wait3A_91, %dma_wait3A_92] : memref<10000x1024xf32, #tpu.memory_space<hbm>> -> memref<16x1024xf32, #tpu.memory_space<hbm>>
      tpu.wait_dma2 semaphore(%arg15 : memref<!tpu.dma_semaphore, #tpu.memory_space<semaphore_mem>>) src(%dma_wait3A_93 : memref<16x1024xf32, #tpu.memory_space<hbm>>) dst(%arg9 : memref<16x1024xf32, #tpu.memory_space<vmem>>)
      %dma_wait3A_94 = arith.constant 0 : i32
      %dma_wait3A_95 = arith.constant 0 : i32
      %dma_wait3A_96 = tpu.memref_slice %arg2[%dma_wait3A_94, %dma_wait3A_95] : memref<10000x1024xf32, #tpu.memory_space<hbm>> -> memref<16x1024xf32, #tpu.memory_space<hbm>>
      %dma_wait3A_97 = arith.constant 0 : i32
      %dma_wait3A_98 = arith.constant 0 : i32
      %dma_wait3A_99 = tpu.memref_slice %arg2[%dma_wait3A_97, %dma_wait3A_98] : memref<10000x1024xf32, #tpu.memory_space<hbm>> -> memref<16x1024xf32, #tpu.memory_space<hbm>>
      tpu.wait_dma2 semaphore(%arg15 : memref<!tpu.dma_semaphore, #tpu.memory_space<semaphore_mem>>) src(%dma_wait3A_99 : memref<16x1024xf32, #tpu.memory_space<hbm>>) dst(%arg10 : memref<16x1024xf32, #tpu.memory_space<vmem>>)
      %add3A_100 = arith.constant 0 : i32
      %add3A_101 = arith.addi %mul3A_87, %add3A_100 : i32
      %broadcast_in_dim3A_102 = arith.constant 0.000000e+00 : f32
      %broadcast_in_dim3A_103 = vector.broadcast %broadcast_in_dim3A_102 : f32 to vector<16xf32>
      %scan3A_104 = arith.constant 0 : i32
      %scan3A_105 = arith.constant 16 : i32
      %scan3A_106 = arith.addi %scan3A_104, %scan3A_105 : i32
      %scan3A_107 = arith.constant 1 : i32
      %scan3A_108 = scf.for %scan3A_217 = %scan3A_104 to %scan3A_106 step %scan3A_107 iter_args(%scan3A_218 = %broadcast_in_dim3A_103) -> (vector<16xf32>)  : i32 {
        %get3A_219 = arith.index_cast %scan3A_217 : i32 to index
        %get3A_220 = arith.constant 0 : index
        %get3A_221 = tpu.vector_load %arg9[%get3A_219, %get3A_220] {strides = array<i32>} : memref<16x1024xf32, #tpu.memory_space<vmem>>, vector<1x16xf32>,
        %get3A_222 = vector.shape_cast %get3A_221 : vector<1x16xf32> to vector<16xf32>
        %get3A_223 = arith.index_cast %scan3A_217 : i32 to index
        %get3A_224 = arith.constant 0 : index
        %get3A_225 = tpu.vector_load %arg10[%get3A_223, %get3A_224] {strides = array<i32>} : memref<16x1024xf32, #tpu.memory_space<vmem>>, vector<1x16xf32>,
        %get3A_226 = vector.shape_cast %get3A_225 : vector<1x16xf32> to vector<16xf32>
        %mul3A_227 = arith.mulf %get3A_222, %get3A_226 : vector<16xf32>
        %get3A_228 = arith.index_cast %scan3A_217 : i32 to index
        %get3A_229 = arith.constant 16 : index
        %get3A_230 = tpu.vector_load %arg9[%get3A_228, %get3A_229] {strides = array<i32>} : memref<16x1024xf32, #tpu.memory_space<vmem>>, vector<1x16xf32>,
        %get3A_231 = vector.shape_cast %get3A_230 : vector<1x16xf32> to vector<16xf32>
        %get3A_232 = arith.index_cast %scan3A_217 : i32 to index
        %get3A_233 = arith.constant 16 : index
        %get3A_234 = tpu.vector_load %arg10[%get3A_232, %get3A_233] {strides = array<i32>} : memref<16x1024xf32, #tpu.memory_space<vmem>>, vector<1x16xf32>,
        %get3A_235 = vector.shape_cast %get3A_234 : vector<1x16xf32> to vector<16xf32>
        %mul3A_236 = arith.mulf %get3A_231, %get3A_235 : vector<16xf32>
        %add3A_237 = arith.addf %mul3A_227, %mul3A_236 : vector<16xf32>
        %get3A_238 = arith.index_cast %scan3A_217 : i32 to index
        %get3A_239 = arith.constant 32 : index
        %get3A_240 = tpu.vector_load %arg9[%get3A_238, %get3A_239] {strides = array<i32>} : memref<16x1024xf32, #tpu.memory_space<vmem>>, vector<1x16xf32>,
        %get3A_241 = vector.shape_cast %get3A_240 : vector<1x16xf32> to vector<16xf32>
        %get3A_242 = arith.index_cast %scan3A_217 : i32 to index
        %get3A_243 = arith.constant 32 : index
        %get3A_244 = tpu.vector_load %arg10[%get3A_242, %get3A_243] {strides = array<i32>} : memref<16x1024xf32, #tpu.memory_space<vmem>>, vector<1x16xf32>,
        %get3A_245 = vector.shape_cast %get3A_244 : vector<1x16xf32> to vector<16xf32>
        %mul3A_246 = arith.mulf %get3A_241, %get3A_245 : vector<16xf32>
        %add3A_247 = arith.addf %add3A_237, %mul3A_246 : vector<16xf32>
        %get3A_248 = arith.index_cast %scan3A_217 : i32 to index
        %get3A_249 = arith.constant 48 : index
        %get3A_250 = tpu.vector_load %arg9[%get3A_248, %get3A_249] {strides = array<i32>} : memref<16x1024xf32, #tpu.memory_space<vmem>>, vector<1x16xf32>,
        %get3A_251 = vector.shape_cast %get3A_250 : vector<1x16xf32> to vector<16xf32>
        %get3A_252 = arith.index_cast %scan3A_217 : i32 to index
        %get3A_253 = arith.constant 48 : index
        %get3A_254 = tpu.vector_load %arg10[%get3A_252, %get3A_253] {strides = array<i32>} : memref<16x1024xf32, #tpu.memory_space<vmem>>, vector<1x16xf32>,
        %get3A_255 = vector.shape_cast %get3A_254 : vector<1x16xf32> to vector<16xf32>
        %mul3A_256 = arith.mulf %get3A_251, %get3A_255 : vector<16xf32>
        %add3A_257 = arith.addf %add3A_247, %mul3A_256 : vector<16xf32>
        %get3A_258 = arith.index_cast %scan3A_217 : i32 to index
        %get3A_259 = arith.constant 64 : index
        %get3A_260 = tpu.vector_load %arg9[%get3A_258, %get3A_259] {strides = array<i32>} : memref<16x1024xf32, #tpu.memory_space<vmem>>, vector<1x16xf32>,
        %get3A_261 = vector.shape_cast %get3A_260 : vector<1x16xf32> to vector<16xf32>
        %get3A_262 = arith.index_cast %scan3A_217 : i32 to index
        %get3A_263 = arith.constant 64 : index
        %get3A_264 = tpu.vector_load %arg10[%get3A_262, %get3A_263] {strides = array<i32>} : memref<16x1024xf32, #tpu.memory_space<vmem>>, vector<1x16xf32>,
        %get3A_265 = vector.shape_cast %get3A_264 : vector<1x16xf32> to vector<16xf32>
        %mul3A_266 = arith.mulf %get3A_261, %get3A_265 : vector<16xf32>
        %add3A_267 = arith.addf %add3A_257, %mul3A_266 : vector<16xf32>
        %get3A_268 = arith.index_cast %scan3A_217 : i32 to index
        %get3A_269 = arith.constant 80 : index
        %get3A_270 = tpu.vector_load %arg9[%get3A_268, %get3A_269] {strides = array<i32>} : memref<16x1024xf32, #tpu.memory_space<vmem>>, vector<1x16xf32>,
        %get3A_271 = vector.shape_cast %get3A_270 : vector<1x16xf32> to vector<16xf32>
        %get3A_272 = arith.index_cast %scan3A_217 : i32 to index
        %get3A_273 = arith.constant 80 : index
        %get3A_274 = tpu.vector_load %arg10[%get3A_272, %get3A_273] {strides = array<i32>} : memref<16x1024xf32, #tpu.memory_space<vmem>>, vector<1x16xf32>,
        %get3A_275 = vector.shape_cast %get3A_274 : vector<1x16xf32> to vector<16xf32>
        %mul3A_276 = arith.mulf %get3A_271, %get3A_275 : vector<16xf32>
        %add3A_277 = arith.addf %add3A_267, %mul3A_276 : vector<16xf32>
        %get3A_278 = arith.index_cast %scan3A_217 : i32 to index
        %get3A_279 = arith.constant 96 : index
        %get3A_280 = tpu.vector_load %arg9[%get3A_278, %get3A_279] {strides = array<i32>} : memref<16x1024xf32, #tpu.memory_space<vmem>>, vector<1x16xf32>,
        %get3A_281 = vector.shape_cast %get3A_280 : vector<1x16xf32> to vector<16xf32>
        %get3A_282 = arith.index_cast %scan3A_217 : i32 to index
        %get3A_283 = arith.constant 96 : index
        %get3A_284 = tpu.vector_load %arg10[%get3A_282, %get3A_283] {strides = array<i32>} : memref<16x1024xf32, #tpu.memory_space<vmem>>, vector<1x16xf32>,
        %get3A_285 = vector.shape_cast %get3A_284 : vector<1x16xf32> to vector<16xf32>
        %mul3A_286 = arith.mulf %get3A_281, %get3A_285 : vector<16xf32>
        %add3A_287 = arith.addf %add3A_277, %mul3A_286 : vector<16xf32>
        %get3A_288 = arith.index_cast %scan3A_217 : i32 to index
        %get3A_289 = arith.constant 112 : index
        %get3A_290 = tpu.vector_load %arg9[%get3A_288, %get3A_289] {strides = array<i32>} : memref<16x1024xf32, #tpu.memory_space<vmem>>, vector<1x16xf32>,
        %get3A_291 = vector.shape_cast %get3A_290 : vector<1x16xf32> to vector<16xf32>
        %get3A_292 = arith.index_cast %scan3A_217 : i32 to index
        %get3A_293 = arith.constant 112 : index
        %get3A_294 = tpu.vector_load %arg10[%get3A_292, %get3A_293] {strides = array<i32>} : memref<16x1024xf32, #tpu.memory_space<vmem>>, vector<1x16xf32>,
        %get3A_295 = vector.shape_cast %get3A_294 : vector<1x16xf32> to vector<16xf32>
        %mul3A_296 = arith.mulf %get3A_291, %get3A_295 : vector<16xf32>
        %add3A_297 = arith.addf %add3A_287, %mul3A_296 : vector<16xf32>
        %get3A_298 = arith.index_cast %scan3A_217 : i32 to index
        %get3A_299 = arith.constant 128 : index
        %get3A_300 = tpu.vector_load %arg9[%get3A_298, %get3A_299] {strides = array<i32>} : memref<16x1024xf32, #tpu.memory_space<vmem>>, vector<1x16xf32>,
        %get3A_301 = vector.shape_cast %get3A_300 : vector<1x16xf32> to vector<16xf32>
        %get3A_302 = arith.index_cast %scan3A_217 : i32 to index
        %get3A_303 = arith.constant 128 : index
        %get3A_304 = tpu.vector_load %arg10[%get3A_302, %get3A_303] {strides = array<i32>} : memref<16x1024xf32, #tpu.memory_space<vmem>>, vector<1x16xf32>,
        %get3A_305 = vector.shape_cast %get3A_304 : vector<1x16xf32> to vector<16xf32>
        %mul3A_306 = arith.mulf %get3A_301, %get3A_305 : vector<16xf32>
        %add3A_307 = arith.addf %add3A_297, %mul3A_306 : vector<16xf32>
        %get3A_308 = arith.index_cast %scan3A_217 : i32 to index
        %get3A_309 = arith.constant 144 : index
        %get3A_310 = tpu.vector_load %arg9[%get3A_308, %get3A_309] {strides = array<i32>} : memref<16x1024xf32, #tpu.memory_space<vmem>>, vector<1x16xf32>,
        %get3A_311 = vector.shape_cast %get3A_310 : vector<1x16xf32> to vector<16xf32>
        %get3A_312 = arith.index_cast %scan3A_217 : i32 to index
        %get3A_313 = arith.constant 144 : index
        %get3A_314 = tpu.vector_load %arg10[%get3A_312, %get3A_313] {strides = array<i32>} : memref<16x1024xf32, #tpu.memory_space<vmem>>, vector<1x16xf32>,
        %get3A_315 = vector.shape_cast %get3A_314 : vector<1x16xf32> to vector<16xf32>
        %mul3A_316 = arith.mulf %get3A_311, %get3A_315 : vector<16xf32>
        %add3A_317 = arith.addf %add3A_307, %mul3A_316 : vector<16xf32>
        %get3A_318 = arith.index_cast %scan3A_217 : i32 to index
        %get3A_319 = arith.constant 160 : index
        %get3A_320 = tpu.vector_load %arg9[%get3A_318, %get3A_319] {strides = array<i32>} : memref<16x1024xf32, #tpu.memory_space<vmem>>, vector<1x16xf32>,
        %get3A_321 = vector.shape_cast %get3A_320 : vector<1x16xf32> to vector<16xf32>
        %get3A_322 = arith.index_cast %scan3A_217 : i32 to index
        %get3A_323 = arith.constant 160 : index
        %get3A_324 = tpu.vector_load %arg10[%get3A_322, %get3A_323] {strides = array<i32>} : memref<16x1024xf32, #tpu.memory_space<vmem>>, vector<1x16xf32>,
        %get3A_325 = vector.shape_cast %get3A_324 : vector<1x16xf32> to vector<16xf32>
        %mul3A_326 = arith.mulf %get3A_321, %get3A_325 : vector<16xf32>
        %add3A_327 = arith.addf %add3A_317, %mul3A_326 : vector<16xf32>
        %get3A_328 = arith.index_cast %scan3A_217 : i32 to index
        %get3A_329 = arith.constant 176 : index
        %get3A_330 = tpu.vector_load %arg9[%get3A_328, %get3A_329] {strides = array<i32>} : memref<16x1024xf32, #tpu.memory_space<vmem>>, vector<1x16xf32>,
        %get3A_331 = vector.shape_cast %get3A_330 : vector<1x16xf32> to vector<16xf32>
        %get3A_332 = arith.index_cast %scan3A_217 : i32 to index
        %get3A_333 = arith.constant 176 : index
        %get3A_334 = tpu.vector_load %arg10[%get3A_332, %get3A_333] {strides = array<i32>} : memref<16x1024xf32, #tpu.memory_space<vmem>>, vector<1x16xf32>,
        %get3A_335 = vector.shape_cast %get3A_334 : vector<1x16xf32> to vector<16xf32>
        %mul3A_336 = arith.mulf %get3A_331, %get3A_335 : vector<16xf32>
        %add3A_337 = arith.addf %add3A_327, %mul3A_336 : vector<16xf32>
        %get3A_338 = arith.index_cast %scan3A_217 : i32 to index
        %get3A_339 = arith.constant 192 : index
        %get3A_340 = tpu.vector_load %arg9[%get3A_338, %get3A_339] {strides = array<i32>} : memref<16x1024xf32, #tpu.memory_space<vmem>>, vector<1x16xf32>,
        %get3A_341 = vector.shape_cast %get3A_340 : vector<1x16xf32> to vector<16xf32>
        %get3A_342 = arith.index_cast %scan3A_217 : i32 to index
        %get3A_343 = arith.constant 192 : index
        %get3A_344 = tpu.vector_load %arg10[%get3A_342, %get3A_343] {strides = array<i32>} : memref<16x1024xf32, #tpu.memory_space<vmem>>, vector<1x16xf32>,
        %get3A_345 = vector.shape_cast %get3A_344 : vector<1x16xf32> to vector<16xf32>
        %mul3A_346 = arith.mulf %get3A_341, %get3A_345 : vector<16xf32>
        %add3A_347 = arith.addf %add3A_337, %mul3A_346 : vector<16xf32>
        %get3A_348 = arith.index_cast %scan3A_217 : i32 to index
        %get3A_349 = arith.constant 208 : index
        %get3A_350 = tpu.vector_load %arg9[%get3A_348, %get3A_349] {strides = array<i32>} : memref<16x1024xf32, #tpu.memory_space<vmem>>, vector<1x16xf32>,
        %get3A_351 = vector.shape_cast %get3A_350 : vector<1x16xf32> to vector<16xf32>
        %get3A_352 = arith.index_cast %scan3A_217 : i32 to index
        %get3A_353 = arith.constant 208 : index
        %get3A_354 = tpu.vector_load %arg10[%get3A_352, %get3A_353] {strides = array<i32>} : memref<16x1024xf32, #tpu.memory_space<vmem>>, vector<1x16xf32>,
        %get3A_355 = vector.shape_cast %get3A_354 : vector<1x16xf32> to vector<16xf32>
        %mul3A_356 = arith.mulf %get3A_351, %get3A_355 : vector<16xf32>
        %add3A_357 = arith.addf %add3A_347, %mul3A_356 : vector<16xf32>
        %get3A_358 = arith.index_cast %scan3A_217 : i32 to index
        %get3A_359 = arith.constant 224 : index
        %get3A_360 = tpu.vector_load %arg9[%get3A_358, %get3A_359] {strides = array<i32>} : memref<16x1024xf32, #tpu.memory_space<vmem>>, vector<1x16xf32>,
        %get3A_361 = vector.shape_cast %get3A_360 : vector<1x16xf32> to vector<16xf32>
        %get3A_362 = arith.index_cast %scan3A_217 : i32 to index
        %get3A_363 = arith.constant 224 : index
        %get3A_364 = tpu.vector_load %arg10[%get3A_362, %get3A_363] {strides = array<i32>} : memref<16x1024xf32, #tpu.memory_space<vmem>>, vector<1x16xf32>,
        %get3A_365 = vector.shape_cast %get3A_364 : vector<1x16xf32> to vector<16xf32>
        %mul3A_366 = arith.mulf %get3A_361, %get3A_365 : vector<16xf32>
        %add3A_367 = arith.addf %add3A_357, %mul3A_366 : vector<16xf32>
        %get3A_368 = arith.index_cast %scan3A_217 : i32 to index
        %get3A_369 = arith.constant 240 : index
        %get3A_370 = tpu.vector_load %arg9[%get3A_368, %get3A_369] {strides = array<i32>} : memref<16x1024xf32, #tpu.memory_space<vmem>>, vector<1x16xf32>,
        %get3A_371 = vector.shape_cast %get3A_370 : vector<1x16xf32> to vector<16xf32>
        %get3A_372 = arith.index_cast %scan3A_217 : i32 to index
        %get3A_373 = arith.constant 240 : index
        %get3A_374 = tpu.vector_load %arg10[%get3A_372, %get3A_373] {strides = array<i32>} : memref<16x1024xf32, #tpu.memory_space<vmem>>, vector<1x16xf32>,
        %get3A_375 = vector.shape_cast %get3A_374 : vector<1x16xf32> to vector<16xf32>
        %mul3A_376 = arith.mulf %get3A_371, %get3A_375 : vector<16xf32>
        %add3A_377 = arith.addf %add3A_367, %mul3A_376 : vector<16xf32>
        %get3A_378 = arith.index_cast %scan3A_217 : i32 to index
        %get3A_379 = arith.constant 256 : index
        %get3A_380 = tpu.vector_load %arg9[%get3A_378, %get3A_379] {strides = array<i32>} : memref<16x1024xf32, #tpu.memory_space<vmem>>, vector<1x16xf32>,
        %get3A_381 = vector.shape_cast %get3A_380 : vector<1x16xf32> to vector<16xf32>
        %get3A_382 = arith.index_cast %scan3A_217 : i32 to index
        %get3A_383 = arith.constant 256 : index
        %get3A_384 = tpu.vector_load %arg10[%get3A_382, %get3A_383] {strides = array<i32>} : memref<16x1024xf32, #tpu.memory_space<vmem>>, vector<1x16xf32>,
        %get3A_385 = vector.shape_cast %get3A_384 : vector<1x16xf32> to vector<16xf32>
        %mul3A_386 = arith.mulf %get3A_381, %get3A_385 : vector<16xf32>
        %add3A_387 = arith.addf %add3A_377, %mul3A_386 : vector<16xf32>
        %get3A_388 = arith.index_cast %scan3A_217 : i32 to index
        %get3A_389 = arith.constant 272 : index
        %get3A_390 = tpu.vector_load %arg9[%get3A_388, %get3A_389] {strides = array<i32>} : memref<16x1024xf32, #tpu.memory_space<vmem>>, vector<1x16xf32>,
        %get3A_391 = vector.shape_cast %get3A_390 : vector<1x16xf32> to vector<16xf32>
        %get3A_392 = arith.index_cast %scan3A_217 : i32 to index
        %get3A_393 = arith.constant 272 : index
        %get3A_394 = tpu.vector_load %arg10[%get3A_392, %get3A_393] {strides = array<i32>} : memref<16x1024xf32, #tpu.memory_space<vmem>>, vector<1x16xf32>,
        %get3A_395 = vector.shape_cast %get3A_394 : vector<1x16xf32> to vector<16xf32>
        %mul3A_396 = arith.mulf %get3A_391, %get3A_395 : vector<16xf32>
        %add3A_397 = arith.addf %add3A_387, %mul3A_396 : vector<16xf32>
        %get3A_398 = arith.index_cast %scan3A_217 : i32 to index
        %get3A_399 = arith.constant 288 : index
        %get3A_400 = tpu.vector_load %arg9[%get3A_398, %get3A_399] {strides = array<i32>} : memref<16x1024xf32, #tpu.memory_space<vmem>>, vector<1x16xf32>,
        %get3A_401 = vector.shape_cast %get3A_400 : vector<1x16xf32> to vector<16xf32>
        %get3A_402 = arith.index_cast %scan3A_217 : i32 to index
        %get3A_403 = arith.constant 288 : index
        %get3A_404 = tpu.vector_load %arg10[%get3A_402, %get3A_403] {strides = array<i32>} : memref<16x1024xf32, #tpu.memory_space<vmem>>, vector<1x16xf32>,
        %get3A_405 = vector.shape_cast %get3A_404 : vector<1x16xf32> to vector<16xf32>
        %mul3A_406 = arith.mulf %get3A_401, %get3A_405 : vector<16xf32>
        %add3A_407 = arith.addf %add3A_397, %mul3A_406 : vector<16xf32>
        %get3A_408 = arith.index_cast %scan3A_217 : i32 to index
        %get3A_409 = arith.constant 304 : index
        %get3A_410 = tpu.vector_load %arg9[%get3A_408, %get3A_409] {strides = array<i32>} : memref<16x1024xf32, #tpu.memory_space<vmem>>, vector<1x16xf32>,
        %get3A_411 = vector.shape_cast %get3A_410 : vector<1x16xf32> to vector<16xf32>
        %get3A_412 = arith.index_cast %scan3A_217 : i32 to index
        %get3A_413 = arith.constant 304 : index
        %get3A_414 = tpu.vector_load %arg10[%get3A_412, %get3A_413] {strides = array<i32>} : memref<16x1024xf32, #tpu.memory_space<vmem>>, vector<1x16xf32>,
        %get3A_415 = vector.shape_cast %get3A_414 : vector<1x16xf32> to vector<16xf32>
        %mul3A_416 = arith.mulf %get3A_411, %get3A_415 : vector<16xf32>
        %add3A_417 = arith.addf %add3A_407, %mul3A_416 : vector<16xf32>
        %get3A_418 = arith.index_cast %scan3A_217 : i32 to index
        %get3A_419 = arith.constant 320 : index
        %get3A_420 = tpu.vector_load %arg9[%get3A_418, %get3A_419] {strides = array<i32>} : memref<16x1024xf32, #tpu.memory_space<vmem>>, vector<1x16xf32>,
        %get3A_421 = vector.shape_cast %get3A_420 : vector<1x16xf32> to vector<16xf32>
        %get3A_422 = arith.index_cast %scan3A_217 : i32 to index
        %get3A_423 = arith.constant 320 : index
        %get3A_424 = tpu.vector_load %arg10[%get3A_422, %get3A_423] {strides = array<i32>} : memref<16x1024xf32, #tpu.memory_space<vmem>>, vector<1x16xf32>,
        %get3A_425 = vector.shape_cast %get3A_424 : vector<1x16xf32> to vector<16xf32>
        %mul3A_426 = arith.mulf %get3A_421, %get3A_425 : vector<16xf32>
        %add3A_427 = arith.addf %add3A_417, %mul3A_426 : vector<16xf32>
        %get3A_428 = arith.index_cast %scan3A_217 : i32 to index
        %get3A_429 = arith.constant 336 : index
        %get3A_430 = tpu.vector_load %arg9[%get3A_428, %get3A_429] {strides = array<i32>} : memref<16x1024xf32, #tpu.memory_space<vmem>>, vector<1x16xf32>,
        %get3A_431 = vector.shape_cast %get3A_430 : vector<1x16xf32> to vector<16xf32>
        %get3A_432 = arith.index_cast %scan3A_217 : i32 to index
        %get3A_433 = arith.constant 336 : index
        %get3A_434 = tpu.vector_load %arg10[%get3A_432, %get3A_433] {strides = array<i32>} : memref<16x1024xf32, #tpu.memory_space<vmem>>, vector<1x16xf32>,
        %get3A_435 = vector.shape_cast %get3A_434 : vector<1x16xf32> to vector<16xf32>
        %mul3A_436 = arith.mulf %get3A_431, %get3A_435 : vector<16xf32>
        %add3A_437 = arith.addf %add3A_427, %mul3A_436 : vector<16xf32>
        %get3A_438 = arith.index_cast %scan3A_217 : i32 to index
        %get3A_439 = arith.constant 352 : index
        %get3A_440 = tpu.vector_load %arg9[%get3A_438, %get3A_439] {strides = array<i32>} : memref<16x1024xf32, #tpu.memory_space<vmem>>, vector<1x16xf32>,
        %get3A_441 = vector.shape_cast %get3A_440 : vector<1x16xf32> to vector<16xf32>
        %get3A_442 = arith.index_cast %scan3A_217 : i32 to index
        %get3A_443 = arith.constant 352 : index
        %get3A_444 = tpu.vector_load %arg10[%get3A_442, %get3A_443] {strides = array<i32>} : memref<16x1024xf32, #tpu.memory_space<vmem>>, vector<1x16xf32>,
        %get3A_445 = vector.shape_cast %get3A_444 : vector<1x16xf32> to vector<16xf32>
        %mul3A_446 = arith.mulf %get3A_441, %get3A_445 : vector<16xf32>
        %add3A_447 = arith.addf %add3A_437, %mul3A_446 : vector<16xf32>
        %get3A_448 = arith.index_cast %scan3A_217 : i32 to index
        %get3A_449 = arith.constant 368 : index
        %get3A_450 = tpu.vector_load %arg9[%get3A_448, %get3A_449] {strides = array<i32>} : memref<16x1024xf32, #tpu.memory_space<vmem>>, vector<1x16xf32>,
        %get3A_451 = vector.shape_cast %get3A_450 : vector<1x16xf32> to vector<16xf32>
        %get3A_452 = arith.index_cast %scan3A_217 : i32 to index
        %get3A_453 = arith.constant 368 : index
        %get3A_454 = tpu.vector_load %arg10[%get3A_452, %get3A_453] {strides = array<i32>} : memref<16x1024xf32, #tpu.memory_space<vmem>>, vector<1x16xf32>,
        %get3A_455 = vector.shape_cast %get3A_454 : vector<1x16xf32> to vector<16xf32>
        %mul3A_456 = arith.mulf %get3A_451, %get3A_455 : vector<16xf32>
        %add3A_457 = arith.addf %add3A_447, %mul3A_456 : vector<16xf32>
        %get3A_458 = arith.index_cast %scan3A_217 : i32 to index
        %get3A_459 = arith.constant 384 : index
        %get3A_460 = tpu.vector_load %arg9[%get3A_458, %get3A_459] {strides = array<i32>} : memref<16x1024xf32, #tpu.memory_space<vmem>>, vector<1x16xf32>,
        %get3A_461 = vector.shape_cast %get3A_460 : vector<1x16xf32> to vector<16xf32>
        %get3A_462 = arith.index_cast %scan3A_217 : i32 to index
        %get3A_463 = arith.constant 384 : index
        %get3A_464 = tpu.vector_load %arg10[%get3A_462, %get3A_463] {strides = array<i32>} : memref<16x1024xf32, #tpu.memory_space<vmem>>, vector<1x16xf32>,
        %get3A_465 = vector.shape_cast %get3A_464 : vector<1x16xf32> to vector<16xf32>
        %mul3A_466 = arith.mulf %get3A_461, %get3A_465 : vector<16xf32>
        %add3A_467 = arith.addf %add3A_457, %mul3A_466 : vector<16xf32>
        %get3A_468 = arith.index_cast %scan3A_217 : i32 to index
        %get3A_469 = arith.constant 400 : index
        %get3A_470 = tpu.vector_load %arg9[%get3A_468, %get3A_469] {strides = array<i32>} : memref<16x1024xf32, #tpu.memory_space<vmem>>, vector<1x16xf32>,
        %get3A_471 = vector.shape_cast %get3A_470 : vector<1x16xf32> to vector<16xf32>
        %get3A_472 = arith.index_cast %scan3A_217 : i32 to index
        %get3A_473 = arith.constant 400 : index
        %get3A_474 = tpu.vector_load %arg10[%get3A_472, %get3A_473] {strides = array<i32>} : memref<16x1024xf32, #tpu.memory_space<vmem>>, vector<1x16xf32>,
        %get3A_475 = vector.shape_cast %get3A_474 : vector<1x16xf32> to vector<16xf32>
        %mul3A_476 = arith.mulf %get3A_471, %get3A_475 : vector<16xf32>
        %add3A_477 = arith.addf %add3A_467, %mul3A_476 : vector<16xf32>
        %get3A_478 = arith.index_cast %scan3A_217 : i32 to index
        %get3A_479 = arith.constant 416 : index
        %get3A_480 = tpu.vector_load %arg9[%get3A_478, %get3A_479] {strides = array<i32>} : memref<16x1024xf32, #tpu.memory_space<vmem>>, vector<1x16xf32>,
        %get3A_481 = vector.shape_cast %get3A_480 : vector<1x16xf32> to vector<16xf32>
        %get3A_482 = arith.index_cast %scan3A_217 : i32 to index
        %get3A_483 = arith.constant 416 : index
        %get3A_484 = tpu.vector_load %arg10[%get3A_482, %get3A_483] {strides = array<i32>} : memref<16x1024xf32, #tpu.memory_space<vmem>>, vector<1x16xf32>,
        %get3A_485 = vector.shape_cast %get3A_484 : vector<1x16xf32> to vector<16xf32>
        %mul3A_486 = arith.mulf %get3A_481, %get3A_485 : vector<16xf32>
        %add3A_487 = arith.addf %add3A_477, %mul3A_486 : vector<16xf32>
        %get3A_488 = arith.index_cast %scan3A_217 : i32 to index
        %get3A_489 = arith.constant 432 : index
        %get3A_490 = tpu.vector_load %arg9[%get3A_488, %get3A_489] {strides = array<i32>} : memref<16x1024xf32, #tpu.memory_space<vmem>>, vector<1x16xf32>,
        %get3A_491 = vector.shape_cast %get3A_490 : vector<1x16xf32> to vector<16xf32>
        %get3A_492 = arith.index_cast %scan3A_217 : i32 to index
        %get3A_493 = arith.constant 432 : index
        %get3A_494 = tpu.vector_load %arg10[%get3A_492, %get3A_493] {strides = array<i32>} : memref<16x1024xf32, #tpu.memory_space<vmem>>, vector<1x16xf32>,
        %get3A_495 = vector.shape_cast %get3A_494 : vector<1x16xf32> to vector<16xf32>
        %mul3A_496 = arith.mulf %get3A_491, %get3A_495 : vector<16xf32>
        %add3A_497 = arith.addf %add3A_487, %mul3A_496 : vector<16xf32>
        %get3A_498 = arith.index_cast %scan3A_217 : i32 to index
        %get3A_499 = arith.constant 448 : index
        %get3A_500 = tpu.vector_load %arg9[%get3A_498, %get3A_499] {strides = array<i32>} : memref<16x1024xf32, #tpu.memory_space<vmem>>, vector<1x16xf32>,
        %get3A_501 = vector.shape_cast %get3A_500 : vector<1x16xf32> to vector<16xf32>
        %get3A_502 = arith.index_cast %scan3A_217 : i32 to index
        %get3A_503 = arith.constant 448 : index
        %get3A_504 = tpu.vector_load %arg10[%get3A_502, %get3A_503] {strides = array<i32>} : memref<16x1024xf32, #tpu.memory_space<vmem>>, vector<1x16xf32>,
        %get3A_505 = vector.shape_cast %get3A_504 : vector<1x16xf32> to vector<16xf32>
        %mul3A_506 = arith.mulf %get3A_501, %get3A_505 : vector<16xf32>
        %add3A_507 = arith.addf %add3A_497, %mul3A_506 : vector<16xf32>
        %get3A_508 = arith.index_cast %scan3A_217 : i32 to index
        %get3A_509 = arith.constant 464 : index
        %get3A_510 = tpu.vector_load %arg9[%get3A_508, %get3A_509] {strides = array<i32>} : memref<16x1024xf32, #tpu.memory_space<vmem>>, vector<1x16xf32>,
        %get3A_511 = vector.shape_cast %get3A_510 : vector<1x16xf32> to vector<16xf32>
        %get3A_512 = arith.index_cast %scan3A_217 : i32 to index
        %get3A_513 = arith.constant 464 : index
        %get3A_514 = tpu.vector_load %arg10[%get3A_512, %get3A_513] {strides = array<i32>} : memref<16x1024xf32, #tpu.memory_space<vmem>>, vector<1x16xf32>,
        %get3A_515 = vector.shape_cast %get3A_514 : vector<1x16xf32> to vector<16xf32>
        %mul3A_516 = arith.mulf %get3A_511, %get3A_515 : vector<16xf32>
        %add3A_517 = arith.addf %add3A_507, %mul3A_516 : vector<16xf32>
        %get3A_518 = arith.index_cast %scan3A_217 : i32 to index
        %get3A_519 = arith.constant 480 : index
        %get3A_520 = tpu.vector_load %arg9[%get3A_518, %get3A_519] {strides = array<i32>} : memref<16x1024xf32, #tpu.memory_space<vmem>>, vector<1x16xf32>,
        %get3A_521 = vector.shape_cast %get3A_520 : vector<1x16xf32> to vector<16xf32>
        %get3A_522 = arith.index_cast %scan3A_217 : i32 to index
        %get3A_523 = arith.constant 480 : index
        %get3A_524 = tpu.vector_load %arg10[%get3A_522, %get3A_523] {strides = array<i32>} : memref<16x1024xf32, #tpu.memory_space<vmem>>, vector<1x16xf32>,
        %get3A_525 = vector.shape_cast %get3A_524 : vector<1x16xf32> to vector<16xf32>
        %mul3A_526 = arith.mulf %get3A_521, %get3A_525 : vector<16xf32>
        %add3A_527 = arith.addf %add3A_517, %mul3A_526 : vector<16xf32>
        %get3A_528 = arith.index_cast %scan3A_217 : i32 to index
        %get3A_529 = arith.constant 496 : index
        %get3A_530 = tpu.vector_load %arg9[%get3A_528, %get3A_529] {strides = array<i32>} : memref<16x1024xf32, #tpu.memory_space<vmem>>, vector<1x16xf32>,
        %get3A_531 = vector.shape_cast %get3A_530 : vector<1x16xf32> to vector<16xf32>
        %get3A_532 = arith.index_cast %scan3A_217 : i32 to index
        %get3A_533 = arith.constant 496 : index
        %get3A_534 = tpu.vector_load %arg10[%get3A_532, %get3A_533] {strides = array<i32>} : memref<16x1024xf32, #tpu.memory_space<vmem>>, vector<1x16xf32>,
        %get3A_535 = vector.shape_cast %get3A_534 : vector<1x16xf32> to vector<16xf32>
        %mul3A_536 = arith.mulf %get3A_531, %get3A_535 : vector<16xf32>
        %add3A_537 = arith.addf %add3A_527, %mul3A_536 : vector<16xf32>
        %get3A_538 = arith.index_cast %scan3A_217 : i32 to index
        %get3A_539 = arith.constant 512 : index
        %get3A_540 = tpu.vector_load %arg9[%get3A_538, %get3A_539] {strides = array<i32>} : memref<16x1024xf32, #tpu.memory_space<vmem>>, vector<1x16xf32>,
        %get3A_541 = vector.shape_cast %get3A_540 : vector<1x16xf32> to vector<16xf32>
        %get3A_542 = arith.index_cast %scan3A_217 : i32 to index
        %get3A_543 = arith.constant 512 : index
        %get3A_544 = tpu.vector_load %arg10[%get3A_542, %get3A_543] {strides = array<i32>} : memref<16x1024xf32, #tpu.memory_space<vmem>>, vector<1x16xf32>,
        %get3A_545 = vector.shape_cast %get3A_544 : vector<1x16xf32> to vector<16xf32>
        %mul3A_546 = arith.mulf %get3A_541, %get3A_545 : vector<16xf32>
        %add3A_547 = arith.addf %add3A_537, %mul3A_546 : vector<16xf32>
        %get3A_548 = arith.index_cast %scan3A_217 : i32 to index
        %get3A_549 = arith.constant 528 : index
        %get3A_550 = tpu.vector_load %arg9[%get3A_548, %get3A_549] {strides = array<i32>} : memref<16x1024xf32, #tpu.memory_space<vmem>>, vector<1x16xf32>,
        %get3A_551 = vector.shape_cast %get3A_550 : vector<1x16xf32> to vector<16xf32>
        %get3A_552 = arith.index_cast %scan3A_217 : i32 to index
        %get3A_553 = arith.constant 528 : index
        %get3A_554 = tpu.vector_load %arg10[%get3A_552, %get3A_553] {strides = array<i32>} : memref<16x1024xf32, #tpu.memory_space<vmem>>, vector<1x16xf32>,
        %get3A_555 = vector.shape_cast %get3A_554 : vector<1x16xf32> to vector<16xf32>
        %mul3A_556 = arith.mulf %get3A_551, %get3A_555 : vector<16xf32>
        %add3A_557 = arith.addf %add3A_547, %mul3A_556 : vector<16xf32>
        %get3A_558 = arith.index_cast %scan3A_217 : i32 to index
        %get3A_559 = arith.constant 544 : index
        %get3A_560 = tpu.vector_load %arg9[%get3A_558, %get3A_559] {strides = array<i32>} : memref<16x1024xf32, #tpu.memory_space<vmem>>, vector<1x16xf32>,
        %get3A_561 = vector.shape_cast %get3A_560 : vector<1x16xf32> to vector<16xf32>
        %get3A_562 = arith.index_cast %scan3A_217 : i32 to index
        %get3A_563 = arith.constant 544 : index
        %get3A_564 = tpu.vector_load %arg10[%get3A_562, %get3A_563] {strides = array<i32>} : memref<16x1024xf32, #tpu.memory_space<vmem>>, vector<1x16xf32>,
        %get3A_565 = vector.shape_cast %get3A_564 : vector<1x16xf32> to vector<16xf32>
        %mul3A_566 = arith.mulf %get3A_561, %get3A_565 : vector<16xf32>
        %add3A_567 = arith.addf %add3A_557, %mul3A_566 : vector<16xf32>
        %get3A_568 = arith.index_cast %scan3A_217 : i32 to index
        %get3A_569 = arith.constant 560 : index
        %get3A_570 = tpu.vector_load %arg9[%get3A_568, %get3A_569] {strides = array<i32>} : memref<16x1024xf32, #tpu.memory_space<vmem>>, vector<1x16xf32>,
        %get3A_571 = vector.shape_cast %get3A_570 : vector<1x16xf32> to vector<16xf32>
        %get3A_572 = arith.index_cast %scan3A_217 : i32 to index
        %get3A_573 = arith.constant 560 : index
        %get3A_574 = tpu.vector_load %arg10[%get3A_572, %get3A_573] {strides = array<i32>} : memref<16x1024xf32, #tpu.memory_space<vmem>>, vector<1x16xf32>,
        %get3A_575 = vector.shape_cast %get3A_574 : vector<1x16xf32> to vector<16xf32>
        %mul3A_576 = arith.mulf %get3A_571, %get3A_575 : vector<16xf32>
        %add3A_577 = arith.addf %add3A_567, %mul3A_576 : vector<16xf32>
        %get3A_578 = arith.index_cast %scan3A_217 : i32 to index
        %get3A_579 = arith.constant 576 : index
        %get3A_580 = tpu.vector_load %arg9[%get3A_578, %get3A_579] {strides = array<i32>} : memref<16x1024xf32, #tpu.memory_space<vmem>>, vector<1x16xf32>,
        %get3A_581 = vector.shape_cast %get3A_580 : vector<1x16xf32> to vector<16xf32>
        %get3A_582 = arith.index_cast %scan3A_217 : i32 to index
        %get3A_583 = arith.constant 576 : index
        %get3A_584 = tpu.vector_load %arg10[%get3A_582, %get3A_583] {strides = array<i32>} : memref<16x1024xf32, #tpu.memory_space<vmem>>, vector<1x16xf32>,
        %get3A_585 = vector.shape_cast %get3A_584 : vector<1x16xf32> to vector<16xf32>
        %mul3A_586 = arith.mulf %get3A_581, %get3A_585 : vector<16xf32>
        %add3A_587 = arith.addf %add3A_577, %mul3A_586 : vector<16xf32>
        %get3A_588 = arith.index_cast %scan3A_217 : i32 to index
        %get3A_589 = arith.constant 592 : index
        %get3A_590 = tpu.vector_load %arg9[%get3A_588, %get3A_589] {strides = array<i32>} : memref<16x1024xf32, #tpu.memory_space<vmem>>, vector<1x16xf32>,
        %get3A_591 = vector.shape_cast %get3A_590 : vector<1x16xf32> to vector<16xf32>
        %get3A_592 = arith.index_cast %scan3A_217 : i32 to index
        %get3A_593 = arith.constant 592 : index
        %get3A_594 = tpu.vector_load %arg10[%get3A_592, %get3A_593] {strides = array<i32>} : memref<16x1024xf32, #tpu.memory_space<vmem>>, vector<1x16xf32>,
        %get3A_595 = vector.shape_cast %get3A_594 : vector<1x16xf32> to vector<16xf32>
        %mul3A_596 = arith.mulf %get3A_591, %get3A_595 : vector<16xf32>
        %add3A_597 = arith.addf %add3A_587, %mul3A_596 : vector<16xf32>
        %get3A_598 = arith.index_cast %scan3A_217 : i32 to index
        %get3A_599 = arith.constant 608 : index
        %get3A_600 = tpu.vector_load %arg9[%get3A_598, %get3A_599] {strides = array<i32>} : memref<16x1024xf32, #tpu.memory_space<vmem>>, vector<1x16xf32>,
        %get3A_601 = vector.shape_cast %get3A_600 : vector<1x16xf32> to vector<16xf32>
        %get3A_602 = arith.index_cast %scan3A_217 : i32 to index
        %get3A_603 = arith.constant 608 : index
        %get3A_604 = tpu.vector_load %arg10[%get3A_602, %get3A_603] {strides = array<i32>} : memref<16x1024xf32, #tpu.memory_space<vmem>>, vector<1x16xf32>,
        %get3A_605 = vector.shape_cast %get3A_604 : vector<1x16xf32> to vector<16xf32>
        %mul3A_606 = arith.mulf %get3A_601, %get3A_605 : vector<16xf32>
        %add3A_607 = arith.addf %add3A_597, %mul3A_606 : vector<16xf32>
        %get3A_608 = arith.index_cast %scan3A_217 : i32 to index
        %get3A_609 = arith.constant 624 : index
        %get3A_610 = tpu.vector_load %arg9[%get3A_608, %get3A_609] {strides = array<i32>} : memref<16x1024xf32, #tpu.memory_space<vmem>>, vector<1x16xf32>,
        %get3A_611 = vector.shape_cast %get3A_610 : vector<1x16xf32> to vector<16xf32>
        %get3A_612 = arith.index_cast %scan3A_217 : i32 to index
        %get3A_613 = arith.constant 624 : index
        %get3A_614 = tpu.vector_load %arg10[%get3A_612, %get3A_613] {strides = array<i32>} : memref<16x1024xf32, #tpu.memory_space<vmem>>, vector<1x16xf32>,
        %get3A_615 = vector.shape_cast %get3A_614 : vector<1x16xf32> to vector<16xf32>
        %mul3A_616 = arith.mulf %get3A_611, %get3A_615 : vector<16xf32>
        %add3A_617 = arith.addf %add3A_607, %mul3A_616 : vector<16xf32>
        %get3A_618 = arith.index_cast %scan3A_217 : i32 to index
        %get3A_619 = arith.constant 640 : index
        %get3A_620 = tpu.vector_load %arg9[%get3A_618, %get3A_619] {strides = array<i32>} : memref<16x1024xf32, #tpu.memory_space<vmem>>, vector<1x16xf32>,
        %get3A_621 = vector.shape_cast %get3A_620 : vector<1x16xf32> to vector<16xf32>
        %get3A_622 = arith.index_cast %scan3A_217 : i32 to index
        %get3A_623 = arith.constant 640 : index
        %get3A_624 = tpu.vector_load %arg10[%get3A_622, %get3A_623] {strides = array<i32>} : memref<16x1024xf32, #tpu.memory_space<vmem>>, vector<1x16xf32>,
        %get3A_625 = vector.shape_cast %get3A_624 : vector<1x16xf32> to vector<16xf32>
        %mul3A_626 = arith.mulf %get3A_621, %get3A_625 : vector<16xf32>
        %add3A_627 = arith.addf %add3A_617, %mul3A_626 : vector<16xf32>
        %get3A_628 = arith.index_cast %scan3A_217 : i32 to index
        %get3A_629 = arith.constant 656 : index
        %get3A_630 = tpu.vector_load %arg9[%get3A_628, %get3A_629] {strides = array<i32>} : memref<16x1024xf32, #tpu.memory_space<vmem>>, vector<1x16xf32>,
        %get3A_631 = vector.shape_cast %get3A_630 : vector<1x16xf32> to vector<16xf32>
        %get3A_632 = arith.index_cast %scan3A_217 : i32 to index
        %get3A_633 = arith.constant 656 : index
        %get3A_634 = tpu.vector_load %arg10[%get3A_632, %get3A_633] {strides = array<i32>} : memref<16x1024xf32, #tpu.memory_space<vmem>>, vector<1x16xf32>,
        %get3A_635 = vector.shape_cast %get3A_634 : vector<1x16xf32> to vector<16xf32>
        %mul3A_636 = arith.mulf %get3A_631, %get3A_635 : vector<16xf32>
        %add3A_637 = arith.addf %add3A_627, %mul3A_636 : vector<16xf32>
        %get3A_638 = arith.index_cast %scan3A_217 : i32 to index
        %get3A_639 = arith.constant 672 : index
        %get3A_640 = tpu.vector_load %arg9[%get3A_638, %get3A_639] {strides = array<i32>} : memref<16x1024xf32, #tpu.memory_space<vmem>>, vector<1x16xf32>,
        %get3A_641 = vector.shape_cast %get3A_640 : vector<1x16xf32> to vector<16xf32>
        %get3A_642 = arith.index_cast %scan3A_217 : i32 to index
        %get3A_643 = arith.constant 672 : index
        %get3A_644 = tpu.vector_load %arg10[%get3A_642, %get3A_643] {strides = array<i32>} : memref<16x1024xf32, #tpu.memory_space<vmem>>, vector<1x16xf32>,
        %get3A_645 = vector.shape_cast %get3A_644 : vector<1x16xf32> to vector<16xf32>
        %mul3A_646 = arith.mulf %get3A_641, %get3A_645 : vector<16xf32>
        %add3A_647 = arith.addf %add3A_637, %mul3A_646 : vector<16xf32>
        %get3A_648 = arith.index_cast %scan3A_217 : i32 to index
        %get3A_649 = arith.constant 688 : index
        %get3A_650 = tpu.vector_load %arg9[%get3A_648, %get3A_649] {strides = array<i32>} : memref<16x1024xf32, #tpu.memory_space<vmem>>, vector<1x16xf32>,
        %get3A_651 = vector.shape_cast %get3A_650 : vector<1x16xf32> to vector<16xf32>
        %get3A_652 = arith.index_cast %scan3A_217 : i32 to index
        %get3A_653 = arith.constant 688 : index
        %get3A_654 = tpu.vector_load %arg10[%get3A_652, %get3A_653] {strides = array<i32>} : memref<16x1024xf32, #tpu.memory_space<vmem>>, vector<1x16xf32>,
        %get3A_655 = vector.shape_cast %get3A_654 : vector<1x16xf32> to vector<16xf32>
        %mul3A_656 = arith.mulf %get3A_651, %get3A_655 : vector<16xf32>
        %add3A_657 = arith.addf %add3A_647, %mul3A_656 : vector<16xf32>
        %get3A_658 = arith.index_cast %scan3A_217 : i32 to index
        %get3A_659 = arith.constant 704 : index
        %get3A_660 = tpu.vector_load %arg9[%get3A_658, %get3A_659] {strides = array<i32>} : memref<16x1024xf32, #tpu.memory_space<vmem>>, vector<1x16xf32>,
        %get3A_661 = vector.shape_cast %get3A_660 : vector<1x16xf32> to vector<16xf32>
        %get3A_662 = arith.index_cast %scan3A_217 : i32 to index
        %get3A_663 = arith.constant 704 : index
        %get3A_664 = tpu.vector_load %arg10[%get3A_662, %get3A_663] {strides = array<i32>} : memref<16x1024xf32, #tpu.memory_space<vmem>>, vector<1x16xf32>,
        %get3A_665 = vector.shape_cast %get3A_664 : vector<1x16xf32> to vector<16xf32>
        %mul3A_666 = arith.mulf %get3A_661, %get3A_665 : vector<16xf32>
        %add3A_667 = arith.addf %add3A_657, %mul3A_666 : vector<16xf32>
        %get3A_668 = arith.index_cast %scan3A_217 : i32 to index
        %get3A_669 = arith.constant 720 : index
        %get3A_670 = tpu.vector_load %arg9[%get3A_668, %get3A_669] {strides = array<i32>} : memref<16x1024xf32, #tpu.memory_space<vmem>>, vector<1x16xf32>,
        %get3A_671 = vector.shape_cast %get3A_670 : vector<1x16xf32> to vector<16xf32>
        %get3A_672 = arith.index_cast %scan3A_217 : i32 to index
        %get3A_673 = arith.constant 720 : index
        %get3A_674 = tpu.vector_load %arg10[%get3A_672, %get3A_673] {strides = array<i32>} : memref<16x1024xf32, #tpu.memory_space<vmem>>, vector<1x16xf32>,
        %get3A_675 = vector.shape_cast %get3A_674 : vector<1x16xf32> to vector<16xf32>
        %mul3A_676 = arith.mulf %get3A_671, %get3A_675 : vector<16xf32>
        %add3A_677 = arith.addf %add3A_667, %mul3A_676 : vector<16xf32>
        %get3A_678 = arith.index_cast %scan3A_217 : i32 to index
        %get3A_679 = arith.constant 736 : index
        %get3A_680 = tpu.vector_load %arg9[%get3A_678, %get3A_679] {strides = array<i32>} : memref<16x1024xf32, #tpu.memory_space<vmem>>, vector<1x16xf32>,
        %get3A_681 = vector.shape_cast %get3A_680 : vector<1x16xf32> to vector<16xf32>
        %get3A_682 = arith.index_cast %scan3A_217 : i32 to index
        %get3A_683 = arith.constant 736 : index
        %get3A_684 = tpu.vector_load %arg10[%get3A_682, %get3A_683] {strides = array<i32>} : memref<16x1024xf32, #tpu.memory_space<vmem>>, vector<1x16xf32>,
        %get3A_685 = vector.shape_cast %get3A_684 : vector<1x16xf32> to vector<16xf32>
        %mul3A_686 = arith.mulf %get3A_681, %get3A_685 : vector<16xf32>
        %add3A_687 = arith.addf %add3A_677, %mul3A_686 : vector<16xf32>
        %get3A_688 = arith.index_cast %scan3A_217 : i32 to index
        %get3A_689 = arith.constant 752 : index
        %get3A_690 = tpu.vector_load %arg9[%get3A_688, %get3A_689] {strides = array<i32>} : memref<16x1024xf32, #tpu.memory_space<vmem>>, vector<1x16xf32>,
        %get3A_691 = vector.shape_cast %get3A_690 : vector<1x16xf32> to vector<16xf32>
        %get3A_692 = arith.index_cast %scan3A_217 : i32 to index
        %get3A_693 = arith.constant 752 : index
        %get3A_694 = tpu.vector_load %arg10[%get3A_692, %get3A_693] {strides = array<i32>} : memref<16x1024xf32, #tpu.memory_space<vmem>>, vector<1x16xf32>,
        %get3A_695 = vector.shape_cast %get3A_694 : vector<1x16xf32> to vector<16xf32>
        %mul3A_696 = arith.mulf %get3A_691, %get3A_695 : vector<16xf32>
        %add3A_697 = arith.addf %add3A_687, %mul3A_696 : vector<16xf32>
        %get3A_698 = arith.index_cast %scan3A_217 : i32 to index
        %get3A_699 = arith.constant 768 : index
        %get3A_700 = tpu.vector_load %arg9[%get3A_698, %get3A_699] {strides = array<i32>} : memref<16x1024xf32, #tpu.memory_space<vmem>>, vector<1x16xf32>,
        %get3A_701 = vector.shape_cast %get3A_700 : vector<1x16xf32> to vector<16xf32>
        %get3A_702 = arith.index_cast %scan3A_217 : i32 to index
        %get3A_703 = arith.constant 768 : index
        %get3A_704 = tpu.vector_load %arg10[%get3A_702, %get3A_703] {strides = array<i32>} : memref<16x1024xf32, #tpu.memory_space<vmem>>, vector<1x16xf32>,
        %get3A_705 = vector.shape_cast %get3A_704 : vector<1x16xf32> to vector<16xf32>
        %mul3A_706 = arith.mulf %get3A_701, %get3A_705 : vector<16xf32>
        %add3A_707 = arith.addf %add3A_697, %mul3A_706 : vector<16xf32>
        %get3A_708 = arith.index_cast %scan3A_217 : i32 to index
        %get3A_709 = arith.constant 784 : index
        %get3A_710 = tpu.vector_load %arg9[%get3A_708, %get3A_709] {strides = array<i32>} : memref<16x1024xf32, #tpu.memory_space<vmem>>, vector<1x16xf32>,
        %get3A_711 = vector.shape_cast %get3A_710 : vector<1x16xf32> to vector<16xf32>
        %get3A_712 = arith.index_cast %scan3A_217 : i32 to index
        %get3A_713 = arith.constant 784 : index
        %get3A_714 = tpu.vector_load %arg10[%get3A_712, %get3A_713] {strides = array<i32>} : memref<16x1024xf32, #tpu.memory_space<vmem>>, vector<1x16xf32>,
        %get3A_715 = vector.shape_cast %get3A_714 : vector<1x16xf32> to vector<16xf32>
        %mul3A_716 = arith.mulf %get3A_711, %get3A_715 : vector<16xf32>
        %add3A_717 = arith.addf %add3A_707, %mul3A_716 : vector<16xf32>
        %get3A_718 = arith.index_cast %scan3A_217 : i32 to index
        %get3A_719 = arith.constant 800 : index
        %get3A_720 = tpu.vector_load %arg9[%get3A_718, %get3A_719] {strides = array<i32>} : memref<16x1024xf32, #tpu.memory_space<vmem>>, vector<1x16xf32>,
        %get3A_721 = vector.shape_cast %get3A_720 : vector<1x16xf32> to vector<16xf32>
        %get3A_722 = arith.index_cast %scan3A_217 : i32 to index
        %get3A_723 = arith.constant 800 : index
        %get3A_724 = tpu.vector_load %arg10[%get3A_722, %get3A_723] {strides = array<i32>} : memref<16x1024xf32, #tpu.memory_space<vmem>>, vector<1x16xf32>,
        %get3A_725 = vector.shape_cast %get3A_724 : vector<1x16xf32> to vector<16xf32>
        %mul3A_726 = arith.mulf %get3A_721, %get3A_725 : vector<16xf32>
        %add3A_727 = arith.addf %add3A_717, %mul3A_726 : vector<16xf32>
        %get3A_728 = arith.index_cast %scan3A_217 : i32 to index
        %get3A_729 = arith.constant 816 : index
        %get3A_730 = tpu.vector_load %arg9[%get3A_728, %get3A_729] {strides = array<i32>} : memref<16x1024xf32, #tpu.memory_space<vmem>>, vector<1x16xf32>,
        %get3A_731 = vector.shape_cast %get3A_730 : vector<1x16xf32> to vector<16xf32>
        %get3A_732 = arith.index_cast %scan3A_217 : i32 to index
        %get3A_733 = arith.constant 816 : index
        %get3A_734 = tpu.vector_load %arg10[%get3A_732, %get3A_733] {strides = array<i32>} : memref<16x1024xf32, #tpu.memory_space<vmem>>, vector<1x16xf32>,
        %get3A_735 = vector.shape_cast %get3A_734 : vector<1x16xf32> to vector<16xf32>
        %mul3A_736 = arith.mulf %get3A_731, %get3A_735 : vector<16xf32>
        %add3A_737 = arith.addf %add3A_727, %mul3A_736 : vector<16xf32>
        %get3A_738 = arith.index_cast %scan3A_217 : i32 to index
        %get3A_739 = arith.constant 832 : index
        %get3A_740 = tpu.vector_load %arg9[%get3A_738, %get3A_739] {strides = array<i32>} : memref<16x1024xf32, #tpu.memory_space<vmem>>, vector<1x16xf32>,
        %get3A_741 = vector.shape_cast %get3A_740 : vector<1x16xf32> to vector<16xf32>
        %get3A_742 = arith.index_cast %scan3A_217 : i32 to index
        %get3A_743 = arith.constant 832 : index
        %get3A_744 = tpu.vector_load %arg10[%get3A_742, %get3A_743] {strides = array<i32>} : memref<16x1024xf32, #tpu.memory_space<vmem>>, vector<1x16xf32>,
        %get3A_745 = vector.shape_cast %get3A_744 : vector<1x16xf32> to vector<16xf32>
        %mul3A_746 = arith.mulf %get3A_741, %get3A_745 : vector<16xf32>
        %add3A_747 = arith.addf %add3A_737, %mul3A_746 : vector<16xf32>
        %get3A_748 = arith.index_cast %scan3A_217 : i32 to index
        %get3A_749 = arith.constant 848 : index
        %get3A_750 = tpu.vector_load %arg9[%get3A_748, %get3A_749] {strides = array<i32>} : memref<16x1024xf32, #tpu.memory_space<vmem>>, vector<1x16xf32>,
        %get3A_751 = vector.shape_cast %get3A_750 : vector<1x16xf32> to vector<16xf32>
        %get3A_752 = arith.index_cast %scan3A_217 : i32 to index
        %get3A_753 = arith.constant 848 : index
        %get3A_754 = tpu.vector_load %arg10[%get3A_752, %get3A_753] {strides = array<i32>} : memref<16x1024xf32, #tpu.memory_space<vmem>>, vector<1x16xf32>,
        %get3A_755 = vector.shape_cast %get3A_754 : vector<1x16xf32> to vector<16xf32>
        %mul3A_756 = arith.mulf %get3A_751, %get3A_755 : vector<16xf32>
        %add3A_757 = arith.addf %add3A_747, %mul3A_756 : vector<16xf32>
        %get3A_758 = arith.index_cast %scan3A_217 : i32 to index
        %get3A_759 = arith.constant 864 : index
        %get3A_760 = tpu.vector_load %arg9[%get3A_758, %get3A_759] {strides = array<i32>} : memref<16x1024xf32, #tpu.memory_space<vmem>>, vector<1x16xf32>,
        %get3A_761 = vector.shape_cast %get3A_760 : vector<1x16xf32> to vector<16xf32>
        %get3A_762 = arith.index_cast %scan3A_217 : i32 to index
        %get3A_763 = arith.constant 864 : index
        %get3A_764 = tpu.vector_load %arg10[%get3A_762, %get3A_763] {strides = array<i32>} : memref<16x1024xf32, #tpu.memory_space<vmem>>, vector<1x16xf32>,
        %get3A_765 = vector.shape_cast %get3A_764 : vector<1x16xf32> to vector<16xf32>
        %mul3A_766 = arith.mulf %get3A_761, %get3A_765 : vector<16xf32>
        %add3A_767 = arith.addf %add3A_757, %mul3A_766 : vector<16xf32>
        %get3A_768 = arith.index_cast %scan3A_217 : i32 to index
        %get3A_769 = arith.constant 880 : index
        %get3A_770 = tpu.vector_load %arg9[%get3A_768, %get3A_769] {strides = array<i32>} : memref<16x1024xf32, #tpu.memory_space<vmem>>, vector<1x16xf32>,
        %get3A_771 = vector.shape_cast %get3A_770 : vector<1x16xf32> to vector<16xf32>
        %get3A_772 = arith.index_cast %scan3A_217 : i32 to index
        %get3A_773 = arith.constant 880 : index
        %get3A_774 = tpu.vector_load %arg10[%get3A_772, %get3A_773] {strides = array<i32>} : memref<16x1024xf32, #tpu.memory_space<vmem>>, vector<1x16xf32>,
        %get3A_775 = vector.shape_cast %get3A_774 : vector<1x16xf32> to vector<16xf32>
        %mul3A_776 = arith.mulf %get3A_771, %get3A_775 : vector<16xf32>
        %add3A_777 = arith.addf %add3A_767, %mul3A_776 : vector<16xf32>
        %get3A_778 = arith.index_cast %scan3A_217 : i32 to index
        %get3A_779 = arith.constant 896 : index
        %get3A_780 = tpu.vector_load %arg9[%get3A_778, %get3A_779] {strides = array<i32>} : memref<16x1024xf32, #tpu.memory_space<vmem>>, vector<1x16xf32>,
        %get3A_781 = vector.shape_cast %get3A_780 : vector<1x16xf32> to vector<16xf32>
        %get3A_782 = arith.index_cast %scan3A_217 : i32 to index
        %get3A_783 = arith.constant 896 : index
        %get3A_784 = tpu.vector_load %arg10[%get3A_782, %get3A_783] {strides = array<i32>} : memref<16x1024xf32, #tpu.memory_space<vmem>>, vector<1x16xf32>,
        %get3A_785 = vector.shape_cast %get3A_784 : vector<1x16xf32> to vector<16xf32>
        %mul3A_786 = arith.mulf %get3A_781, %get3A_785 : vector<16xf32>
        %add3A_787 = arith.addf %add3A_777, %mul3A_786 : vector<16xf32>
        %get3A_788 = arith.index_cast %scan3A_217 : i32 to index
        %get3A_789 = arith.constant 912 : index
        %get3A_790 = tpu.vector_load %arg9[%get3A_788, %get3A_789] {strides = array<i32>} : memref<16x1024xf32, #tpu.memory_space<vmem>>, vector<1x16xf32>,
        %get3A_791 = vector.shape_cast %get3A_790 : vector<1x16xf32> to vector<16xf32>
        %get3A_792 = arith.index_cast %scan3A_217 : i32 to index
        %get3A_793 = arith.constant 912 : index
        %get3A_794 = tpu.vector_load %arg10[%get3A_792, %get3A_793] {strides = array<i32>} : memref<16x1024xf32, #tpu.memory_space<vmem>>, vector<1x16xf32>,
        %get3A_795 = vector.shape_cast %get3A_794 : vector<1x16xf32> to vector<16xf32>
        %mul3A_796 = arith.mulf %get3A_791, %get3A_795 : vector<16xf32>
        %add3A_797 = arith.addf %add3A_787, %mul3A_796 : vector<16xf32>
        %get3A_798 = arith.index_cast %scan3A_217 : i32 to index
        %get3A_799 = arith.constant 928 : index
        %get3A_800 = tpu.vector_load %arg9[%get3A_798, %get3A_799] {strides = array<i32>} : memref<16x1024xf32, #tpu.memory_space<vmem>>, vector<1x16xf32>,
        %get3A_801 = vector.shape_cast %get3A_800 : vector<1x16xf32> to vector<16xf32>
        %get3A_802 = arith.index_cast %scan3A_217 : i32 to index
        %get3A_803 = arith.constant 928 : index
        %get3A_804 = tpu.vector_load %arg10[%get3A_802, %get3A_803] {strides = array<i32>} : memref<16x1024xf32, #tpu.memory_space<vmem>>, vector<1x16xf32>,
        %get3A_805 = vector.shape_cast %get3A_804 : vector<1x16xf32> to vector<16xf32>
        %mul3A_806 = arith.mulf %get3A_801, %get3A_805 : vector<16xf32>
        %add3A_807 = arith.addf %add3A_797, %mul3A_806 : vector<16xf32>
        %get3A_808 = arith.index_cast %scan3A_217 : i32 to index
        %get3A_809 = arith.constant 944 : index
        %get3A_810 = tpu.vector_load %arg9[%get3A_808, %get3A_809] {strides = array<i32>} : memref<16x1024xf32, #tpu.memory_space<vmem>>, vector<1x16xf32>,
        %get3A_811 = vector.shape_cast %get3A_810 : vector<1x16xf32> to vector<16xf32>
        %get3A_812 = arith.index_cast %scan3A_217 : i32 to index
        %get3A_813 = arith.constant 944 : index
        %get3A_814 = tpu.vector_load %arg10[%get3A_812, %get3A_813] {strides = array<i32>} : memref<16x1024xf32, #tpu.memory_space<vmem>>, vector<1x16xf32>,
        %get3A_815 = vector.shape_cast %get3A_814 : vector<1x16xf32> to vector<16xf32>
        %mul3A_816 = arith.mulf %get3A_811, %get3A_815 : vector<16xf32>
        %add3A_817 = arith.addf %add3A_807, %mul3A_816 : vector<16xf32>
        %get3A_818 = arith.index_cast %scan3A_217 : i32 to index
        %get3A_819 = arith.constant 960 : index
        %get3A_820 = tpu.vector_load %arg9[%get3A_818, %get3A_819] {strides = array<i32>} : memref<16x1024xf32, #tpu.memory_space<vmem>>, vector<1x16xf32>,
        %get3A_821 = vector.shape_cast %get3A_820 : vector<1x16xf32> to vector<16xf32>
        %get3A_822 = arith.index_cast %scan3A_217 : i32 to index
        %get3A_823 = arith.constant 960 : index
        %get3A_824 = tpu.vector_load %arg10[%get3A_822, %get3A_823] {strides = array<i32>} : memref<16x1024xf32, #tpu.memory_space<vmem>>, vector<1x16xf32>,
        %get3A_825 = vector.shape_cast %get3A_824 : vector<1x16xf32> to vector<16xf32>
        %mul3A_826 = arith.mulf %get3A_821, %get3A_825 : vector<16xf32>
        %add3A_827 = arith.addf %add3A_817, %mul3A_826 : vector<16xf32>
        %get3A_828 = arith.index_cast %scan3A_217 : i32 to index
        %get3A_829 = arith.constant 976 : index
        %get3A_830 = tpu.vector_load %arg9[%get3A_828, %get3A_829] {strides = array<i32>} : memref<16x1024xf32, #tpu.memory_space<vmem>>, vector<1x16xf32>,
        %get3A_831 = vector.shape_cast %get3A_830 : vector<1x16xf32> to vector<16xf32>
        %get3A_832 = arith.index_cast %scan3A_217 : i32 to index
        %get3A_833 = arith.constant 976 : index
        %get3A_834 = tpu.vector_load %arg10[%get3A_832, %get3A_833] {strides = array<i32>} : memref<16x1024xf32, #tpu.memory_space<vmem>>, vector<1x16xf32>,
        %get3A_835 = vector.shape_cast %get3A_834 : vector<1x16xf32> to vector<16xf32>
        %mul3A_836 = arith.mulf %get3A_831, %get3A_835 : vector<16xf32>
        %add3A_837 = arith.addf %add3A_827, %mul3A_836 : vector<16xf32>
        %get3A_838 = arith.index_cast %scan3A_217 : i32 to index
        %get3A_839 = arith.constant 992 : index
        %get3A_840 = tpu.vector_load %arg9[%get3A_838, %get3A_839] {strides = array<i32>} : memref<16x1024xf32, #tpu.memory_space<vmem>>, vector<1x16xf32>,
        %get3A_841 = vector.shape_cast %get3A_840 : vector<1x16xf32> to vector<16xf32>
        %get3A_842 = arith.index_cast %scan3A_217 : i32 to index
        %get3A_843 = arith.constant 992 : index
        %get3A_844 = tpu.vector_load %arg10[%get3A_842, %get3A_843] {strides = array<i32>} : memref<16x1024xf32, #tpu.memory_space<vmem>>, vector<1x16xf32>,
        %get3A_845 = vector.shape_cast %get3A_844 : vector<1x16xf32> to vector<16xf32>
        %mul3A_846 = arith.mulf %get3A_841, %get3A_845 : vector<16xf32>
        %add3A_847 = arith.addf %add3A_837, %mul3A_846 : vector<16xf32>
        %get3A_848 = arith.index_cast %scan3A_217 : i32 to index
        %get3A_849 = arith.constant 1008 : index
        %get3A_850 = tpu.vector_load %arg9[%get3A_848, %get3A_849] {strides = array<i32>} : memref<16x1024xf32, #tpu.memory_space<vmem>>, vector<1x16xf32>,
        %get3A_851 = vector.shape_cast %get3A_850 : vector<1x16xf32> to vector<16xf32>
        %get3A_852 = arith.index_cast %scan3A_217 : i32 to index
        %get3A_853 = arith.constant 1008 : index
        %get3A_854 = tpu.vector_load %arg10[%get3A_852, %get3A_853] {strides = array<i32>} : memref<16x1024xf32, #tpu.memory_space<vmem>>, vector<1x16xf32>,
        %get3A_855 = vector.shape_cast %get3A_854 : vector<1x16xf32> to vector<16xf32>
        %mul3A_856 = arith.mulf %get3A_851, %get3A_855 : vector<16xf32>
        %add3A_857 = arith.addf %add3A_847, %mul3A_856 : vector<16xf32>
        %lt3A_858 = arith.constant 0 : i32
        %lt3A_859 = vector.broadcast %lt3A_858 : i32 to vector<16xi32>
        %lt3A_860 = arith.cmpi slt, %xor3A_4, %lt3A_859 : vector<16xi32>
        %add3A_861 = arith.constant 16 : i32
        %add3A_862 = vector.broadcast %add3A_861 : i32 to vector<16xi32>
        %add3A_863 = arith.addi %xor3A_4, %add3A_862 : vector<16xi32>
        %select_n3A = arith.select %lt3A_860, %add3A_863, %xor3A_4 : vector<16xi1>, vector<16xi32>
        %broadcast_in_dim3A_864 = vector.shape_cast %select_n3A : vector<16xi32> to vector<16x1xi32>
        %gather3A = vector.shape_cast %broadcast_in_dim3A_864 : vector<16x1xi32> to vector<16xi32>
        %gather3A_865 = tpu.dynamic_gather %add3A_857[%gather3A] in [0] : vector<16xf32>, vector<16xi32> -> vector<16xf32>
        %add3A_866 = arith.addf %add3A_857, %gather3A_865 : vector<16xf32>
        %lt3A_867 = arith.constant 0 : i32
        %lt3A_868 = vector.broadcast %lt3A_867 : i32 to vector<16xi32>
        %lt3A_869 = arith.cmpi slt, %xor3A_7, %lt3A_868 : vector<16xi32>
        %add3A_870 = arith.constant 16 : i32
        %add3A_871 = vector.broadcast %add3A_870 : i32 to vector<16xi32>
        %add3A_872 = arith.addi %xor3A_7, %add3A_871 : vector<16xi32>
        %select_n3A_873 = arith.select %lt3A_869, %add3A_872, %xor3A_7 : vector<16xi1>, vector<16xi32>
        %broadcast_in_dim3A_874 = vector.shape_cast %select_n3A_873 : vector<16xi32> to vector<16x1xi32>
        %gather3A_875 = vector.shape_cast %broadcast_in_dim3A_874 : vector<16x1xi32> to vector<16xi32>
        %gather3A_876 = tpu.dynamic_gather %add3A_866[%gather3A_875] in [0] : vector<16xf32>, vector<16xi32> -> vector<16xf32>
        %add3A_877 = arith.addf %add3A_866, %gather3A_876 : vector<16xf32>
        %lt3A_878 = arith.constant 0 : i32
        %lt3A_879 = vector.broadcast %lt3A_878 : i32 to vector<16xi32>
        %lt3A_880 = arith.cmpi slt, %xor3A_10, %lt3A_879 : vector<16xi32>
        %add3A_881 = arith.constant 16 : i32
        %add3A_882 = vector.broadcast %add3A_881 : i32 to vector<16xi32>
        %add3A_883 = arith.addi %xor3A_10, %add3A_882 : vector<16xi32>
        %select_n3A_884 = arith.select %lt3A_880, %add3A_883, %xor3A_10 : vector<16xi1>, vector<16xi32>
        %broadcast_in_dim3A_885 = vector.shape_cast %select_n3A_884 : vector<16xi32> to vector<16x1xi32>
        %gather3A_886 = vector.shape_cast %broadcast_in_dim3A_885 : vector<16x1xi32> to vector<16xi32>
        %gather3A_887 = tpu.dynamic_gather %add3A_877[%gather3A_886] in [0] : vector<16xf32>, vector<16xi32> -> vector<16xf32>
        %add3A_888 = arith.addf %add3A_877, %gather3A_887 : vector<16xf32>
        %lt3A_889 = arith.constant 0 : i32
        %lt3A_890 = vector.broadcast %lt3A_889 : i32 to vector<16xi32>
        %lt3A_891 = arith.cmpi slt, %xor3A_13, %lt3A_890 : vector<16xi32>
        %add3A_892 = arith.constant 16 : i32
        %add3A_893 = vector.broadcast %add3A_892 : i32 to vector<16xi32>
        %add3A_894 = arith.addi %xor3A_13, %add3A_893 : vector<16xi32>
        %select_n3A_895 = arith.select %lt3A_891, %add3A_894, %xor3A_13 : vector<16xi1>, vector<16xi32>
        %broadcast_in_dim3A_896 = vector.shape_cast %select_n3A_895 : vector<16xi32> to vector<16x1xi32>
        %gather3A_897 = vector.shape_cast %broadcast_in_dim3A_896 : vector<16x1xi32> to vector<16xi32>
        %gather3A_898 = tpu.dynamic_gather %add3A_888[%gather3A_897] in [0] : vector<16xf32>, vector<16xi32> -> vector<16xf32>
        %add3A_899 = arith.addf %add3A_888, %gather3A_898 : vector<16xf32>
        %eq3A = vector.broadcast %scan3A_217 : i32 to vector<16xi32>
        %eq3A_900 = arith.cmpi eq, %iota3A, %eq3A : vector<16xi32>
        %select_n3A_901 = arith.select %eq3A_900, %add3A_899, %scan3A_218 : vector<16xi1>, vector<16xf32>
        scf.yield %select_n3A_901 : vector<16xf32>
      }
      %scan3A_109 = arith.constant 16 : i32
      %mul3A_110 = arith.constant 16 : i32
      %mul3A_111 = arith.muli %add3A_101, %mul3A_110 : i32
      %multiple_of3A_112 = tpu.assume_multiple %mul3A_111, 16 : i32
      %jit3A_113 = arith.constant 0.000000e+00 : f32
      %jit3A_114 = arith.constant 1.000000e+00 : f32
      %max3A_115 = vector.broadcast %jit3A_113 : f32 to vector<16xf32>
      %max3A_116 = arith.maximumf %max3A_115, %scan3A_108 : vector<16xf32>
      %min3A_117 = vector.broadcast %jit3A_114 : f32 to vector<16xf32>
      %min3A_118 = arith.minimumf %min3A_117, %max3A_116 : vector<16xf32>
      %swap3A_119 = arith.index_cast %multiple_of3A_112 : i32 to index
      %swap3A_120 = tpu.vector_load %arg8[%swap3A_119] {strides = array<i32>} : memref<10000xf32, #tpu.memory_space<vmem>>, vector<16xf32>,
      %swap3A_121 = vector.shape_cast %swap3A_120 : vector<16xf32> to vector<16xf32>
      %swap3A_122 = vector.shape_cast %min3A_118 : vector<16xf32> to vector<16xf32>
      tpu.vector_store %arg8[%swap3A_119], %swap3A_122 {strides = array<i32>} : memref<10000xf32, #tpu.memory_space<vmem>>, vector<16xf32>,
      %add3A_123 = arith.constant 0 : i32
      %add3A_124 = arith.addi %mul3A_87, %add3A_123 : i32
      %add3A_125 = arith.constant 3 : i32
      %add3A_126 = arith.addi %add3A_124, %add3A_125 : i32
      %lt3A = arith.constant 625 : i32
      %lt3A_127 = arith.cmpi slt, %add3A_126, %lt3A : i32
      %convert_element_type3A = arith.extui %lt3A_127 : i1 to i32
      %cond3A = arith.constant 0 : i32
      %cond3A_128 = arith.cmpi ne, %convert_element_type3A, %cond3A : i32
      scf.if %cond3A_128 {
        %add3A_217 = arith.constant 0 : i32
        %add3A_218 = arith.addi %mul3A_87, %add3A_217 : i32
        %add3A_219 = arith.constant 3 : i32
        %add3A_220 = arith.addi %add3A_218, %add3A_219 : i32
        %mul3A_221 = arith.constant 16 : i32
        %mul3A_222 = arith.muli %add3A_220, %mul3A_221 : i32
        %multiple_of3A_223 = tpu.assume_multiple %mul3A_222, 16 : i32
        %get3A_224 = arith.index_cast %multiple_of3A_223 : i32 to index
        %get3A_225 = tpu.vector_load %arg6[%get3A_224] {strides = array<i32>} : memref<10000xi32, #tpu.memory_space<vmem>>, vector<16xi32>,
        %get3A_226 = vector.shape_cast %get3A_225 : vector<16xi32> to vector<16xi32>
        %dma_start3A_227 = arith.constant 0 : i32
        %dma_start3A_228 = arith.constant 0 : i32
        %dma_start3A_229 = tpu.memref_slice %arg2[%dma_start3A_227, %dma_start3A_228] : memref<10000x1024xf32, #tpu.memory_space<hbm>> -> memref<10000x1024xf32, #tpu.memory_space<hbm>>
        tpu.enqueue_indirect_dma source(%dma_start3A_229 : memref<10000x1024xf32, #tpu.memory_space<hbm>>) target(%arg9 : memref<16x1024xf32, #tpu.memory_space<vmem>>) offsets(%get3A_226 : vector<16xi32>) semaphore(%arg15 : memref<!tpu.dma_semaphore, #tpu.memory_space<semaphore_mem>>)
        %get3A_230 = arith.index_cast %multiple_of3A_223 : i32 to index
        %get3A_231 = tpu.vector_load %arg7[%get3A_230] {strides = array<i32>} : memref<10000xi32, #tpu.memory_space<vmem>>, vector<16xi32>,
        %get3A_232 = vector.shape_cast %get3A_231 : vector<16xi32> to vector<16xi32>
        %dma_start3A_233 = arith.constant 0 : i32
        %dma_start3A_234 = arith.constant 0 : i32
        %dma_start3A_235 = tpu.memref_slice %arg2[%dma_start3A_233, %dma_start3A_234] : memref<10000x1024xf32, #tpu.memory_space<hbm>> -> memref<10000x1024xf32, #tpu.memory_space<hbm>>
        tpu.enqueue_indirect_dma source(%dma_start3A_235 : memref<10000x1024xf32, #tpu.memory_space<hbm>>) target(%arg10 : memref<16x1024xf32, #tpu.memory_space<vmem>>) offsets(%get3A_232 : vector<16xi32>) semaphore(%arg15 : memref<!tpu.dma_semaphore, #tpu.memory_space<semaphore_mem>>)
      } else {
      }
      %dma_wait3A_129 = arith.constant 0 : i32
      %dma_wait3A_130 = arith.constant 0 : i32
      %dma_wait3A_131 = tpu.memref_slice %arg2[%dma_wait3A_129, %dma_wait3A_130] : memref<10000x1024xf32, #tpu.memory_space<hbm>> -> memref<16x1024xf32, #tpu.memory_space<hbm>>
      %dma_wait3A_132 = arith.constant 0 : i32
      %dma_wait3A_133 = arith.constant 0 : i32
      %dma_wait3A_134 = tpu.memref_slice %arg2[%dma_wait3A_132, %dma_wait3A_133] : memref<10000x1024xf32, #tpu.memory_space<hbm>> -> memref<16x1024xf32, #tpu.memory_space<hbm>>
      tpu.wait_dma2 semaphore(%arg16 : memref<!tpu.dma_semaphore, #tpu.memory_space<semaphore_mem>>) src(%dma_wait3A_134 : memref<16x1024xf32, #tpu.memory_space<hbm>>) dst(%arg11 : memref<16x1024xf32, #tpu.memory_space<vmem>>)
      %dma_wait3A_135 = arith.constant 0 : i32
      %dma_wait3A_136 = arith.constant 0 : i32
      %dma_wait3A_137 = tpu.memref_slice %arg2[%dma_wait3A_135, %dma_wait3A_136] : memref<10000x1024xf32, #tpu.memory_space<hbm>> -> memref<16x1024xf32, #tpu.memory_space<hbm>>
      %dma_wait3A_138 = arith.constant 0 : i32
      %dma_wait3A_139 = arith.constant 0 : i32
      %dma_wait3A_140 = tpu.memref_slice %arg2[%dma_wait3A_138, %dma_wait3A_139] : memref<10000x1024xf32, #tpu.memory_space<hbm>> -> memref<16x1024xf32, #tpu.memory_space<hbm>>
      tpu.wait_dma2 semaphore(%arg16 : memref<!tpu.dma_semaphore, #tpu.memory_space<semaphore_mem>>) src(%dma_wait3A_140 : memref<16x1024xf32, #tpu.memory_space<hbm>>) dst(%arg12 : memref<16x1024xf32, #tpu.memory_space<vmem>>)
      %add3A_141 = arith.constant 1 : i32
      %add3A_142 = arith.addi %mul3A_87, %add3A_141 : i32
      %broadcast_in_dim3A_143 = arith.constant 0.000000e+00 : f32
      %broadcast_in_dim3A_144 = vector.broadcast %broadcast_in_dim3A_143 : f32 to vector<16xf32>
      %scan3A_145 = arith.constant 0 : i32
      %scan3A_146 = arith.constant 16 : i32
      %scan3A_147 = arith.addi %scan3A_145, %scan3A_146 : i32
      %scan3A_148 = arith.constant 1 : i32
      %scan3A_149 = scf.for %scan3A_217 = %scan3A_145 to %scan3A_147 step %scan3A_148 iter_args(%scan3A_218 = %broadcast_in_dim3A_144) -> (vector<16xf32>)  : i32 {
        %get3A_219 = arith.index_cast %scan3A_217 : i32 to index
        %get3A_220 = arith.constant 0 : index
        %get3A_221 = tpu.vector_load %arg11[%get3A_219, %get3A_220] {strides = array<i32>} : memref<16x1024xf32, #tpu.memory_space<vmem>>, vector<1x16xf32>,
        %get3A_222 = vector.shape_cast %get3A_221 : vector<1x16xf32> to vector<16xf32>
        %get3A_223 = arith.index_cast %scan3A_217 : i32 to index
        %get3A_224 = arith.constant 0 : index
        %get3A_225 = tpu.vector_load %arg12[%get3A_223, %get3A_224] {strides = array<i32>} : memref<16x1024xf32, #tpu.memory_space<vmem>>, vector<1x16xf32>,
        %get3A_226 = vector.shape_cast %get3A_225 : vector<1x16xf32> to vector<16xf32>
        %mul3A_227 = arith.mulf %get3A_222, %get3A_226 : vector<16xf32>
        %get3A_228 = arith.index_cast %scan3A_217 : i32 to index
        %get3A_229 = arith.constant 16 : index
        %get3A_230 = tpu.vector_load %arg11[%get3A_228, %get3A_229] {strides = array<i32>} : memref<16x1024xf32, #tpu.memory_space<vmem>>, vector<1x16xf32>,
        %get3A_231 = vector.shape_cast %get3A_230 : vector<1x16xf32> to vector<16xf32>
        %get3A_232 = arith.index_cast %scan3A_217 : i32 to index
        %get3A_233 = arith.constant 16 : index
        %get3A_234 = tpu.vector_load %arg12[%get3A_232, %get3A_233] {strides = array<i32>} : memref<16x1024xf32, #tpu.memory_space<vmem>>, vector<1x16xf32>,
        %get3A_235 = vector.shape_cast %get3A_234 : vector<1x16xf32> to vector<16xf32>
        %mul3A_236 = arith.mulf %get3A_231, %get3A_235 : vector<16xf32>
        %add3A_237 = arith.addf %mul3A_227, %mul3A_236 : vector<16xf32>
        %get3A_238 = arith.index_cast %scan3A_217 : i32 to index
        %get3A_239 = arith.constant 32 : index
        %get3A_240 = tpu.vector_load %arg11[%get3A_238, %get3A_239] {strides = array<i32>} : memref<16x1024xf32, #tpu.memory_space<vmem>>, vector<1x16xf32>,
        %get3A_241 = vector.shape_cast %get3A_240 : vector<1x16xf32> to vector<16xf32>
        %get3A_242 = arith.index_cast %scan3A_217 : i32 to index
        %get3A_243 = arith.constant 32 : index
        %get3A_244 = tpu.vector_load %arg12[%get3A_242, %get3A_243] {strides = array<i32>} : memref<16x1024xf32, #tpu.memory_space<vmem>>, vector<1x16xf32>,
        %get3A_245 = vector.shape_cast %get3A_244 : vector<1x16xf32> to vector<16xf32>
        %mul3A_246 = arith.mulf %get3A_241, %get3A_245 : vector<16xf32>
        %add3A_247 = arith.addf %add3A_237, %mul3A_246 : vector<16xf32>
        %get3A_248 = arith.index_cast %scan3A_217 : i32 to index
        %get3A_249 = arith.constant 48 : index
        %get3A_250 = tpu.vector_load %arg11[%get3A_248, %get3A_249] {strides = array<i32>} : memref<16x1024xf32, #tpu.memory_space<vmem>>, vector<1x16xf32>,
        %get3A_251 = vector.shape_cast %get3A_250 : vector<1x16xf32> to vector<16xf32>
        %get3A_252 = arith.index_cast %scan3A_217 : i32 to index
        %get3A_253 = arith.constant 48 : index
        %get3A_254 = tpu.vector_load %arg12[%get3A_252, %get3A_253] {strides = array<i32>} : memref<16x1024xf32, #tpu.memory_space<vmem>>, vector<1x16xf32>,
        %get3A_255 = vector.shape_cast %get3A_254 : vector<1x16xf32> to vector<16xf32>
        %mul3A_256 = arith.mulf %get3A_251, %get3A_255 : vector<16xf32>
        %add3A_257 = arith.addf %add3A_247, %mul3A_256 : vector<16xf32>
        %get3A_258 = arith.index_cast %scan3A_217 : i32 to index
        %get3A_259 = arith.constant 64 : index
        %get3A_260 = tpu.vector_load %arg11[%get3A_258, %get3A_259] {strides = array<i32>} : memref<16x1024xf32, #tpu.memory_space<vmem>>, vector<1x16xf32>,
        %get3A_261 = vector.shape_cast %get3A_260 : vector<1x16xf32> to vector<16xf32>
        %get3A_262 = arith.index_cast %scan3A_217 : i32 to index
        %get3A_263 = arith.constant 64 : index
        %get3A_264 = tpu.vector_load %arg12[%get3A_262, %get3A_263] {strides = array<i32>} : memref<16x1024xf32, #tpu.memory_space<vmem>>, vector<1x16xf32>,
        %get3A_265 = vector.shape_cast %get3A_264 : vector<1x16xf32> to vector<16xf32>
        %mul3A_266 = arith.mulf %get3A_261, %get3A_265 : vector<16xf32>
        %add3A_267 = arith.addf %add3A_257, %mul3A_266 : vector<16xf32>
        %get3A_268 = arith.index_cast %scan3A_217 : i32 to index
        %get3A_269 = arith.constant 80 : index
        %get3A_270 = tpu.vector_load %arg11[%get3A_268, %get3A_269] {strides = array<i32>} : memref<16x1024xf32, #tpu.memory_space<vmem>>, vector<1x16xf32>,
        %get3A_271 = vector.shape_cast %get3A_270 : vector<1x16xf32> to vector<16xf32>
        %get3A_272 = arith.index_cast %scan3A_217 : i32 to index
        %get3A_273 = arith.constant 80 : index
        %get3A_274 = tpu.vector_load %arg12[%get3A_272, %get3A_273] {strides = array<i32>} : memref<16x1024xf32, #tpu.memory_space<vmem>>, vector<1x16xf32>,
        %get3A_275 = vector.shape_cast %get3A_274 : vector<1x16xf32> to vector<16xf32>
        %mul3A_276 = arith.mulf %get3A_271, %get3A_275 : vector<16xf32>
        %add3A_277 = arith.addf %add3A_267, %mul3A_276 : vector<16xf32>
        %get3A_278 = arith.index_cast %scan3A_217 : i32 to index
        %get3A_279 = arith.constant 96 : index
        %get3A_280 = tpu.vector_load %arg11[%get3A_278, %get3A_279] {strides = array<i32>} : memref<16x1024xf32, #tpu.memory_space<vmem>>, vector<1x16xf32>,
        %get3A_281 = vector.shape_cast %get3A_280 : vector<1x16xf32> to vector<16xf32>
        %get3A_282 = arith.index_cast %scan3A_217 : i32 to index
        %get3A_283 = arith.constant 96 : index
        %get3A_284 = tpu.vector_load %arg12[%get3A_282, %get3A_283] {strides = array<i32>} : memref<16x1024xf32, #tpu.memory_space<vmem>>, vector<1x16xf32>,
        %get3A_285 = vector.shape_cast %get3A_284 : vector<1x16xf32> to vector<16xf32>
        %mul3A_286 = arith.mulf %get3A_281, %get3A_285 : vector<16xf32>
        %add3A_287 = arith.addf %add3A_277, %mul3A_286 : vector<16xf32>
        %get3A_288 = arith.index_cast %scan3A_217 : i32 to index
        %get3A_289 = arith.constant 112 : index
        %get3A_290 = tpu.vector_load %arg11[%get3A_288, %get3A_289] {strides = array<i32>} : memref<16x1024xf32, #tpu.memory_space<vmem>>, vector<1x16xf32>,
        %get3A_291 = vector.shape_cast %get3A_290 : vector<1x16xf32> to vector<16xf32>
        %get3A_292 = arith.index_cast %scan3A_217 : i32 to index
        %get3A_293 = arith.constant 112 : index
        %get3A_294 = tpu.vector_load %arg12[%get3A_292, %get3A_293] {strides = array<i32>} : memref<16x1024xf32, #tpu.memory_space<vmem>>, vector<1x16xf32>,
        %get3A_295 = vector.shape_cast %get3A_294 : vector<1x16xf32> to vector<16xf32>
        %mul3A_296 = arith.mulf %get3A_291, %get3A_295 : vector<16xf32>
        %add3A_297 = arith.addf %add3A_287, %mul3A_296 : vector<16xf32>
        %get3A_298 = arith.index_cast %scan3A_217 : i32 to index
        %get3A_299 = arith.constant 128 : index
        %get3A_300 = tpu.vector_load %arg11[%get3A_298, %get3A_299] {strides = array<i32>} : memref<16x1024xf32, #tpu.memory_space<vmem>>, vector<1x16xf32>,
        %get3A_301 = vector.shape_cast %get3A_300 : vector<1x16xf32> to vector<16xf32>
        %get3A_302 = arith.index_cast %scan3A_217 : i32 to index
        %get3A_303 = arith.constant 128 : index
        %get3A_304 = tpu.vector_load %arg12[%get3A_302, %get3A_303] {strides = array<i32>} : memref<16x1024xf32, #tpu.memory_space<vmem>>, vector<1x16xf32>,
        %get3A_305 = vector.shape_cast %get3A_304 : vector<1x16xf32> to vector<16xf32>
        %mul3A_306 = arith.mulf %get3A_301, %get3A_305 : vector<16xf32>
        %add3A_307 = arith.addf %add3A_297, %mul3A_306 : vector<16xf32>
        %get3A_308 = arith.index_cast %scan3A_217 : i32 to index
        %get3A_309 = arith.constant 144 : index
        %get3A_310 = tpu.vector_load %arg11[%get3A_308, %get3A_309] {strides = array<i32>} : memref<16x1024xf32, #tpu.memory_space<vmem>>, vector<1x16xf32>,
        %get3A_311 = vector.shape_cast %get3A_310 : vector<1x16xf32> to vector<16xf32>
        %get3A_312 = arith.index_cast %scan3A_217 : i32 to index
        %get3A_313 = arith.constant 144 : index
        %get3A_314 = tpu.vector_load %arg12[%get3A_312, %get3A_313] {strides = array<i32>} : memref<16x1024xf32, #tpu.memory_space<vmem>>, vector<1x16xf32>,
        %get3A_315 = vector.shape_cast %get3A_314 : vector<1x16xf32> to vector<16xf32>
        %mul3A_316 = arith.mulf %get3A_311, %get3A_315 : vector<16xf32>
        %add3A_317 = arith.addf %add3A_307, %mul3A_316 : vector<16xf32>
        %get3A_318 = arith.index_cast %scan3A_217 : i32 to index
        %get3A_319 = arith.constant 160 : index
        %get3A_320 = tpu.vector_load %arg11[%get3A_318, %get3A_319] {strides = array<i32>} : memref<16x1024xf32, #tpu.memory_space<vmem>>, vector<1x16xf32>,
        %get3A_321 = vector.shape_cast %get3A_320 : vector<1x16xf32> to vector<16xf32>
        %get3A_322 = arith.index_cast %scan3A_217 : i32 to index
        %get3A_323 = arith.constant 160 : index
        %get3A_324 = tpu.vector_load %arg12[%get3A_322, %get3A_323] {strides = array<i32>} : memref<16x1024xf32, #tpu.memory_space<vmem>>, vector<1x16xf32>,
        %get3A_325 = vector.shape_cast %get3A_324 : vector<1x16xf32> to vector<16xf32>
        %mul3A_326 = arith.mulf %get3A_321, %get3A_325 : vector<16xf32>
        %add3A_327 = arith.addf %add3A_317, %mul3A_326 : vector<16xf32>
        %get3A_328 = arith.index_cast %scan3A_217 : i32 to index
        %get3A_329 = arith.constant 176 : index
        %get3A_330 = tpu.vector_load %arg11[%get3A_328, %get3A_329] {strides = array<i32>} : memref<16x1024xf32, #tpu.memory_space<vmem>>, vector<1x16xf32>,
        %get3A_331 = vector.shape_cast %get3A_330 : vector<1x16xf32> to vector<16xf32>
        %get3A_332 = arith.index_cast %scan3A_217 : i32 to index
        %get3A_333 = arith.constant 176 : index
        %get3A_334 = tpu.vector_load %arg12[%get3A_332, %get3A_333] {strides = array<i32>} : memref<16x1024xf32, #tpu.memory_space<vmem>>, vector<1x16xf32>,
        %get3A_335 = vector.shape_cast %get3A_334 : vector<1x16xf32> to vector<16xf32>
        %mul3A_336 = arith.mulf %get3A_331, %get3A_335 : vector<16xf32>
        %add3A_337 = arith.addf %add3A_327, %mul3A_336 : vector<16xf32>
        %get3A_338 = arith.index_cast %scan3A_217 : i32 to index
        %get3A_339 = arith.constant 192 : index
        %get3A_340 = tpu.vector_load %arg11[%get3A_338, %get3A_339] {strides = array<i32>} : memref<16x1024xf32, #tpu.memory_space<vmem>>, vector<1x16xf32>,
        %get3A_341 = vector.shape_cast %get3A_340 : vector<1x16xf32> to vector<16xf32>
        %get3A_342 = arith.index_cast %scan3A_217 : i32 to index
        %get3A_343 = arith.constant 192 : index
        %get3A_344 = tpu.vector_load %arg12[%get3A_342, %get3A_343] {strides = array<i32>} : memref<16x1024xf32, #tpu.memory_space<vmem>>, vector<1x16xf32>,
        %get3A_345 = vector.shape_cast %get3A_344 : vector<1x16xf32> to vector<16xf32>
        %mul3A_346 = arith.mulf %get3A_341, %get3A_345 : vector<16xf32>
        %add3A_347 = arith.addf %add3A_337, %mul3A_346 : vector<16xf32>
        %get3A_348 = arith.index_cast %scan3A_217 : i32 to index
        %get3A_349 = arith.constant 208 : index
        %get3A_350 = tpu.vector_load %arg11[%get3A_348, %get3A_349] {strides = array<i32>} : memref<16x1024xf32, #tpu.memory_space<vmem>>, vector<1x16xf32>,
        %get3A_351 = vector.shape_cast %get3A_350 : vector<1x16xf32> to vector<16xf32>
        %get3A_352 = arith.index_cast %scan3A_217 : i32 to index
        %get3A_353 = arith.constant 208 : index
        %get3A_354 = tpu.vector_load %arg12[%get3A_352, %get3A_353] {strides = array<i32>} : memref<16x1024xf32, #tpu.memory_space<vmem>>, vector<1x16xf32>,
        %get3A_355 = vector.shape_cast %get3A_354 : vector<1x16xf32> to vector<16xf32>
        %mul3A_356 = arith.mulf %get3A_351, %get3A_355 : vector<16xf32>
        %add3A_357 = arith.addf %add3A_347, %mul3A_356 : vector<16xf32>
        %get3A_358 = arith.index_cast %scan3A_217 : i32 to index
        %get3A_359 = arith.constant 224 : index
        %get3A_360 = tpu.vector_load %arg11[%get3A_358, %get3A_359] {strides = array<i32>} : memref<16x1024xf32, #tpu.memory_space<vmem>>, vector<1x16xf32>,
        %get3A_361 = vector.shape_cast %get3A_360 : vector<1x16xf32> to vector<16xf32>
        %get3A_362 = arith.index_cast %scan3A_217 : i32 to index
        %get3A_363 = arith.constant 224 : index
        %get3A_364 = tpu.vector_load %arg12[%get3A_362, %get3A_363] {strides = array<i32>} : memref<16x1024xf32, #tpu.memory_space<vmem>>, vector<1x16xf32>,
        %get3A_365 = vector.shape_cast %get3A_364 : vector<1x16xf32> to vector<16xf32>
        %mul3A_366 = arith.mulf %get3A_361, %get3A_365 : vector<16xf32>
        %add3A_367 = arith.addf %add3A_357, %mul3A_366 : vector<16xf32>
        %get3A_368 = arith.index_cast %scan3A_217 : i32 to index
        %get3A_369 = arith.constant 240 : index
        %get3A_370 = tpu.vector_load %arg11[%get3A_368, %get3A_369] {strides = array<i32>} : memref<16x1024xf32, #tpu.memory_space<vmem>>, vector<1x16xf32>,
        %get3A_371 = vector.shape_cast %get3A_370 : vector<1x16xf32> to vector<16xf32>
        %get3A_372 = arith.index_cast %scan3A_217 : i32 to index
        %get3A_373 = arith.constant 240 : index
        %get3A_374 = tpu.vector_load %arg12[%get3A_372, %get3A_373] {strides = array<i32>} : memref<16x1024xf32, #tpu.memory_space<vmem>>, vector<1x16xf32>,
        %get3A_375 = vector.shape_cast %get3A_374 : vector<1x16xf32> to vector<16xf32>
        %mul3A_376 = arith.mulf %get3A_371, %get3A_375 : vector<16xf32>
        %add3A_377 = arith.addf %add3A_367, %mul3A_376 : vector<16xf32>
        %get3A_378 = arith.index_cast %scan3A_217 : i32 to index
        %get3A_379 = arith.constant 256 : index
        %get3A_380 = tpu.vector_load %arg11[%get3A_378, %get3A_379] {strides = array<i32>} : memref<16x1024xf32, #tpu.memory_space<vmem>>, vector<1x16xf32>,
        %get3A_381 = vector.shape_cast %get3A_380 : vector<1x16xf32> to vector<16xf32>
        %get3A_382 = arith.index_cast %scan3A_217 : i32 to index
        %get3A_383 = arith.constant 256 : index
        %get3A_384 = tpu.vector_load %arg12[%get3A_382, %get3A_383] {strides = array<i32>} : memref<16x1024xf32, #tpu.memory_space<vmem>>, vector<1x16xf32>,
        %get3A_385 = vector.shape_cast %get3A_384 : vector<1x16xf32> to vector<16xf32>
        %mul3A_386 = arith.mulf %get3A_381, %get3A_385 : vector<16xf32>
        %add3A_387 = arith.addf %add3A_377, %mul3A_386 : vector<16xf32>
        %get3A_388 = arith.index_cast %scan3A_217 : i32 to index
        %get3A_389 = arith.constant 272 : index
        %get3A_390 = tpu.vector_load %arg11[%get3A_388, %get3A_389] {strides = array<i32>} : memref<16x1024xf32, #tpu.memory_space<vmem>>, vector<1x16xf32>,
        %get3A_391 = vector.shape_cast %get3A_390 : vector<1x16xf32> to vector<16xf32>
        %get3A_392 = arith.index_cast %scan3A_217 : i32 to index
        %get3A_393 = arith.constant 272 : index
        %get3A_394 = tpu.vector_load %arg12[%get3A_392, %get3A_393] {strides = array<i32>} : memref<16x1024xf32, #tpu.memory_space<vmem>>, vector<1x16xf32>,
        %get3A_395 = vector.shape_cast %get3A_394 : vector<1x16xf32> to vector<16xf32>
        %mul3A_396 = arith.mulf %get3A_391, %get3A_395 : vector<16xf32>
        %add3A_397 = arith.addf %add3A_387, %mul3A_396 : vector<16xf32>
        %get3A_398 = arith.index_cast %scan3A_217 : i32 to index
        %get3A_399 = arith.constant 288 : index
        %get3A_400 = tpu.vector_load %arg11[%get3A_398, %get3A_399] {strides = array<i32>} : memref<16x1024xf32, #tpu.memory_space<vmem>>, vector<1x16xf32>,
        %get3A_401 = vector.shape_cast %get3A_400 : vector<1x16xf32> to vector<16xf32>
        %get3A_402 = arith.index_cast %scan3A_217 : i32 to index
        %get3A_403 = arith.constant 288 : index
        %get3A_404 = tpu.vector_load %arg12[%get3A_402, %get3A_403] {strides = array<i32>} : memref<16x1024xf32, #tpu.memory_space<vmem>>, vector<1x16xf32>,
        %get3A_405 = vector.shape_cast %get3A_404 : vector<1x16xf32> to vector<16xf32>
        %mul3A_406 = arith.mulf %get3A_401, %get3A_405 : vector<16xf32>
        %add3A_407 = arith.addf %add3A_397, %mul3A_406 : vector<16xf32>
        %get3A_408 = arith.index_cast %scan3A_217 : i32 to index
        %get3A_409 = arith.constant 304 : index
        %get3A_410 = tpu.vector_load %arg11[%get3A_408, %get3A_409] {strides = array<i32>} : memref<16x1024xf32, #tpu.memory_space<vmem>>, vector<1x16xf32>,
        %get3A_411 = vector.shape_cast %get3A_410 : vector<1x16xf32> to vector<16xf32>
        %get3A_412 = arith.index_cast %scan3A_217 : i32 to index
        %get3A_413 = arith.constant 304 : index
        %get3A_414 = tpu.vector_load %arg12[%get3A_412, %get3A_413] {strides = array<i32>} : memref<16x1024xf32, #tpu.memory_space<vmem>>, vector<1x16xf32>,
        %get3A_415 = vector.shape_cast %get3A_414 : vector<1x16xf32> to vector<16xf32>
        %mul3A_416 = arith.mulf %get3A_411, %get3A_415 : vector<16xf32>
        %add3A_417 = arith.addf %add3A_407, %mul3A_416 : vector<16xf32>
        %get3A_418 = arith.index_cast %scan3A_217 : i32 to index
        %get3A_419 = arith.constant 320 : index
        %get3A_420 = tpu.vector_load %arg11[%get3A_418, %get3A_419] {strides = array<i32>} : memref<16x1024xf32, #tpu.memory_space<vmem>>, vector<1x16xf32>,
        %get3A_421 = vector.shape_cast %get3A_420 : vector<1x16xf32> to vector<16xf32>
        %get3A_422 = arith.index_cast %scan3A_217 : i32 to index
        %get3A_423 = arith.constant 320 : index
        %get3A_424 = tpu.vector_load %arg12[%get3A_422, %get3A_423] {strides = array<i32>} : memref<16x1024xf32, #tpu.memory_space<vmem>>, vector<1x16xf32>,
        %get3A_425 = vector.shape_cast %get3A_424 : vector<1x16xf32> to vector<16xf32>
        %mul3A_426 = arith.mulf %get3A_421, %get3A_425 : vector<16xf32>
        %add3A_427 = arith.addf %add3A_417, %mul3A_426 : vector<16xf32>
        %get3A_428 = arith.index_cast %scan3A_217 : i32 to index
        %get3A_429 = arith.constant 336 : index
        %get3A_430 = tpu.vector_load %arg11[%get3A_428, %get3A_429] {strides = array<i32>} : memref<16x1024xf32, #tpu.memory_space<vmem>>, vector<1x16xf32>,
        %get3A_431 = vector.shape_cast %get3A_430 : vector<1x16xf32> to vector<16xf32>
        %get3A_432 = arith.index_cast %scan3A_217 : i32 to index
        %get3A_433 = arith.constant 336 : index
        %get3A_434 = tpu.vector_load %arg12[%get3A_432, %get3A_433] {strides = array<i32>} : memref<16x1024xf32, #tpu.memory_space<vmem>>, vector<1x16xf32>,
        %get3A_435 = vector.shape_cast %get3A_434 : vector<1x16xf32> to vector<16xf32>
        %mul3A_436 = arith.mulf %get3A_431, %get3A_435 : vector<16xf32>
        %add3A_437 = arith.addf %add3A_427, %mul3A_436 : vector<16xf32>
        %get3A_438 = arith.index_cast %scan3A_217 : i32 to index
        %get3A_439 = arith.constant 352 : index
        %get3A_440 = tpu.vector_load %arg11[%get3A_438, %get3A_439] {strides = array<i32>} : memref<16x1024xf32, #tpu.memory_space<vmem>>, vector<1x16xf32>,
        %get3A_441 = vector.shape_cast %get3A_440 : vector<1x16xf32> to vector<16xf32>
        %get3A_442 = arith.index_cast %scan3A_217 : i32 to index
        %get3A_443 = arith.constant 352 : index
        %get3A_444 = tpu.vector_load %arg12[%get3A_442, %get3A_443] {strides = array<i32>} : memref<16x1024xf32, #tpu.memory_space<vmem>>, vector<1x16xf32>,
        %get3A_445 = vector.shape_cast %get3A_444 : vector<1x16xf32> to vector<16xf32>
        %mul3A_446 = arith.mulf %get3A_441, %get3A_445 : vector<16xf32>
        %add3A_447 = arith.addf %add3A_437, %mul3A_446 : vector<16xf32>
        %get3A_448 = arith.index_cast %scan3A_217 : i32 to index
        %get3A_449 = arith.constant 368 : index
        %get3A_450 = tpu.vector_load %arg11[%get3A_448, %get3A_449] {strides = array<i32>} : memref<16x1024xf32, #tpu.memory_space<vmem>>, vector<1x16xf32>,
        %get3A_451 = vector.shape_cast %get3A_450 : vector<1x16xf32> to vector<16xf32>
        %get3A_452 = arith.index_cast %scan3A_217 : i32 to index
        %get3A_453 = arith.constant 368 : index
        %get3A_454 = tpu.vector_load %arg12[%get3A_452, %get3A_453] {strides = array<i32>} : memref<16x1024xf32, #tpu.memory_space<vmem>>, vector<1x16xf32>,
        %get3A_455 = vector.shape_cast %get3A_454 : vector<1x16xf32> to vector<16xf32>
        %mul3A_456 = arith.mulf %get3A_451, %get3A_455 : vector<16xf32>
        %add3A_457 = arith.addf %add3A_447, %mul3A_456 : vector<16xf32>
        %get3A_458 = arith.index_cast %scan3A_217 : i32 to index
        %get3A_459 = arith.constant 384 : index
        %get3A_460 = tpu.vector_load %arg11[%get3A_458, %get3A_459] {strides = array<i32>} : memref<16x1024xf32, #tpu.memory_space<vmem>>, vector<1x16xf32>,
        %get3A_461 = vector.shape_cast %get3A_460 : vector<1x16xf32> to vector<16xf32>
        %get3A_462 = arith.index_cast %scan3A_217 : i32 to index
        %get3A_463 = arith.constant 384 : index
        %get3A_464 = tpu.vector_load %arg12[%get3A_462, %get3A_463] {strides = array<i32>} : memref<16x1024xf32, #tpu.memory_space<vmem>>, vector<1x16xf32>,
        %get3A_465 = vector.shape_cast %get3A_464 : vector<1x16xf32> to vector<16xf32>
        %mul3A_466 = arith.mulf %get3A_461, %get3A_465 : vector<16xf32>
        %add3A_467 = arith.addf %add3A_457, %mul3A_466 : vector<16xf32>
        %get3A_468 = arith.index_cast %scan3A_217 : i32 to index
        %get3A_469 = arith.constant 400 : index
        %get3A_470 = tpu.vector_load %arg11[%get3A_468, %get3A_469] {strides = array<i32>} : memref<16x1024xf32, #tpu.memory_space<vmem>>, vector<1x16xf32>,
        %get3A_471 = vector.shape_cast %get3A_470 : vector<1x16xf32> to vector<16xf32>
        %get3A_472 = arith.index_cast %scan3A_217 : i32 to index
        %get3A_473 = arith.constant 400 : index
        %get3A_474 = tpu.vector_load %arg12[%get3A_472, %get3A_473] {strides = array<i32>} : memref<16x1024xf32, #tpu.memory_space<vmem>>, vector<1x16xf32>,
        %get3A_475 = vector.shape_cast %get3A_474 : vector<1x16xf32> to vector<16xf32>
        %mul3A_476 = arith.mulf %get3A_471, %get3A_475 : vector<16xf32>
        %add3A_477 = arith.addf %add3A_467, %mul3A_476 : vector<16xf32>
        %get3A_478 = arith.index_cast %scan3A_217 : i32 to index
        %get3A_479 = arith.constant 416 : index
        %get3A_480 = tpu.vector_load %arg11[%get3A_478, %get3A_479] {strides = array<i32>} : memref<16x1024xf32, #tpu.memory_space<vmem>>, vector<1x16xf32>,
        %get3A_481 = vector.shape_cast %get3A_480 : vector<1x16xf32> to vector<16xf32>
        %get3A_482 = arith.index_cast %scan3A_217 : i32 to index
        %get3A_483 = arith.constant 416 : index
        %get3A_484 = tpu.vector_load %arg12[%get3A_482, %get3A_483] {strides = array<i32>} : memref<16x1024xf32, #tpu.memory_space<vmem>>, vector<1x16xf32>,
        %get3A_485 = vector.shape_cast %get3A_484 : vector<1x16xf32> to vector<16xf32>
        %mul3A_486 = arith.mulf %get3A_481, %get3A_485 : vector<16xf32>
        %add3A_487 = arith.addf %add3A_477, %mul3A_486 : vector<16xf32>
        %get3A_488 = arith.index_cast %scan3A_217 : i32 to index
        %get3A_489 = arith.constant 432 : index
        %get3A_490 = tpu.vector_load %arg11[%get3A_488, %get3A_489] {strides = array<i32>} : memref<16x1024xf32, #tpu.memory_space<vmem>>, vector<1x16xf32>,
        %get3A_491 = vector.shape_cast %get3A_490 : vector<1x16xf32> to vector<16xf32>
        %get3A_492 = arith.index_cast %scan3A_217 : i32 to index
        %get3A_493 = arith.constant 432 : index
        %get3A_494 = tpu.vector_load %arg12[%get3A_492, %get3A_493] {strides = array<i32>} : memref<16x1024xf32, #tpu.memory_space<vmem>>, vector<1x16xf32>,
        %get3A_495 = vector.shape_cast %get3A_494 : vector<1x16xf32> to vector<16xf32>
        %mul3A_496 = arith.mulf %get3A_491, %get3A_495 : vector<16xf32>
        %add3A_497 = arith.addf %add3A_487, %mul3A_496 : vector<16xf32>
        %get3A_498 = arith.index_cast %scan3A_217 : i32 to index
        %get3A_499 = arith.constant 448 : index
        %get3A_500 = tpu.vector_load %arg11[%get3A_498, %get3A_499] {strides = array<i32>} : memref<16x1024xf32, #tpu.memory_space<vmem>>, vector<1x16xf32>,
        %get3A_501 = vector.shape_cast %get3A_500 : vector<1x16xf32> to vector<16xf32>
        %get3A_502 = arith.index_cast %scan3A_217 : i32 to index
        %get3A_503 = arith.constant 448 : index
        %get3A_504 = tpu.vector_load %arg12[%get3A_502, %get3A_503] {strides = array<i32>} : memref<16x1024xf32, #tpu.memory_space<vmem>>, vector<1x16xf32>,
        %get3A_505 = vector.shape_cast %get3A_504 : vector<1x16xf32> to vector<16xf32>
        %mul3A_506 = arith.mulf %get3A_501, %get3A_505 : vector<16xf32>
        %add3A_507 = arith.addf %add3A_497, %mul3A_506 : vector<16xf32>
        %get3A_508 = arith.index_cast %scan3A_217 : i32 to index
        %get3A_509 = arith.constant 464 : index
        %get3A_510 = tpu.vector_load %arg11[%get3A_508, %get3A_509] {strides = array<i32>} : memref<16x1024xf32, #tpu.memory_space<vmem>>, vector<1x16xf32>,
        %get3A_511 = vector.shape_cast %get3A_510 : vector<1x16xf32> to vector<16xf32>
        %get3A_512 = arith.index_cast %scan3A_217 : i32 to index
        %get3A_513 = arith.constant 464 : index
        %get3A_514 = tpu.vector_load %arg12[%get3A_512, %get3A_513] {strides = array<i32>} : memref<16x1024xf32, #tpu.memory_space<vmem>>, vector<1x16xf32>,
        %get3A_515 = vector.shape_cast %get3A_514 : vector<1x16xf32> to vector<16xf32>
        %mul3A_516 = arith.mulf %get3A_511, %get3A_515 : vector<16xf32>
        %add3A_517 = arith.addf %add3A_507, %mul3A_516 : vector<16xf32>
        %get3A_518 = arith.index_cast %scan3A_217 : i32 to index
        %get3A_519 = arith.constant 480 : index
        %get3A_520 = tpu.vector_load %arg11[%get3A_518, %get3A_519] {strides = array<i32>} : memref<16x1024xf32, #tpu.memory_space<vmem>>, vector<1x16xf32>,
        %get3A_521 = vector.shape_cast %get3A_520 : vector<1x16xf32> to vector<16xf32>
        %get3A_522 = arith.index_cast %scan3A_217 : i32 to index
        %get3A_523 = arith.constant 480 : index
        %get3A_524 = tpu.vector_load %arg12[%get3A_522, %get3A_523] {strides = array<i32>} : memref<16x1024xf32, #tpu.memory_space<vmem>>, vector<1x16xf32>,
        %get3A_525 = vector.shape_cast %get3A_524 : vector<1x16xf32> to vector<16xf32>
        %mul3A_526 = arith.mulf %get3A_521, %get3A_525 : vector<16xf32>
        %add3A_527 = arith.addf %add3A_517, %mul3A_526 : vector<16xf32>
        %get3A_528 = arith.index_cast %scan3A_217 : i32 to index
        %get3A_529 = arith.constant 496 : index
        %get3A_530 = tpu.vector_load %arg11[%get3A_528, %get3A_529] {strides = array<i32>} : memref<16x1024xf32, #tpu.memory_space<vmem>>, vector<1x16xf32>,
        %get3A_531 = vector.shape_cast %get3A_530 : vector<1x16xf32> to vector<16xf32>
        %get3A_532 = arith.index_cast %scan3A_217 : i32 to index
        %get3A_533 = arith.constant 496 : index
        %get3A_534 = tpu.vector_load %arg12[%get3A_532, %get3A_533] {strides = array<i32>} : memref<16x1024xf32, #tpu.memory_space<vmem>>, vector<1x16xf32>,
        %get3A_535 = vector.shape_cast %get3A_534 : vector<1x16xf32> to vector<16xf32>
        %mul3A_536 = arith.mulf %get3A_531, %get3A_535 : vector<16xf32>
        %add3A_537 = arith.addf %add3A_527, %mul3A_536 : vector<16xf32>
        %get3A_538 = arith.index_cast %scan3A_217 : i32 to index
        %get3A_539 = arith.constant 512 : index
        %get3A_540 = tpu.vector_load %arg11[%get3A_538, %get3A_539] {strides = array<i32>} : memref<16x1024xf32, #tpu.memory_space<vmem>>, vector<1x16xf32>,
        %get3A_541 = vector.shape_cast %get3A_540 : vector<1x16xf32> to vector<16xf32>
        %get3A_542 = arith.index_cast %scan3A_217 : i32 to index
        %get3A_543 = arith.constant 512 : index
        %get3A_544 = tpu.vector_load %arg12[%get3A_542, %get3A_543] {strides = array<i32>} : memref<16x1024xf32, #tpu.memory_space<vmem>>, vector<1x16xf32>,
        %get3A_545 = vector.shape_cast %get3A_544 : vector<1x16xf32> to vector<16xf32>
        %mul3A_546 = arith.mulf %get3A_541, %get3A_545 : vector<16xf32>
        %add3A_547 = arith.addf %add3A_537, %mul3A_546 : vector<16xf32>
        %get3A_548 = arith.index_cast %scan3A_217 : i32 to index
        %get3A_549 = arith.constant 528 : index
        %get3A_550 = tpu.vector_load %arg11[%get3A_548, %get3A_549] {strides = array<i32>} : memref<16x1024xf32, #tpu.memory_space<vmem>>, vector<1x16xf32>,
        %get3A_551 = vector.shape_cast %get3A_550 : vector<1x16xf32> to vector<16xf32>
        %get3A_552 = arith.index_cast %scan3A_217 : i32 to index
        %get3A_553 = arith.constant 528 : index
        %get3A_554 = tpu.vector_load %arg12[%get3A_552, %get3A_553] {strides = array<i32>} : memref<16x1024xf32, #tpu.memory_space<vmem>>, vector<1x16xf32>,
        %get3A_555 = vector.shape_cast %get3A_554 : vector<1x16xf32> to vector<16xf32>
        %mul3A_556 = arith.mulf %get3A_551, %get3A_555 : vector<16xf32>
        %add3A_557 = arith.addf %add3A_547, %mul3A_556 : vector<16xf32>
        %get3A_558 = arith.index_cast %scan3A_217 : i32 to index
        %get3A_559 = arith.constant 544 : index
        %get3A_560 = tpu.vector_load %arg11[%get3A_558, %get3A_559] {strides = array<i32>} : memref<16x1024xf32, #tpu.memory_space<vmem>>, vector<1x16xf32>,
        %get3A_561 = vector.shape_cast %get3A_560 : vector<1x16xf32> to vector<16xf32>
        %get3A_562 = arith.index_cast %scan3A_217 : i32 to index
        %get3A_563 = arith.constant 544 : index
        %get3A_564 = tpu.vector_load %arg12[%get3A_562, %get3A_563] {strides = array<i32>} : memref<16x1024xf32, #tpu.memory_space<vmem>>, vector<1x16xf32>,
        %get3A_565 = vector.shape_cast %get3A_564 : vector<1x16xf32> to vector<16xf32>
        %mul3A_566 = arith.mulf %get3A_561, %get3A_565 : vector<16xf32>
        %add3A_567 = arith.addf %add3A_557, %mul3A_566 : vector<16xf32>
        %get3A_568 = arith.index_cast %scan3A_217 : i32 to index
        %get3A_569 = arith.constant 560 : index
        %get3A_570 = tpu.vector_load %arg11[%get3A_568, %get3A_569] {strides = array<i32>} : memref<16x1024xf32, #tpu.memory_space<vmem>>, vector<1x16xf32>,
        %get3A_571 = vector.shape_cast %get3A_570 : vector<1x16xf32> to vector<16xf32>
        %get3A_572 = arith.index_cast %scan3A_217 : i32 to index
        %get3A_573 = arith.constant 560 : index
        %get3A_574 = tpu.vector_load %arg12[%get3A_572, %get3A_573] {strides = array<i32>} : memref<16x1024xf32, #tpu.memory_space<vmem>>, vector<1x16xf32>,
        %get3A_575 = vector.shape_cast %get3A_574 : vector<1x16xf32> to vector<16xf32>
        %mul3A_576 = arith.mulf %get3A_571, %get3A_575 : vector<16xf32>
        %add3A_577 = arith.addf %add3A_567, %mul3A_576 : vector<16xf32>
        %get3A_578 = arith.index_cast %scan3A_217 : i32 to index
        %get3A_579 = arith.constant 576 : index
        %get3A_580 = tpu.vector_load %arg11[%get3A_578, %get3A_579] {strides = array<i32>} : memref<16x1024xf32, #tpu.memory_space<vmem>>, vector<1x16xf32>,
        %get3A_581 = vector.shape_cast %get3A_580 : vector<1x16xf32> to vector<16xf32>
        %get3A_582 = arith.index_cast %scan3A_217 : i32 to index
        %get3A_583 = arith.constant 576 : index
        %get3A_584 = tpu.vector_load %arg12[%get3A_582, %get3A_583] {strides = array<i32>} : memref<16x1024xf32, #tpu.memory_space<vmem>>, vector<1x16xf32>,
        %get3A_585 = vector.shape_cast %get3A_584 : vector<1x16xf32> to vector<16xf32>
        %mul3A_586 = arith.mulf %get3A_581, %get3A_585 : vector<16xf32>
        %add3A_587 = arith.addf %add3A_577, %mul3A_586 : vector<16xf32>
        %get3A_588 = arith.index_cast %scan3A_217 : i32 to index
        %get3A_589 = arith.constant 592 : index
        %get3A_590 = tpu.vector_load %arg11[%get3A_588, %get3A_589] {strides = array<i32>} : memref<16x1024xf32, #tpu.memory_space<vmem>>, vector<1x16xf32>,
        %get3A_591 = vector.shape_cast %get3A_590 : vector<1x16xf32> to vector<16xf32>
        %get3A_592 = arith.index_cast %scan3A_217 : i32 to index
        %get3A_593 = arith.constant 592 : index
        %get3A_594 = tpu.vector_load %arg12[%get3A_592, %get3A_593] {strides = array<i32>} : memref<16x1024xf32, #tpu.memory_space<vmem>>, vector<1x16xf32>,
        %get3A_595 = vector.shape_cast %get3A_594 : vector<1x16xf32> to vector<16xf32>
        %mul3A_596 = arith.mulf %get3A_591, %get3A_595 : vector<16xf32>
        %add3A_597 = arith.addf %add3A_587, %mul3A_596 : vector<16xf32>
        %get3A_598 = arith.index_cast %scan3A_217 : i32 to index
        %get3A_599 = arith.constant 608 : index
        %get3A_600 = tpu.vector_load %arg11[%get3A_598, %get3A_599] {strides = array<i32>} : memref<16x1024xf32, #tpu.memory_space<vmem>>, vector<1x16xf32>,
        %get3A_601 = vector.shape_cast %get3A_600 : vector<1x16xf32> to vector<16xf32>
        %get3A_602 = arith.index_cast %scan3A_217 : i32 to index
        %get3A_603 = arith.constant 608 : index
        %get3A_604 = tpu.vector_load %arg12[%get3A_602, %get3A_603] {strides = array<i32>} : memref<16x1024xf32, #tpu.memory_space<vmem>>, vector<1x16xf32>,
        %get3A_605 = vector.shape_cast %get3A_604 : vector<1x16xf32> to vector<16xf32>
        %mul3A_606 = arith.mulf %get3A_601, %get3A_605 : vector<16xf32>
        %add3A_607 = arith.addf %add3A_597, %mul3A_606 : vector<16xf32>
        %get3A_608 = arith.index_cast %scan3A_217 : i32 to index
        %get3A_609 = arith.constant 624 : index
        %get3A_610 = tpu.vector_load %arg11[%get3A_608, %get3A_609] {strides = array<i32>} : memref<16x1024xf32, #tpu.memory_space<vmem>>, vector<1x16xf32>,
        %get3A_611 = vector.shape_cast %get3A_610 : vector<1x16xf32> to vector<16xf32>
        %get3A_612 = arith.index_cast %scan3A_217 : i32 to index
        %get3A_613 = arith.constant 624 : index
        %get3A_614 = tpu.vector_load %arg12[%get3A_612, %get3A_613] {strides = array<i32>} : memref<16x1024xf32, #tpu.memory_space<vmem>>, vector<1x16xf32>,
        %get3A_615 = vector.shape_cast %get3A_614 : vector<1x16xf32> to vector<16xf32>
        %mul3A_616 = arith.mulf %get3A_611, %get3A_615 : vector<16xf32>
        %add3A_617 = arith.addf %add3A_607, %mul3A_616 : vector<16xf32>
        %get3A_618 = arith.index_cast %scan3A_217 : i32 to index
        %get3A_619 = arith.constant 640 : index
        %get3A_620 = tpu.vector_load %arg11[%get3A_618, %get3A_619] {strides = array<i32>} : memref<16x1024xf32, #tpu.memory_space<vmem>>, vector<1x16xf32>,
        %get3A_621 = vector.shape_cast %get3A_620 : vector<1x16xf32> to vector<16xf32>
        %get3A_622 = arith.index_cast %scan3A_217 : i32 to index
        %get3A_623 = arith.constant 640 : index
        %get3A_624 = tpu.vector_load %arg12[%get3A_622, %get3A_623] {strides = array<i32>} : memref<16x1024xf32, #tpu.memory_space<vmem>>, vector<1x16xf32>,
        %get3A_625 = vector.shape_cast %get3A_624 : vector<1x16xf32> to vector<16xf32>
        %mul3A_626 = arith.mulf %get3A_621, %get3A_625 : vector<16xf32>
        %add3A_627 = arith.addf %add3A_617, %mul3A_626 : vector<16xf32>
        %get3A_628 = arith.index_cast %scan3A_217 : i32 to index
        %get3A_629 = arith.constant 656 : index
        %get3A_630 = tpu.vector_load %arg11[%get3A_628, %get3A_629] {strides = array<i32>} : memref<16x1024xf32, #tpu.memory_space<vmem>>, vector<1x16xf32>,
        %get3A_631 = vector.shape_cast %get3A_630 : vector<1x16xf32> to vector<16xf32>
        %get3A_632 = arith.index_cast %scan3A_217 : i32 to index
        %get3A_633 = arith.constant 656 : index
        %get3A_634 = tpu.vector_load %arg12[%get3A_632, %get3A_633] {strides = array<i32>} : memref<16x1024xf32, #tpu.memory_space<vmem>>, vector<1x16xf32>,
        %get3A_635 = vector.shape_cast %get3A_634 : vector<1x16xf32> to vector<16xf32>
        %mul3A_636 = arith.mulf %get3A_631, %get3A_635 : vector<16xf32>
        %add3A_637 = arith.addf %add3A_627, %mul3A_636 : vector<16xf32>
        %get3A_638 = arith.index_cast %scan3A_217 : i32 to index
        %get3A_639 = arith.constant 672 : index
        %get3A_640 = tpu.vector_load %arg11[%get3A_638, %get3A_639] {strides = array<i32>} : memref<16x1024xf32, #tpu.memory_space<vmem>>, vector<1x16xf32>,
        %get3A_641 = vector.shape_cast %get3A_640 : vector<1x16xf32> to vector<16xf32>
        %get3A_642 = arith.index_cast %scan3A_217 : i32 to index
        %get3A_643 = arith.constant 672 : index
        %get3A_644 = tpu.vector_load %arg12[%get3A_642, %get3A_643] {strides = array<i32>} : memref<16x1024xf32, #tpu.memory_space<vmem>>, vector<1x16xf32>,
        %get3A_645 = vector.shape_cast %get3A_644 : vector<1x16xf32> to vector<16xf32>
        %mul3A_646 = arith.mulf %get3A_641, %get3A_645 : vector<16xf32>
        %add3A_647 = arith.addf %add3A_637, %mul3A_646 : vector<16xf32>
        %get3A_648 = arith.index_cast %scan3A_217 : i32 to index
        %get3A_649 = arith.constant 688 : index
        %get3A_650 = tpu.vector_load %arg11[%get3A_648, %get3A_649] {strides = array<i32>} : memref<16x1024xf32, #tpu.memory_space<vmem>>, vector<1x16xf32>,
        %get3A_651 = vector.shape_cast %get3A_650 : vector<1x16xf32> to vector<16xf32>
        %get3A_652 = arith.index_cast %scan3A_217 : i32 to index
        %get3A_653 = arith.constant 688 : index
        %get3A_654 = tpu.vector_load %arg12[%get3A_652, %get3A_653] {strides = array<i32>} : memref<16x1024xf32, #tpu.memory_space<vmem>>, vector<1x16xf32>,
        %get3A_655 = vector.shape_cast %get3A_654 : vector<1x16xf32> to vector<16xf32>
        %mul3A_656 = arith.mulf %get3A_651, %get3A_655 : vector<16xf32>
        %add3A_657 = arith.addf %add3A_647, %mul3A_656 : vector<16xf32>
        %get3A_658 = arith.index_cast %scan3A_217 : i32 to index
        %get3A_659 = arith.constant 704 : index
        %get3A_660 = tpu.vector_load %arg11[%get3A_658, %get3A_659] {strides = array<i32>} : memref<16x1024xf32, #tpu.memory_space<vmem>>, vector<1x16xf32>,
        %get3A_661 = vector.shape_cast %get3A_660 : vector<1x16xf32> to vector<16xf32>
        %get3A_662 = arith.index_cast %scan3A_217 : i32 to index
        %get3A_663 = arith.constant 704 : index
        %get3A_664 = tpu.vector_load %arg12[%get3A_662, %get3A_663] {strides = array<i32>} : memref<16x1024xf32, #tpu.memory_space<vmem>>, vector<1x16xf32>,
        %get3A_665 = vector.shape_cast %get3A_664 : vector<1x16xf32> to vector<16xf32>
        %mul3A_666 = arith.mulf %get3A_661, %get3A_665 : vector<16xf32>
        %add3A_667 = arith.addf %add3A_657, %mul3A_666 : vector<16xf32>
        %get3A_668 = arith.index_cast %scan3A_217 : i32 to index
        %get3A_669 = arith.constant 720 : index
        %get3A_670 = tpu.vector_load %arg11[%get3A_668, %get3A_669] {strides = array<i32>} : memref<16x1024xf32, #tpu.memory_space<vmem>>, vector<1x16xf32>,
        %get3A_671 = vector.shape_cast %get3A_670 : vector<1x16xf32> to vector<16xf32>
        %get3A_672 = arith.index_cast %scan3A_217 : i32 to index
        %get3A_673 = arith.constant 720 : index
        %get3A_674 = tpu.vector_load %arg12[%get3A_672, %get3A_673] {strides = array<i32>} : memref<16x1024xf32, #tpu.memory_space<vmem>>, vector<1x16xf32>,
        %get3A_675 = vector.shape_cast %get3A_674 : vector<1x16xf32> to vector<16xf32>
        %mul3A_676 = arith.mulf %get3A_671, %get3A_675 : vector<16xf32>
        %add3A_677 = arith.addf %add3A_667, %mul3A_676 : vector<16xf32>
        %get3A_678 = arith.index_cast %scan3A_217 : i32 to index
        %get3A_679 = arith.constant 736 : index
        %get3A_680 = tpu.vector_load %arg11[%get3A_678, %get3A_679] {strides = array<i32>} : memref<16x1024xf32, #tpu.memory_space<vmem>>, vector<1x16xf32>,
        %get3A_681 = vector.shape_cast %get3A_680 : vector<1x16xf32> to vector<16xf32>
        %get3A_682 = arith.index_cast %scan3A_217 : i32 to index
        %get3A_683 = arith.constant 736 : index
        %get3A_684 = tpu.vector_load %arg12[%get3A_682, %get3A_683] {strides = array<i32>} : memref<16x1024xf32, #tpu.memory_space<vmem>>, vector<1x16xf32>,
        %get3A_685 = vector.shape_cast %get3A_684 : vector<1x16xf32> to vector<16xf32>
        %mul3A_686 = arith.mulf %get3A_681, %get3A_685 : vector<16xf32>
        %add3A_687 = arith.addf %add3A_677, %mul3A_686 : vector<16xf32>
        %get3A_688 = arith.index_cast %scan3A_217 : i32 to index
        %get3A_689 = arith.constant 752 : index
        %get3A_690 = tpu.vector_load %arg11[%get3A_688, %get3A_689] {strides = array<i32>} : memref<16x1024xf32, #tpu.memory_space<vmem>>, vector<1x16xf32>,
        %get3A_691 = vector.shape_cast %get3A_690 : vector<1x16xf32> to vector<16xf32>
        %get3A_692 = arith.index_cast %scan3A_217 : i32 to index
        %get3A_693 = arith.constant 752 : index
        %get3A_694 = tpu.vector_load %arg12[%get3A_692, %get3A_693] {strides = array<i32>} : memref<16x1024xf32, #tpu.memory_space<vmem>>, vector<1x16xf32>,
        %get3A_695 = vector.shape_cast %get3A_694 : vector<1x16xf32> to vector<16xf32>
        %mul3A_696 = arith.mulf %get3A_691, %get3A_695 : vector<16xf32>
        %add3A_697 = arith.addf %add3A_687, %mul3A_696 : vector<16xf32>
        %get3A_698 = arith.index_cast %scan3A_217 : i32 to index
        %get3A_699 = arith.constant 768 : index
        %get3A_700 = tpu.vector_load %arg11[%get3A_698, %get3A_699] {strides = array<i32>} : memref<16x1024xf32, #tpu.memory_space<vmem>>, vector<1x16xf32>,
        %get3A_701 = vector.shape_cast %get3A_700 : vector<1x16xf32> to vector<16xf32>
        %get3A_702 = arith.index_cast %scan3A_217 : i32 to index
        %get3A_703 = arith.constant 768 : index
        %get3A_704 = tpu.vector_load %arg12[%get3A_702, %get3A_703] {strides = array<i32>} : memref<16x1024xf32, #tpu.memory_space<vmem>>, vector<1x16xf32>,
        %get3A_705 = vector.shape_cast %get3A_704 : vector<1x16xf32> to vector<16xf32>
        %mul3A_706 = arith.mulf %get3A_701, %get3A_705 : vector<16xf32>
        %add3A_707 = arith.addf %add3A_697, %mul3A_706 : vector<16xf32>
        %get3A_708 = arith.index_cast %scan3A_217 : i32 to index
        %get3A_709 = arith.constant 784 : index
        %get3A_710 = tpu.vector_load %arg11[%get3A_708, %get3A_709] {strides = array<i32>} : memref<16x1024xf32, #tpu.memory_space<vmem>>, vector<1x16xf32>,
        %get3A_711 = vector.shape_cast %get3A_710 : vector<1x16xf32> to vector<16xf32>
        %get3A_712 = arith.index_cast %scan3A_217 : i32 to index
        %get3A_713 = arith.constant 784 : index
        %get3A_714 = tpu.vector_load %arg12[%get3A_712, %get3A_713] {strides = array<i32>} : memref<16x1024xf32, #tpu.memory_space<vmem>>, vector<1x16xf32>,
        %get3A_715 = vector.shape_cast %get3A_714 : vector<1x16xf32> to vector<16xf32>
        %mul3A_716 = arith.mulf %get3A_711, %get3A_715 : vector<16xf32>
        %add3A_717 = arith.addf %add3A_707, %mul3A_716 : vector<16xf32>
        %get3A_718 = arith.index_cast %scan3A_217 : i32 to index
        %get3A_719 = arith.constant 800 : index
        %get3A_720 = tpu.vector_load %arg11[%get3A_718, %get3A_719] {strides = array<i32>} : memref<16x1024xf32, #tpu.memory_space<vmem>>, vector<1x16xf32>,
        %get3A_721 = vector.shape_cast %get3A_720 : vector<1x16xf32> to vector<16xf32>
        %get3A_722 = arith.index_cast %scan3A_217 : i32 to index
        %get3A_723 = arith.constant 800 : index
        %get3A_724 = tpu.vector_load %arg12[%get3A_722, %get3A_723] {strides = array<i32>} : memref<16x1024xf32, #tpu.memory_space<vmem>>, vector<1x16xf32>,
        %get3A_725 = vector.shape_cast %get3A_724 : vector<1x16xf32> to vector<16xf32>
        %mul3A_726 = arith.mulf %get3A_721, %get3A_725 : vector<16xf32>
        %add3A_727 = arith.addf %add3A_717, %mul3A_726 : vector<16xf32>
        %get3A_728 = arith.index_cast %scan3A_217 : i32 to index
        %get3A_729 = arith.constant 816 : index
        %get3A_730 = tpu.vector_load %arg11[%get3A_728, %get3A_729] {strides = array<i32>} : memref<16x1024xf32, #tpu.memory_space<vmem>>, vector<1x16xf32>,
        %get3A_731 = vector.shape_cast %get3A_730 : vector<1x16xf32> to vector<16xf32>
        %get3A_732 = arith.index_cast %scan3A_217 : i32 to index
        %get3A_733 = arith.constant 816 : index
        %get3A_734 = tpu.vector_load %arg12[%get3A_732, %get3A_733] {strides = array<i32>} : memref<16x1024xf32, #tpu.memory_space<vmem>>, vector<1x16xf32>,
        %get3A_735 = vector.shape_cast %get3A_734 : vector<1x16xf32> to vector<16xf32>
        %mul3A_736 = arith.mulf %get3A_731, %get3A_735 : vector<16xf32>
        %add3A_737 = arith.addf %add3A_727, %mul3A_736 : vector<16xf32>
        %get3A_738 = arith.index_cast %scan3A_217 : i32 to index
        %get3A_739 = arith.constant 832 : index
        %get3A_740 = tpu.vector_load %arg11[%get3A_738, %get3A_739] {strides = array<i32>} : memref<16x1024xf32, #tpu.memory_space<vmem>>, vector<1x16xf32>,
        %get3A_741 = vector.shape_cast %get3A_740 : vector<1x16xf32> to vector<16xf32>
        %get3A_742 = arith.index_cast %scan3A_217 : i32 to index
        %get3A_743 = arith.constant 832 : index
        %get3A_744 = tpu.vector_load %arg12[%get3A_742, %get3A_743] {strides = array<i32>} : memref<16x1024xf32, #tpu.memory_space<vmem>>, vector<1x16xf32>,
        %get3A_745 = vector.shape_cast %get3A_744 : vector<1x16xf32> to vector<16xf32>
        %mul3A_746 = arith.mulf %get3A_741, %get3A_745 : vector<16xf32>
        %add3A_747 = arith.addf %add3A_737, %mul3A_746 : vector<16xf32>
        %get3A_748 = arith.index_cast %scan3A_217 : i32 to index
        %get3A_749 = arith.constant 848 : index
        %get3A_750 = tpu.vector_load %arg11[%get3A_748, %get3A_749] {strides = array<i32>} : memref<16x1024xf32, #tpu.memory_space<vmem>>, vector<1x16xf32>,
        %get3A_751 = vector.shape_cast %get3A_750 : vector<1x16xf32> to vector<16xf32>
        %get3A_752 = arith.index_cast %scan3A_217 : i32 to index
        %get3A_753 = arith.constant 848 : index
        %get3A_754 = tpu.vector_load %arg12[%get3A_752, %get3A_753] {strides = array<i32>} : memref<16x1024xf32, #tpu.memory_space<vmem>>, vector<1x16xf32>,
        %get3A_755 = vector.shape_cast %get3A_754 : vector<1x16xf32> to vector<16xf32>
        %mul3A_756 = arith.mulf %get3A_751, %get3A_755 : vector<16xf32>
        %add3A_757 = arith.addf %add3A_747, %mul3A_756 : vector<16xf32>
        %get3A_758 = arith.index_cast %scan3A_217 : i32 to index
        %get3A_759 = arith.constant 864 : index
        %get3A_760 = tpu.vector_load %arg11[%get3A_758, %get3A_759] {strides = array<i32>} : memref<16x1024xf32, #tpu.memory_space<vmem>>, vector<1x16xf32>,
        %get3A_761 = vector.shape_cast %get3A_760 : vector<1x16xf32> to vector<16xf32>
        %get3A_762 = arith.index_cast %scan3A_217 : i32 to index
        %get3A_763 = arith.constant 864 : index
        %get3A_764 = tpu.vector_load %arg12[%get3A_762, %get3A_763] {strides = array<i32>} : memref<16x1024xf32, #tpu.memory_space<vmem>>, vector<1x16xf32>,
        %get3A_765 = vector.shape_cast %get3A_764 : vector<1x16xf32> to vector<16xf32>
        %mul3A_766 = arith.mulf %get3A_761, %get3A_765 : vector<16xf32>
        %add3A_767 = arith.addf %add3A_757, %mul3A_766 : vector<16xf32>
        %get3A_768 = arith.index_cast %scan3A_217 : i32 to index
        %get3A_769 = arith.constant 880 : index
        %get3A_770 = tpu.vector_load %arg11[%get3A_768, %get3A_769] {strides = array<i32>} : memref<16x1024xf32, #tpu.memory_space<vmem>>, vector<1x16xf32>,
        %get3A_771 = vector.shape_cast %get3A_770 : vector<1x16xf32> to vector<16xf32>
        %get3A_772 = arith.index_cast %scan3A_217 : i32 to index
        %get3A_773 = arith.constant 880 : index
        %get3A_774 = tpu.vector_load %arg12[%get3A_772, %get3A_773] {strides = array<i32>} : memref<16x1024xf32, #tpu.memory_space<vmem>>, vector<1x16xf32>,
        %get3A_775 = vector.shape_cast %get3A_774 : vector<1x16xf32> to vector<16xf32>
        %mul3A_776 = arith.mulf %get3A_771, %get3A_775 : vector<16xf32>
        %add3A_777 = arith.addf %add3A_767, %mul3A_776 : vector<16xf32>
        %get3A_778 = arith.index_cast %scan3A_217 : i32 to index
        %get3A_779 = arith.constant 896 : index
        %get3A_780 = tpu.vector_load %arg11[%get3A_778, %get3A_779] {strides = array<i32>} : memref<16x1024xf32, #tpu.memory_space<vmem>>, vector<1x16xf32>,
        %get3A_781 = vector.shape_cast %get3A_780 : vector<1x16xf32> to vector<16xf32>
        %get3A_782 = arith.index_cast %scan3A_217 : i32 to index
        %get3A_783 = arith.constant 896 : index
        %get3A_784 = tpu.vector_load %arg12[%get3A_782, %get3A_783] {strides = array<i32>} : memref<16x1024xf32, #tpu.memory_space<vmem>>, vector<1x16xf32>,
        %get3A_785 = vector.shape_cast %get3A_784 : vector<1x16xf32> to vector<16xf32>
        %mul3A_786 = arith.mulf %get3A_781, %get3A_785 : vector<16xf32>
        %add3A_787 = arith.addf %add3A_777, %mul3A_786 : vector<16xf32>
        %get3A_788 = arith.index_cast %scan3A_217 : i32 to index
        %get3A_789 = arith.constant 912 : index
        %get3A_790 = tpu.vector_load %arg11[%get3A_788, %get3A_789] {strides = array<i32>} : memref<16x1024xf32, #tpu.memory_space<vmem>>, vector<1x16xf32>,
        %get3A_791 = vector.shape_cast %get3A_790 : vector<1x16xf32> to vector<16xf32>
        %get3A_792 = arith.index_cast %scan3A_217 : i32 to index
        %get3A_793 = arith.constant 912 : index
        %get3A_794 = tpu.vector_load %arg12[%get3A_792, %get3A_793] {strides = array<i32>} : memref<16x1024xf32, #tpu.memory_space<vmem>>, vector<1x16xf32>,
        %get3A_795 = vector.shape_cast %get3A_794 : vector<1x16xf32> to vector<16xf32>
        %mul3A_796 = arith.mulf %get3A_791, %get3A_795 : vector<16xf32>
        %add3A_797 = arith.addf %add3A_787, %mul3A_796 : vector<16xf32>
        %get3A_798 = arith.index_cast %scan3A_217 : i32 to index
        %get3A_799 = arith.constant 928 : index
        %get3A_800 = tpu.vector_load %arg11[%get3A_798, %get3A_799] {strides = array<i32>} : memref<16x1024xf32, #tpu.memory_space<vmem>>, vector<1x16xf32>,
        %get3A_801 = vector.shape_cast %get3A_800 : vector<1x16xf32> to vector<16xf32>
        %get3A_802 = arith.index_cast %scan3A_217 : i32 to index
        %get3A_803 = arith.constant 928 : index
        %get3A_804 = tpu.vector_load %arg12[%get3A_802, %get3A_803] {strides = array<i32>} : memref<16x1024xf32, #tpu.memory_space<vmem>>, vector<1x16xf32>,
        %get3A_805 = vector.shape_cast %get3A_804 : vector<1x16xf32> to vector<16xf32>
        %mul3A_806 = arith.mulf %get3A_801, %get3A_805 : vector<16xf32>
        %add3A_807 = arith.addf %add3A_797, %mul3A_806 : vector<16xf32>
        %get3A_808 = arith.index_cast %scan3A_217 : i32 to index
        %get3A_809 = arith.constant 944 : index
        %get3A_810 = tpu.vector_load %arg11[%get3A_808, %get3A_809] {strides = array<i32>} : memref<16x1024xf32, #tpu.memory_space<vmem>>, vector<1x16xf32>,
        %get3A_811 = vector.shape_cast %get3A_810 : vector<1x16xf32> to vector<16xf32>
        %get3A_812 = arith.index_cast %scan3A_217 : i32 to index
        %get3A_813 = arith.constant 944 : index
        %get3A_814 = tpu.vector_load %arg12[%get3A_812, %get3A_813] {strides = array<i32>} : memref<16x1024xf32, #tpu.memory_space<vmem>>, vector<1x16xf32>,
        %get3A_815 = vector.shape_cast %get3A_814 : vector<1x16xf32> to vector<16xf32>
        %mul3A_816 = arith.mulf %get3A_811, %get3A_815 : vector<16xf32>
        %add3A_817 = arith.addf %add3A_807, %mul3A_816 : vector<16xf32>
        %get3A_818 = arith.index_cast %scan3A_217 : i32 to index
        %get3A_819 = arith.constant 960 : index
        %get3A_820 = tpu.vector_load %arg11[%get3A_818, %get3A_819] {strides = array<i32>} : memref<16x1024xf32, #tpu.memory_space<vmem>>, vector<1x16xf32>,
        %get3A_821 = vector.shape_cast %get3A_820 : vector<1x16xf32> to vector<16xf32>
        %get3A_822 = arith.index_cast %scan3A_217 : i32 to index
        %get3A_823 = arith.constant 960 : index
        %get3A_824 = tpu.vector_load %arg12[%get3A_822, %get3A_823] {strides = array<i32>} : memref<16x1024xf32, #tpu.memory_space<vmem>>, vector<1x16xf32>,
        %get3A_825 = vector.shape_cast %get3A_824 : vector<1x16xf32> to vector<16xf32>
        %mul3A_826 = arith.mulf %get3A_821, %get3A_825 : vector<16xf32>
        %add3A_827 = arith.addf %add3A_817, %mul3A_826 : vector<16xf32>
        %get3A_828 = arith.index_cast %scan3A_217 : i32 to index
        %get3A_829 = arith.constant 976 : index
        %get3A_830 = tpu.vector_load %arg11[%get3A_828, %get3A_829] {strides = array<i32>} : memref<16x1024xf32, #tpu.memory_space<vmem>>, vector<1x16xf32>,
        %get3A_831 = vector.shape_cast %get3A_830 : vector<1x16xf32> to vector<16xf32>
        %get3A_832 = arith.index_cast %scan3A_217 : i32 to index
        %get3A_833 = arith.constant 976 : index
        %get3A_834 = tpu.vector_load %arg12[%get3A_832, %get3A_833] {strides = array<i32>} : memref<16x1024xf32, #tpu.memory_space<vmem>>, vector<1x16xf32>,
        %get3A_835 = vector.shape_cast %get3A_834 : vector<1x16xf32> to vector<16xf32>
        %mul3A_836 = arith.mulf %get3A_831, %get3A_835 : vector<16xf32>
        %add3A_837 = arith.addf %add3A_827, %mul3A_836 : vector<16xf32>
        %get3A_838 = arith.index_cast %scan3A_217 : i32 to index
        %get3A_839 = arith.constant 992 : index
        %get3A_840 = tpu.vector_load %arg11[%get3A_838, %get3A_839] {strides = array<i32>} : memref<16x1024xf32, #tpu.memory_space<vmem>>, vector<1x16xf32>,
        %get3A_841 = vector.shape_cast %get3A_840 : vector<1x16xf32> to vector<16xf32>
        %get3A_842 = arith.index_cast %scan3A_217 : i32 to index
        %get3A_843 = arith.constant 992 : index
        %get3A_844 = tpu.vector_load %arg12[%get3A_842, %get3A_843] {strides = array<i32>} : memref<16x1024xf32, #tpu.memory_space<vmem>>, vector<1x16xf32>,
        %get3A_845 = vector.shape_cast %get3A_844 : vector<1x16xf32> to vector<16xf32>
        %mul3A_846 = arith.mulf %get3A_841, %get3A_845 : vector<16xf32>
        %add3A_847 = arith.addf %add3A_837, %mul3A_846 : vector<16xf32>
        %get3A_848 = arith.index_cast %scan3A_217 : i32 to index
        %get3A_849 = arith.constant 1008 : index
        %get3A_850 = tpu.vector_load %arg11[%get3A_848, %get3A_849] {strides = array<i32>} : memref<16x1024xf32, #tpu.memory_space<vmem>>, vector<1x16xf32>,
        %get3A_851 = vector.shape_cast %get3A_850 : vector<1x16xf32> to vector<16xf32>
        %get3A_852 = arith.index_cast %scan3A_217 : i32 to index
        %get3A_853 = arith.constant 1008 : index
        %get3A_854 = tpu.vector_load %arg12[%get3A_852, %get3A_853] {strides = array<i32>} : memref<16x1024xf32, #tpu.memory_space<vmem>>, vector<1x16xf32>,
        %get3A_855 = vector.shape_cast %get3A_854 : vector<1x16xf32> to vector<16xf32>
        %mul3A_856 = arith.mulf %get3A_851, %get3A_855 : vector<16xf32>
        %add3A_857 = arith.addf %add3A_847, %mul3A_856 : vector<16xf32>
        %lt3A_858 = arith.constant 0 : i32
        %lt3A_859 = vector.broadcast %lt3A_858 : i32 to vector<16xi32>
        %lt3A_860 = arith.cmpi slt, %xor3A_4, %lt3A_859 : vector<16xi32>
        %add3A_861 = arith.constant 16 : i32
        %add3A_862 = vector.broadcast %add3A_861 : i32 to vector<16xi32>
        %add3A_863 = arith.addi %xor3A_4, %add3A_862 : vector<16xi32>
        %select_n3A = arith.select %lt3A_860, %add3A_863, %xor3A_4 : vector<16xi1>, vector<16xi32>
        %broadcast_in_dim3A_864 = vector.shape_cast %select_n3A : vector<16xi32> to vector<16x1xi32>
        %gather3A = vector.shape_cast %broadcast_in_dim3A_864 : vector<16x1xi32> to vector<16xi32>
        %gather3A_865 = tpu.dynamic_gather %add3A_857[%gather3A] in [0] : vector<16xf32>, vector<16xi32> -> vector<16xf32>
        %add3A_866 = arith.addf %add3A_857, %gather3A_865 : vector<16xf32>
        %lt3A_867 = arith.constant 0 : i32
        %lt3A_868 = vector.broadcast %lt3A_867 : i32 to vector<16xi32>
        %lt3A_869 = arith.cmpi slt, %xor3A_7, %lt3A_868 : vector<16xi32>
        %add3A_870 = arith.constant 16 : i32
        %add3A_871 = vector.broadcast %add3A_870 : i32 to vector<16xi32>
        %add3A_872 = arith.addi %xor3A_7, %add3A_871 : vector<16xi32>
        %select_n3A_873 = arith.select %lt3A_869, %add3A_872, %xor3A_7 : vector<16xi1>, vector<16xi32>
        %broadcast_in_dim3A_874 = vector.shape_cast %select_n3A_873 : vector<16xi32> to vector<16x1xi32>
        %gather3A_875 = vector.shape_cast %broadcast_in_dim3A_874 : vector<16x1xi32> to vector<16xi32>
        %gather3A_876 = tpu.dynamic_gather %add3A_866[%gather3A_875] in [0] : vector<16xf32>, vector<16xi32> -> vector<16xf32>
        %add3A_877 = arith.addf %add3A_866, %gather3A_876 : vector<16xf32>
        %lt3A_878 = arith.constant 0 : i32
        %lt3A_879 = vector.broadcast %lt3A_878 : i32 to vector<16xi32>
        %lt3A_880 = arith.cmpi slt, %xor3A_10, %lt3A_879 : vector<16xi32>
        %add3A_881 = arith.constant 16 : i32
        %add3A_882 = vector.broadcast %add3A_881 : i32 to vector<16xi32>
        %add3A_883 = arith.addi %xor3A_10, %add3A_882 : vector<16xi32>
        %select_n3A_884 = arith.select %lt3A_880, %add3A_883, %xor3A_10 : vector<16xi1>, vector<16xi32>
        %broadcast_in_dim3A_885 = vector.shape_cast %select_n3A_884 : vector<16xi32> to vector<16x1xi32>
        %gather3A_886 = vector.shape_cast %broadcast_in_dim3A_885 : vector<16x1xi32> to vector<16xi32>
        %gather3A_887 = tpu.dynamic_gather %add3A_877[%gather3A_886] in [0] : vector<16xf32>, vector<16xi32> -> vector<16xf32>
        %add3A_888 = arith.addf %add3A_877, %gather3A_887 : vector<16xf32>
        %lt3A_889 = arith.constant 0 : i32
        %lt3A_890 = vector.broadcast %lt3A_889 : i32 to vector<16xi32>
        %lt3A_891 = arith.cmpi slt, %xor3A_13, %lt3A_890 : vector<16xi32>
        %add3A_892 = arith.constant 16 : i32
        %add3A_893 = vector.broadcast %add3A_892 : i32 to vector<16xi32>
        %add3A_894 = arith.addi %xor3A_13, %add3A_893 : vector<16xi32>
        %select_n3A_895 = arith.select %lt3A_891, %add3A_894, %xor3A_13 : vector<16xi1>, vector<16xi32>
        %broadcast_in_dim3A_896 = vector.shape_cast %select_n3A_895 : vector<16xi32> to vector<16x1xi32>
        %gather3A_897 = vector.shape_cast %broadcast_in_dim3A_896 : vector<16x1xi32> to vector<16xi32>
        %gather3A_898 = tpu.dynamic_gather %add3A_888[%gather3A_897] in [0] : vector<16xf32>, vector<16xi32> -> vector<16xf32>
        %add3A_899 = arith.addf %add3A_888, %gather3A_898 : vector<16xf32>
        %eq3A = vector.broadcast %scan3A_217 : i32 to vector<16xi32>
        %eq3A_900 = arith.cmpi eq, %iota3A, %eq3A : vector<16xi32>
        %select_n3A_901 = arith.select %eq3A_900, %add3A_899, %scan3A_218 : vector<16xi1>, vector<16xf32>
        scf.yield %select_n3A_901 : vector<16xf32>
      }
      %scan3A_150 = arith.constant 16 : i32
      %mul3A_151 = arith.constant 16 : i32
      %mul3A_152 = arith.muli %add3A_142, %mul3A_151 : i32
      %multiple_of3A_153 = tpu.assume_multiple %mul3A_152, 16 : i32
      %jit3A_154 = arith.constant 0.000000e+00 : f32
      %jit3A_155 = arith.constant 1.000000e+00 : f32
      %max3A_156 = vector.broadcast %jit3A_154 : f32 to vector<16xf32>
      %max3A_157 = arith.maximumf %max3A_156, %scan3A_149 : vector<16xf32>
      %min3A_158 = vector.broadcast %jit3A_155 : f32 to vector<16xf32>
      %min3A_159 = arith.minimumf %min3A_158, %max3A_157 : vector<16xf32>
      %swap3A_160 = arith.index_cast %multiple_of3A_153 : i32 to index
      %swap3A_161 = tpu.vector_load %arg8[%swap3A_160] {strides = array<i32>} : memref<10000xf32, #tpu.memory_space<vmem>>, vector<16xf32>,
      %swap3A_162 = vector.shape_cast %swap3A_161 : vector<16xf32> to vector<16xf32>
      %swap3A_163 = vector.shape_cast %min3A_159 : vector<16xf32> to vector<16xf32>
      tpu.vector_store %arg8[%swap3A_160], %swap3A_163 {strides = array<i32>} : memref<10000xf32, #tpu.memory_space<vmem>>, vector<16xf32>,
      %add3A_164 = arith.constant 1 : i32
      %add3A_165 = arith.addi %mul3A_87, %add3A_164 : i32
      %add3A_166 = arith.constant 3 : i32
      %add3A_167 = arith.addi %add3A_165, %add3A_166 : i32
      %lt3A_168 = arith.constant 625 : i32
      %lt3A_169 = arith.cmpi slt, %add3A_167, %lt3A_168 : i32
      %convert_element_type3A_170 = arith.extui %lt3A_169 : i1 to i32
      %cond3A_171 = arith.constant 0 : i32
      %cond3A_172 = arith.cmpi ne, %convert_element_type3A_170, %cond3A_171 : i32
      scf.if %cond3A_172 {
        %add3A_217 = arith.constant 1 : i32
        %add3A_218 = arith.addi %mul3A_87, %add3A_217 : i32
        %add3A_219 = arith.constant 3 : i32
        %add3A_220 = arith.addi %add3A_218, %add3A_219 : i32
        %mul3A_221 = arith.constant 16 : i32
        %mul3A_222 = arith.muli %add3A_220, %mul3A_221 : i32
        %multiple_of3A_223 = tpu.assume_multiple %mul3A_222, 16 : i32
        %get3A_224 = arith.index_cast %multiple_of3A_223 : i32 to index
        %get3A_225 = tpu.vector_load %arg6[%get3A_224] {strides = array<i32>} : memref<10000xi32, #tpu.memory_space<vmem>>, vector<16xi32>,
        %get3A_226 = vector.shape_cast %get3A_225 : vector<16xi32> to vector<16xi32>
        %dma_start3A_227 = arith.constant 0 : i32
        %dma_start3A_228 = arith.constant 0 : i32
        %dma_start3A_229 = tpu.memref_slice %arg2[%dma_start3A_227, %dma_start3A_228] : memref<10000x1024xf32, #tpu.memory_space<hbm>> -> memref<10000x1024xf32, #tpu.memory_space<hbm>>
        tpu.enqueue_indirect_dma source(%dma_start3A_229 : memref<10000x1024xf32, #tpu.memory_space<hbm>>) target(%arg11 : memref<16x1024xf32, #tpu.memory_space<vmem>>) offsets(%get3A_226 : vector<16xi32>) semaphore(%arg16 : memref<!tpu.dma_semaphore, #tpu.memory_space<semaphore_mem>>)
        %get3A_230 = arith.index_cast %multiple_of3A_223 : i32 to index
        %get3A_231 = tpu.vector_load %arg7[%get3A_230] {strides = array<i32>} : memref<10000xi32, #tpu.memory_space<vmem>>, vector<16xi32>,
        %get3A_232 = vector.shape_cast %get3A_231 : vector<16xi32> to vector<16xi32>
        %dma_start3A_233 = arith.constant 0 : i32
        %dma_start3A_234 = arith.constant 0 : i32
        %dma_start3A_235 = tpu.memref_slice %arg2[%dma_start3A_233, %dma_start3A_234] : memref<10000x1024xf32, #tpu.memory_space<hbm>> -> memref<10000x1024xf32, #tpu.memory_space<hbm>>
        tpu.enqueue_indirect_dma source(%dma_start3A_235 : memref<10000x1024xf32, #tpu.memory_space<hbm>>) target(%arg12 : memref<16x1024xf32, #tpu.memory_space<vmem>>) offsets(%get3A_232 : vector<16xi32>) semaphore(%arg16 : memref<!tpu.dma_semaphore, #tpu.memory_space<semaphore_mem>>)
      } else {
      }
      %dma_wait3A_173 = arith.constant 0 : i32
      %dma_wait3A_174 = arith.constant 0 : i32
      %dma_wait3A_175 = tpu.memref_slice %arg2[%dma_wait3A_173, %dma_wait3A_174] : memref<10000x1024xf32, #tpu.memory_space<hbm>> -> memref<16x1024xf32, #tpu.memory_space<hbm>>
      %dma_wait3A_176 = arith.constant 0 : i32
      %dma_wait3A_177 = arith.constant 0 : i32
      %dma_wait3A_178 = tpu.memref_slice %arg2[%dma_wait3A_176, %dma_wait3A_177] : memref<10000x1024xf32, #tpu.memory_space<hbm>> -> memref<16x1024xf32, #tpu.memory_space<hbm>>
      tpu.wait_dma2 semaphore(%arg17 : memref<!tpu.dma_semaphore, #tpu.memory_space<semaphore_mem>>) src(%dma_wait3A_178 : memref<16x1024xf32, #tpu.memory_space<hbm>>) dst(%arg13 : memref<16x1024xf32, #tpu.memory_space<vmem>>)
      %dma_wait3A_179 = arith.constant 0 : i32
      %dma_wait3A_180 = arith.constant 0 : i32
      %dma_wait3A_181 = tpu.memref_slice %arg2[%dma_wait3A_179, %dma_wait3A_180] : memref<10000x1024xf32, #tpu.memory_space<hbm>> -> memref<16x1024xf32, #tpu.memory_space<hbm>>
      %dma_wait3A_182 = arith.constant 0 : i32
      %dma_wait3A_183 = arith.constant 0 : i32
      %dma_wait3A_184 = tpu.memref_slice %arg2[%dma_wait3A_182, %dma_wait3A_183] : memref<10000x1024xf32, #tpu.memory_space<hbm>> -> memref<16x1024xf32, #tpu.memory_space<hbm>>
      tpu.wait_dma2 semaphore(%arg17 : memref<!tpu.dma_semaphore, #tpu.memory_space<semaphore_mem>>) src(%dma_wait3A_184 : memref<16x1024xf32, #tpu.memory_space<hbm>>) dst(%arg14 : memref<16x1024xf32, #tpu.memory_space<vmem>>)
      %add3A_185 = arith.constant 2 : i32
      %add3A_186 = arith.addi %mul3A_87, %add3A_185 : i32
      %broadcast_in_dim3A_187 = arith.constant 0.000000e+00 : f32
      %broadcast_in_dim3A_188 = vector.broadcast %broadcast_in_dim3A_187 : f32 to vector<16xf32>
      %scan3A_189 = arith.constant 0 : i32
      %scan3A_190 = arith.constant 16 : i32
      %scan3A_191 = arith.addi %scan3A_189, %scan3A_190 : i32
      %scan3A_192 = arith.constant 1 : i32
      %scan3A_193 = scf.for %scan3A_217 = %scan3A_189 to %scan3A_191 step %scan3A_192 iter_args(%scan3A_218 = %broadcast_in_dim3A_188) -> (vector<16xf32>)  : i32 {
        %get3A_219 = arith.index_cast %scan3A_217 : i32 to index
        %get3A_220 = arith.constant 0 : index
        %get3A_221 = tpu.vector_load %arg13[%get3A_219, %get3A_220] {strides = array<i32>} : memref<16x1024xf32, #tpu.memory_space<vmem>>, vector<1x16xf32>,
        %get3A_222 = vector.shape_cast %get3A_221 : vector<1x16xf32> to vector<16xf32>
        %get3A_223 = arith.index_cast %scan3A_217 : i32 to index
        %get3A_224 = arith.constant 0 : index
        %get3A_225 = tpu.vector_load %arg14[%get3A_223, %get3A_224] {strides = array<i32>} : memref<16x1024xf32, #tpu.memory_space<vmem>>, vector<1x16xf32>,
        %get3A_226 = vector.shape_cast %get3A_225 : vector<1x16xf32> to vector<16xf32>
        %mul3A_227 = arith.mulf %get3A_222, %get3A_226 : vector<16xf32>
        %get3A_228 = arith.index_cast %scan3A_217 : i32 to index
        %get3A_229 = arith.constant 16 : index
        %get3A_230 = tpu.vector_load %arg13[%get3A_228, %get3A_229] {strides = array<i32>} : memref<16x1024xf32, #tpu.memory_space<vmem>>, vector<1x16xf32>,
        %get3A_231 = vector.shape_cast %get3A_230 : vector<1x16xf32> to vector<16xf32>
        %get3A_232 = arith.index_cast %scan3A_217 : i32 to index
        %get3A_233 = arith.constant 16 : index
        %get3A_234 = tpu.vector_load %arg14[%get3A_232, %get3A_233] {strides = array<i32>} : memref<16x1024xf32, #tpu.memory_space<vmem>>, vector<1x16xf32>,
        %get3A_235 = vector.shape_cast %get3A_234 : vector<1x16xf32> to vector<16xf32>
        %mul3A_236 = arith.mulf %get3A_231, %get3A_235 : vector<16xf32>
        %add3A_237 = arith.addf %mul3A_227, %mul3A_236 : vector<16xf32>
        %get3A_238 = arith.index_cast %scan3A_217 : i32 to index
        %get3A_239 = arith.constant 32 : index
        %get3A_240 = tpu.vector_load %arg13[%get3A_238, %get3A_239] {strides = array<i32>} : memref<16x1024xf32, #tpu.memory_space<vmem>>, vector<1x16xf32>,
        %get3A_241 = vector.shape_cast %get3A_240 : vector<1x16xf32> to vector<16xf32>
        %get3A_242 = arith.index_cast %scan3A_217 : i32 to index
        %get3A_243 = arith.constant 32 : index
        %get3A_244 = tpu.vector_load %arg14[%get3A_242, %get3A_243] {strides = array<i32>} : memref<16x1024xf32, #tpu.memory_space<vmem>>, vector<1x16xf32>,
        %get3A_245 = vector.shape_cast %get3A_244 : vector<1x16xf32> to vector<16xf32>
        %mul3A_246 = arith.mulf %get3A_241, %get3A_245 : vector<16xf32>
        %add3A_247 = arith.addf %add3A_237, %mul3A_246 : vector<16xf32>
        %get3A_248 = arith.index_cast %scan3A_217 : i32 to index
        %get3A_249 = arith.constant 48 : index
        %get3A_250 = tpu.vector_load %arg13[%get3A_248, %get3A_249] {strides = array<i32>} : memref<16x1024xf32, #tpu.memory_space<vmem>>, vector<1x16xf32>,
        %get3A_251 = vector.shape_cast %get3A_250 : vector<1x16xf32> to vector<16xf32>
        %get3A_252 = arith.index_cast %scan3A_217 : i32 to index
        %get3A_253 = arith.constant 48 : index
        %get3A_254 = tpu.vector_load %arg14[%get3A_252, %get3A_253] {strides = array<i32>} : memref<16x1024xf32, #tpu.memory_space<vmem>>, vector<1x16xf32>,
        %get3A_255 = vector.shape_cast %get3A_254 : vector<1x16xf32> to vector<16xf32>
        %mul3A_256 = arith.mulf %get3A_251, %get3A_255 : vector<16xf32>
        %add3A_257 = arith.addf %add3A_247, %mul3A_256 : vector<16xf32>
        %get3A_258 = arith.index_cast %scan3A_217 : i32 to index
        %get3A_259 = arith.constant 64 : index
        %get3A_260 = tpu.vector_load %arg13[%get3A_258, %get3A_259] {strides = array<i32>} : memref<16x1024xf32, #tpu.memory_space<vmem>>, vector<1x16xf32>,
        %get3A_261 = vector.shape_cast %get3A_260 : vector<1x16xf32> to vector<16xf32>
        %get3A_262 = arith.index_cast %scan3A_217 : i32 to index
        %get3A_263 = arith.constant 64 : index
        %get3A_264 = tpu.vector_load %arg14[%get3A_262, %get3A_263] {strides = array<i32>} : memref<16x1024xf32, #tpu.memory_space<vmem>>, vector<1x16xf32>,
        %get3A_265 = vector.shape_cast %get3A_264 : vector<1x16xf32> to vector<16xf32>
        %mul3A_266 = arith.mulf %get3A_261, %get3A_265 : vector<16xf32>
        %add3A_267 = arith.addf %add3A_257, %mul3A_266 : vector<16xf32>
        %get3A_268 = arith.index_cast %scan3A_217 : i32 to index
        %get3A_269 = arith.constant 80 : index
        %get3A_270 = tpu.vector_load %arg13[%get3A_268, %get3A_269] {strides = array<i32>} : memref<16x1024xf32, #tpu.memory_space<vmem>>, vector<1x16xf32>,
        %get3A_271 = vector.shape_cast %get3A_270 : vector<1x16xf32> to vector<16xf32>
        %get3A_272 = arith.index_cast %scan3A_217 : i32 to index
        %get3A_273 = arith.constant 80 : index
        %get3A_274 = tpu.vector_load %arg14[%get3A_272, %get3A_273] {strides = array<i32>} : memref<16x1024xf32, #tpu.memory_space<vmem>>, vector<1x16xf32>,
        %get3A_275 = vector.shape_cast %get3A_274 : vector<1x16xf32> to vector<16xf32>
        %mul3A_276 = arith.mulf %get3A_271, %get3A_275 : vector<16xf32>
        %add3A_277 = arith.addf %add3A_267, %mul3A_276 : vector<16xf32>
        %get3A_278 = arith.index_cast %scan3A_217 : i32 to index
        %get3A_279 = arith.constant 96 : index
        %get3A_280 = tpu.vector_load %arg13[%get3A_278, %get3A_279] {strides = array<i32>} : memref<16x1024xf32, #tpu.memory_space<vmem>>, vector<1x16xf32>,
        %get3A_281 = vector.shape_cast %get3A_280 : vector<1x16xf32> to vector<16xf32>
        %get3A_282 = arith.index_cast %scan3A_217 : i32 to index
        %get3A_283 = arith.constant 96 : index
        %get3A_284 = tpu.vector_load %arg14[%get3A_282, %get3A_283] {strides = array<i32>} : memref<16x1024xf32, #tpu.memory_space<vmem>>, vector<1x16xf32>,
        %get3A_285 = vector.shape_cast %get3A_284 : vector<1x16xf32> to vector<16xf32>
        %mul3A_286 = arith.mulf %get3A_281, %get3A_285 : vector<16xf32>
        %add3A_287 = arith.addf %add3A_277, %mul3A_286 : vector<16xf32>
        %get3A_288 = arith.index_cast %scan3A_217 : i32 to index
        %get3A_289 = arith.constant 112 : index
        %get3A_290 = tpu.vector_load %arg13[%get3A_288, %get3A_289] {strides = array<i32>} : memref<16x1024xf32, #tpu.memory_space<vmem>>, vector<1x16xf32>,
        %get3A_291 = vector.shape_cast %get3A_290 : vector<1x16xf32> to vector<16xf32>
        %get3A_292 = arith.index_cast %scan3A_217 : i32 to index
        %get3A_293 = arith.constant 112 : index
        %get3A_294 = tpu.vector_load %arg14[%get3A_292, %get3A_293] {strides = array<i32>} : memref<16x1024xf32, #tpu.memory_space<vmem>>, vector<1x16xf32>,
        %get3A_295 = vector.shape_cast %get3A_294 : vector<1x16xf32> to vector<16xf32>
        %mul3A_296 = arith.mulf %get3A_291, %get3A_295 : vector<16xf32>
        %add3A_297 = arith.addf %add3A_287, %mul3A_296 : vector<16xf32>
        %get3A_298 = arith.index_cast %scan3A_217 : i32 to index
        %get3A_299 = arith.constant 128 : index
        %get3A_300 = tpu.vector_load %arg13[%get3A_298, %get3A_299] {strides = array<i32>} : memref<16x1024xf32, #tpu.memory_space<vmem>>, vector<1x16xf32>,
        %get3A_301 = vector.shape_cast %get3A_300 : vector<1x16xf32> to vector<16xf32>
        %get3A_302 = arith.index_cast %scan3A_217 : i32 to index
        %get3A_303 = arith.constant 128 : index
        %get3A_304 = tpu.vector_load %arg14[%get3A_302, %get3A_303] {strides = array<i32>} : memref<16x1024xf32, #tpu.memory_space<vmem>>, vector<1x16xf32>,
        %get3A_305 = vector.shape_cast %get3A_304 : vector<1x16xf32> to vector<16xf32>
        %mul3A_306 = arith.mulf %get3A_301, %get3A_305 : vector<16xf32>
        %add3A_307 = arith.addf %add3A_297, %mul3A_306 : vector<16xf32>
        %get3A_308 = arith.index_cast %scan3A_217 : i32 to index
        %get3A_309 = arith.constant 144 : index
        %get3A_310 = tpu.vector_load %arg13[%get3A_308, %get3A_309] {strides = array<i32>} : memref<16x1024xf32, #tpu.memory_space<vmem>>, vector<1x16xf32>,
        %get3A_311 = vector.shape_cast %get3A_310 : vector<1x16xf32> to vector<16xf32>
        %get3A_312 = arith.index_cast %scan3A_217 : i32 to index
        %get3A_313 = arith.constant 144 : index
        %get3A_314 = tpu.vector_load %arg14[%get3A_312, %get3A_313] {strides = array<i32>} : memref<16x1024xf32, #tpu.memory_space<vmem>>, vector<1x16xf32>,
        %get3A_315 = vector.shape_cast %get3A_314 : vector<1x16xf32> to vector<16xf32>
        %mul3A_316 = arith.mulf %get3A_311, %get3A_315 : vector<16xf32>
        %add3A_317 = arith.addf %add3A_307, %mul3A_316 : vector<16xf32>
        %get3A_318 = arith.index_cast %scan3A_217 : i32 to index
        %get3A_319 = arith.constant 160 : index
        %get3A_320 = tpu.vector_load %arg13[%get3A_318, %get3A_319] {strides = array<i32>} : memref<16x1024xf32, #tpu.memory_space<vmem>>, vector<1x16xf32>,
        %get3A_321 = vector.shape_cast %get3A_320 : vector<1x16xf32> to vector<16xf32>
        %get3A_322 = arith.index_cast %scan3A_217 : i32 to index
        %get3A_323 = arith.constant 160 : index
        %get3A_324 = tpu.vector_load %arg14[%get3A_322, %get3A_323] {strides = array<i32>} : memref<16x1024xf32, #tpu.memory_space<vmem>>, vector<1x16xf32>,
        %get3A_325 = vector.shape_cast %get3A_324 : vector<1x16xf32> to vector<16xf32>
        %mul3A_326 = arith.mulf %get3A_321, %get3A_325 : vector<16xf32>
        %add3A_327 = arith.addf %add3A_317, %mul3A_326 : vector<16xf32>
        %get3A_328 = arith.index_cast %scan3A_217 : i32 to index
        %get3A_329 = arith.constant 176 : index
        %get3A_330 = tpu.vector_load %arg13[%get3A_328, %get3A_329] {strides = array<i32>} : memref<16x1024xf32, #tpu.memory_space<vmem>>, vector<1x16xf32>,
        %get3A_331 = vector.shape_cast %get3A_330 : vector<1x16xf32> to vector<16xf32>
        %get3A_332 = arith.index_cast %scan3A_217 : i32 to index
        %get3A_333 = arith.constant 176 : index
        %get3A_334 = tpu.vector_load %arg14[%get3A_332, %get3A_333] {strides = array<i32>} : memref<16x1024xf32, #tpu.memory_space<vmem>>, vector<1x16xf32>,
        %get3A_335 = vector.shape_cast %get3A_334 : vector<1x16xf32> to vector<16xf32>
        %mul3A_336 = arith.mulf %get3A_331, %get3A_335 : vector<16xf32>
        %add3A_337 = arith.addf %add3A_327, %mul3A_336 : vector<16xf32>
        %get3A_338 = arith.index_cast %scan3A_217 : i32 to index
        %get3A_339 = arith.constant 192 : index
        %get3A_340 = tpu.vector_load %arg13[%get3A_338, %get3A_339] {strides = array<i32>} : memref<16x1024xf32, #tpu.memory_space<vmem>>, vector<1x16xf32>,
        %get3A_341 = vector.shape_cast %get3A_340 : vector<1x16xf32> to vector<16xf32>
        %get3A_342 = arith.index_cast %scan3A_217 : i32 to index
        %get3A_343 = arith.constant 192 : index
        %get3A_344 = tpu.vector_load %arg14[%get3A_342, %get3A_343] {strides = array<i32>} : memref<16x1024xf32, #tpu.memory_space<vmem>>, vector<1x16xf32>,
        %get3A_345 = vector.shape_cast %get3A_344 : vector<1x16xf32> to vector<16xf32>
        %mul3A_346 = arith.mulf %get3A_341, %get3A_345 : vector<16xf32>
        %add3A_347 = arith.addf %add3A_337, %mul3A_346 : vector<16xf32>
        %get3A_348 = arith.index_cast %scan3A_217 : i32 to index
        %get3A_349 = arith.constant 208 : index
        %get3A_350 = tpu.vector_load %arg13[%get3A_348, %get3A_349] {strides = array<i32>} : memref<16x1024xf32, #tpu.memory_space<vmem>>, vector<1x16xf32>,
        %get3A_351 = vector.shape_cast %get3A_350 : vector<1x16xf32> to vector<16xf32>
        %get3A_352 = arith.index_cast %scan3A_217 : i32 to index
        %get3A_353 = arith.constant 208 : index
        %get3A_354 = tpu.vector_load %arg14[%get3A_352, %get3A_353] {strides = array<i32>} : memref<16x1024xf32, #tpu.memory_space<vmem>>, vector<1x16xf32>,
        %get3A_355 = vector.shape_cast %get3A_354 : vector<1x16xf32> to vector<16xf32>
        %mul3A_356 = arith.mulf %get3A_351, %get3A_355 : vector<16xf32>
        %add3A_357 = arith.addf %add3A_347, %mul3A_356 : vector<16xf32>
        %get3A_358 = arith.index_cast %scan3A_217 : i32 to index
        %get3A_359 = arith.constant 224 : index
        %get3A_360 = tpu.vector_load %arg13[%get3A_358, %get3A_359] {strides = array<i32>} : memref<16x1024xf32, #tpu.memory_space<vmem>>, vector<1x16xf32>,
        %get3A_361 = vector.shape_cast %get3A_360 : vector<1x16xf32> to vector<16xf32>
        %get3A_362 = arith.index_cast %scan3A_217 : i32 to index
        %get3A_363 = arith.constant 224 : index
        %get3A_364 = tpu.vector_load %arg14[%get3A_362, %get3A_363] {strides = array<i32>} : memref<16x1024xf32, #tpu.memory_space<vmem>>, vector<1x16xf32>,
        %get3A_365 = vector.shape_cast %get3A_364 : vector<1x16xf32> to vector<16xf32>
        %mul3A_366 = arith.mulf %get3A_361, %get3A_365 : vector<16xf32>
        %add3A_367 = arith.addf %add3A_357, %mul3A_366 : vector<16xf32>
        %get3A_368 = arith.index_cast %scan3A_217 : i32 to index
        %get3A_369 = arith.constant 240 : index
        %get3A_370 = tpu.vector_load %arg13[%get3A_368, %get3A_369] {strides = array<i32>} : memref<16x1024xf32, #tpu.memory_space<vmem>>, vector<1x16xf32>,
        %get3A_371 = vector.shape_cast %get3A_370 : vector<1x16xf32> to vector<16xf32>
        %get3A_372 = arith.index_cast %scan3A_217 : i32 to index
        %get3A_373 = arith.constant 240 : index
        %get3A_374 = tpu.vector_load %arg14[%get3A_372, %get3A_373] {strides = array<i32>} : memref<16x1024xf32, #tpu.memory_space<vmem>>, vector<1x16xf32>,
        %get3A_375 = vector.shape_cast %get3A_374 : vector<1x16xf32> to vector<16xf32>
        %mul3A_376 = arith.mulf %get3A_371, %get3A_375 : vector<16xf32>
        %add3A_377 = arith.addf %add3A_367, %mul3A_376 : vector<16xf32>
        %get3A_378 = arith.index_cast %scan3A_217 : i32 to index
        %get3A_379 = arith.constant 256 : index
        %get3A_380 = tpu.vector_load %arg13[%get3A_378, %get3A_379] {strides = array<i32>} : memref<16x1024xf32, #tpu.memory_space<vmem>>, vector<1x16xf32>,
        %get3A_381 = vector.shape_cast %get3A_380 : vector<1x16xf32> to vector<16xf32>
        %get3A_382 = arith.index_cast %scan3A_217 : i32 to index
        %get3A_383 = arith.constant 256 : index
        %get3A_384 = tpu.vector_load %arg14[%get3A_382, %get3A_383] {strides = array<i32>} : memref<16x1024xf32, #tpu.memory_space<vmem>>, vector<1x16xf32>,
        %get3A_385 = vector.shape_cast %get3A_384 : vector<1x16xf32> to vector<16xf32>
        %mul3A_386 = arith.mulf %get3A_381, %get3A_385 : vector<16xf32>
        %add3A_387 = arith.addf %add3A_377, %mul3A_386 : vector<16xf32>
        %get3A_388 = arith.index_cast %scan3A_217 : i32 to index
        %get3A_389 = arith.constant 272 : index
        %get3A_390 = tpu.vector_load %arg13[%get3A_388, %get3A_389] {strides = array<i32>} : memref<16x1024xf32, #tpu.memory_space<vmem>>, vector<1x16xf32>,
        %get3A_391 = vector.shape_cast %get3A_390 : vector<1x16xf32> to vector<16xf32>
        %get3A_392 = arith.index_cast %scan3A_217 : i32 to index
        %get3A_393 = arith.constant 272 : index
        %get3A_394 = tpu.vector_load %arg14[%get3A_392, %get3A_393] {strides = array<i32>} : memref<16x1024xf32, #tpu.memory_space<vmem>>, vector<1x16xf32>,
        %get3A_395 = vector.shape_cast %get3A_394 : vector<1x16xf32> to vector<16xf32>
        %mul3A_396 = arith.mulf %get3A_391, %get3A_395 : vector<16xf32>
        %add3A_397 = arith.addf %add3A_387, %mul3A_396 : vector<16xf32>
        %get3A_398 = arith.index_cast %scan3A_217 : i32 to index
        %get3A_399 = arith.constant 288 : index
        %get3A_400 = tpu.vector_load %arg13[%get3A_398, %get3A_399] {strides = array<i32>} : memref<16x1024xf32, #tpu.memory_space<vmem>>, vector<1x16xf32>,
        %get3A_401 = vector.shape_cast %get3A_400 : vector<1x16xf32> to vector<16xf32>
        %get3A_402 = arith.index_cast %scan3A_217 : i32 to index
        %get3A_403 = arith.constant 288 : index
        %get3A_404 = tpu.vector_load %arg14[%get3A_402, %get3A_403] {strides = array<i32>} : memref<16x1024xf32, #tpu.memory_space<vmem>>, vector<1x16xf32>,
        %get3A_405 = vector.shape_cast %get3A_404 : vector<1x16xf32> to vector<16xf32>
        %mul3A_406 = arith.mulf %get3A_401, %get3A_405 : vector<16xf32>
        %add3A_407 = arith.addf %add3A_397, %mul3A_406 : vector<16xf32>
        %get3A_408 = arith.index_cast %scan3A_217 : i32 to index
        %get3A_409 = arith.constant 304 : index
        %get3A_410 = tpu.vector_load %arg13[%get3A_408, %get3A_409] {strides = array<i32>} : memref<16x1024xf32, #tpu.memory_space<vmem>>, vector<1x16xf32>,
        %get3A_411 = vector.shape_cast %get3A_410 : vector<1x16xf32> to vector<16xf32>
        %get3A_412 = arith.index_cast %scan3A_217 : i32 to index
        %get3A_413 = arith.constant 304 : index
        %get3A_414 = tpu.vector_load %arg14[%get3A_412, %get3A_413] {strides = array<i32>} : memref<16x1024xf32, #tpu.memory_space<vmem>>, vector<1x16xf32>,
        %get3A_415 = vector.shape_cast %get3A_414 : vector<1x16xf32> to vector<16xf32>
        %mul3A_416 = arith.mulf %get3A_411, %get3A_415 : vector<16xf32>
        %add3A_417 = arith.addf %add3A_407, %mul3A_416 : vector<16xf32>
        %get3A_418 = arith.index_cast %scan3A_217 : i32 to index
        %get3A_419 = arith.constant 320 : index
        %get3A_420 = tpu.vector_load %arg13[%get3A_418, %get3A_419] {strides = array<i32>} : memref<16x1024xf32, #tpu.memory_space<vmem>>, vector<1x16xf32>,
        %get3A_421 = vector.shape_cast %get3A_420 : vector<1x16xf32> to vector<16xf32>
        %get3A_422 = arith.index_cast %scan3A_217 : i32 to index
        %get3A_423 = arith.constant 320 : index
        %get3A_424 = tpu.vector_load %arg14[%get3A_422, %get3A_423] {strides = array<i32>} : memref<16x1024xf32, #tpu.memory_space<vmem>>, vector<1x16xf32>,
        %get3A_425 = vector.shape_cast %get3A_424 : vector<1x16xf32> to vector<16xf32>
        %mul3A_426 = arith.mulf %get3A_421, %get3A_425 : vector<16xf32>
        %add3A_427 = arith.addf %add3A_417, %mul3A_426 : vector<16xf32>
        %get3A_428 = arith.index_cast %scan3A_217 : i32 to index
        %get3A_429 = arith.constant 336 : index
        %get3A_430 = tpu.vector_load %arg13[%get3A_428, %get3A_429] {strides = array<i32>} : memref<16x1024xf32, #tpu.memory_space<vmem>>, vector<1x16xf32>,
        %get3A_431 = vector.shape_cast %get3A_430 : vector<1x16xf32> to vector<16xf32>
        %get3A_432 = arith.index_cast %scan3A_217 : i32 to index
        %get3A_433 = arith.constant 336 : index
        %get3A_434 = tpu.vector_load %arg14[%get3A_432, %get3A_433] {strides = array<i32>} : memref<16x1024xf32, #tpu.memory_space<vmem>>, vector<1x16xf32>,
        %get3A_435 = vector.shape_cast %get3A_434 : vector<1x16xf32> to vector<16xf32>
        %mul3A_436 = arith.mulf %get3A_431, %get3A_435 : vector<16xf32>
        %add3A_437 = arith.addf %add3A_427, %mul3A_436 : vector<16xf32>
        %get3A_438 = arith.index_cast %scan3A_217 : i32 to index
        %get3A_439 = arith.constant 352 : index
        %get3A_440 = tpu.vector_load %arg13[%get3A_438, %get3A_439] {strides = array<i32>} : memref<16x1024xf32, #tpu.memory_space<vmem>>, vector<1x16xf32>,
        %get3A_441 = vector.shape_cast %get3A_440 : vector<1x16xf32> to vector<16xf32>
        %get3A_442 = arith.index_cast %scan3A_217 : i32 to index
        %get3A_443 = arith.constant 352 : index
        %get3A_444 = tpu.vector_load %arg14[%get3A_442, %get3A_443] {strides = array<i32>} : memref<16x1024xf32, #tpu.memory_space<vmem>>, vector<1x16xf32>,
        %get3A_445 = vector.shape_cast %get3A_444 : vector<1x16xf32> to vector<16xf32>
        %mul3A_446 = arith.mulf %get3A_441, %get3A_445 : vector<16xf32>
        %add3A_447 = arith.addf %add3A_437, %mul3A_446 : vector<16xf32>
        %get3A_448 = arith.index_cast %scan3A_217 : i32 to index
        %get3A_449 = arith.constant 368 : index
        %get3A_450 = tpu.vector_load %arg13[%get3A_448, %get3A_449] {strides = array<i32>} : memref<16x1024xf32, #tpu.memory_space<vmem>>, vector<1x16xf32>,
        %get3A_451 = vector.shape_cast %get3A_450 : vector<1x16xf32> to vector<16xf32>
        %get3A_452 = arith.index_cast %scan3A_217 : i32 to index
        %get3A_453 = arith.constant 368 : index
        %get3A_454 = tpu.vector_load %arg14[%get3A_452, %get3A_453] {strides = array<i32>} : memref<16x1024xf32, #tpu.memory_space<vmem>>, vector<1x16xf32>,
        %get3A_455 = vector.shape_cast %get3A_454 : vector<1x16xf32> to vector<16xf32>
        %mul3A_456 = arith.mulf %get3A_451, %get3A_455 : vector<16xf32>
        %add3A_457 = arith.addf %add3A_447, %mul3A_456 : vector<16xf32>
        %get3A_458 = arith.index_cast %scan3A_217 : i32 to index
        %get3A_459 = arith.constant 384 : index
        %get3A_460 = tpu.vector_load %arg13[%get3A_458, %get3A_459] {strides = array<i32>} : memref<16x1024xf32, #tpu.memory_space<vmem>>, vector<1x16xf32>,
        %get3A_461 = vector.shape_cast %get3A_460 : vector<1x16xf32> to vector<16xf32>
        %get3A_462 = arith.index_cast %scan3A_217 : i32 to index
        %get3A_463 = arith.constant 384 : index
        %get3A_464 = tpu.vector_load %arg14[%get3A_462, %get3A_463] {strides = array<i32>} : memref<16x1024xf32, #tpu.memory_space<vmem>>, vector<1x16xf32>,
        %get3A_465 = vector.shape_cast %get3A_464 : vector<1x16xf32> to vector<16xf32>
        %mul3A_466 = arith.mulf %get3A_461, %get3A_465 : vector<16xf32>
        %add3A_467 = arith.addf %add3A_457, %mul3A_466 : vector<16xf32>
        %get3A_468 = arith.index_cast %scan3A_217 : i32 to index
        %get3A_469 = arith.constant 400 : index
        %get3A_470 = tpu.vector_load %arg13[%get3A_468, %get3A_469] {strides = array<i32>} : memref<16x1024xf32, #tpu.memory_space<vmem>>, vector<1x16xf32>,
        %get3A_471 = vector.shape_cast %get3A_470 : vector<1x16xf32> to vector<16xf32>
        %get3A_472 = arith.index_cast %scan3A_217 : i32 to index
        %get3A_473 = arith.constant 400 : index
        %get3A_474 = tpu.vector_load %arg14[%get3A_472, %get3A_473] {strides = array<i32>} : memref<16x1024xf32, #tpu.memory_space<vmem>>, vector<1x16xf32>,
        %get3A_475 = vector.shape_cast %get3A_474 : vector<1x16xf32> to vector<16xf32>
        %mul3A_476 = arith.mulf %get3A_471, %get3A_475 : vector<16xf32>
        %add3A_477 = arith.addf %add3A_467, %mul3A_476 : vector<16xf32>
        %get3A_478 = arith.index_cast %scan3A_217 : i32 to index
        %get3A_479 = arith.constant 416 : index
        %get3A_480 = tpu.vector_load %arg13[%get3A_478, %get3A_479] {strides = array<i32>} : memref<16x1024xf32, #tpu.memory_space<vmem>>, vector<1x16xf32>,
        %get3A_481 = vector.shape_cast %get3A_480 : vector<1x16xf32> to vector<16xf32>
        %get3A_482 = arith.index_cast %scan3A_217 : i32 to index
        %get3A_483 = arith.constant 416 : index
        %get3A_484 = tpu.vector_load %arg14[%get3A_482, %get3A_483] {strides = array<i32>} : memref<16x1024xf32, #tpu.memory_space<vmem>>, vector<1x16xf32>,
        %get3A_485 = vector.shape_cast %get3A_484 : vector<1x16xf32> to vector<16xf32>
        %mul3A_486 = arith.mulf %get3A_481, %get3A_485 : vector<16xf32>
        %add3A_487 = arith.addf %add3A_477, %mul3A_486 : vector<16xf32>
        %get3A_488 = arith.index_cast %scan3A_217 : i32 to index
        %get3A_489 = arith.constant 432 : index
        %get3A_490 = tpu.vector_load %arg13[%get3A_488, %get3A_489] {strides = array<i32>} : memref<16x1024xf32, #tpu.memory_space<vmem>>, vector<1x16xf32>,
        %get3A_491 = vector.shape_cast %get3A_490 : vector<1x16xf32> to vector<16xf32>
        %get3A_492 = arith.index_cast %scan3A_217 : i32 to index
        %get3A_493 = arith.constant 432 : index
        %get3A_494 = tpu.vector_load %arg14[%get3A_492, %get3A_493] {strides = array<i32>} : memref<16x1024xf32, #tpu.memory_space<vmem>>, vector<1x16xf32>,
        %get3A_495 = vector.shape_cast %get3A_494 : vector<1x16xf32> to vector<16xf32>
        %mul3A_496 = arith.mulf %get3A_491, %get3A_495 : vector<16xf32>
        %add3A_497 = arith.addf %add3A_487, %mul3A_496 : vector<16xf32>
        %get3A_498 = arith.index_cast %scan3A_217 : i32 to index
        %get3A_499 = arith.constant 448 : index
        %get3A_500 = tpu.vector_load %arg13[%get3A_498, %get3A_499] {strides = array<i32>} : memref<16x1024xf32, #tpu.memory_space<vmem>>, vector<1x16xf32>,
        %get3A_501 = vector.shape_cast %get3A_500 : vector<1x16xf32> to vector<16xf32>
        %get3A_502 = arith.index_cast %scan3A_217 : i32 to index
        %get3A_503 = arith.constant 448 : index
        %get3A_504 = tpu.vector_load %arg14[%get3A_502, %get3A_503] {strides = array<i32>} : memref<16x1024xf32, #tpu.memory_space<vmem>>, vector<1x16xf32>,
        %get3A_505 = vector.shape_cast %get3A_504 : vector<1x16xf32> to vector<16xf32>
        %mul3A_506 = arith.mulf %get3A_501, %get3A_505 : vector<16xf32>
        %add3A_507 = arith.addf %add3A_497, %mul3A_506 : vector<16xf32>
        %get3A_508 = arith.index_cast %scan3A_217 : i32 to index
        %get3A_509 = arith.constant 464 : index
        %get3A_510 = tpu.vector_load %arg13[%get3A_508, %get3A_509] {strides = array<i32>} : memref<16x1024xf32, #tpu.memory_space<vmem>>, vector<1x16xf32>,
        %get3A_511 = vector.shape_cast %get3A_510 : vector<1x16xf32> to vector<16xf32>
        %get3A_512 = arith.index_cast %scan3A_217 : i32 to index
        %get3A_513 = arith.constant 464 : index
        %get3A_514 = tpu.vector_load %arg14[%get3A_512, %get3A_513] {strides = array<i32>} : memref<16x1024xf32, #tpu.memory_space<vmem>>, vector<1x16xf32>,
        %get3A_515 = vector.shape_cast %get3A_514 : vector<1x16xf32> to vector<16xf32>
        %mul3A_516 = arith.mulf %get3A_511, %get3A_515 : vector<16xf32>
        %add3A_517 = arith.addf %add3A_507, %mul3A_516 : vector<16xf32>
        %get3A_518 = arith.index_cast %scan3A_217 : i32 to index
        %get3A_519 = arith.constant 480 : index
        %get3A_520 = tpu.vector_load %arg13[%get3A_518, %get3A_519] {strides = array<i32>} : memref<16x1024xf32, #tpu.memory_space<vmem>>, vector<1x16xf32>,
        %get3A_521 = vector.shape_cast %get3A_520 : vector<1x16xf32> to vector<16xf32>
        %get3A_522 = arith.index_cast %scan3A_217 : i32 to index
        %get3A_523 = arith.constant 480 : index
        %get3A_524 = tpu.vector_load %arg14[%get3A_522, %get3A_523] {strides = array<i32>} : memref<16x1024xf32, #tpu.memory_space<vmem>>, vector<1x16xf32>,
        %get3A_525 = vector.shape_cast %get3A_524 : vector<1x16xf32> to vector<16xf32>
        %mul3A_526 = arith.mulf %get3A_521, %get3A_525 : vector<16xf32>
        %add3A_527 = arith.addf %add3A_517, %mul3A_526 : vector<16xf32>
        %get3A_528 = arith.index_cast %scan3A_217 : i32 to index
        %get3A_529 = arith.constant 496 : index
        %get3A_530 = tpu.vector_load %arg13[%get3A_528, %get3A_529] {strides = array<i32>} : memref<16x1024xf32, #tpu.memory_space<vmem>>, vector<1x16xf32>,
        %get3A_531 = vector.shape_cast %get3A_530 : vector<1x16xf32> to vector<16xf32>
        %get3A_532 = arith.index_cast %scan3A_217 : i32 to index
        %get3A_533 = arith.constant 496 : index
        %get3A_534 = tpu.vector_load %arg14[%get3A_532, %get3A_533] {strides = array<i32>} : memref<16x1024xf32, #tpu.memory_space<vmem>>, vector<1x16xf32>,
        %get3A_535 = vector.shape_cast %get3A_534 : vector<1x16xf32> to vector<16xf32>
        %mul3A_536 = arith.mulf %get3A_531, %get3A_535 : vector<16xf32>
        %add3A_537 = arith.addf %add3A_527, %mul3A_536 : vector<16xf32>
        %get3A_538 = arith.index_cast %scan3A_217 : i32 to index
        %get3A_539 = arith.constant 512 : index
        %get3A_540 = tpu.vector_load %arg13[%get3A_538, %get3A_539] {strides = array<i32>} : memref<16x1024xf32, #tpu.memory_space<vmem>>, vector<1x16xf32>,
        %get3A_541 = vector.shape_cast %get3A_540 : vector<1x16xf32> to vector<16xf32>
        %get3A_542 = arith.index_cast %scan3A_217 : i32 to index
        %get3A_543 = arith.constant 512 : index
        %get3A_544 = tpu.vector_load %arg14[%get3A_542, %get3A_543] {strides = array<i32>} : memref<16x1024xf32, #tpu.memory_space<vmem>>, vector<1x16xf32>,
        %get3A_545 = vector.shape_cast %get3A_544 : vector<1x16xf32> to vector<16xf32>
        %mul3A_546 = arith.mulf %get3A_541, %get3A_545 : vector<16xf32>
        %add3A_547 = arith.addf %add3A_537, %mul3A_546 : vector<16xf32>
        %get3A_548 = arith.index_cast %scan3A_217 : i32 to index
        %get3A_549 = arith.constant 528 : index
        %get3A_550 = tpu.vector_load %arg13[%get3A_548, %get3A_549] {strides = array<i32>} : memref<16x1024xf32, #tpu.memory_space<vmem>>, vector<1x16xf32>,
        %get3A_551 = vector.shape_cast %get3A_550 : vector<1x16xf32> to vector<16xf32>
        %get3A_552 = arith.index_cast %scan3A_217 : i32 to index
        %get3A_553 = arith.constant 528 : index
        %get3A_554 = tpu.vector_load %arg14[%get3A_552, %get3A_553] {strides = array<i32>} : memref<16x1024xf32, #tpu.memory_space<vmem>>, vector<1x16xf32>,
        %get3A_555 = vector.shape_cast %get3A_554 : vector<1x16xf32> to vector<16xf32>
        %mul3A_556 = arith.mulf %get3A_551, %get3A_555 : vector<16xf32>
        %add3A_557 = arith.addf %add3A_547, %mul3A_556 : vector<16xf32>
        %get3A_558 = arith.index_cast %scan3A_217 : i32 to index
        %get3A_559 = arith.constant 544 : index
        %get3A_560 = tpu.vector_load %arg13[%get3A_558, %get3A_559] {strides = array<i32>} : memref<16x1024xf32, #tpu.memory_space<vmem>>, vector<1x16xf32>,
        %get3A_561 = vector.shape_cast %get3A_560 : vector<1x16xf32> to vector<16xf32>
        %get3A_562 = arith.index_cast %scan3A_217 : i32 to index
        %get3A_563 = arith.constant 544 : index
        %get3A_564 = tpu.vector_load %arg14[%get3A_562, %get3A_563] {strides = array<i32>} : memref<16x1024xf32, #tpu.memory_space<vmem>>, vector<1x16xf32>,
        %get3A_565 = vector.shape_cast %get3A_564 : vector<1x16xf32> to vector<16xf32>
        %mul3A_566 = arith.mulf %get3A_561, %get3A_565 : vector<16xf32>
        %add3A_567 = arith.addf %add3A_557, %mul3A_566 : vector<16xf32>
        %get3A_568 = arith.index_cast %scan3A_217 : i32 to index
        %get3A_569 = arith.constant 560 : index
        %get3A_570 = tpu.vector_load %arg13[%get3A_568, %get3A_569] {strides = array<i32>} : memref<16x1024xf32, #tpu.memory_space<vmem>>, vector<1x16xf32>,
        %get3A_571 = vector.shape_cast %get3A_570 : vector<1x16xf32> to vector<16xf32>
        %get3A_572 = arith.index_cast %scan3A_217 : i32 to index
        %get3A_573 = arith.constant 560 : index
        %get3A_574 = tpu.vector_load %arg14[%get3A_572, %get3A_573] {strides = array<i32>} : memref<16x1024xf32, #tpu.memory_space<vmem>>, vector<1x16xf32>,
        %get3A_575 = vector.shape_cast %get3A_574 : vector<1x16xf32> to vector<16xf32>
        %mul3A_576 = arith.mulf %get3A_571, %get3A_575 : vector<16xf32>
        %add3A_577 = arith.addf %add3A_567, %mul3A_576 : vector<16xf32>
        %get3A_578 = arith.index_cast %scan3A_217 : i32 to index
        %get3A_579 = arith.constant 576 : index
        %get3A_580 = tpu.vector_load %arg13[%get3A_578, %get3A_579] {strides = array<i32>} : memref<16x1024xf32, #tpu.memory_space<vmem>>, vector<1x16xf32>,
        %get3A_581 = vector.shape_cast %get3A_580 : vector<1x16xf32> to vector<16xf32>
        %get3A_582 = arith.index_cast %scan3A_217 : i32 to index
        %get3A_583 = arith.constant 576 : index
        %get3A_584 = tpu.vector_load %arg14[%get3A_582, %get3A_583] {strides = array<i32>} : memref<16x1024xf32, #tpu.memory_space<vmem>>, vector<1x16xf32>,
        %get3A_585 = vector.shape_cast %get3A_584 : vector<1x16xf32> to vector<16xf32>
        %mul3A_586 = arith.mulf %get3A_581, %get3A_585 : vector<16xf32>
        %add3A_587 = arith.addf %add3A_577, %mul3A_586 : vector<16xf32>
        %get3A_588 = arith.index_cast %scan3A_217 : i32 to index
        %get3A_589 = arith.constant 592 : index
        %get3A_590 = tpu.vector_load %arg13[%get3A_588, %get3A_589] {strides = array<i32>} : memref<16x1024xf32, #tpu.memory_space<vmem>>, vector<1x16xf32>,
        %get3A_591 = vector.shape_cast %get3A_590 : vector<1x16xf32> to vector<16xf32>
        %get3A_592 = arith.index_cast %scan3A_217 : i32 to index
        %get3A_593 = arith.constant 592 : index
        %get3A_594 = tpu.vector_load %arg14[%get3A_592, %get3A_593] {strides = array<i32>} : memref<16x1024xf32, #tpu.memory_space<vmem>>, vector<1x16xf32>,
        %get3A_595 = vector.shape_cast %get3A_594 : vector<1x16xf32> to vector<16xf32>
        %mul3A_596 = arith.mulf %get3A_591, %get3A_595 : vector<16xf32>
        %add3A_597 = arith.addf %add3A_587, %mul3A_596 : vector<16xf32>
        %get3A_598 = arith.index_cast %scan3A_217 : i32 to index
        %get3A_599 = arith.constant 608 : index
        %get3A_600 = tpu.vector_load %arg13[%get3A_598, %get3A_599] {strides = array<i32>} : memref<16x1024xf32, #tpu.memory_space<vmem>>, vector<1x16xf32>,
        %get3A_601 = vector.shape_cast %get3A_600 : vector<1x16xf32> to vector<16xf32>
        %get3A_602 = arith.index_cast %scan3A_217 : i32 to index
        %get3A_603 = arith.constant 608 : index
        %get3A_604 = tpu.vector_load %arg14[%get3A_602, %get3A_603] {strides = array<i32>} : memref<16x1024xf32, #tpu.memory_space<vmem>>, vector<1x16xf32>,
        %get3A_605 = vector.shape_cast %get3A_604 : vector<1x16xf32> to vector<16xf32>
        %mul3A_606 = arith.mulf %get3A_601, %get3A_605 : vector<16xf32>
        %add3A_607 = arith.addf %add3A_597, %mul3A_606 : vector<16xf32>
        %get3A_608 = arith.index_cast %scan3A_217 : i32 to index
        %get3A_609 = arith.constant 624 : index
        %get3A_610 = tpu.vector_load %arg13[%get3A_608, %get3A_609] {strides = array<i32>} : memref<16x1024xf32, #tpu.memory_space<vmem>>, vector<1x16xf32>,
        %get3A_611 = vector.shape_cast %get3A_610 : vector<1x16xf32> to vector<16xf32>
        %get3A_612 = arith.index_cast %scan3A_217 : i32 to index
        %get3A_613 = arith.constant 624 : index
        %get3A_614 = tpu.vector_load %arg14[%get3A_612, %get3A_613] {strides = array<i32>} : memref<16x1024xf32, #tpu.memory_space<vmem>>, vector<1x16xf32>,
        %get3A_615 = vector.shape_cast %get3A_614 : vector<1x16xf32> to vector<16xf32>
        %mul3A_616 = arith.mulf %get3A_611, %get3A_615 : vector<16xf32>
        %add3A_617 = arith.addf %add3A_607, %mul3A_616 : vector<16xf32>
        %get3A_618 = arith.index_cast %scan3A_217 : i32 to index
        %get3A_619 = arith.constant 640 : index
        %get3A_620 = tpu.vector_load %arg13[%get3A_618, %get3A_619] {strides = array<i32>} : memref<16x1024xf32, #tpu.memory_space<vmem>>, vector<1x16xf32>,
        %get3A_621 = vector.shape_cast %get3A_620 : vector<1x16xf32> to vector<16xf32>
        %get3A_622 = arith.index_cast %scan3A_217 : i32 to index
        %get3A_623 = arith.constant 640 : index
        %get3A_624 = tpu.vector_load %arg14[%get3A_622, %get3A_623] {strides = array<i32>} : memref<16x1024xf32, #tpu.memory_space<vmem>>, vector<1x16xf32>,
        %get3A_625 = vector.shape_cast %get3A_624 : vector<1x16xf32> to vector<16xf32>
        %mul3A_626 = arith.mulf %get3A_621, %get3A_625 : vector<16xf32>
        %add3A_627 = arith.addf %add3A_617, %mul3A_626 : vector<16xf32>
        %get3A_628 = arith.index_cast %scan3A_217 : i32 to index
        %get3A_629 = arith.constant 656 : index
        %get3A_630 = tpu.vector_load %arg13[%get3A_628, %get3A_629] {strides = array<i32>} : memref<16x1024xf32, #tpu.memory_space<vmem>>, vector<1x16xf32>,
        %get3A_631 = vector.shape_cast %get3A_630 : vector<1x16xf32> to vector<16xf32>
        %get3A_632 = arith.index_cast %scan3A_217 : i32 to index
        %get3A_633 = arith.constant 656 : index
        %get3A_634 = tpu.vector_load %arg14[%get3A_632, %get3A_633] {strides = array<i32>} : memref<16x1024xf32, #tpu.memory_space<vmem>>, vector<1x16xf32>,
        %get3A_635 = vector.shape_cast %get3A_634 : vector<1x16xf32> to vector<16xf32>
        %mul3A_636 = arith.mulf %get3A_631, %get3A_635 : vector<16xf32>
        %add3A_637 = arith.addf %add3A_627, %mul3A_636 : vector<16xf32>
        %get3A_638 = arith.index_cast %scan3A_217 : i32 to index
        %get3A_639 = arith.constant 672 : index
        %get3A_640 = tpu.vector_load %arg13[%get3A_638, %get3A_639] {strides = array<i32>} : memref<16x1024xf32, #tpu.memory_space<vmem>>, vector<1x16xf32>,
        %get3A_641 = vector.shape_cast %get3A_640 : vector<1x16xf32> to vector<16xf32>
        %get3A_642 = arith.index_cast %scan3A_217 : i32 to index
        %get3A_643 = arith.constant 672 : index
        %get3A_644 = tpu.vector_load %arg14[%get3A_642, %get3A_643] {strides = array<i32>} : memref<16x1024xf32, #tpu.memory_space<vmem>>, vector<1x16xf32>,
        %get3A_645 = vector.shape_cast %get3A_644 : vector<1x16xf32> to vector<16xf32>
        %mul3A_646 = arith.mulf %get3A_641, %get3A_645 : vector<16xf32>
        %add3A_647 = arith.addf %add3A_637, %mul3A_646 : vector<16xf32>
        %get3A_648 = arith.index_cast %scan3A_217 : i32 to index
        %get3A_649 = arith.constant 688 : index
        %get3A_650 = tpu.vector_load %arg13[%get3A_648, %get3A_649] {strides = array<i32>} : memref<16x1024xf32, #tpu.memory_space<vmem>>, vector<1x16xf32>,
        %get3A_651 = vector.shape_cast %get3A_650 : vector<1x16xf32> to vector<16xf32>
        %get3A_652 = arith.index_cast %scan3A_217 : i32 to index
        %get3A_653 = arith.constant 688 : index
        %get3A_654 = tpu.vector_load %arg14[%get3A_652, %get3A_653] {strides = array<i32>} : memref<16x1024xf32, #tpu.memory_space<vmem>>, vector<1x16xf32>,
        %get3A_655 = vector.shape_cast %get3A_654 : vector<1x16xf32> to vector<16xf32>
        %mul3A_656 = arith.mulf %get3A_651, %get3A_655 : vector<16xf32>
        %add3A_657 = arith.addf %add3A_647, %mul3A_656 : vector<16xf32>
        %get3A_658 = arith.index_cast %scan3A_217 : i32 to index
        %get3A_659 = arith.constant 704 : index
        %get3A_660 = tpu.vector_load %arg13[%get3A_658, %get3A_659] {strides = array<i32>} : memref<16x1024xf32, #tpu.memory_space<vmem>>, vector<1x16xf32>,
        %get3A_661 = vector.shape_cast %get3A_660 : vector<1x16xf32> to vector<16xf32>
        %get3A_662 = arith.index_cast %scan3A_217 : i32 to index
        %get3A_663 = arith.constant 704 : index
        %get3A_664 = tpu.vector_load %arg14[%get3A_662, %get3A_663] {strides = array<i32>} : memref<16x1024xf32, #tpu.memory_space<vmem>>, vector<1x16xf32>,
        %get3A_665 = vector.shape_cast %get3A_664 : vector<1x16xf32> to vector<16xf32>
        %mul3A_666 = arith.mulf %get3A_661, %get3A_665 : vector<16xf32>
        %add3A_667 = arith.addf %add3A_657, %mul3A_666 : vector<16xf32>
        %get3A_668 = arith.index_cast %scan3A_217 : i32 to index
        %get3A_669 = arith.constant 720 : index
        %get3A_670 = tpu.vector_load %arg13[%get3A_668, %get3A_669] {strides = array<i32>} : memref<16x1024xf32, #tpu.memory_space<vmem>>, vector<1x16xf32>,
        %get3A_671 = vector.shape_cast %get3A_670 : vector<1x16xf32> to vector<16xf32>
        %get3A_672 = arith.index_cast %scan3A_217 : i32 to index
        %get3A_673 = arith.constant 720 : index
        %get3A_674 = tpu.vector_load %arg14[%get3A_672, %get3A_673] {strides = array<i32>} : memref<16x1024xf32, #tpu.memory_space<vmem>>, vector<1x16xf32>,
        %get3A_675 = vector.shape_cast %get3A_674 : vector<1x16xf32> to vector<16xf32>
        %mul3A_676 = arith.mulf %get3A_671, %get3A_675 : vector<16xf32>
        %add3A_677 = arith.addf %add3A_667, %mul3A_676 : vector<16xf32>
        %get3A_678 = arith.index_cast %scan3A_217 : i32 to index
        %get3A_679 = arith.constant 736 : index
        %get3A_680 = tpu.vector_load %arg13[%get3A_678, %get3A_679] {strides = array<i32>} : memref<16x1024xf32, #tpu.memory_space<vmem>>, vector<1x16xf32>,
        %get3A_681 = vector.shape_cast %get3A_680 : vector<1x16xf32> to vector<16xf32>
        %get3A_682 = arith.index_cast %scan3A_217 : i32 to index
        %get3A_683 = arith.constant 736 : index
        %get3A_684 = tpu.vector_load %arg14[%get3A_682, %get3A_683] {strides = array<i32>} : memref<16x1024xf32, #tpu.memory_space<vmem>>, vector<1x16xf32>,
        %get3A_685 = vector.shape_cast %get3A_684 : vector<1x16xf32> to vector<16xf32>
        %mul3A_686 = arith.mulf %get3A_681, %get3A_685 : vector<16xf32>
        %add3A_687 = arith.addf %add3A_677, %mul3A_686 : vector<16xf32>
        %get3A_688 = arith.index_cast %scan3A_217 : i32 to index
        %get3A_689 = arith.constant 752 : index
        %get3A_690 = tpu.vector_load %arg13[%get3A_688, %get3A_689] {strides = array<i32>} : memref<16x1024xf32, #tpu.memory_space<vmem>>, vector<1x16xf32>,
        %get3A_691 = vector.shape_cast %get3A_690 : vector<1x16xf32> to vector<16xf32>
        %get3A_692 = arith.index_cast %scan3A_217 : i32 to index
        %get3A_693 = arith.constant 752 : index
        %get3A_694 = tpu.vector_load %arg14[%get3A_692, %get3A_693] {strides = array<i32>} : memref<16x1024xf32, #tpu.memory_space<vmem>>, vector<1x16xf32>,
        %get3A_695 = vector.shape_cast %get3A_694 : vector<1x16xf32> to vector<16xf32>
        %mul3A_696 = arith.mulf %get3A_691, %get3A_695 : vector<16xf32>
        %add3A_697 = arith.addf %add3A_687, %mul3A_696 : vector<16xf32>
        %get3A_698 = arith.index_cast %scan3A_217 : i32 to index
        %get3A_699 = arith.constant 768 : index
        %get3A_700 = tpu.vector_load %arg13[%get3A_698, %get3A_699] {strides = array<i32>} : memref<16x1024xf32, #tpu.memory_space<vmem>>, vector<1x16xf32>,
        %get3A_701 = vector.shape_cast %get3A_700 : vector<1x16xf32> to vector<16xf32>
        %get3A_702 = arith.index_cast %scan3A_217 : i32 to index
        %get3A_703 = arith.constant 768 : index
        %get3A_704 = tpu.vector_load %arg14[%get3A_702, %get3A_703] {strides = array<i32>} : memref<16x1024xf32, #tpu.memory_space<vmem>>, vector<1x16xf32>,
        %get3A_705 = vector.shape_cast %get3A_704 : vector<1x16xf32> to vector<16xf32>
        %mul3A_706 = arith.mulf %get3A_701, %get3A_705 : vector<16xf32>
        %add3A_707 = arith.addf %add3A_697, %mul3A_706 : vector<16xf32>
        %get3A_708 = arith.index_cast %scan3A_217 : i32 to index
        %get3A_709 = arith.constant 784 : index
        %get3A_710 = tpu.vector_load %arg13[%get3A_708, %get3A_709] {strides = array<i32>} : memref<16x1024xf32, #tpu.memory_space<vmem>>, vector<1x16xf32>,
        %get3A_711 = vector.shape_cast %get3A_710 : vector<1x16xf32> to vector<16xf32>
        %get3A_712 = arith.index_cast %scan3A_217 : i32 to index
        %get3A_713 = arith.constant 784 : index
        %get3A_714 = tpu.vector_load %arg14[%get3A_712, %get3A_713] {strides = array<i32>} : memref<16x1024xf32, #tpu.memory_space<vmem>>, vector<1x16xf32>,
        %get3A_715 = vector.shape_cast %get3A_714 : vector<1x16xf32> to vector<16xf32>
        %mul3A_716 = arith.mulf %get3A_711, %get3A_715 : vector<16xf32>
        %add3A_717 = arith.addf %add3A_707, %mul3A_716 : vector<16xf32>
        %get3A_718 = arith.index_cast %scan3A_217 : i32 to index
        %get3A_719 = arith.constant 800 : index
        %get3A_720 = tpu.vector_load %arg13[%get3A_718, %get3A_719] {strides = array<i32>} : memref<16x1024xf32, #tpu.memory_space<vmem>>, vector<1x16xf32>,
        %get3A_721 = vector.shape_cast %get3A_720 : vector<1x16xf32> to vector<16xf32>
        %get3A_722 = arith.index_cast %scan3A_217 : i32 to index
        %get3A_723 = arith.constant 800 : index
        %get3A_724 = tpu.vector_load %arg14[%get3A_722, %get3A_723] {strides = array<i32>} : memref<16x1024xf32, #tpu.memory_space<vmem>>, vector<1x16xf32>,
        %get3A_725 = vector.shape_cast %get3A_724 : vector<1x16xf32> to vector<16xf32>
        %mul3A_726 = arith.mulf %get3A_721, %get3A_725 : vector<16xf32>
        %add3A_727 = arith.addf %add3A_717, %mul3A_726 : vector<16xf32>
        %get3A_728 = arith.index_cast %scan3A_217 : i32 to index
        %get3A_729 = arith.constant 816 : index
        %get3A_730 = tpu.vector_load %arg13[%get3A_728, %get3A_729] {strides = array<i32>} : memref<16x1024xf32, #tpu.memory_space<vmem>>, vector<1x16xf32>,
        %get3A_731 = vector.shape_cast %get3A_730 : vector<1x16xf32> to vector<16xf32>
        %get3A_732 = arith.index_cast %scan3A_217 : i32 to index
        %get3A_733 = arith.constant 816 : index
        %get3A_734 = tpu.vector_load %arg14[%get3A_732, %get3A_733] {strides = array<i32>} : memref<16x1024xf32, #tpu.memory_space<vmem>>, vector<1x16xf32>,
        %get3A_735 = vector.shape_cast %get3A_734 : vector<1x16xf32> to vector<16xf32>
        %mul3A_736 = arith.mulf %get3A_731, %get3A_735 : vector<16xf32>
        %add3A_737 = arith.addf %add3A_727, %mul3A_736 : vector<16xf32>
        %get3A_738 = arith.index_cast %scan3A_217 : i32 to index
        %get3A_739 = arith.constant 832 : index
        %get3A_740 = tpu.vector_load %arg13[%get3A_738, %get3A_739] {strides = array<i32>} : memref<16x1024xf32, #tpu.memory_space<vmem>>, vector<1x16xf32>,
        %get3A_741 = vector.shape_cast %get3A_740 : vector<1x16xf32> to vector<16xf32>
        %get3A_742 = arith.index_cast %scan3A_217 : i32 to index
        %get3A_743 = arith.constant 832 : index
        %get3A_744 = tpu.vector_load %arg14[%get3A_742, %get3A_743] {strides = array<i32>} : memref<16x1024xf32, #tpu.memory_space<vmem>>, vector<1x16xf32>,
        %get3A_745 = vector.shape_cast %get3A_744 : vector<1x16xf32> to vector<16xf32>
        %mul3A_746 = arith.mulf %get3A_741, %get3A_745 : vector<16xf32>
        %add3A_747 = arith.addf %add3A_737, %mul3A_746 : vector<16xf32>
        %get3A_748 = arith.index_cast %scan3A_217 : i32 to index
        %get3A_749 = arith.constant 848 : index
        %get3A_750 = tpu.vector_load %arg13[%get3A_748, %get3A_749] {strides = array<i32>} : memref<16x1024xf32, #tpu.memory_space<vmem>>, vector<1x16xf32>,
        %get3A_751 = vector.shape_cast %get3A_750 : vector<1x16xf32> to vector<16xf32>
        %get3A_752 = arith.index_cast %scan3A_217 : i32 to index
        %get3A_753 = arith.constant 848 : index
        %get3A_754 = tpu.vector_load %arg14[%get3A_752, %get3A_753] {strides = array<i32>} : memref<16x1024xf32, #tpu.memory_space<vmem>>, vector<1x16xf32>,
        %get3A_755 = vector.shape_cast %get3A_754 : vector<1x16xf32> to vector<16xf32>
        %mul3A_756 = arith.mulf %get3A_751, %get3A_755 : vector<16xf32>
        %add3A_757 = arith.addf %add3A_747, %mul3A_756 : vector<16xf32>
        %get3A_758 = arith.index_cast %scan3A_217 : i32 to index
        %get3A_759 = arith.constant 864 : index
        %get3A_760 = tpu.vector_load %arg13[%get3A_758, %get3A_759] {strides = array<i32>} : memref<16x1024xf32, #tpu.memory_space<vmem>>, vector<1x16xf32>,
        %get3A_761 = vector.shape_cast %get3A_760 : vector<1x16xf32> to vector<16xf32>
        %get3A_762 = arith.index_cast %scan3A_217 : i32 to index
        %get3A_763 = arith.constant 864 : index
        %get3A_764 = tpu.vector_load %arg14[%get3A_762, %get3A_763] {strides = array<i32>} : memref<16x1024xf32, #tpu.memory_space<vmem>>, vector<1x16xf32>,
        %get3A_765 = vector.shape_cast %get3A_764 : vector<1x16xf32> to vector<16xf32>
        %mul3A_766 = arith.mulf %get3A_761, %get3A_765 : vector<16xf32>
        %add3A_767 = arith.addf %add3A_757, %mul3A_766 : vector<16xf32>
        %get3A_768 = arith.index_cast %scan3A_217 : i32 to index
        %get3A_769 = arith.constant 880 : index
        %get3A_770 = tpu.vector_load %arg13[%get3A_768, %get3A_769] {strides = array<i32>} : memref<16x1024xf32, #tpu.memory_space<vmem>>, vector<1x16xf32>,
        %get3A_771 = vector.shape_cast %get3A_770 : vector<1x16xf32> to vector<16xf32>
        %get3A_772 = arith.index_cast %scan3A_217 : i32 to index
        %get3A_773 = arith.constant 880 : index
        %get3A_774 = tpu.vector_load %arg14[%get3A_772, %get3A_773] {strides = array<i32>} : memref<16x1024xf32, #tpu.memory_space<vmem>>, vector<1x16xf32>,
        %get3A_775 = vector.shape_cast %get3A_774 : vector<1x16xf32> to vector<16xf32>
        %mul3A_776 = arith.mulf %get3A_771, %get3A_775 : vector<16xf32>
        %add3A_777 = arith.addf %add3A_767, %mul3A_776 : vector<16xf32>
        %get3A_778 = arith.index_cast %scan3A_217 : i32 to index
        %get3A_779 = arith.constant 896 : index
        %get3A_780 = tpu.vector_load %arg13[%get3A_778, %get3A_779] {strides = array<i32>} : memref<16x1024xf32, #tpu.memory_space<vmem>>, vector<1x16xf32>,
        %get3A_781 = vector.shape_cast %get3A_780 : vector<1x16xf32> to vector<16xf32>
        %get3A_782 = arith.index_cast %scan3A_217 : i32 to index
        %get3A_783 = arith.constant 896 : index
        %get3A_784 = tpu.vector_load %arg14[%get3A_782, %get3A_783] {strides = array<i32>} : memref<16x1024xf32, #tpu.memory_space<vmem>>, vector<1x16xf32>,
        %get3A_785 = vector.shape_cast %get3A_784 : vector<1x16xf32> to vector<16xf32>
        %mul3A_786 = arith.mulf %get3A_781, %get3A_785 : vector<16xf32>
        %add3A_787 = arith.addf %add3A_777, %mul3A_786 : vector<16xf32>
        %get3A_788 = arith.index_cast %scan3A_217 : i32 to index
        %get3A_789 = arith.constant 912 : index
        %get3A_790 = tpu.vector_load %arg13[%get3A_788, %get3A_789] {strides = array<i32>} : memref<16x1024xf32, #tpu.memory_space<vmem>>, vector<1x16xf32>,
        %get3A_791 = vector.shape_cast %get3A_790 : vector<1x16xf32> to vector<16xf32>
        %get3A_792 = arith.index_cast %scan3A_217 : i32 to index
        %get3A_793 = arith.constant 912 : index
        %get3A_794 = tpu.vector_load %arg14[%get3A_792, %get3A_793] {strides = array<i32>} : memref<16x1024xf32, #tpu.memory_space<vmem>>, vector<1x16xf32>,
        %get3A_795 = vector.shape_cast %get3A_794 : vector<1x16xf32> to vector<16xf32>
        %mul3A_796 = arith.mulf %get3A_791, %get3A_795 : vector<16xf32>
        %add3A_797 = arith.addf %add3A_787, %mul3A_796 : vector<16xf32>
        %get3A_798 = arith.index_cast %scan3A_217 : i32 to index
        %get3A_799 = arith.constant 928 : index
        %get3A_800 = tpu.vector_load %arg13[%get3A_798, %get3A_799] {strides = array<i32>} : memref<16x1024xf32, #tpu.memory_space<vmem>>, vector<1x16xf32>,
        %get3A_801 = vector.shape_cast %get3A_800 : vector<1x16xf32> to vector<16xf32>
        %get3A_802 = arith.index_cast %scan3A_217 : i32 to index
        %get3A_803 = arith.constant 928 : index
        %get3A_804 = tpu.vector_load %arg14[%get3A_802, %get3A_803] {strides = array<i32>} : memref<16x1024xf32, #tpu.memory_space<vmem>>, vector<1x16xf32>,
        %get3A_805 = vector.shape_cast %get3A_804 : vector<1x16xf32> to vector<16xf32>
        %mul3A_806 = arith.mulf %get3A_801, %get3A_805 : vector<16xf32>
        %add3A_807 = arith.addf %add3A_797, %mul3A_806 : vector<16xf32>
        %get3A_808 = arith.index_cast %scan3A_217 : i32 to index
        %get3A_809 = arith.constant 944 : index
        %get3A_810 = tpu.vector_load %arg13[%get3A_808, %get3A_809] {strides = array<i32>} : memref<16x1024xf32, #tpu.memory_space<vmem>>, vector<1x16xf32>,
        %get3A_811 = vector.shape_cast %get3A_810 : vector<1x16xf32> to vector<16xf32>
        %get3A_812 = arith.index_cast %scan3A_217 : i32 to index
        %get3A_813 = arith.constant 944 : index
        %get3A_814 = tpu.vector_load %arg14[%get3A_812, %get3A_813] {strides = array<i32>} : memref<16x1024xf32, #tpu.memory_space<vmem>>, vector<1x16xf32>,
        %get3A_815 = vector.shape_cast %get3A_814 : vector<1x16xf32> to vector<16xf32>
        %mul3A_816 = arith.mulf %get3A_811, %get3A_815 : vector<16xf32>
        %add3A_817 = arith.addf %add3A_807, %mul3A_816 : vector<16xf32>
        %get3A_818 = arith.index_cast %scan3A_217 : i32 to index
        %get3A_819 = arith.constant 960 : index
        %get3A_820 = tpu.vector_load %arg13[%get3A_818, %get3A_819] {strides = array<i32>} : memref<16x1024xf32, #tpu.memory_space<vmem>>, vector<1x16xf32>,
        %get3A_821 = vector.shape_cast %get3A_820 : vector<1x16xf32> to vector<16xf32>
        %get3A_822 = arith.index_cast %scan3A_217 : i32 to index
        %get3A_823 = arith.constant 960 : index
        %get3A_824 = tpu.vector_load %arg14[%get3A_822, %get3A_823] {strides = array<i32>} : memref<16x1024xf32, #tpu.memory_space<vmem>>, vector<1x16xf32>,
        %get3A_825 = vector.shape_cast %get3A_824 : vector<1x16xf32> to vector<16xf32>
        %mul3A_826 = arith.mulf %get3A_821, %get3A_825 : vector<16xf32>
        %add3A_827 = arith.addf %add3A_817, %mul3A_826 : vector<16xf32>
        %get3A_828 = arith.index_cast %scan3A_217 : i32 to index
        %get3A_829 = arith.constant 976 : index
        %get3A_830 = tpu.vector_load %arg13[%get3A_828, %get3A_829] {strides = array<i32>} : memref<16x1024xf32, #tpu.memory_space<vmem>>, vector<1x16xf32>,
        %get3A_831 = vector.shape_cast %get3A_830 : vector<1x16xf32> to vector<16xf32>
        %get3A_832 = arith.index_cast %scan3A_217 : i32 to index
        %get3A_833 = arith.constant 976 : index
        %get3A_834 = tpu.vector_load %arg14[%get3A_832, %get3A_833] {strides = array<i32>} : memref<16x1024xf32, #tpu.memory_space<vmem>>, vector<1x16xf32>,
        %get3A_835 = vector.shape_cast %get3A_834 : vector<1x16xf32> to vector<16xf32>
        %mul3A_836 = arith.mulf %get3A_831, %get3A_835 : vector<16xf32>
        %add3A_837 = arith.addf %add3A_827, %mul3A_836 : vector<16xf32>
        %get3A_838 = arith.index_cast %scan3A_217 : i32 to index
        %get3A_839 = arith.constant 992 : index
        %get3A_840 = tpu.vector_load %arg13[%get3A_838, %get3A_839] {strides = array<i32>} : memref<16x1024xf32, #tpu.memory_space<vmem>>, vector<1x16xf32>,
        %get3A_841 = vector.shape_cast %get3A_840 : vector<1x16xf32> to vector<16xf32>
        %get3A_842 = arith.index_cast %scan3A_217 : i32 to index
        %get3A_843 = arith.constant 992 : index
        %get3A_844 = tpu.vector_load %arg14[%get3A_842, %get3A_843] {strides = array<i32>} : memref<16x1024xf32, #tpu.memory_space<vmem>>, vector<1x16xf32>,
        %get3A_845 = vector.shape_cast %get3A_844 : vector<1x16xf32> to vector<16xf32>
        %mul3A_846 = arith.mulf %get3A_841, %get3A_845 : vector<16xf32>
        %add3A_847 = arith.addf %add3A_837, %mul3A_846 : vector<16xf32>
        %get3A_848 = arith.index_cast %scan3A_217 : i32 to index
        %get3A_849 = arith.constant 1008 : index
        %get3A_850 = tpu.vector_load %arg13[%get3A_848, %get3A_849] {strides = array<i32>} : memref<16x1024xf32, #tpu.memory_space<vmem>>, vector<1x16xf32>,
        %get3A_851 = vector.shape_cast %get3A_850 : vector<1x16xf32> to vector<16xf32>
        %get3A_852 = arith.index_cast %scan3A_217 : i32 to index
        %get3A_853 = arith.constant 1008 : index
        %get3A_854 = tpu.vector_load %arg14[%get3A_852, %get3A_853] {strides = array<i32>} : memref<16x1024xf32, #tpu.memory_space<vmem>>, vector<1x16xf32>,
        %get3A_855 = vector.shape_cast %get3A_854 : vector<1x16xf32> to vector<16xf32>
        %mul3A_856 = arith.mulf %get3A_851, %get3A_855 : vector<16xf32>
        %add3A_857 = arith.addf %add3A_847, %mul3A_856 : vector<16xf32>
        %lt3A_858 = arith.constant 0 : i32
        %lt3A_859 = vector.broadcast %lt3A_858 : i32 to vector<16xi32>
        %lt3A_860 = arith.cmpi slt, %xor3A_4, %lt3A_859 : vector<16xi32>
        %add3A_861 = arith.constant 16 : i32
        %add3A_862 = vector.broadcast %add3A_861 : i32 to vector<16xi32>
        %add3A_863 = arith.addi %xor3A_4, %add3A_862 : vector<16xi32>
        %select_n3A = arith.select %lt3A_860, %add3A_863, %xor3A_4 : vector<16xi1>, vector<16xi32>
        %broadcast_in_dim3A_864 = vector.shape_cast %select_n3A : vector<16xi32> to vector<16x1xi32>
        %gather3A = vector.shape_cast %broadcast_in_dim3A_864 : vector<16x1xi32> to vector<16xi32>
        %gather3A_865 = tpu.dynamic_gather %add3A_857[%gather3A] in [0] : vector<16xf32>, vector<16xi32> -> vector<16xf32>
        %add3A_866 = arith.addf %add3A_857, %gather3A_865 : vector<16xf32>
        %lt3A_867 = arith.constant 0 : i32
        %lt3A_868 = vector.broadcast %lt3A_867 : i32 to vector<16xi32>
        %lt3A_869 = arith.cmpi slt, %xor3A_7, %lt3A_868 : vector<16xi32>
        %add3A_870 = arith.constant 16 : i32
        %add3A_871 = vector.broadcast %add3A_870 : i32 to vector<16xi32>
        %add3A_872 = arith.addi %xor3A_7, %add3A_871 : vector<16xi32>
        %select_n3A_873 = arith.select %lt3A_869, %add3A_872, %xor3A_7 : vector<16xi1>, vector<16xi32>
        %broadcast_in_dim3A_874 = vector.shape_cast %select_n3A_873 : vector<16xi32> to vector<16x1xi32>
        %gather3A_875 = vector.shape_cast %broadcast_in_dim3A_874 : vector<16x1xi32> to vector<16xi32>
        %gather3A_876 = tpu.dynamic_gather %add3A_866[%gather3A_875] in [0] : vector<16xf32>, vector<16xi32> -> vector<16xf32>
        %add3A_877 = arith.addf %add3A_866, %gather3A_876 : vector<16xf32>
        %lt3A_878 = arith.constant 0 : i32
        %lt3A_879 = vector.broadcast %lt3A_878 : i32 to vector<16xi32>
        %lt3A_880 = arith.cmpi slt, %xor3A_10, %lt3A_879 : vector<16xi32>
        %add3A_881 = arith.constant 16 : i32
        %add3A_882 = vector.broadcast %add3A_881 : i32 to vector<16xi32>
        %add3A_883 = arith.addi %xor3A_10, %add3A_882 : vector<16xi32>
        %select_n3A_884 = arith.select %lt3A_880, %add3A_883, %xor3A_10 : vector<16xi1>, vector<16xi32>
        %broadcast_in_dim3A_885 = vector.shape_cast %select_n3A_884 : vector<16xi32> to vector<16x1xi32>
        %gather3A_886 = vector.shape_cast %broadcast_in_dim3A_885 : vector<16x1xi32> to vector<16xi32>
        %gather3A_887 = tpu.dynamic_gather %add3A_877[%gather3A_886] in [0] : vector<16xf32>, vector<16xi32> -> vector<16xf32>
        %add3A_888 = arith.addf %add3A_877, %gather3A_887 : vector<16xf32>
        %lt3A_889 = arith.constant 0 : i32
        %lt3A_890 = vector.broadcast %lt3A_889 : i32 to vector<16xi32>
        %lt3A_891 = arith.cmpi slt, %xor3A_13, %lt3A_890 : vector<16xi32>
        %add3A_892 = arith.constant 16 : i32
        %add3A_893 = vector.broadcast %add3A_892 : i32 to vector<16xi32>
        %add3A_894 = arith.addi %xor3A_13, %add3A_893 : vector<16xi32>
        %select_n3A_895 = arith.select %lt3A_891, %add3A_894, %xor3A_13 : vector<16xi1>, vector<16xi32>
        %broadcast_in_dim3A_896 = vector.shape_cast %select_n3A_895 : vector<16xi32> to vector<16x1xi32>
        %gather3A_897 = vector.shape_cast %broadcast_in_dim3A_896 : vector<16x1xi32> to vector<16xi32>
        %gather3A_898 = tpu.dynamic_gather %add3A_888[%gather3A_897] in [0] : vector<16xf32>, vector<16xi32> -> vector<16xf32>
        %add3A_899 = arith.addf %add3A_888, %gather3A_898 : vector<16xf32>
        %eq3A = vector.broadcast %scan3A_217 : i32 to vector<16xi32>
        %eq3A_900 = arith.cmpi eq, %iota3A, %eq3A : vector<16xi32>
        %select_n3A_901 = arith.select %eq3A_900, %add3A_899, %scan3A_218 : vector<16xi1>, vector<16xf32>
        scf.yield %select_n3A_901 : vector<16xf32>
      }
      %scan3A_194 = arith.constant 16 : i32
      %mul3A_195 = arith.constant 16 : i32
      %mul3A_196 = arith.muli %add3A_186, %mul3A_195 : i32
      %multiple_of3A_197 = tpu.assume_multiple %mul3A_196, 16 : i32
      %jit3A_198 = arith.constant 0.000000e+00 : f32
      %jit3A_199 = arith.constant 1.000000e+00 : f32
      %max3A_200 = vector.broadcast %jit3A_198 : f32 to vector<16xf32>
      %max3A_201 = arith.maximumf %max3A_200, %scan3A_193 : vector<16xf32>
      %min3A_202 = vector.broadcast %jit3A_199 : f32 to vector<16xf32>
      %min3A_203 = arith.minimumf %min3A_202, %max3A_201 : vector<16xf32>
      %swap3A_204 = arith.index_cast %multiple_of3A_197 : i32 to index
      %swap3A_205 = tpu.vector_load %arg8[%swap3A_204] {strides = array<i32>} : memref<10000xf32, #tpu.memory_space<vmem>>, vector<16xf32>,
      %swap3A_206 = vector.shape_cast %swap3A_205 : vector<16xf32> to vector<16xf32>
      %swap3A_207 = vector.shape_cast %min3A_203 : vector<16xf32> to vector<16xf32>
      tpu.vector_store %arg8[%swap3A_204], %swap3A_207 {strides = array<i32>} : memref<10000xf32, #tpu.memory_space<vmem>>, vector<16xf32>,
      %add3A_208 = arith.constant 2 : i32
      %add3A_209 = arith.addi %mul3A_87, %add3A_208 : i32
      %add3A_210 = arith.constant 3 : i32
      %add3A_211 = arith.addi %add3A_209, %add3A_210 : i32
      %lt3A_212 = arith.constant 625 : i32
      %lt3A_213 = arith.cmpi slt, %add3A_211, %lt3A_212 : i32
      %convert_element_type3A_214 = arith.extui %lt3A_213 : i1 to i32
      %cond3A_215 = arith.constant 0 : i32
      %cond3A_216 = arith.cmpi ne, %convert_element_type3A_214, %cond3A_215 : i32
      scf.if %cond3A_216 {
        %add3A_217 = arith.constant 2 : i32
        %add3A_218 = arith.addi %mul3A_87, %add3A_217 : i32
        %add3A_219 = arith.constant 3 : i32
        %add3A_220 = arith.addi %add3A_218, %add3A_219 : i32
        %mul3A_221 = arith.constant 16 : i32
        %mul3A_222 = arith.muli %add3A_220, %mul3A_221 : i32
        %multiple_of3A_223 = tpu.assume_multiple %mul3A_222, 16 : i32
        %get3A_224 = arith.index_cast %multiple_of3A_223 : i32 to index
        %get3A_225 = tpu.vector_load %arg6[%get3A_224] {strides = array<i32>} : memref<10000xi32, #tpu.memory_space<vmem>>, vector<16xi32>,
        %get3A_226 = vector.shape_cast %get3A_225 : vector<16xi32> to vector<16xi32>
        %dma_start3A_227 = arith.constant 0 : i32
        %dma_start3A_228 = arith.constant 0 : i32
        %dma_start3A_229 = tpu.memref_slice %arg2[%dma_start3A_227, %dma_start3A_228] : memref<10000x1024xf32, #tpu.memory_space<hbm>> -> memref<10000x1024xf32, #tpu.memory_space<hbm>>
        tpu.enqueue_indirect_dma source(%dma_start3A_229 : memref<10000x1024xf32, #tpu.memory_space<hbm>>) target(%arg13 : memref<16x1024xf32, #tpu.memory_space<vmem>>) offsets(%get3A_226 : vector<16xi32>) semaphore(%arg17 : memref<!tpu.dma_semaphore, #tpu.memory_space<semaphore_mem>>)
        %get3A_230 = arith.index_cast %multiple_of3A_223 : i32 to index
        %get3A_231 = tpu.vector_load %arg7[%get3A_230] {strides = array<i32>} : memref<10000xi32, #tpu.memory_space<vmem>>, vector<16xi32>,
        %get3A_232 = vector.shape_cast %get3A_231 : vector<16xi32> to vector<16xi32>
        %dma_start3A_233 = arith.constant 0 : i32
        %dma_start3A_234 = arith.constant 0 : i32
        %dma_start3A_235 = tpu.memref_slice %arg2[%dma_start3A_233, %dma_start3A_234] : memref<10000x1024xf32, #tpu.memory_space<hbm>> -> memref<10000x1024xf32, #tpu.memory_space<hbm>>
        tpu.enqueue_indirect_dma source(%dma_start3A_235 : memref<10000x1024xf32, #tpu.memory_space<hbm>>) target(%arg14 : memref<16x1024xf32, #tpu.memory_space<vmem>>) offsets(%get3A_232 : vector<16xi32>) semaphore(%arg17 : memref<!tpu.dma_semaphore, #tpu.memory_space<semaphore_mem>>)
      } else {
      }
    }
    %scan3A_58 = arith.constant 208 : i32
    %dma_wait3A = arith.constant 0 : i32
    %dma_wait3A_59 = arith.constant 0 : i32
    %dma_wait3A_60 = tpu.memref_slice %arg2[%dma_wait3A, %dma_wait3A_59] : memref<10000x1024xf32, #tpu.memory_space<hbm>> -> memref<16x1024xf32, #tpu.memory_space<hbm>>
    %dma_wait3A_61 = arith.constant 0 : i32
    %dma_wait3A_62 = arith.constant 0 : i32
    %dma_wait3A_63 = tpu.memref_slice %arg2[%dma_wait3A_61, %dma_wait3A_62] : memref<10000x1024xf32, #tpu.memory_space<hbm>> -> memref<16x1024xf32, #tpu.memory_space<hbm>>
    tpu.wait_dma2 semaphore(%arg15 : memref<!tpu.dma_semaphore, #tpu.memory_space<semaphore_mem>>) src(%dma_wait3A_63 : memref<16x1024xf32, #tpu.memory_space<hbm>>) dst(%arg9 : memref<16x1024xf32, #tpu.memory_space<vmem>>)
    %dma_wait3A_64 = arith.constant 0 : i32
    %dma_wait3A_65 = arith.constant 0 : i32
    %dma_wait3A_66 = tpu.memref_slice %arg2[%dma_wait3A_64, %dma_wait3A_65] : memref<10000x1024xf32, #tpu.memory_space<hbm>> -> memref<16x1024xf32, #tpu.memory_space<hbm>>
    %dma_wait3A_67 = arith.constant 0 : i32
    %dma_wait3A_68 = arith.constant 0 : i32
    %dma_wait3A_69 = tpu.memref_slice %arg2[%dma_wait3A_67, %dma_wait3A_68] : memref<10000x1024xf32, #tpu.memory_space<hbm>> -> memref<16x1024xf32, #tpu.memory_space<hbm>>
    tpu.wait_dma2 semaphore(%arg15 : memref<!tpu.dma_semaphore, #tpu.memory_space<semaphore_mem>>) src(%dma_wait3A_69 : memref<16x1024xf32, #tpu.memory_space<hbm>>) dst(%arg10 : memref<16x1024xf32, #tpu.memory_space<vmem>>)
    %broadcast_in_dim3A = arith.constant 0.000000e+00 : f32
    %broadcast_in_dim3A_70 = vector.broadcast %broadcast_in_dim3A : f32 to vector<16xf32>
    %scan3A_71 = arith.constant 0 : i32
    %scan3A_72 = arith.constant 16 : i32
    %scan3A_73 = arith.addi %scan3A_71, %scan3A_72 : i32
    %scan3A_74 = arith.constant 1 : i32
    %scan3A_75 = scf.for %scan3A_85 = %scan3A_71 to %scan3A_73 step %scan3A_74 iter_args(%scan3A_86 = %broadcast_in_dim3A_70) -> (vector<16xf32>)  : i32 {
      %get3A_87 = arith.index_cast %scan3A_85 : i32 to index
      %get3A_88 = arith.constant 0 : index
      %get3A_89 = tpu.vector_load %arg9[%get3A_87, %get3A_88] {strides = array<i32>} : memref<16x1024xf32, #tpu.memory_space<vmem>>, vector<1x16xf32>,
      %get3A_90 = vector.shape_cast %get3A_89 : vector<1x16xf32> to vector<16xf32>
      %get3A_91 = arith.index_cast %scan3A_85 : i32 to index
      %get3A_92 = arith.constant 0 : index
      %get3A_93 = tpu.vector_load %arg10[%get3A_91, %get3A_92] {strides = array<i32>} : memref<16x1024xf32, #tpu.memory_space<vmem>>, vector<1x16xf32>,
      %get3A_94 = vector.shape_cast %get3A_93 : vector<1x16xf32> to vector<16xf32>
      %mul3A_95 = arith.mulf %get3A_90, %get3A_94 : vector<16xf32>
      %get3A_96 = arith.index_cast %scan3A_85 : i32 to index
      %get3A_97 = arith.constant 16 : index
      %get3A_98 = tpu.vector_load %arg9[%get3A_96, %get3A_97] {strides = array<i32>} : memref<16x1024xf32, #tpu.memory_space<vmem>>, vector<1x16xf32>,
      %get3A_99 = vector.shape_cast %get3A_98 : vector<1x16xf32> to vector<16xf32>
      %get3A_100 = arith.index_cast %scan3A_85 : i32 to index
      %get3A_101 = arith.constant 16 : index
      %get3A_102 = tpu.vector_load %arg10[%get3A_100, %get3A_101] {strides = array<i32>} : memref<16x1024xf32, #tpu.memory_space<vmem>>, vector<1x16xf32>,
      %get3A_103 = vector.shape_cast %get3A_102 : vector<1x16xf32> to vector<16xf32>
      %mul3A_104 = arith.mulf %get3A_99, %get3A_103 : vector<16xf32>
      %add3A_105 = arith.addf %mul3A_95, %mul3A_104 : vector<16xf32>
      %get3A_106 = arith.index_cast %scan3A_85 : i32 to index
      %get3A_107 = arith.constant 32 : index
      %get3A_108 = tpu.vector_load %arg9[%get3A_106, %get3A_107] {strides = array<i32>} : memref<16x1024xf32, #tpu.memory_space<vmem>>, vector<1x16xf32>,
      %get3A_109 = vector.shape_cast %get3A_108 : vector<1x16xf32> to vector<16xf32>
      %get3A_110 = arith.index_cast %scan3A_85 : i32 to index
      %get3A_111 = arith.constant 32 : index
      %get3A_112 = tpu.vector_load %arg10[%get3A_110, %get3A_111] {strides = array<i32>} : memref<16x1024xf32, #tpu.memory_space<vmem>>, vector<1x16xf32>,
      %get3A_113 = vector.shape_cast %get3A_112 : vector<1x16xf32> to vector<16xf32>
      %mul3A_114 = arith.mulf %get3A_109, %get3A_113 : vector<16xf32>
      %add3A_115 = arith.addf %add3A_105, %mul3A_114 : vector<16xf32>
      %get3A_116 = arith.index_cast %scan3A_85 : i32 to index
      %get3A_117 = arith.constant 48 : index
      %get3A_118 = tpu.vector_load %arg9[%get3A_116, %get3A_117] {strides = array<i32>} : memref<16x1024xf32, #tpu.memory_space<vmem>>, vector<1x16xf32>,
      %get3A_119 = vector.shape_cast %get3A_118 : vector<1x16xf32> to vector<16xf32>
      %get3A_120 = arith.index_cast %scan3A_85 : i32 to index
      %get3A_121 = arith.constant 48 : index
      %get3A_122 = tpu.vector_load %arg10[%get3A_120, %get3A_121] {strides = array<i32>} : memref<16x1024xf32, #tpu.memory_space<vmem>>, vector<1x16xf32>,
      %get3A_123 = vector.shape_cast %get3A_122 : vector<1x16xf32> to vector<16xf32>
      %mul3A_124 = arith.mulf %get3A_119, %get3A_123 : vector<16xf32>
      %add3A_125 = arith.addf %add3A_115, %mul3A_124 : vector<16xf32>
      %get3A_126 = arith.index_cast %scan3A_85 : i32 to index
      %get3A_127 = arith.constant 64 : index
      %get3A_128 = tpu.vector_load %arg9[%get3A_126, %get3A_127] {strides = array<i32>} : memref<16x1024xf32, #tpu.memory_space<vmem>>, vector<1x16xf32>,
      %get3A_129 = vector.shape_cast %get3A_128 : vector<1x16xf32> to vector<16xf32>
      %get3A_130 = arith.index_cast %scan3A_85 : i32 to index
      %get3A_131 = arith.constant 64 : index
      %get3A_132 = tpu.vector_load %arg10[%get3A_130, %get3A_131] {strides = array<i32>} : memref<16x1024xf32, #tpu.memory_space<vmem>>, vector<1x16xf32>,
      %get3A_133 = vector.shape_cast %get3A_132 : vector<1x16xf32> to vector<16xf32>
      %mul3A_134 = arith.mulf %get3A_129, %get3A_133 : vector<16xf32>
      %add3A_135 = arith.addf %add3A_125, %mul3A_134 : vector<16xf32>
      %get3A_136 = arith.index_cast %scan3A_85 : i32 to index
      %get3A_137 = arith.constant 80 : index
      %get3A_138 = tpu.vector_load %arg9[%get3A_136, %get3A_137] {strides = array<i32>} : memref<16x1024xf32, #tpu.memory_space<vmem>>, vector<1x16xf32>,
      %get3A_139 = vector.shape_cast %get3A_138 : vector<1x16xf32> to vector<16xf32>
      %get3A_140 = arith.index_cast %scan3A_85 : i32 to index
      %get3A_141 = arith.constant 80 : index
      %get3A_142 = tpu.vector_load %arg10[%get3A_140, %get3A_141] {strides = array<i32>} : memref<16x1024xf32, #tpu.memory_space<vmem>>, vector<1x16xf32>,
      %get3A_143 = vector.shape_cast %get3A_142 : vector<1x16xf32> to vector<16xf32>
      %mul3A_144 = arith.mulf %get3A_139, %get3A_143 : vector<16xf32>
      %add3A_145 = arith.addf %add3A_135, %mul3A_144 : vector<16xf32>
      %get3A_146 = arith.index_cast %scan3A_85 : i32 to index
      %get3A_147 = arith.constant 96 : index
      %get3A_148 = tpu.vector_load %arg9[%get3A_146, %get3A_147] {strides = array<i32>} : memref<16x1024xf32, #tpu.memory_space<vmem>>, vector<1x16xf32>,
      %get3A_149 = vector.shape_cast %get3A_148 : vector<1x16xf32> to vector<16xf32>
      %get3A_150 = arith.index_cast %scan3A_85 : i32 to index
      %get3A_151 = arith.constant 96 : index
      %get3A_152 = tpu.vector_load %arg10[%get3A_150, %get3A_151] {strides = array<i32>} : memref<16x1024xf32, #tpu.memory_space<vmem>>, vector<1x16xf32>,
      %get3A_153 = vector.shape_cast %get3A_152 : vector<1x16xf32> to vector<16xf32>
      %mul3A_154 = arith.mulf %get3A_149, %get3A_153 : vector<16xf32>
      %add3A_155 = arith.addf %add3A_145, %mul3A_154 : vector<16xf32>
      %get3A_156 = arith.index_cast %scan3A_85 : i32 to index
      %get3A_157 = arith.constant 112 : index
      %get3A_158 = tpu.vector_load %arg9[%get3A_156, %get3A_157] {strides = array<i32>} : memref<16x1024xf32, #tpu.memory_space<vmem>>, vector<1x16xf32>,
      %get3A_159 = vector.shape_cast %get3A_158 : vector<1x16xf32> to vector<16xf32>
      %get3A_160 = arith.index_cast %scan3A_85 : i32 to index
      %get3A_161 = arith.constant 112 : index
      %get3A_162 = tpu.vector_load %arg10[%get3A_160, %get3A_161] {strides = array<i32>} : memref<16x1024xf32, #tpu.memory_space<vmem>>, vector<1x16xf32>,
      %get3A_163 = vector.shape_cast %get3A_162 : vector<1x16xf32> to vector<16xf32>
      %mul3A_164 = arith.mulf %get3A_159, %get3A_163 : vector<16xf32>
      %add3A_165 = arith.addf %add3A_155, %mul3A_164 : vector<16xf32>
      %get3A_166 = arith.index_cast %scan3A_85 : i32 to index
      %get3A_167 = arith.constant 128 : index
      %get3A_168 = tpu.vector_load %arg9[%get3A_166, %get3A_167] {strides = array<i32>} : memref<16x1024xf32, #tpu.memory_space<vmem>>, vector<1x16xf32>,
      %get3A_169 = vector.shape_cast %get3A_168 : vector<1x16xf32> to vector<16xf32>
      %get3A_170 = arith.index_cast %scan3A_85 : i32 to index
      %get3A_171 = arith.constant 128 : index
      %get3A_172 = tpu.vector_load %arg10[%get3A_170, %get3A_171] {strides = array<i32>} : memref<16x1024xf32, #tpu.memory_space<vmem>>, vector<1x16xf32>,
      %get3A_173 = vector.shape_cast %get3A_172 : vector<1x16xf32> to vector<16xf32>
      %mul3A_174 = arith.mulf %get3A_169, %get3A_173 : vector<16xf32>
      %add3A_175 = arith.addf %add3A_165, %mul3A_174 : vector<16xf32>
      %get3A_176 = arith.index_cast %scan3A_85 : i32 to index
      %get3A_177 = arith.constant 144 : index
      %get3A_178 = tpu.vector_load %arg9[%get3A_176, %get3A_177] {strides = array<i32>} : memref<16x1024xf32, #tpu.memory_space<vmem>>, vector<1x16xf32>,
      %get3A_179 = vector.shape_cast %get3A_178 : vector<1x16xf32> to vector<16xf32>
      %get3A_180 = arith.index_cast %scan3A_85 : i32 to index
      %get3A_181 = arith.constant 144 : index
      %get3A_182 = tpu.vector_load %arg10[%get3A_180, %get3A_181] {strides = array<i32>} : memref<16x1024xf32, #tpu.memory_space<vmem>>, vector<1x16xf32>,
      %get3A_183 = vector.shape_cast %get3A_182 : vector<1x16xf32> to vector<16xf32>
      %mul3A_184 = arith.mulf %get3A_179, %get3A_183 : vector<16xf32>
      %add3A_185 = arith.addf %add3A_175, %mul3A_184 : vector<16xf32>
      %get3A_186 = arith.index_cast %scan3A_85 : i32 to index
      %get3A_187 = arith.constant 160 : index
      %get3A_188 = tpu.vector_load %arg9[%get3A_186, %get3A_187] {strides = array<i32>} : memref<16x1024xf32, #tpu.memory_space<vmem>>, vector<1x16xf32>,
      %get3A_189 = vector.shape_cast %get3A_188 : vector<1x16xf32> to vector<16xf32>
      %get3A_190 = arith.index_cast %scan3A_85 : i32 to index
      %get3A_191 = arith.constant 160 : index
      %get3A_192 = tpu.vector_load %arg10[%get3A_190, %get3A_191] {strides = array<i32>} : memref<16x1024xf32, #tpu.memory_space<vmem>>, vector<1x16xf32>,
      %get3A_193 = vector.shape_cast %get3A_192 : vector<1x16xf32> to vector<16xf32>
      %mul3A_194 = arith.mulf %get3A_189, %get3A_193 : vector<16xf32>
      %add3A_195 = arith.addf %add3A_185, %mul3A_194 : vector<16xf32>
      %get3A_196 = arith.index_cast %scan3A_85 : i32 to index
      %get3A_197 = arith.constant 176 : index
      %get3A_198 = tpu.vector_load %arg9[%get3A_196, %get3A_197] {strides = array<i32>} : memref<16x1024xf32, #tpu.memory_space<vmem>>, vector<1x16xf32>,
      %get3A_199 = vector.shape_cast %get3A_198 : vector<1x16xf32> to vector<16xf32>
      %get3A_200 = arith.index_cast %scan3A_85 : i32 to index
      %get3A_201 = arith.constant 176 : index
      %get3A_202 = tpu.vector_load %arg10[%get3A_200, %get3A_201] {strides = array<i32>} : memref<16x1024xf32, #tpu.memory_space<vmem>>, vector<1x16xf32>,
      %get3A_203 = vector.shape_cast %get3A_202 : vector<1x16xf32> to vector<16xf32>
      %mul3A_204 = arith.mulf %get3A_199, %get3A_203 : vector<16xf32>
      %add3A_205 = arith.addf %add3A_195, %mul3A_204 : vector<16xf32>
      %get3A_206 = arith.index_cast %scan3A_85 : i32 to index
      %get3A_207 = arith.constant 192 : index
      %get3A_208 = tpu.vector_load %arg9[%get3A_206, %get3A_207] {strides = array<i32>} : memref<16x1024xf32, #tpu.memory_space<vmem>>, vector<1x16xf32>,
      %get3A_209 = vector.shape_cast %get3A_208 : vector<1x16xf32> to vector<16xf32>
      %get3A_210 = arith.index_cast %scan3A_85 : i32 to index
      %get3A_211 = arith.constant 192 : index
      %get3A_212 = tpu.vector_load %arg10[%get3A_210, %get3A_211] {strides = array<i32>} : memref<16x1024xf32, #tpu.memory_space<vmem>>, vector<1x16xf32>,
      %get3A_213 = vector.shape_cast %get3A_212 : vector<1x16xf32> to vector<16xf32>
      %mul3A_214 = arith.mulf %get3A_209, %get3A_213 : vector<16xf32>
      %add3A_215 = arith.addf %add3A_205, %mul3A_214 : vector<16xf32>
      %get3A_216 = arith.index_cast %scan3A_85 : i32 to index
      %get3A_217 = arith.constant 208 : index
      %get3A_218 = tpu.vector_load %arg9[%get3A_216, %get3A_217] {strides = array<i32>} : memref<16x1024xf32, #tpu.memory_space<vmem>>, vector<1x16xf32>,
      %get3A_219 = vector.shape_cast %get3A_218 : vector<1x16xf32> to vector<16xf32>
      %get3A_220 = arith.index_cast %scan3A_85 : i32 to index
      %get3A_221 = arith.constant 208 : index
      %get3A_222 = tpu.vector_load %arg10[%get3A_220, %get3A_221] {strides = array<i32>} : memref<16x1024xf32, #tpu.memory_space<vmem>>, vector<1x16xf32>,
      %get3A_223 = vector.shape_cast %get3A_222 : vector<1x16xf32> to vector<16xf32>
      %mul3A_224 = arith.mulf %get3A_219, %get3A_223 : vector<16xf32>
      %add3A_225 = arith.addf %add3A_215, %mul3A_224 : vector<16xf32>
      %get3A_226 = arith.index_cast %scan3A_85 : i32 to index
      %get3A_227 = arith.constant 224 : index
      %get3A_228 = tpu.vector_load %arg9[%get3A_226, %get3A_227] {strides = array<i32>} : memref<16x1024xf32, #tpu.memory_space<vmem>>, vector<1x16xf32>,
      %get3A_229 = vector.shape_cast %get3A_228 : vector<1x16xf32> to vector<16xf32>
      %get3A_230 = arith.index_cast %scan3A_85 : i32 to index
      %get3A_231 = arith.constant 224 : index
      %get3A_232 = tpu.vector_load %arg10[%get3A_230, %get3A_231] {strides = array<i32>} : memref<16x1024xf32, #tpu.memory_space<vmem>>, vector<1x16xf32>,
      %get3A_233 = vector.shape_cast %get3A_232 : vector<1x16xf32> to vector<16xf32>
      %mul3A_234 = arith.mulf %get3A_229, %get3A_233 : vector<16xf32>
      %add3A_235 = arith.addf %add3A_225, %mul3A_234 : vector<16xf32>
      %get3A_236 = arith.index_cast %scan3A_85 : i32 to index
      %get3A_237 = arith.constant 240 : index
      %get3A_238 = tpu.vector_load %arg9[%get3A_236, %get3A_237] {strides = array<i32>} : memref<16x1024xf32, #tpu.memory_space<vmem>>, vector<1x16xf32>,
      %get3A_239 = vector.shape_cast %get3A_238 : vector<1x16xf32> to vector<16xf32>
      %get3A_240 = arith.index_cast %scan3A_85 : i32 to index
      %get3A_241 = arith.constant 240 : index
      %get3A_242 = tpu.vector_load %arg10[%get3A_240, %get3A_241] {strides = array<i32>} : memref<16x1024xf32, #tpu.memory_space<vmem>>, vector<1x16xf32>,
      %get3A_243 = vector.shape_cast %get3A_242 : vector<1x16xf32> to vector<16xf32>
      %mul3A_244 = arith.mulf %get3A_239, %get3A_243 : vector<16xf32>
      %add3A_245 = arith.addf %add3A_235, %mul3A_244 : vector<16xf32>
      %get3A_246 = arith.index_cast %scan3A_85 : i32 to index
      %get3A_247 = arith.constant 256 : index
      %get3A_248 = tpu.vector_load %arg9[%get3A_246, %get3A_247] {strides = array<i32>} : memref<16x1024xf32, #tpu.memory_space<vmem>>, vector<1x16xf32>,
      %get3A_249 = vector.shape_cast %get3A_248 : vector<1x16xf32> to vector<16xf32>
      %get3A_250 = arith.index_cast %scan3A_85 : i32 to index
      %get3A_251 = arith.constant 256 : index
      %get3A_252 = tpu.vector_load %arg10[%get3A_250, %get3A_251] {strides = array<i32>} : memref<16x1024xf32, #tpu.memory_space<vmem>>, vector<1x16xf32>,
      %get3A_253 = vector.shape_cast %get3A_252 : vector<1x16xf32> to vector<16xf32>
      %mul3A_254 = arith.mulf %get3A_249, %get3A_253 : vector<16xf32>
      %add3A_255 = arith.addf %add3A_245, %mul3A_254 : vector<16xf32>
      %get3A_256 = arith.index_cast %scan3A_85 : i32 to index
      %get3A_257 = arith.constant 272 : index
      %get3A_258 = tpu.vector_load %arg9[%get3A_256, %get3A_257] {strides = array<i32>} : memref<16x1024xf32, #tpu.memory_space<vmem>>, vector<1x16xf32>,
      %get3A_259 = vector.shape_cast %get3A_258 : vector<1x16xf32> to vector<16xf32>
      %get3A_260 = arith.index_cast %scan3A_85 : i32 to index
      %get3A_261 = arith.constant 272 : index
      %get3A_262 = tpu.vector_load %arg10[%get3A_260, %get3A_261] {strides = array<i32>} : memref<16x1024xf32, #tpu.memory_space<vmem>>, vector<1x16xf32>,
      %get3A_263 = vector.shape_cast %get3A_262 : vector<1x16xf32> to vector<16xf32>
      %mul3A_264 = arith.mulf %get3A_259, %get3A_263 : vector<16xf32>
      %add3A_265 = arith.addf %add3A_255, %mul3A_264 : vector<16xf32>
      %get3A_266 = arith.index_cast %scan3A_85 : i32 to index
      %get3A_267 = arith.constant 288 : index
      %get3A_268 = tpu.vector_load %arg9[%get3A_266, %get3A_267] {strides = array<i32>} : memref<16x1024xf32, #tpu.memory_space<vmem>>, vector<1x16xf32>,
      %get3A_269 = vector.shape_cast %get3A_268 : vector<1x16xf32> to vector<16xf32>
      %get3A_270 = arith.index_cast %scan3A_85 : i32 to index
      %get3A_271 = arith.constant 288 : index
      %get3A_272 = tpu.vector_load %arg10[%get3A_270, %get3A_271] {strides = array<i32>} : memref<16x1024xf32, #tpu.memory_space<vmem>>, vector<1x16xf32>,
      %get3A_273 = vector.shape_cast %get3A_272 : vector<1x16xf32> to vector<16xf32>
      %mul3A_274 = arith.mulf %get3A_269, %get3A_273 : vector<16xf32>
      %add3A_275 = arith.addf %add3A_265, %mul3A_274 : vector<16xf32>
      %get3A_276 = arith.index_cast %scan3A_85 : i32 to index
      %get3A_277 = arith.constant 304 : index
      %get3A_278 = tpu.vector_load %arg9[%get3A_276, %get3A_277] {strides = array<i32>} : memref<16x1024xf32, #tpu.memory_space<vmem>>, vector<1x16xf32>,
      %get3A_279 = vector.shape_cast %get3A_278 : vector<1x16xf32> to vector<16xf32>
      %get3A_280 = arith.index_cast %scan3A_85 : i32 to index
      %get3A_281 = arith.constant 304 : index
      %get3A_282 = tpu.vector_load %arg10[%get3A_280, %get3A_281] {strides = array<i32>} : memref<16x1024xf32, #tpu.memory_space<vmem>>, vector<1x16xf32>,
      %get3A_283 = vector.shape_cast %get3A_282 : vector<1x16xf32> to vector<16xf32>
      %mul3A_284 = arith.mulf %get3A_279, %get3A_283 : vector<16xf32>
      %add3A_285 = arith.addf %add3A_275, %mul3A_284 : vector<16xf32>
      %get3A_286 = arith.index_cast %scan3A_85 : i32 to index
      %get3A_287 = arith.constant 320 : index
      %get3A_288 = tpu.vector_load %arg9[%get3A_286, %get3A_287] {strides = array<i32>} : memref<16x1024xf32, #tpu.memory_space<vmem>>, vector<1x16xf32>,
      %get3A_289 = vector.shape_cast %get3A_288 : vector<1x16xf32> to vector<16xf32>
      %get3A_290 = arith.index_cast %scan3A_85 : i32 to index
      %get3A_291 = arith.constant 320 : index
      %get3A_292 = tpu.vector_load %arg10[%get3A_290, %get3A_291] {strides = array<i32>} : memref<16x1024xf32, #tpu.memory_space<vmem>>, vector<1x16xf32>,
      %get3A_293 = vector.shape_cast %get3A_292 : vector<1x16xf32> to vector<16xf32>
      %mul3A_294 = arith.mulf %get3A_289, %get3A_293 : vector<16xf32>
      %add3A_295 = arith.addf %add3A_285, %mul3A_294 : vector<16xf32>
      %get3A_296 = arith.index_cast %scan3A_85 : i32 to index
      %get3A_297 = arith.constant 336 : index
      %get3A_298 = tpu.vector_load %arg9[%get3A_296, %get3A_297] {strides = array<i32>} : memref<16x1024xf32, #tpu.memory_space<vmem>>, vector<1x16xf32>,
      %get3A_299 = vector.shape_cast %get3A_298 : vector<1x16xf32> to vector<16xf32>
      %get3A_300 = arith.index_cast %scan3A_85 : i32 to index
      %get3A_301 = arith.constant 336 : index
      %get3A_302 = tpu.vector_load %arg10[%get3A_300, %get3A_301] {strides = array<i32>} : memref<16x1024xf32, #tpu.memory_space<vmem>>, vector<1x16xf32>,
      %get3A_303 = vector.shape_cast %get3A_302 : vector<1x16xf32> to vector<16xf32>
      %mul3A_304 = arith.mulf %get3A_299, %get3A_303 : vector<16xf32>
      %add3A_305 = arith.addf %add3A_295, %mul3A_304 : vector<16xf32>
      %get3A_306 = arith.index_cast %scan3A_85 : i32 to index
      %get3A_307 = arith.constant 352 : index
      %get3A_308 = tpu.vector_load %arg9[%get3A_306, %get3A_307] {strides = array<i32>} : memref<16x1024xf32, #tpu.memory_space<vmem>>, vector<1x16xf32>,
      %get3A_309 = vector.shape_cast %get3A_308 : vector<1x16xf32> to vector<16xf32>
      %get3A_310 = arith.index_cast %scan3A_85 : i32 to index
      %get3A_311 = arith.constant 352 : index
      %get3A_312 = tpu.vector_load %arg10[%get3A_310, %get3A_311] {strides = array<i32>} : memref<16x1024xf32, #tpu.memory_space<vmem>>, vector<1x16xf32>,
      %get3A_313 = vector.shape_cast %get3A_312 : vector<1x16xf32> to vector<16xf32>
      %mul3A_314 = arith.mulf %get3A_309, %get3A_313 : vector<16xf32>
      %add3A_315 = arith.addf %add3A_305, %mul3A_314 : vector<16xf32>
      %get3A_316 = arith.index_cast %scan3A_85 : i32 to index
      %get3A_317 = arith.constant 368 : index
      %get3A_318 = tpu.vector_load %arg9[%get3A_316, %get3A_317] {strides = array<i32>} : memref<16x1024xf32, #tpu.memory_space<vmem>>, vector<1x16xf32>,
      %get3A_319 = vector.shape_cast %get3A_318 : vector<1x16xf32> to vector<16xf32>
      %get3A_320 = arith.index_cast %scan3A_85 : i32 to index
      %get3A_321 = arith.constant 368 : index
      %get3A_322 = tpu.vector_load %arg10[%get3A_320, %get3A_321] {strides = array<i32>} : memref<16x1024xf32, #tpu.memory_space<vmem>>, vector<1x16xf32>,
      %get3A_323 = vector.shape_cast %get3A_322 : vector<1x16xf32> to vector<16xf32>
      %mul3A_324 = arith.mulf %get3A_319, %get3A_323 : vector<16xf32>
      %add3A_325 = arith.addf %add3A_315, %mul3A_324 : vector<16xf32>
      %get3A_326 = arith.index_cast %scan3A_85 : i32 to index
      %get3A_327 = arith.constant 384 : index
      %get3A_328 = tpu.vector_load %arg9[%get3A_326, %get3A_327] {strides = array<i32>} : memref<16x1024xf32, #tpu.memory_space<vmem>>, vector<1x16xf32>,
      %get3A_329 = vector.shape_cast %get3A_328 : vector<1x16xf32> to vector<16xf32>
      %get3A_330 = arith.index_cast %scan3A_85 : i32 to index
      %get3A_331 = arith.constant 384 : index
      %get3A_332 = tpu.vector_load %arg10[%get3A_330, %get3A_331] {strides = array<i32>} : memref<16x1024xf32, #tpu.memory_space<vmem>>, vector<1x16xf32>,
      %get3A_333 = vector.shape_cast %get3A_332 : vector<1x16xf32> to vector<16xf32>
      %mul3A_334 = arith.mulf %get3A_329, %get3A_333 : vector<16xf32>
      %add3A_335 = arith.addf %add3A_325, %mul3A_334 : vector<16xf32>
      %get3A_336 = arith.index_cast %scan3A_85 : i32 to index
      %get3A_337 = arith.constant 400 : index
      %get3A_338 = tpu.vector_load %arg9[%get3A_336, %get3A_337] {strides = array<i32>} : memref<16x1024xf32, #tpu.memory_space<vmem>>, vector<1x16xf32>,
      %get3A_339 = vector.shape_cast %get3A_338 : vector<1x16xf32> to vector<16xf32>
      %get3A_340 = arith.index_cast %scan3A_85 : i32 to index
      %get3A_341 = arith.constant 400 : index
      %get3A_342 = tpu.vector_load %arg10[%get3A_340, %get3A_341] {strides = array<i32>} : memref<16x1024xf32, #tpu.memory_space<vmem>>, vector<1x16xf32>,
      %get3A_343 = vector.shape_cast %get3A_342 : vector<1x16xf32> to vector<16xf32>
      %mul3A_344 = arith.mulf %get3A_339, %get3A_343 : vector<16xf32>
      %add3A_345 = arith.addf %add3A_335, %mul3A_344 : vector<16xf32>
      %get3A_346 = arith.index_cast %scan3A_85 : i32 to index
      %get3A_347 = arith.constant 416 : index
      %get3A_348 = tpu.vector_load %arg9[%get3A_346, %get3A_347] {strides = array<i32>} : memref<16x1024xf32, #tpu.memory_space<vmem>>, vector<1x16xf32>,
      %get3A_349 = vector.shape_cast %get3A_348 : vector<1x16xf32> to vector<16xf32>
      %get3A_350 = arith.index_cast %scan3A_85 : i32 to index
      %get3A_351 = arith.constant 416 : index
      %get3A_352 = tpu.vector_load %arg10[%get3A_350, %get3A_351] {strides = array<i32>} : memref<16x1024xf32, #tpu.memory_space<vmem>>, vector<1x16xf32>,
      %get3A_353 = vector.shape_cast %get3A_352 : vector<1x16xf32> to vector<16xf32>
      %mul3A_354 = arith.mulf %get3A_349, %get3A_353 : vector<16xf32>
      %add3A_355 = arith.addf %add3A_345, %mul3A_354 : vector<16xf32>
      %get3A_356 = arith.index_cast %scan3A_85 : i32 to index
      %get3A_357 = arith.constant 432 : index
      %get3A_358 = tpu.vector_load %arg9[%get3A_356, %get3A_357] {strides = array<i32>} : memref<16x1024xf32, #tpu.memory_space<vmem>>, vector<1x16xf32>,
      %get3A_359 = vector.shape_cast %get3A_358 : vector<1x16xf32> to vector<16xf32>
      %get3A_360 = arith.index_cast %scan3A_85 : i32 to index
      %get3A_361 = arith.constant 432 : index
      %get3A_362 = tpu.vector_load %arg10[%get3A_360, %get3A_361] {strides = array<i32>} : memref<16x1024xf32, #tpu.memory_space<vmem>>, vector<1x16xf32>,
      %get3A_363 = vector.shape_cast %get3A_362 : vector<1x16xf32> to vector<16xf32>
      %mul3A_364 = arith.mulf %get3A_359, %get3A_363 : vector<16xf32>
      %add3A_365 = arith.addf %add3A_355, %mul3A_364 : vector<16xf32>
      %get3A_366 = arith.index_cast %scan3A_85 : i32 to index
      %get3A_367 = arith.constant 448 : index
      %get3A_368 = tpu.vector_load %arg9[%get3A_366, %get3A_367] {strides = array<i32>} : memref<16x1024xf32, #tpu.memory_space<vmem>>, vector<1x16xf32>,
      %get3A_369 = vector.shape_cast %get3A_368 : vector<1x16xf32> to vector<16xf32>
      %get3A_370 = arith.index_cast %scan3A_85 : i32 to index
      %get3A_371 = arith.constant 448 : index
      %get3A_372 = tpu.vector_load %arg10[%get3A_370, %get3A_371] {strides = array<i32>} : memref<16x1024xf32, #tpu.memory_space<vmem>>, vector<1x16xf32>,
      %get3A_373 = vector.shape_cast %get3A_372 : vector<1x16xf32> to vector<16xf32>
      %mul3A_374 = arith.mulf %get3A_369, %get3A_373 : vector<16xf32>
      %add3A_375 = arith.addf %add3A_365, %mul3A_374 : vector<16xf32>
      %get3A_376 = arith.index_cast %scan3A_85 : i32 to index
      %get3A_377 = arith.constant 464 : index
      %get3A_378 = tpu.vector_load %arg9[%get3A_376, %get3A_377] {strides = array<i32>} : memref<16x1024xf32, #tpu.memory_space<vmem>>, vector<1x16xf32>,
      %get3A_379 = vector.shape_cast %get3A_378 : vector<1x16xf32> to vector<16xf32>
      %get3A_380 = arith.index_cast %scan3A_85 : i32 to index
      %get3A_381 = arith.constant 464 : index
      %get3A_382 = tpu.vector_load %arg10[%get3A_380, %get3A_381] {strides = array<i32>} : memref<16x1024xf32, #tpu.memory_space<vmem>>, vector<1x16xf32>,
      %get3A_383 = vector.shape_cast %get3A_382 : vector<1x16xf32> to vector<16xf32>
      %mul3A_384 = arith.mulf %get3A_379, %get3A_383 : vector<16xf32>
      %add3A_385 = arith.addf %add3A_375, %mul3A_384 : vector<16xf32>
      %get3A_386 = arith.index_cast %scan3A_85 : i32 to index
      %get3A_387 = arith.constant 480 : index
      %get3A_388 = tpu.vector_load %arg9[%get3A_386, %get3A_387] {strides = array<i32>} : memref<16x1024xf32, #tpu.memory_space<vmem>>, vector<1x16xf32>,
      %get3A_389 = vector.shape_cast %get3A_388 : vector<1x16xf32> to vector<16xf32>
      %get3A_390 = arith.index_cast %scan3A_85 : i32 to index
      %get3A_391 = arith.constant 480 : index
      %get3A_392 = tpu.vector_load %arg10[%get3A_390, %get3A_391] {strides = array<i32>} : memref<16x1024xf32, #tpu.memory_space<vmem>>, vector<1x16xf32>,
      %get3A_393 = vector.shape_cast %get3A_392 : vector<1x16xf32> to vector<16xf32>
      %mul3A_394 = arith.mulf %get3A_389, %get3A_393 : vector<16xf32>
      %add3A_395 = arith.addf %add3A_385, %mul3A_394 : vector<16xf32>
      %get3A_396 = arith.index_cast %scan3A_85 : i32 to index
      %get3A_397 = arith.constant 496 : index
      %get3A_398 = tpu.vector_load %arg9[%get3A_396, %get3A_397] {strides = array<i32>} : memref<16x1024xf32, #tpu.memory_space<vmem>>, vector<1x16xf32>,
      %get3A_399 = vector.shape_cast %get3A_398 : vector<1x16xf32> to vector<16xf32>
      %get3A_400 = arith.index_cast %scan3A_85 : i32 to index
      %get3A_401 = arith.constant 496 : index
      %get3A_402 = tpu.vector_load %arg10[%get3A_400, %get3A_401] {strides = array<i32>} : memref<16x1024xf32, #tpu.memory_space<vmem>>, vector<1x16xf32>,
      %get3A_403 = vector.shape_cast %get3A_402 : vector<1x16xf32> to vector<16xf32>
      %mul3A_404 = arith.mulf %get3A_399, %get3A_403 : vector<16xf32>
      %add3A_405 = arith.addf %add3A_395, %mul3A_404 : vector<16xf32>
      %get3A_406 = arith.index_cast %scan3A_85 : i32 to index
      %get3A_407 = arith.constant 512 : index
      %get3A_408 = tpu.vector_load %arg9[%get3A_406, %get3A_407] {strides = array<i32>} : memref<16x1024xf32, #tpu.memory_space<vmem>>, vector<1x16xf32>,
      %get3A_409 = vector.shape_cast %get3A_408 : vector<1x16xf32> to vector<16xf32>
      %get3A_410 = arith.index_cast %scan3A_85 : i32 to index
      %get3A_411 = arith.constant 512 : index
      %get3A_412 = tpu.vector_load %arg10[%get3A_410, %get3A_411] {strides = array<i32>} : memref<16x1024xf32, #tpu.memory_space<vmem>>, vector<1x16xf32>,
      %get3A_413 = vector.shape_cast %get3A_412 : vector<1x16xf32> to vector<16xf32>
      %mul3A_414 = arith.mulf %get3A_409, %get3A_413 : vector<16xf32>
      %add3A_415 = arith.addf %add3A_405, %mul3A_414 : vector<16xf32>
      %get3A_416 = arith.index_cast %scan3A_85 : i32 to index
      %get3A_417 = arith.constant 528 : index
      %get3A_418 = tpu.vector_load %arg9[%get3A_416, %get3A_417] {strides = array<i32>} : memref<16x1024xf32, #tpu.memory_space<vmem>>, vector<1x16xf32>,
      %get3A_419 = vector.shape_cast %get3A_418 : vector<1x16xf32> to vector<16xf32>
      %get3A_420 = arith.index_cast %scan3A_85 : i32 to index
      %get3A_421 = arith.constant 528 : index
      %get3A_422 = tpu.vector_load %arg10[%get3A_420, %get3A_421] {strides = array<i32>} : memref<16x1024xf32, #tpu.memory_space<vmem>>, vector<1x16xf32>,
      %get3A_423 = vector.shape_cast %get3A_422 : vector<1x16xf32> to vector<16xf32>
      %mul3A_424 = arith.mulf %get3A_419, %get3A_423 : vector<16xf32>
      %add3A_425 = arith.addf %add3A_415, %mul3A_424 : vector<16xf32>
      %get3A_426 = arith.index_cast %scan3A_85 : i32 to index
      %get3A_427 = arith.constant 544 : index
      %get3A_428 = tpu.vector_load %arg9[%get3A_426, %get3A_427] {strides = array<i32>} : memref<16x1024xf32, #tpu.memory_space<vmem>>, vector<1x16xf32>,
      %get3A_429 = vector.shape_cast %get3A_428 : vector<1x16xf32> to vector<16xf32>
      %get3A_430 = arith.index_cast %scan3A_85 : i32 to index
      %get3A_431 = arith.constant 544 : index
      %get3A_432 = tpu.vector_load %arg10[%get3A_430, %get3A_431] {strides = array<i32>} : memref<16x1024xf32, #tpu.memory_space<vmem>>, vector<1x16xf32>,
      %get3A_433 = vector.shape_cast %get3A_432 : vector<1x16xf32> to vector<16xf32>
      %mul3A_434 = arith.mulf %get3A_429, %get3A_433 : vector<16xf32>
      %add3A_435 = arith.addf %add3A_425, %mul3A_434 : vector<16xf32>
      %get3A_436 = arith.index_cast %scan3A_85 : i32 to index
      %get3A_437 = arith.constant 560 : index
      %get3A_438 = tpu.vector_load %arg9[%get3A_436, %get3A_437] {strides = array<i32>} : memref<16x1024xf32, #tpu.memory_space<vmem>>, vector<1x16xf32>,
      %get3A_439 = vector.shape_cast %get3A_438 : vector<1x16xf32> to vector<16xf32>
      %get3A_440 = arith.index_cast %scan3A_85 : i32 to index
      %get3A_441 = arith.constant 560 : index
      %get3A_442 = tpu.vector_load %arg10[%get3A_440, %get3A_441] {strides = array<i32>} : memref<16x1024xf32, #tpu.memory_space<vmem>>, vector<1x16xf32>,
      %get3A_443 = vector.shape_cast %get3A_442 : vector<1x16xf32> to vector<16xf32>
      %mul3A_444 = arith.mulf %get3A_439, %get3A_443 : vector<16xf32>
      %add3A_445 = arith.addf %add3A_435, %mul3A_444 : vector<16xf32>
      %get3A_446 = arith.index_cast %scan3A_85 : i32 to index
      %get3A_447 = arith.constant 576 : index
      %get3A_448 = tpu.vector_load %arg9[%get3A_446, %get3A_447] {strides = array<i32>} : memref<16x1024xf32, #tpu.memory_space<vmem>>, vector<1x16xf32>,
      %get3A_449 = vector.shape_cast %get3A_448 : vector<1x16xf32> to vector<16xf32>
      %get3A_450 = arith.index_cast %scan3A_85 : i32 to index
      %get3A_451 = arith.constant 576 : index
      %get3A_452 = tpu.vector_load %arg10[%get3A_450, %get3A_451] {strides = array<i32>} : memref<16x1024xf32, #tpu.memory_space<vmem>>, vector<1x16xf32>,
      %get3A_453 = vector.shape_cast %get3A_452 : vector<1x16xf32> to vector<16xf32>
      %mul3A_454 = arith.mulf %get3A_449, %get3A_453 : vector<16xf32>
      %add3A_455 = arith.addf %add3A_445, %mul3A_454 : vector<16xf32>
      %get3A_456 = arith.index_cast %scan3A_85 : i32 to index
      %get3A_457 = arith.constant 592 : index
      %get3A_458 = tpu.vector_load %arg9[%get3A_456, %get3A_457] {strides = array<i32>} : memref<16x1024xf32, #tpu.memory_space<vmem>>, vector<1x16xf32>,
      %get3A_459 = vector.shape_cast %get3A_458 : vector<1x16xf32> to vector<16xf32>
      %get3A_460 = arith.index_cast %scan3A_85 : i32 to index
      %get3A_461 = arith.constant 592 : index
      %get3A_462 = tpu.vector_load %arg10[%get3A_460, %get3A_461] {strides = array<i32>} : memref<16x1024xf32, #tpu.memory_space<vmem>>, vector<1x16xf32>,
      %get3A_463 = vector.shape_cast %get3A_462 : vector<1x16xf32> to vector<16xf32>
      %mul3A_464 = arith.mulf %get3A_459, %get3A_463 : vector<16xf32>
      %add3A_465 = arith.addf %add3A_455, %mul3A_464 : vector<16xf32>
      %get3A_466 = arith.index_cast %scan3A_85 : i32 to index
      %get3A_467 = arith.constant 608 : index
      %get3A_468 = tpu.vector_load %arg9[%get3A_466, %get3A_467] {strides = array<i32>} : memref<16x1024xf32, #tpu.memory_space<vmem>>, vector<1x16xf32>,
      %get3A_469 = vector.shape_cast %get3A_468 : vector<1x16xf32> to vector<16xf32>
      %get3A_470 = arith.index_cast %scan3A_85 : i32 to index
      %get3A_471 = arith.constant 608 : index
      %get3A_472 = tpu.vector_load %arg10[%get3A_470, %get3A_471] {strides = array<i32>} : memref<16x1024xf32, #tpu.memory_space<vmem>>, vector<1x16xf32>,
      %get3A_473 = vector.shape_cast %get3A_472 : vector<1x16xf32> to vector<16xf32>
      %mul3A_474 = arith.mulf %get3A_469, %get3A_473 : vector<16xf32>
      %add3A_475 = arith.addf %add3A_465, %mul3A_474 : vector<16xf32>
      %get3A_476 = arith.index_cast %scan3A_85 : i32 to index
      %get3A_477 = arith.constant 624 : index
      %get3A_478 = tpu.vector_load %arg9[%get3A_476, %get3A_477] {strides = array<i32>} : memref<16x1024xf32, #tpu.memory_space<vmem>>, vector<1x16xf32>,
      %get3A_479 = vector.shape_cast %get3A_478 : vector<1x16xf32> to vector<16xf32>
      %get3A_480 = arith.index_cast %scan3A_85 : i32 to index
      %get3A_481 = arith.constant 624 : index
      %get3A_482 = tpu.vector_load %arg10[%get3A_480, %get3A_481] {strides = array<i32>} : memref<16x1024xf32, #tpu.memory_space<vmem>>, vector<1x16xf32>,
      %get3A_483 = vector.shape_cast %get3A_482 : vector<1x16xf32> to vector<16xf32>
      %mul3A_484 = arith.mulf %get3A_479, %get3A_483 : vector<16xf32>
      %add3A_485 = arith.addf %add3A_475, %mul3A_484 : vector<16xf32>
      %get3A_486 = arith.index_cast %scan3A_85 : i32 to index
      %get3A_487 = arith.constant 640 : index
      %get3A_488 = tpu.vector_load %arg9[%get3A_486, %get3A_487] {strides = array<i32>} : memref<16x1024xf32, #tpu.memory_space<vmem>>, vector<1x16xf32>,
      %get3A_489 = vector.shape_cast %get3A_488 : vector<1x16xf32> to vector<16xf32>
      %get3A_490 = arith.index_cast %scan3A_85 : i32 to index
      %get3A_491 = arith.constant 640 : index
      %get3A_492 = tpu.vector_load %arg10[%get3A_490, %get3A_491] {strides = array<i32>} : memref<16x1024xf32, #tpu.memory_space<vmem>>, vector<1x16xf32>,
      %get3A_493 = vector.shape_cast %get3A_492 : vector<1x16xf32> to vector<16xf32>
      %mul3A_494 = arith.mulf %get3A_489, %get3A_493 : vector<16xf32>
      %add3A_495 = arith.addf %add3A_485, %mul3A_494 : vector<16xf32>
      %get3A_496 = arith.index_cast %scan3A_85 : i32 to index
      %get3A_497 = arith.constant 656 : index
      %get3A_498 = tpu.vector_load %arg9[%get3A_496, %get3A_497] {strides = array<i32>} : memref<16x1024xf32, #tpu.memory_space<vmem>>, vector<1x16xf32>,
      %get3A_499 = vector.shape_cast %get3A_498 : vector<1x16xf32> to vector<16xf32>
      %get3A_500 = arith.index_cast %scan3A_85 : i32 to index
      %get3A_501 = arith.constant 656 : index
      %get3A_502 = tpu.vector_load %arg10[%get3A_500, %get3A_501] {strides = array<i32>} : memref<16x1024xf32, #tpu.memory_space<vmem>>, vector<1x16xf32>,
      %get3A_503 = vector.shape_cast %get3A_502 : vector<1x16xf32> to vector<16xf32>
      %mul3A_504 = arith.mulf %get3A_499, %get3A_503 : vector<16xf32>
      %add3A_505 = arith.addf %add3A_495, %mul3A_504 : vector<16xf32>
      %get3A_506 = arith.index_cast %scan3A_85 : i32 to index
      %get3A_507 = arith.constant 672 : index
      %get3A_508 = tpu.vector_load %arg9[%get3A_506, %get3A_507] {strides = array<i32>} : memref<16x1024xf32, #tpu.memory_space<vmem>>, vector<1x16xf32>,
      %get3A_509 = vector.shape_cast %get3A_508 : vector<1x16xf32> to vector<16xf32>
      %get3A_510 = arith.index_cast %scan3A_85 : i32 to index
      %get3A_511 = arith.constant 672 : index
      %get3A_512 = tpu.vector_load %arg10[%get3A_510, %get3A_511] {strides = array<i32>} : memref<16x1024xf32, #tpu.memory_space<vmem>>, vector<1x16xf32>,
      %get3A_513 = vector.shape_cast %get3A_512 : vector<1x16xf32> to vector<16xf32>
      %mul3A_514 = arith.mulf %get3A_509, %get3A_513 : vector<16xf32>
      %add3A_515 = arith.addf %add3A_505, %mul3A_514 : vector<16xf32>
      %get3A_516 = arith.index_cast %scan3A_85 : i32 to index
      %get3A_517 = arith.constant 688 : index
      %get3A_518 = tpu.vector_load %arg9[%get3A_516, %get3A_517] {strides = array<i32>} : memref<16x1024xf32, #tpu.memory_space<vmem>>, vector<1x16xf32>,
      %get3A_519 = vector.shape_cast %get3A_518 : vector<1x16xf32> to vector<16xf32>
      %get3A_520 = arith.index_cast %scan3A_85 : i32 to index
      %get3A_521 = arith.constant 688 : index
      %get3A_522 = tpu.vector_load %arg10[%get3A_520, %get3A_521] {strides = array<i32>} : memref<16x1024xf32, #tpu.memory_space<vmem>>, vector<1x16xf32>,
      %get3A_523 = vector.shape_cast %get3A_522 : vector<1x16xf32> to vector<16xf32>
      %mul3A_524 = arith.mulf %get3A_519, %get3A_523 : vector<16xf32>
      %add3A_525 = arith.addf %add3A_515, %mul3A_524 : vector<16xf32>
      %get3A_526 = arith.index_cast %scan3A_85 : i32 to index
      %get3A_527 = arith.constant 704 : index
      %get3A_528 = tpu.vector_load %arg9[%get3A_526, %get3A_527] {strides = array<i32>} : memref<16x1024xf32, #tpu.memory_space<vmem>>, vector<1x16xf32>,
      %get3A_529 = vector.shape_cast %get3A_528 : vector<1x16xf32> to vector<16xf32>
      %get3A_530 = arith.index_cast %scan3A_85 : i32 to index
      %get3A_531 = arith.constant 704 : index
      %get3A_532 = tpu.vector_load %arg10[%get3A_530, %get3A_531] {strides = array<i32>} : memref<16x1024xf32, #tpu.memory_space<vmem>>, vector<1x16xf32>,
      %get3A_533 = vector.shape_cast %get3A_532 : vector<1x16xf32> to vector<16xf32>
      %mul3A_534 = arith.mulf %get3A_529, %get3A_533 : vector<16xf32>
      %add3A_535 = arith.addf %add3A_525, %mul3A_534 : vector<16xf32>
      %get3A_536 = arith.index_cast %scan3A_85 : i32 to index
      %get3A_537 = arith.constant 720 : index
      %get3A_538 = tpu.vector_load %arg9[%get3A_536, %get3A_537] {strides = array<i32>} : memref<16x1024xf32, #tpu.memory_space<vmem>>, vector<1x16xf32>,
      %get3A_539 = vector.shape_cast %get3A_538 : vector<1x16xf32> to vector<16xf32>
      %get3A_540 = arith.index_cast %scan3A_85 : i32 to index
      %get3A_541 = arith.constant 720 : index
      %get3A_542 = tpu.vector_load %arg10[%get3A_540, %get3A_541] {strides = array<i32>} : memref<16x1024xf32, #tpu.memory_space<vmem>>, vector<1x16xf32>,
      %get3A_543 = vector.shape_cast %get3A_542 : vector<1x16xf32> to vector<16xf32>
      %mul3A_544 = arith.mulf %get3A_539, %get3A_543 : vector<16xf32>
      %add3A_545 = arith.addf %add3A_535, %mul3A_544 : vector<16xf32>
      %get3A_546 = arith.index_cast %scan3A_85 : i32 to index
      %get3A_547 = arith.constant 736 : index
      %get3A_548 = tpu.vector_load %arg9[%get3A_546, %get3A_547] {strides = array<i32>} : memref<16x1024xf32, #tpu.memory_space<vmem>>, vector<1x16xf32>,
      %get3A_549 = vector.shape_cast %get3A_548 : vector<1x16xf32> to vector<16xf32>
      %get3A_550 = arith.index_cast %scan3A_85 : i32 to index
      %get3A_551 = arith.constant 736 : index
      %get3A_552 = tpu.vector_load %arg10[%get3A_550, %get3A_551] {strides = array<i32>} : memref<16x1024xf32, #tpu.memory_space<vmem>>, vector<1x16xf32>,
      %get3A_553 = vector.shape_cast %get3A_552 : vector<1x16xf32> to vector<16xf32>
      %mul3A_554 = arith.mulf %get3A_549, %get3A_553 : vector<16xf32>
      %add3A_555 = arith.addf %add3A_545, %mul3A_554 : vector<16xf32>
      %get3A_556 = arith.index_cast %scan3A_85 : i32 to index
      %get3A_557 = arith.constant 752 : index
      %get3A_558 = tpu.vector_load %arg9[%get3A_556, %get3A_557] {strides = array<i32>} : memref<16x1024xf32, #tpu.memory_space<vmem>>, vector<1x16xf32>,
      %get3A_559 = vector.shape_cast %get3A_558 : vector<1x16xf32> to vector<16xf32>
      %get3A_560 = arith.index_cast %scan3A_85 : i32 to index
      %get3A_561 = arith.constant 752 : index
      %get3A_562 = tpu.vector_load %arg10[%get3A_560, %get3A_561] {strides = array<i32>} : memref<16x1024xf32, #tpu.memory_space<vmem>>, vector<1x16xf32>,
      %get3A_563 = vector.shape_cast %get3A_562 : vector<1x16xf32> to vector<16xf32>
      %mul3A_564 = arith.mulf %get3A_559, %get3A_563 : vector<16xf32>
      %add3A_565 = arith.addf %add3A_555, %mul3A_564 : vector<16xf32>
      %get3A_566 = arith.index_cast %scan3A_85 : i32 to index
      %get3A_567 = arith.constant 768 : index
      %get3A_568 = tpu.vector_load %arg9[%get3A_566, %get3A_567] {strides = array<i32>} : memref<16x1024xf32, #tpu.memory_space<vmem>>, vector<1x16xf32>,
      %get3A_569 = vector.shape_cast %get3A_568 : vector<1x16xf32> to vector<16xf32>
      %get3A_570 = arith.index_cast %scan3A_85 : i32 to index
      %get3A_571 = arith.constant 768 : index
      %get3A_572 = tpu.vector_load %arg10[%get3A_570, %get3A_571] {strides = array<i32>} : memref<16x1024xf32, #tpu.memory_space<vmem>>, vector<1x16xf32>,
      %get3A_573 = vector.shape_cast %get3A_572 : vector<1x16xf32> to vector<16xf32>
      %mul3A_574 = arith.mulf %get3A_569, %get3A_573 : vector<16xf32>
      %add3A_575 = arith.addf %add3A_565, %mul3A_574 : vector<16xf32>
      %get3A_576 = arith.index_cast %scan3A_85 : i32 to index
      %get3A_577 = arith.constant 784 : index
      %get3A_578 = tpu.vector_load %arg9[%get3A_576, %get3A_577] {strides = array<i32>} : memref<16x1024xf32, #tpu.memory_space<vmem>>, vector<1x16xf32>,
      %get3A_579 = vector.shape_cast %get3A_578 : vector<1x16xf32> to vector<16xf32>
      %get3A_580 = arith.index_cast %scan3A_85 : i32 to index
      %get3A_581 = arith.constant 784 : index
      %get3A_582 = tpu.vector_load %arg10[%get3A_580, %get3A_581] {strides = array<i32>} : memref<16x1024xf32, #tpu.memory_space<vmem>>, vector<1x16xf32>,
      %get3A_583 = vector.shape_cast %get3A_582 : vector<1x16xf32> to vector<16xf32>
      %mul3A_584 = arith.mulf %get3A_579, %get3A_583 : vector<16xf32>
      %add3A_585 = arith.addf %add3A_575, %mul3A_584 : vector<16xf32>
      %get3A_586 = arith.index_cast %scan3A_85 : i32 to index
      %get3A_587 = arith.constant 800 : index
      %get3A_588 = tpu.vector_load %arg9[%get3A_586, %get3A_587] {strides = array<i32>} : memref<16x1024xf32, #tpu.memory_space<vmem>>, vector<1x16xf32>,
      %get3A_589 = vector.shape_cast %get3A_588 : vector<1x16xf32> to vector<16xf32>
      %get3A_590 = arith.index_cast %scan3A_85 : i32 to index
      %get3A_591 = arith.constant 800 : index
      %get3A_592 = tpu.vector_load %arg10[%get3A_590, %get3A_591] {strides = array<i32>} : memref<16x1024xf32, #tpu.memory_space<vmem>>, vector<1x16xf32>,
      %get3A_593 = vector.shape_cast %get3A_592 : vector<1x16xf32> to vector<16xf32>
      %mul3A_594 = arith.mulf %get3A_589, %get3A_593 : vector<16xf32>
      %add3A_595 = arith.addf %add3A_585, %mul3A_594 : vector<16xf32>
      %get3A_596 = arith.index_cast %scan3A_85 : i32 to index
      %get3A_597 = arith.constant 816 : index
      %get3A_598 = tpu.vector_load %arg9[%get3A_596, %get3A_597] {strides = array<i32>} : memref<16x1024xf32, #tpu.memory_space<vmem>>, vector<1x16xf32>,
      %get3A_599 = vector.shape_cast %get3A_598 : vector<1x16xf32> to vector<16xf32>
      %get3A_600 = arith.index_cast %scan3A_85 : i32 to index
      %get3A_601 = arith.constant 816 : index
      %get3A_602 = tpu.vector_load %arg10[%get3A_600, %get3A_601] {strides = array<i32>} : memref<16x1024xf32, #tpu.memory_space<vmem>>, vector<1x16xf32>,
      %get3A_603 = vector.shape_cast %get3A_602 : vector<1x16xf32> to vector<16xf32>
      %mul3A_604 = arith.mulf %get3A_599, %get3A_603 : vector<16xf32>
      %add3A_605 = arith.addf %add3A_595, %mul3A_604 : vector<16xf32>
      %get3A_606 = arith.index_cast %scan3A_85 : i32 to index
      %get3A_607 = arith.constant 832 : index
      %get3A_608 = tpu.vector_load %arg9[%get3A_606, %get3A_607] {strides = array<i32>} : memref<16x1024xf32, #tpu.memory_space<vmem>>, vector<1x16xf32>,
      %get3A_609 = vector.shape_cast %get3A_608 : vector<1x16xf32> to vector<16xf32>
      %get3A_610 = arith.index_cast %scan3A_85 : i32 to index
      %get3A_611 = arith.constant 832 : index
      %get3A_612 = tpu.vector_load %arg10[%get3A_610, %get3A_611] {strides = array<i32>} : memref<16x1024xf32, #tpu.memory_space<vmem>>, vector<1x16xf32>,
      %get3A_613 = vector.shape_cast %get3A_612 : vector<1x16xf32> to vector<16xf32>
      %mul3A_614 = arith.mulf %get3A_609, %get3A_613 : vector<16xf32>
      %add3A_615 = arith.addf %add3A_605, %mul3A_614 : vector<16xf32>
      %get3A_616 = arith.index_cast %scan3A_85 : i32 to index
      %get3A_617 = arith.constant 848 : index
      %get3A_618 = tpu.vector_load %arg9[%get3A_616, %get3A_617] {strides = array<i32>} : memref<16x1024xf32, #tpu.memory_space<vmem>>, vector<1x16xf32>,
      %get3A_619 = vector.shape_cast %get3A_618 : vector<1x16xf32> to vector<16xf32>
      %get3A_620 = arith.index_cast %scan3A_85 : i32 to index
      %get3A_621 = arith.constant 848 : index
      %get3A_622 = tpu.vector_load %arg10[%get3A_620, %get3A_621] {strides = array<i32>} : memref<16x1024xf32, #tpu.memory_space<vmem>>, vector<1x16xf32>,
      %get3A_623 = vector.shape_cast %get3A_622 : vector<1x16xf32> to vector<16xf32>
      %mul3A_624 = arith.mulf %get3A_619, %get3A_623 : vector<16xf32>
      %add3A_625 = arith.addf %add3A_615, %mul3A_624 : vector<16xf32>
      %get3A_626 = arith.index_cast %scan3A_85 : i32 to index
      %get3A_627 = arith.constant 864 : index
      %get3A_628 = tpu.vector_load %arg9[%get3A_626, %get3A_627] {strides = array<i32>} : memref<16x1024xf32, #tpu.memory_space<vmem>>, vector<1x16xf32>,
      %get3A_629 = vector.shape_cast %get3A_628 : vector<1x16xf32> to vector<16xf32>
      %get3A_630 = arith.index_cast %scan3A_85 : i32 to index
      %get3A_631 = arith.constant 864 : index
      %get3A_632 = tpu.vector_load %arg10[%get3A_630, %get3A_631] {strides = array<i32>} : memref<16x1024xf32, #tpu.memory_space<vmem>>, vector<1x16xf32>,
      %get3A_633 = vector.shape_cast %get3A_632 : vector<1x16xf32> to vector<16xf32>
      %mul3A_634 = arith.mulf %get3A_629, %get3A_633 : vector<16xf32>
      %add3A_635 = arith.addf %add3A_625, %mul3A_634 : vector<16xf32>
      %get3A_636 = arith.index_cast %scan3A_85 : i32 to index
      %get3A_637 = arith.constant 880 : index
      %get3A_638 = tpu.vector_load %arg9[%get3A_636, %get3A_637] {strides = array<i32>} : memref<16x1024xf32, #tpu.memory_space<vmem>>, vector<1x16xf32>,
      %get3A_639 = vector.shape_cast %get3A_638 : vector<1x16xf32> to vector<16xf32>
      %get3A_640 = arith.index_cast %scan3A_85 : i32 to index
      %get3A_641 = arith.constant 880 : index
      %get3A_642 = tpu.vector_load %arg10[%get3A_640, %get3A_641] {strides = array<i32>} : memref<16x1024xf32, #tpu.memory_space<vmem>>, vector<1x16xf32>,
      %get3A_643 = vector.shape_cast %get3A_642 : vector<1x16xf32> to vector<16xf32>
      %mul3A_644 = arith.mulf %get3A_639, %get3A_643 : vector<16xf32>
      %add3A_645 = arith.addf %add3A_635, %mul3A_644 : vector<16xf32>
      %get3A_646 = arith.index_cast %scan3A_85 : i32 to index
      %get3A_647 = arith.constant 896 : index
      %get3A_648 = tpu.vector_load %arg9[%get3A_646, %get3A_647] {strides = array<i32>} : memref<16x1024xf32, #tpu.memory_space<vmem>>, vector<1x16xf32>,
      %get3A_649 = vector.shape_cast %get3A_648 : vector<1x16xf32> to vector<16xf32>
      %get3A_650 = arith.index_cast %scan3A_85 : i32 to index
      %get3A_651 = arith.constant 896 : index
      %get3A_652 = tpu.vector_load %arg10[%get3A_650, %get3A_651] {strides = array<i32>} : memref<16x1024xf32, #tpu.memory_space<vmem>>, vector<1x16xf32>,
      %get3A_653 = vector.shape_cast %get3A_652 : vector<1x16xf32> to vector<16xf32>
      %mul3A_654 = arith.mulf %get3A_649, %get3A_653 : vector<16xf32>
      %add3A_655 = arith.addf %add3A_645, %mul3A_654 : vector<16xf32>
      %get3A_656 = arith.index_cast %scan3A_85 : i32 to index
      %get3A_657 = arith.constant 912 : index
      %get3A_658 = tpu.vector_load %arg9[%get3A_656, %get3A_657] {strides = array<i32>} : memref<16x1024xf32, #tpu.memory_space<vmem>>, vector<1x16xf32>,
      %get3A_659 = vector.shape_cast %get3A_658 : vector<1x16xf32> to vector<16xf32>
      %get3A_660 = arith.index_cast %scan3A_85 : i32 to index
      %get3A_661 = arith.constant 912 : index
      %get3A_662 = tpu.vector_load %arg10[%get3A_660, %get3A_661] {strides = array<i32>} : memref<16x1024xf32, #tpu.memory_space<vmem>>, vector<1x16xf32>,
      %get3A_663 = vector.shape_cast %get3A_662 : vector<1x16xf32> to vector<16xf32>
      %mul3A_664 = arith.mulf %get3A_659, %get3A_663 : vector<16xf32>
      %add3A_665 = arith.addf %add3A_655, %mul3A_664 : vector<16xf32>
      %get3A_666 = arith.index_cast %scan3A_85 : i32 to index
      %get3A_667 = arith.constant 928 : index
      %get3A_668 = tpu.vector_load %arg9[%get3A_666, %get3A_667] {strides = array<i32>} : memref<16x1024xf32, #tpu.memory_space<vmem>>, vector<1x16xf32>,
      %get3A_669 = vector.shape_cast %get3A_668 : vector<1x16xf32> to vector<16xf32>
      %get3A_670 = arith.index_cast %scan3A_85 : i32 to index
      %get3A_671 = arith.constant 928 : index
      %get3A_672 = tpu.vector_load %arg10[%get3A_670, %get3A_671] {strides = array<i32>} : memref<16x1024xf32, #tpu.memory_space<vmem>>, vector<1x16xf32>,
      %get3A_673 = vector.shape_cast %get3A_672 : vector<1x16xf32> to vector<16xf32>
      %mul3A_674 = arith.mulf %get3A_669, %get3A_673 : vector<16xf32>
      %add3A_675 = arith.addf %add3A_665, %mul3A_674 : vector<16xf32>
      %get3A_676 = arith.index_cast %scan3A_85 : i32 to index
      %get3A_677 = arith.constant 944 : index
      %get3A_678 = tpu.vector_load %arg9[%get3A_676, %get3A_677] {strides = array<i32>} : memref<16x1024xf32, #tpu.memory_space<vmem>>, vector<1x16xf32>,
      %get3A_679 = vector.shape_cast %get3A_678 : vector<1x16xf32> to vector<16xf32>
      %get3A_680 = arith.index_cast %scan3A_85 : i32 to index
      %get3A_681 = arith.constant 944 : index
      %get3A_682 = tpu.vector_load %arg10[%get3A_680, %get3A_681] {strides = array<i32>} : memref<16x1024xf32, #tpu.memory_space<vmem>>, vector<1x16xf32>,
      %get3A_683 = vector.shape_cast %get3A_682 : vector<1x16xf32> to vector<16xf32>
      %mul3A_684 = arith.mulf %get3A_679, %get3A_683 : vector<16xf32>
      %add3A_685 = arith.addf %add3A_675, %mul3A_684 : vector<16xf32>
      %get3A_686 = arith.index_cast %scan3A_85 : i32 to index
      %get3A_687 = arith.constant 960 : index
      %get3A_688 = tpu.vector_load %arg9[%get3A_686, %get3A_687] {strides = array<i32>} : memref<16x1024xf32, #tpu.memory_space<vmem>>, vector<1x16xf32>,
      %get3A_689 = vector.shape_cast %get3A_688 : vector<1x16xf32> to vector<16xf32>
      %get3A_690 = arith.index_cast %scan3A_85 : i32 to index
      %get3A_691 = arith.constant 960 : index
      %get3A_692 = tpu.vector_load %arg10[%get3A_690, %get3A_691] {strides = array<i32>} : memref<16x1024xf32, #tpu.memory_space<vmem>>, vector<1x16xf32>,
      %get3A_693 = vector.shape_cast %get3A_692 : vector<1x16xf32> to vector<16xf32>
      %mul3A_694 = arith.mulf %get3A_689, %get3A_693 : vector<16xf32>
      %add3A_695 = arith.addf %add3A_685, %mul3A_694 : vector<16xf32>
      %get3A_696 = arith.index_cast %scan3A_85 : i32 to index
      %get3A_697 = arith.constant 976 : index
      %get3A_698 = tpu.vector_load %arg9[%get3A_696, %get3A_697] {strides = array<i32>} : memref<16x1024xf32, #tpu.memory_space<vmem>>, vector<1x16xf32>,
      %get3A_699 = vector.shape_cast %get3A_698 : vector<1x16xf32> to vector<16xf32>
      %get3A_700 = arith.index_cast %scan3A_85 : i32 to index
      %get3A_701 = arith.constant 976 : index
      %get3A_702 = tpu.vector_load %arg10[%get3A_700, %get3A_701] {strides = array<i32>} : memref<16x1024xf32, #tpu.memory_space<vmem>>, vector<1x16xf32>,
      %get3A_703 = vector.shape_cast %get3A_702 : vector<1x16xf32> to vector<16xf32>
      %mul3A_704 = arith.mulf %get3A_699, %get3A_703 : vector<16xf32>
      %add3A_705 = arith.addf %add3A_695, %mul3A_704 : vector<16xf32>
      %get3A_706 = arith.index_cast %scan3A_85 : i32 to index
      %get3A_707 = arith.constant 992 : index
      %get3A_708 = tpu.vector_load %arg9[%get3A_706, %get3A_707] {strides = array<i32>} : memref<16x1024xf32, #tpu.memory_space<vmem>>, vector<1x16xf32>,
      %get3A_709 = vector.shape_cast %get3A_708 : vector<1x16xf32> to vector<16xf32>
      %get3A_710 = arith.index_cast %scan3A_85 : i32 to index
      %get3A_711 = arith.constant 992 : index
      %get3A_712 = tpu.vector_load %arg10[%get3A_710, %get3A_711] {strides = array<i32>} : memref<16x1024xf32, #tpu.memory_space<vmem>>, vector<1x16xf32>,
      %get3A_713 = vector.shape_cast %get3A_712 : vector<1x16xf32> to vector<16xf32>
      %mul3A_714 = arith.mulf %get3A_709, %get3A_713 : vector<16xf32>
      %add3A_715 = arith.addf %add3A_705, %mul3A_714 : vector<16xf32>
      %get3A_716 = arith.index_cast %scan3A_85 : i32 to index
      %get3A_717 = arith.constant 1008 : index
      %get3A_718 = tpu.vector_load %arg9[%get3A_716, %get3A_717] {strides = array<i32>} : memref<16x1024xf32, #tpu.memory_space<vmem>>, vector<1x16xf32>,
      %get3A_719 = vector.shape_cast %get3A_718 : vector<1x16xf32> to vector<16xf32>
      %get3A_720 = arith.index_cast %scan3A_85 : i32 to index
      %get3A_721 = arith.constant 1008 : index
      %get3A_722 = tpu.vector_load %arg10[%get3A_720, %get3A_721] {strides = array<i32>} : memref<16x1024xf32, #tpu.memory_space<vmem>>, vector<1x16xf32>,
      %get3A_723 = vector.shape_cast %get3A_722 : vector<1x16xf32> to vector<16xf32>
      %mul3A_724 = arith.mulf %get3A_719, %get3A_723 : vector<16xf32>
      %add3A_725 = arith.addf %add3A_715, %mul3A_724 : vector<16xf32>
      %lt3A = arith.constant 0 : i32
      %lt3A_726 = vector.broadcast %lt3A : i32 to vector<16xi32>
      %lt3A_727 = arith.cmpi slt, %xor3A_4, %lt3A_726 : vector<16xi32>
      %add3A_728 = arith.constant 16 : i32
      %add3A_729 = vector.broadcast %add3A_728 : i32 to vector<16xi32>
      %add3A_730 = arith.addi %xor3A_4, %add3A_729 : vector<16xi32>
      %select_n3A = arith.select %lt3A_727, %add3A_730, %xor3A_4 : vector<16xi1>, vector<16xi32>
      %broadcast_in_dim3A_731 = vector.shape_cast %select_n3A : vector<16xi32> to vector<16x1xi32>
      %gather3A = vector.shape_cast %broadcast_in_dim3A_731 : vector<16x1xi32> to vector<16xi32>
      %gather3A_732 = tpu.dynamic_gather %add3A_725[%gather3A] in [0] : vector<16xf32>, vector<16xi32> -> vector<16xf32>
      %add3A_733 = arith.addf %add3A_725, %gather3A_732 : vector<16xf32>
      %lt3A_734 = arith.constant 0 : i32
      %lt3A_735 = vector.broadcast %lt3A_734 : i32 to vector<16xi32>
      %lt3A_736 = arith.cmpi slt, %xor3A_7, %lt3A_735 : vector<16xi32>
      %add3A_737 = arith.constant 16 : i32
      %add3A_738 = vector.broadcast %add3A_737 : i32 to vector<16xi32>
      %add3A_739 = arith.addi %xor3A_7, %add3A_738 : vector<16xi32>
      %select_n3A_740 = arith.select %lt3A_736, %add3A_739, %xor3A_7 : vector<16xi1>, vector<16xi32>
      %broadcast_in_dim3A_741 = vector.shape_cast %select_n3A_740 : vector<16xi32> to vector<16x1xi32>
      %gather3A_742 = vector.shape_cast %broadcast_in_dim3A_741 : vector<16x1xi32> to vector<16xi32>
      %gather3A_743 = tpu.dynamic_gather %add3A_733[%gather3A_742] in [0] : vector<16xf32>, vector<16xi32> -> vector<16xf32>
      %add3A_744 = arith.addf %add3A_733, %gather3A_743 : vector<16xf32>
      %lt3A_745 = arith.constant 0 : i32
      %lt3A_746 = vector.broadcast %lt3A_745 : i32 to vector<16xi32>
      %lt3A_747 = arith.cmpi slt, %xor3A_10, %lt3A_746 : vector<16xi32>
      %add3A_748 = arith.constant 16 : i32
      %add3A_749 = vector.broadcast %add3A_748 : i32 to vector<16xi32>
      %add3A_750 = arith.addi %xor3A_10, %add3A_749 : vector<16xi32>
      %select_n3A_751 = arith.select %lt3A_747, %add3A_750, %xor3A_10 : vector<16xi1>, vector<16xi32>
      %broadcast_in_dim3A_752 = vector.shape_cast %select_n3A_751 : vector<16xi32> to vector<16x1xi32>
      %gather3A_753 = vector.shape_cast %broadcast_in_dim3A_752 : vector<16x1xi32> to vector<16xi32>
      %gather3A_754 = tpu.dynamic_gather %add3A_744[%gather3A_753] in [0] : vector<16xf32>, vector<16xi32> -> vector<16xf32>
      %add3A_755 = arith.addf %add3A_744, %gather3A_754 : vector<16xf32>
      %lt3A_756 = arith.constant 0 : i32
      %lt3A_757 = vector.broadcast %lt3A_756 : i32 to vector<16xi32>
      %lt3A_758 = arith.cmpi slt, %xor3A_13, %lt3A_757 : vector<16xi32>
      %add3A_759 = arith.constant 16 : i32
      %add3A_760 = vector.broadcast %add3A_759 : i32 to vector<16xi32>
      %add3A_761 = arith.addi %xor3A_13, %add3A_760 : vector<16xi32>
      %select_n3A_762 = arith.select %lt3A_758, %add3A_761, %xor3A_13 : vector<16xi1>, vector<16xi32>
      %broadcast_in_dim3A_763 = vector.shape_cast %select_n3A_762 : vector<16xi32> to vector<16x1xi32>
      %gather3A_764 = vector.shape_cast %broadcast_in_dim3A_763 : vector<16x1xi32> to vector<16xi32>
      %gather3A_765 = tpu.dynamic_gather %add3A_755[%gather3A_764] in [0] : vector<16xf32>, vector<16xi32> -> vector<16xf32>
      %add3A_766 = arith.addf %add3A_755, %gather3A_765 : vector<16xf32>
      %eq3A = vector.broadcast %scan3A_85 : i32 to vector<16xi32>
      %eq3A_767 = arith.cmpi eq, %iota3A, %eq3A : vector<16xi32>
      %select_n3A_768 = arith.select %eq3A_767, %add3A_766, %scan3A_86 : vector<16xi1>, vector<16xf32>
      scf.yield %select_n3A_768 : vector<16xf32>
    }
    %scan3A_76 = arith.constant 16 : i32
    %multiple_of3A_77 = arith.constant 9984 : i32
    %multiple_of3A_78 = tpu.assume_multiple %multiple_of3A_77, 16 : i32
    %jit3A = arith.constant 0.000000e+00 : f32
    %jit3A_79 = arith.constant 1.000000e+00 : f32
    %max3A = vector.broadcast %jit3A : f32 to vector<16xf32>
    %max3A_80 = arith.maximumf %max3A, %scan3A_75 : vector<16xf32>
    %min3A = vector.broadcast %jit3A_79 : f32 to vector<16xf32>
    %min3A_81 = arith.minimumf %min3A, %max3A_80 : vector<16xf32>
    %swap3A = arith.index_cast %multiple_of3A_78 : i32 to index
    %swap3A_82 = tpu.vector_load %arg8[%swap3A] {strides = array<i32>} : memref<10000xf32, #tpu.memory_space<vmem>>, vector<16xf32>,
    %swap3A_83 = vector.shape_cast %swap3A_82 : vector<16xf32> to vector<16xf32>
    %swap3A_84 = vector.shape_cast %min3A_81 : vector<16xf32> to vector<16xf32>
    tpu.vector_store %arg8[%swap3A], %swap3A_84 {strides = array<i32>} : memref<10000xf32, #tpu.memory_space<vmem>>, vector<16xf32>,
    "tpu.region"() ({
      %run_scoped3A = tpu.sem_alloc : memref<!tpu.dma_semaphore, #tpu.memory_space<semaphore_mem>>
      %dma_start3A_85 = tpu.memref_slice %arg5[%multiple_of3A] : memref<320000xf32, #tpu.memory_space<hbm>> -> memref<10000xf32, #tpu.memory_space<hbm>>
      %dma_start3A_86 = tpu.memref_slice %arg5[%multiple_of3A] : memref<320000xf32, #tpu.memory_space<hbm>> -> memref<10000xf32, #tpu.memory_space<hbm>>
      tpu.enqueue_dma source(%arg8 : memref<10000xf32, #tpu.memory_space<vmem>>) target(%dma_start3A_86 : memref<10000xf32, #tpu.memory_space<hbm>>) target_semaphore(%run_scoped3A : memref<!tpu.dma_semaphore, #tpu.memory_space<semaphore_mem>>)
      %dma_wait3A_87 = tpu.memref_slice %arg5[%multiple_of3A] : memref<320000xf32, #tpu.memory_space<hbm>> -> memref<10000xf32, #tpu.memory_space<hbm>>
      %dma_wait3A_88 = tpu.memref_slice %arg5[%multiple_of3A] : memref<320000xf32, #tpu.memory_space<hbm>> -> memref<10000xf32, #tpu.memory_space<hbm>>
      tpu.wait_dma2 semaphore(%run_scoped3A : memref<!tpu.dma_semaphore, #tpu.memory_space<semaphore_mem>>) src(%arg8 : memref<10000xf32, #tpu.memory_space<vmem>>) dst(%dma_wait3A_88 : memref<10000xf32, #tpu.memory_space<hbm>>)
      tpu.yield
    }) : () -> ()
    return
  }
}

module attributes {stable_mosaic.version = 14 : i64} {
  func.func @body(%arg0: i32, %arg1: i32, %arg2: memref<1x1x128xf32, #tpu.memory_space<vmem>>, %arg3: memref<1x400x128xf32, #tpu.memory_space<vmem>>, %arg4: memref<400x128xf32, #tpu.memory_space<vmem>>) attributes {dimension_semantics = [#tpu.dimension_semantics<arbitrary>, #tpu.dimension_semantics<arbitrary>], iteration_bounds = array<i64: 8, 25>, scalar_prefetch = 0 : i64, scratch_operands = 0 : i64, tpu.core_type = #tpu.core_type<tc>, window_params = [{transform_indices = @transform_0, window_bounds = array<i64: 1, 1, 128>}, {transform_indices = @transform_1, window_bounds = array<i64: 1, 400, 128>}, {transform_indices = @transform_2, window_bounds = array<i64: 400, 128>}]} {
    %get3A = arith.constant 0 : index
    %get3A_0 = arith.constant 0 : index
    %get3A_1 = arith.constant 0 : index
    %get3A_2 = vector.load %arg3[%get3A, %get3A_0, %get3A_1] : memref<1x400x128xf32, #tpu.memory_space<vmem>>, vector<1x400x128xf32>
    %get3A_3 = vector.shape_cast %get3A_2 : vector<1x400x128xf32> to vector<400x128xf32>
    %mul3A = arith.mulf %get3A_3, %get3A_3 : vector<400x128xf32>
    %reduce_sum3A = arith.constant dense<0.000000e+00> : vector<400xf32>
    %reduce_sum3A_4 = vector.multi_reduction <add>, %mul3A, %reduce_sum3A [1] : vector<400x128xf32> to vector<400xf32>
    %broadcast_in_dim3A = vector.shape_cast %reduce_sum3A_4 : vector<400xf32> to vector<400x1xf32>
    %sqrt3A = math.sqrt %broadcast_in_dim3A : vector<400x1xf32>
    %max3A = arith.constant 9.99999996E-13 : f32
    %max3A_5 = vector.broadcast %max3A : f32 to vector<400x1xf32>
    %max3A_6 = arith.maximumf %sqrt3A, %max3A_5 : vector<400x1xf32>
    %div3A = vector.broadcast %max3A_6 : vector<400x1xf32> to vector<400x128xf32>
    %div3A_7 = arith.divf %get3A_3, %div3A : vector<400x128xf32>
    %get3A_8 = arith.constant 0 : index
    %get3A_9 = arith.constant 0 : index
    %get3A_10 = arith.constant 0 : index
    %get3A_11 = vector.load %arg2[%get3A_8, %get3A_9, %get3A_10] : memref<1x1x128xf32, #tpu.memory_space<vmem>>, vector<1x1x128xf32>
    %get3A_12 = vector.shape_cast %get3A_11 : vector<1x1x128xf32> to vector<1x128xf32>
    %mul3A_13 = vector.broadcast %get3A_12 : vector<1x128xf32> to vector<400x128xf32>
    %mul3A_14 = arith.mulf %div3A_7, %mul3A_13 : vector<400x128xf32>
    %swap3A = arith.constant 0 : index
    %swap3A_15 = arith.constant 0 : index
    %swap3A_16 = vector.load %arg4[%swap3A, %swap3A_15] : memref<400x128xf32, #tpu.memory_space<vmem>>, vector<400x128xf32>
    tpu.vector_store %arg4[%swap3A, %swap3A_15], %mul3A_14 {strides = array<i32>} : memref<400x128xf32, #tpu.memory_space<vmem>>, vector<400x128xf32>,
    return
  }
  func.func @transform_0(%arg0: i32, %arg1: i32) -> (i32, i32, i32) {
    %c0_i32 = arith.constant 0 : i32
    %c0_i32_0 = arith.constant 0 : i32
    %c0_i32_1 = arith.constant 0 : i32
    return %arg0, %c0_i32, %c0_i32_0 : i32, i32, i32
  }
  func.func @transform_1(%arg0: i32, %arg1: i32) -> (i32, i32, i32) {
    %c0_i32 = arith.constant 0 : i32
    %c0_i32_0 = arith.constant 0 : i32
    return %arg0, %arg1, %c0_i32 : i32, i32, i32
  }
  func.func @transform_2(%arg0: i32, %arg1: i32) -> (i32, i32) {
    %c0_i32 = arith.constant 0 : i32
    return %arg1, %arg0 : i32, i32
  }
}

</mosaic_0001>

<sc_bundles>
// kernel: kernel.4.cloned.1.call-start
scs
__scs_entry_jumppad:
0x0: {  	(pc) =	sbr.rel $0x88, $3  }
0x1: {  	(tag) =	ssettag $0x0;
	lr =	simm.s32 $0x1  }
0x2: {  	[smem:$0x3F9D] =	sst lr;
	_ =	strace $0xD0000000  }
0x3: {  	_ = 	snop  }
0x4: {  	_ = 	snop  }
0x5: {  	_ = 	snop  }
0x6: {  	_ = 	snop  }
0x7: {  	_ = 	snop  }
__scs_overlays_trampoline_lowered:
0x8: {  	[smem:$0x3FAC] =	sst s0  }
0x9: {  	[smem:$0x3FAD] =	sst s1  }
0xa: {  	[smem:$0x3FAE] =	sst s2  }
0xb: {  	[smem:$0x3FAF] =	sst s3  }
0xc: {  	[smem:$0x3FB0] =	sst s4  }
0xd: {  	[smem:$0x3FB1] =	sst s5  }
0xe: {  	[smem:$0x3FB2] =	sst s6  }
0xf: {  	[smem:$0x3FB3] =	sst s7  }
0x10: {  	[smem:$0x3FB4] =	sst s8  }
0x11: {  	[smem:$0x3FB5] =	sst s9;
	s0 =	simm.s32 @!p0 $0x0  }
0x12: {  	s1 =	sld [smem:$0x3F9B];
	s0 =	simm.s32 @p0 $0x1  }
0x13: {  	[smem:$0x3FB6] =	sst s0;
	s0 =	simm.s32 @!p1 $0x0  }
0x14: {  	s2 =	sld [smem:$0x3F9A];
	s0 =	simm.s32 @p1 $0x1  }
0x15: {  	[smem:$0x3FB7] =	sst s0;
	s0 =	simm.s32 @!p2 $0x0  }
0x16: {  	s3 =	sld [smem:$0x3FDB];
	s0 =	simm.s32 @p2 $0x1  }
0x17: {  	s4 =	simm.s32 $0x1BF5;
	[smem:$0x3FB9] =	sst s0  }
0x18: {  	s0 =	sld [smem:$0x3F9C];
	_ =	swait.ge [sflag:s4], $0x0  }
0x19: {  	s7 =	sld [smem:$0x3F9D]  }
0x1a: {  	s8 =	sadd.s32 $0xFFFFE003, lr  }
0x1b: {  	s9 =	sadd.s32 $0xFFFFFEF7, lr;
	s5 =	simm.s32 $0xFFFFFFFF;
	p2 =	slt.u32 s8, $0xFFFFF086  }
0x1c: {  	p1 =	slt.u32 s9, $0xF7A;
	s5 =	simm.s32 @!p2 $0x0  }
0x1d: {  	s5 =	simm.s32 @p1 $0x1;
	p0 =	seq.s32 s7, s2  }
0x1e: {  	s7 =	smul.u32 @!p0 $0xF7A, s2;
	p2 =	seq.s32 @!p0 s5, $0x0  }
0x1f: {  	s9 =	smul.u32 $0xF7A, s1;
	s8 =	simm.s32 @!p0 $0x1BF5;
	p2 =	por !p2, p0  }
0x20: {  	[sflag:s8] =	ssyncset.s32 @!p0 $0xFFFFF086;
	s6 =	sadd.s32 @!p0 s3, s7;
	s7 =	simm.s32 @!p0 $0x108  }
0x21: {  	s3 =	sadd.s32 s3, s9;
	s6 =	sadd.s32 @!p0 $0x88, s6;
	s7 =	simm.s32 @p2 $0x1082  }
0x22: {  	[simem:s7], [sflag:s8] =	dma.local @!p0 [hbm:s6], $0xF7A  }
0x23: {  	s9 =	sor.u32 $0xD0000000, s2;
	s6 =	simm.s32 $0x108;
	_ =	swait.ge @!p0 [sflag:s8], $0x0  }
0x24: {  	s3 =	sadd.s32 $0x88, s3;
	s6 =	simm.s32 @!p1 $0x1082;
	[sflag:s4] =	ssyncset.s32 $0xFFFFF086  }
0x25: {  	[simem:s6], [sflag:s4] =	dma.local [hbm:s3], $0xF7A  }
0x26: {  	[smem:$0x3F9D] =	sst s1;
	(tag) =	ssettag s2;
	_ =	strace s9  }
0x27: {  	s1 =	sld [smem:$0x3FAD]  }
0x28: {  	s2 =	sld [smem:$0x3FAE]  }
0x29: {  	s4 =	sld [smem:$0x3FB0]  }
0x2a: {  	p0 =	seq.s32 s5, $0x0;
	s5 =	sld [smem:$0x3FB1]  }
0x2b: {  	s6 =	sld [smem:$0x3FB2]  }
0x2c: {  	s7 =	sld [smem:$0x3FB3]  }
0x2d: {  	s3 =	simm.s32 $0x108;
	s8 =	sld [smem:$0x3FB4]  }
0x2e: {  	s3 =	simm.s32 @!p0 $0x1082;
	s9 =	sld [smem:$0x3FB5]  }
0x2f: {  	lr =	sadd.s32 s0, s3;
	s0 =	sld [smem:$0x3FAC]  }
0x30: {  	s3 =	sld [smem:$0x3FAF]  }
0x31: {  	[smem:$0x3FB8] =	sst s10  }
0x32: {  	s10 =	sld [smem:$0x3FB6];
	_ =	sdelay $0x3  }
0x33: {  	p0 =	seq.s32 s10, $0x1;
	s10 =	sld [smem:$0x3FB8];
	_ =	sdelay $0x3  }
0x34: {  	[smem:$0x3FB8] =	sst s10  }
0x35: {  	s10 =	sld [smem:$0x3FB7];
	_ =	sdelay $0x3  }
0x36: {  	p1 =	seq.s32 s10, $0x1;
	s10 =	sld [smem:$0x3FB8];
	_ =	sdelay $0x3  }
0x37: {  	[smem:$0x3FB8] =	sst s10  }
0x38: {  	s10 =	sld [smem:$0x3FB9]  }
0x39: {  	_ = 	snop;
	(pc) =	sbr.ind lr, $3  }
0x3a: {  	_ = 	snop  }
0x3b: {  	_ = 	snop  }
0x3c: {  	p2 =	seq.s32 s10, $0x1;
	s10 =	sld [smem:$0x3FB8]  }
0x3d: {  	_ =	shalt  }
0x3e: {  	_ =	shalt  }
0x3f: {  	_ =	shalt  }
0x40: {  	_ =	shalt  }
0x41: {  	_ =	shalt  }
0x42: {  	_ =	shalt  }
0x43: {  	_ =	shalt  }
0x44: {  	_ =	shalt  }
0x45: {  	_ =	shalt  }
0x46: {  	_ =	shalt  }
0x47: {  	_ =	shalt  }
0x48: {  	_ =	shalt  }
0x49: {  	_ =	shalt  }
0x4a: {  	_ =	shalt  }
0x4b: {  	_ =	shalt  }
0x4c: {  	_ =	shalt  }
0x4d: {  	_ =	shalt  }
0x4e: {  	_ =	shalt  }
0x4f: {  	_ =	shalt  }
0x50: {  	_ =	shalt  }
0x51: {  	_ =	shalt  }
0x52: {  	_ =	shalt  }
0x53: {  	_ =	shalt  }
0x54: {  	_ =	shalt  }
0x55: {  	_ =	shalt  }
0x56: {  	_ =	shalt  }
0x57: {  	_ =	shalt  }
0x58: {  	_ =	shalt  }
0x59: {  	_ =	shalt  }
0x5a: {  	_ =	shalt  }
0x5b: {  	_ =	shalt  }
0x5c: {  	_ =	shalt  }
0x5d: {  	_ =	shalt  }
0x5e: {  	_ =	shalt  }
0x5f: {  	_ =	shalt  }
0x60: {  	_ =	shalt  }
0x61: {  	_ =	shalt  }
0x62: {  	_ =	shalt  }
0x63: {  	_ =	shalt  }
0x64: {  	_ =	shalt  }
0x65: {  	_ =	shalt  }
0x66: {  	_ =	shalt  }
0x67: {  	_ =	shalt  }
0x68: {  	_ =	shalt  }
0x69: {  	_ =	shalt  }
0x6a: {  	_ =	shalt  }
0x6b: {  	_ =	shalt  }
0x6c: {  	_ =	shalt  }
0x6d: {  	_ =	shalt  }
0x6e: {  	_ =	shalt  }
0x6f: {  	_ =	shalt  }
0x70: {  	_ =	shalt  }
0x71: {  	_ =	shalt  }
0x72: {  	_ =	shalt  }
0x73: {  	_ =	shalt  }
0x74: {  	_ =	shalt  }
0x75: {  	_ =	shalt  }
0x76: {  	_ =	shalt  }
0x77: {  	_ =	shalt  }
0x78: {  	_ =	shalt  }
0x79: {  	_ =	shalt  }
0x7a: {  	_ =	shalt  }
0x7b: {  	_ =	shalt  }
0x7c: {  	_ =	shalt  }
0x7d: {  	_ =	shalt  }
0x7e: {  	_ =	shalt  }
0x7f: {  	_ =	shalt  }
0x80: {  	_ =	shalt  }
0x81: {  	_ =	shalt  }
0x82: {  	_ =	shalt  }
0x83: {  	_ =	shalt  }
0x84: {  	_ =	shalt  }
0x85: {  	_ =	shalt  }
0x86: {  	_ =	shalt  }
0x87: {  	_ =	shalt  }
.Lfunc_end0:
.L_simem_size_0:
called_computation_lowered:
.L_overlay_start_0:
0x88: {  	s2 =	sld [smem:$0x3FD9]  }
0x89: {  	s3 =	sld [smem:$0x3FFE];
	_ =	sdelay $0x1  }
0x8a: {  	s1 =	srdreg.scid  }
0x8b: {  	s0 =	sand.u32 $0x1, s1  }
0x8c: {  	s17 =	sshll.u32 s0, $0xA;
	s2 =	sadd.s32 s3, s2  }
0x8d: {  	s2 =	sadd.s32 s2, s17  }
0x8e: {  	[smem:$0x3FC4] =	sst s2  }
0x8f: {  	_ = 	snop  }
0x90: {  	s2 =	sld [smem:$0x3FD0];
	(tm) =	ssettm $0x1  }
0x91: {  	s18 =	sld [smem:$0x3FFB];
	_ =	sdelay $0x3  }
0x92: {  	_ =	strace s18  }
0x93: {  	s3 =	sld [smem:$0x3FFC];
	_ =	sdelay $0x3  }
0x94: {  	_ =	strace s3  }
0x95: {  	s3 =	sld [smem:$0x3FFD];
	_ =	sdelay $0x3  }
0x96: {  	_ =	strace s3  }
0x97: {  	_ =	strace $0x8FFFFFFF  }
0x98: {  	s19 =	sld [smem:$0x3FDB];
	_ =	sdelay $0x1  }
0x99: {  	s4 =	simm.s32 $_scs_section_size  }
0x9a: {  	s5 =	simm.s32 $_size__tile_overlayer_lowered;
	s6 =	simm.s32 $_tile_overlayer_lowered  }
0x9b: {  	s22 =	simm.s32 $0x1BFF;
	s21 =	sshll.u32 s6, $0x1;
	s3 =	sadd.s32 s4, s19  }
0x9c: {  	s7 =	simm.s32 $0x0;
	s20 =	sshll.u32 s5, $0x1;
	s5 =	sadd.s32 s21, s3  }
0x9d: {  	[timem:s7], [sflag:s22] =	dma.local [hbm:s5], s20  }
0x9e: {  	_ =	swait.ge [sflag:s22], s20  }
0x9f: {  	s4 =	ssub.s32 $0x0, s20;
	[sflag:s22] =	ssyncset.done $0x0  }
0xa0: {  	[sflag:s22] =	ssyncadd.s32 s4;
	_ =	sdelay $0x1  }
0xa1: {  	s23 =	simm.s32 $0x1B8B  }
0xa2: {  	_ =	swait.ge [sflag:s23], $0x1  }
0xa3: {  	[sflag:s23] =	ssyncset.done $0x0  }
0xa4: {  	s25 =	simm.s32 $0x1B8E;
	s24 =	sld [smem:$0x3FFE];
	[sflag:s23] =	ssyncadd.s32 $0xFFFFFFFF  }
0xa5: {  	s26 =	simm.s32 $execute0_lowered;
	[smem:$0x3FD2] =	sst s25  }
0xa6: {  	s5 =	sshll.u32 s26, $0x1;
	_ =	strace $0x80000046;
	[dreg:$0x1] =	wrdreg $0xFFFFFFFF  }
0xa7: {  	s28 =	simm.s32 $_size_execute0_lowered;
	s3 =	sadd.s32 s3, s5;
	[dreg:$0x0] =	wrdreg $0x0  }
0xa8: {  	s5 =	sshll.u32 s28, $0x1;
	[dreg:$0x2] =	wrdreg s3  }
0xa9: {  	[dreg:$0x3] =	wrdreg s5  }
0xaa: {  	[dreg:$0x4] =	wrdreg $0xC0  }
0xab: {  	_ =	task [dreg:s7], $0x5FFFF  }
0xac: {  	[dreg:$0x1] =	wrdreg $0xFFFFFFFF  }
0xad: {  	[dreg:$0x0] =	wrdreg $0x60  }
0xae: {  	[dreg:$0x2] =	wrdreg s24  }
0xaf: {  	[dreg:$0x3] =	wrdreg s2  }
0xb0: {  	[dreg:$0x4] =	wrdreg $0x9  }
0xb1: {  	_ =	task.clear_ibuf [dreg:s7], $0x5FFFF;
	_ =	strace $0x90000046  }
0xb2: {  	s29 =	simm.s32 $0x9;
	_ =	strace $0x80000048  }
0xb3: {  	_ =	swait.ge [sflag:s29], $0x1  }
0xb4: {  	[sflag:s29] =	ssyncadd.s32 $0xFFFFFFFF  }
0xb5: {  	_ =	strace $0x90000048  }
0xb6: {  	_ =	sfence  }
0xb7: {  	s30 =	sld [smem:$0x0];
	_ =	sdelay $0x2  }
0xb8: {  	s31 =	sshll.u32 s1, $0xD;
	s1 =	sshrl.u32 s1, $0x2  }
0xb9: {  	s3 =	sand.u32 $0x4000, s31;
	s1 =	sadd.s32 s1, s30  }
0xba: {  	s0 =	sor.u32 s3, s0;
	s1 =	sshll.u32 s1, $0x11  }
0xbb: {  	s0 =	sor.u32 s1, s0  }
0xbc: {  	s0 =	sadd.s32 $0x8F2B, s0  }
0xbd: {  	[sflag:s0] =	ssyncadd.remote.s32 $0x1  }
0xbe: {  	_ =	sfence.sel $0xFFFF  }
0xbf: {  	[dreg:$0x0] =	wrdreg $0xFFFFFFFF;
	(pc) =	sbr.abs _section_cstart, $3  }
0xc0: {  	[dreg:$0x1] =	wrdreg $0xFFFFFFFF  }
0xc1: {  	_ =	task.clear_ibuf [dreg:s7], $0x2FFFF;
	_ =	strace $0x9FFFFFFF  }
0xc2: {  	(tm) =	ssettm $0x7FFFFFFF  }
0xc3: {  	_ =	shalt  }
tec
execute0_lowered:
.L_overlay_start_1:
0x0: {  	(tag) =	ssettag $0x1  }
0x1: {  	s0 =	rddreg [dreg:$0x0]  }
0x2: {  	s1 =	srdreg.scid;
	s18 =	simm.s32 $0x9E80;
	s19 =	simm.s32 $0xA680  }
0x3: {  	s20 =	simm.s32 $0xAE80;
	s21 =	simm.s32 $0xB680;
	s22 =	simm.s32 $0xBE80  }
0x4: {  	s2 =	stileid.u32;
	s23 =	simm.s32 $0xC680;
	s24 =	simm.s32 $0xCE80;
	v0 =	vimm.s32 $0xFEDCBA98;
	v1 =	vimm.s32 $0x76543210  }
0x5: {  	s4 =	rddreg [dreg:$0x1];
	s25 =	simm.s32 $0xD680;
	s28 =	simm.s32 $0xE680;
	v3 =	vimm.s32 $0xBA98FEDC;
	v4 =	vimm.s32 $0x32107654;
	v2 =	vunpack.c.l.s4.s8 v0  }
0x6: {  	s29 =	simm.s32 $0xEE80;
	v5 =	vimm.s32 $0xDCFE98BA;
	v6 =	vimm.s32 $0x54761032;
	s9 =	simm.s32 $0x2;
	s10 =	simm.s32 $0x3;
	v1 =	vunpack.c.l.s4.s8 v1  }
0x7: {  	v7 =	vimm.s32 $0x67452301;
	vm0 =	vmmov $0xffff;
	s1 =	sand.u32 $0x1, s1;
	s3 =	sshll.u32 s2, $0x1;
	s2 =	simm.s32 $0x0;
	v2 =	vunpack.c.0.s8.s32 v2  }
0x8: {  	s8 =	sadd.s32 $0x14100, s0;
	v3 =	vunpack.c.l.s4.s8 v3;
	v4 =	vunpack.c.l.s4.s8 v4;
	s3 =	sor.u32 s1, s3;
	s1 =	ssub.s32 $0x2, s1;
	v1 =	vunpack.c.0.s8.s32 v1  }
0x9: {  	v5 =	vunpack.c.l.s4.s8 v5;
	v6 =	vunpack.c.l.s4.s8 v6;
	[smem:$0x7FF] =	sst s2;
	s5 =	smul.u32 $0x4E2, s3;
	s7 =	sshrl.u32 s1, $0x1;
	v2 =	vand.u32 $0xF, v2  }
0xa: {  	_ =	strace $0x80000047;
	s3 =	sadd.s32 $0x13E00, s0;
	s1 =	ssub.s32 s1, s7;
	v1 =	vcombine.low v2, v1;
	v2 =	vunpack.c.0.s8.s32 v3;
	v3 =	vimm.s32 $0xEFCDAB89  }
0xb: {  	v0 =	vlaneseq.u32;
	v7 =	vunpack.c.l.s4.s8 v7;
	s7 =	sadd.s32 $0x14000, s0;
	s6 =	sadd.s32 s5, s0;
	s30 =	sadd.s32 s4, s5;
	v3 =	vunpack.c.l.s4.s8 v3  }
0xc: {  	v4 =	vunpack.c.0.s8.s32 v4;
	v5 =	vunpack.c.0.s8.s32 v5;
	v6 =	vunpack.c.0.s8.s32 v6;
	s31 =	smax.u32 s1, $0x1;
	s1 =	simm.s32 $0x4;
	[dreg:$0x5] =	wrdreg s30  }
0xd: {  	v8 =	vshrl.u32 v0, $0x3;
	v7 =	vunpack.c.0.s8.s32 v7;
	s5 =	simm.s32 $0x1;
	s26 =	sadd.s32 $0xA000, s6;
	[dreg:$0x6] =	wrdreg s31;
	v9 =	vunpack.c.0.s8.s32 v3  }
0xe: {  	v5 =	vcombine.low v6, v5;
	v6 =	vor.u32 $0x8, v0;
	s4 =	simm.s32 $0x0;
	s6 =	sadd.s32 $0x200, s6;
	[dreg:$0x3] =	wrdreg s26;
	v2 =	vcombine.low v4, v2  }
0xf: {  	[dreg:$0x4] =	wrdreg s6;
	s6 =	sadd.s32 $0x13F00, s0;
	s26 =	simm.s32 $0xDE80;
	v4 =	vmul.u32 $0x8, v8;
	v3 =	vand.u32 $0x7, v0;
	v7 =	vcombine.low v7, v9  }
.LBB2_1:
0x10: {  	[dreg:$0x7] =	wrdreg s4  }
0x11: {  	s0 =	rddreg [dreg:$0x3]  }
0x12: {  	[tilespmem:s2], [sflag:$0x4] =	stream.linear.gather [hbm4b:s0+s2], $0x2710, $0x38;
	[tilespmem:$0x1F680] =	vst v63  }
0x13: {  	_ =	swait.ge [sflag:s1], $0x2710  }
0x14: {  	[sflag:s1] =	ssyncset.done $0x0  }
0x15: {  	s15 =	simm.s32 $0x2780;
	s14 =	rddreg [dreg:$0x4];
	[sflag:s1] =	ssyncadd.s32 $0xFFFFD8F0  }
0x16: {  	[tilespmem:s15], [sflag:$0x4] =	stream.linear.gather [hbm4b:s14+s2], $0x2710, $0x38;
	[tilespmem:$0x1F680] =	vst v63  }
0x17: {  	_ =	swait.ge [sflag:s1], $0x2710  }
0x18: {  	[sflag:s1] =	ssyncset.done $0x0  }
0x19: {  	[sflag:s1] =	ssyncadd.s32 $0xFFFFD8F0  }
0x1a: {  	v8 =	vld [tilespmem:$0x0];
	_ =	sdelay $0x4  }
0x1b: {  	v9 =	vshll.u32 v8, $0x3  }
0x1c: {  	v8 =	vand.u32 $0x7, v8;
	v9 =	vand.u32 $0xFFFFFFC0, v9  }
0x1d: {  	v8 =	vor.u32 v8, v9  }
0x1e: {  	v9 =	vperm.xlane v8, v3;
	_ =	sdelay $0x1  }
0x1f: {  	v9 =	vadd.s32 v4, v9;
	_ =	sdelay $0x3  }
0x20: {  	s16 =	simm.s32 $0x7680  }
0x21: {  	[tilespmem:s16], [sflag:$0x1] =	stream.indirect_vreg.gather [hbm4b:s3+s2], $0x80, v9, vm0, $0xb8;
	[tilespmem:$0x1F680] =	vst v63  }
0x22: {  	s17 =	simm.s32 $0x7E80;
	v8 =	vperm.xlane v8, v6  }
0x23: {  	[tilespmem:s17], [sflag:$0x1] =	stream.indirect_vreg.gather [hbm4b:s6+s2], $0x80, v9, vm0, $0xb8;
	[tilespmem:$0x1F680] =	vst v63  }
0x24: {  	s30 =	simm.s32 $0x8680;
	v8 =	vadd.s32 v4, v8  }
0x25: {  	[tilespmem:s30], [sflag:$0x1] =	stream.indirect_vreg.gather [hbm4b:s7+s2], $0x80, v9, vm0, $0xb8;
	[tilespmem:$0x1F680] =	vst v63  }
0x26: {  	s31 =	simm.s32 $0x8E80  }
0x27: {  	[tilespmem:s31], [sflag:$0x1] =	stream.indirect_vreg.gather [hbm4b:s8+s2], $0x80, v9, vm0, $0xb8;
	[tilespmem:$0x1F680] =	vst v63  }
0x28: {  	s1 =	simm.s32 $0x9680  }
0x29: {  	[tilespmem:s1], [sflag:$0x1] =	stream.indirect_vreg.gather [hbm4b:s3+s2], $0x80, v8, vm0, $0xb8;
	[tilespmem:$0x1F680] =	vst v63  }
0x2a: {  	_ = 	snop  }
0x2b: {  	[tilespmem:s18], [sflag:$0x1] =	stream.indirect_vreg.gather [hbm4b:s6+s2], $0x80, v8, vm0, $0xb8;
	[tilespmem:$0x1F680] =	vst v63  }
0x2c: {  	_ = 	snop  }
0x2d: {  	[tilespmem:s19], [sflag:$0x1] =	stream.indirect_vreg.gather [hbm4b:s7+s2], $0x80, v8, vm0, $0xb8;
	[tilespmem:$0x1F680] =	vst v63  }
0x2e: {  	_ = 	snop  }
0x2f: {  	[tilespmem:s20], [sflag:$0x1] =	stream.indirect_vreg.gather [hbm4b:s8+s2], $0x80, v8, vm0, $0xb8;
	[tilespmem:$0x1F680] =	vst v63  }
0x30: {  	v8 =	vld [tilespmem:$0x2780];
	_ =	sdelay $0x4  }
0x31: {  	v59 =	vshll.u32 v8, $0x3  }
0x32: {  	v8 =	vand.u32 $0x7, v8;
	v9 =	vand.u32 $0xFFFFFFC0, v59  }
0x33: {  	v8 =	vor.u32 v8, v9  }
0x34: {  	v9 =	vperm.xlane v8, v3;
	_ =	sdelay $0x1  }
0x35: {  	v9 =	vadd.s32 v4, v9;
	_ =	sdelay $0x4  }
0x36: {  	[tilespmem:s21], [sflag:$0x1] =	stream.indirect_vreg.gather [hbm4b:s3+s2], $0x80, v9, vm0, $0xb8;
	[tilespmem:$0x1F680] =	vst v63  }
0x37: {  	v8 =	vperm.xlane v8, v6  }
0x38: {  	[tilespmem:s22], [sflag:$0x1] =	stream.indirect_vreg.gather [hbm4b:s6+s2], $0x80, v9, vm0, $0xb8;
	[tilespmem:$0x1F680] =	vst v63  }
0x39: {  	v8 =	vadd.s32 v4, v8  }
0x3a: {  	[tilespmem:s23], [sflag:$0x1] =	stream.indirect_vreg.gather [hbm4b:s7+s2], $0x80, v9, vm0, $0xb8;
	[tilespmem:$0x1F680] =	vst v63  }
0x3b: {  	_ = 	snop  }
0x3c: {  	[tilespmem:s24], [sflag:$0x1] =	stream.indirect_vreg.gather [hbm4b:s8+s2], $0x80, v9, vm0, $0xb8;
	[tilespmem:$0x1F680] =	vst v63  }
0x3d: {  	_ = 	snop  }
0x3e: {  	[tilespmem:s25], [sflag:$0x1] =	stream.indirect_vreg.gather [hbm4b:s3+s2], $0x80, v8, vm0, $0xb8;
	[tilespmem:$0x1F680] =	vst v63  }
0x3f: {  	_ = 	snop  }
0x40: {  	[tilespmem:s26], [sflag:$0x1] =	stream.indirect_vreg.gather [hbm4b:s6+s2], $0x80, v8, vm0, $0xb8;
	[tilespmem:$0x1F680] =	vst v63  }
0x41: {  	_ = 	snop  }
0x42: {  	[tilespmem:s28], [sflag:$0x1] =	stream.indirect_vreg.gather [hbm4b:s7+s2], $0x80, v8, vm0, $0xb8;
	[tilespmem:$0x1F680] =	vst v63  }
0x43: {  	_ = 	snop  }
0x44: {  	[tilespmem:s29], [sflag:$0x1] =	stream.indirect_vreg.gather [hbm4b:s8+s2], $0x80, v8, vm0, $0xb8;
	[tilespmem:$0x1F680] =	vst v63  }
0x45: {  	v8 =	vld [tilespmem:$0x10];
	_ =	sdelay $0x4  }
0x46: {  	v60 =	vshll.u32 v8, $0x3  }
0x47: {  	v8 =	vand.u32 $0x7, v8;
	v9 =	vand.u32 $0xFFFFFFC0, v60  }
0x48: {  	v8 =	vor.u32 v8, v9  }
0x49: {  	v9 =	vperm.xlane v8, v3;
	_ =	sdelay $0x1  }
0x4a: {  	v9 =	vadd.s32 v4, v9;
	_ =	sdelay $0x3  }
0x4b: {  	s4 =	simm.s32 $0xF680  }
0x4c: {  	[tilespmem:s4], [sflag:$0x2] =	stream.indirect_vreg.gather [hbm4b:s3+s2], $0x80, v9, vm0, $0xb8;
	[tilespmem:$0x1F680] =	vst v63  }
0x4d: {  	s11 =	simm.s32 $0xFE80;
	v8 =	vperm.xlane v8, v6  }
0x4e: {  	[tilespmem:s11], [sflag:$0x2] =	stream.indirect_vreg.gather [hbm4b:s6+s2], $0x80, v9, vm0, $0xb8;
	[tilespmem:$0x1F680] =	vst v63  }
0x4f: {  	s12 =	simm.s32 $0x10680;
	v8 =	vadd.s32 v4, v8  }
0x50: {  	[tilespmem:s12], [sflag:$0x2] =	stream.indirect_vreg.gather [hbm4b:s7+s2], $0x80, v9, vm0, $0xb8;
	[tilespmem:$0x1F680] =	vst v63  }
0x51: {  	s13 =	simm.s32 $0x10E80  }
0x52: {  	[tilespmem:s13], [sflag:$0x2] =	stream.indirect_vreg.gather [hbm4b:s8+s2], $0x80, v9, vm0, $0xb8;
	[tilespmem:$0x1F680] =	vst v63  }
0x53: {  	s14 =	simm.s32 $0x11680  }
0x54: {  	[tilespmem:s14], [sflag:$0x2] =	stream.indirect_vreg.gather [hbm4b:s3+s2], $0x80, v8, vm0, $0xb8;
	[tilespmem:$0x1F680] =	vst v63  }
0x55: {  	s15 =	simm.s32 $0x11E80  }
0x56: {  	[tilespmem:s15], [sflag:$0x2] =	stream.indirect_vreg.gather [hbm4b:s6+s2], $0x80, v8, vm0, $0xb8;
	[tilespmem:$0x1F680] =	vst v63  }
0x57: {  	s16 =	simm.s32 $0x12680  }
0x58: {  	[tilespmem:s16], [sflag:$0x2] =	stream.indirect_vreg.gather [hbm4b:s7+s2], $0x80, v8, vm0, $0xb8;
	[tilespmem:$0x1F680] =	vst v63  }
0x59: {  	s17 =	simm.s32 $0x12E80  }
0x5a: {  	[tilespmem:s17], [sflag:$0x2] =	stream.indirect_vreg.gather [hbm4b:s8+s2], $0x80, v8, vm0, $0xb8;
	[tilespmem:$0x1F680] =	vst v63  }
0x5b: {  	v8 =	vld [tilespmem:$0x2790];
	_ =	sdelay $0x4  }
0x5c: {  	v61 =	vshll.u32 v8, $0x3  }
0x5d: {  	v8 =	vand.u32 $0x7, v8;
	v9 =	vand.u32 $0xFFFFFFC0, v61  }
0x5e: {  	v8 =	vor.u32 v8, v9  }
0x5f: {  	v9 =	vperm.xlane v8, v3;
	_ =	sdelay $0x1  }
0x60: {  	v9 =	vadd.s32 v4, v9;
	_ =	sdelay $0x3  }
0x61: {  	s30 =	simm.s32 $0x13680  }
0x62: {  	[tilespmem:s30], [sflag:$0x2] =	stream.indirect_vreg.gather [hbm4b:s3+s2], $0x80, v9, vm0, $0xb8;
	[tilespmem:$0x1F680] =	vst v63  }
0x63: {  	s31 =	simm.s32 $0x13E80;
	v8 =	vperm.xlane v8, v6  }
0x64: {  	[tilespmem:s31], [sflag:$0x2] =	stream.indirect_vreg.gather [hbm4b:s6+s2], $0x80, v9, vm0, $0xb8;
	[tilespmem:$0x1F680] =	vst v63  }
0x65: {  	s1 =	simm.s32 $0x14680;
	v8 =	vadd.s32 v4, v8  }
0x66: {  	[tilespmem:s1], [sflag:$0x2] =	stream.indirect_vreg.gather [hbm4b:s7+s2], $0x80, v9, vm0, $0xb8;
	[tilespmem:$0x1F680] =	vst v63  }
0x67: {  	s4 =	simm.s32 $0x14E80  }
0x68: {  	[tilespmem:s4], [sflag:$0x2] =	stream.indirect_vreg.gather [hbm4b:s8+s2], $0x80, v9, vm0, $0xb8;
	[tilespmem:$0x1F680] =	vst v63  }
0x69: {  	s11 =	simm.s32 $0x15680  }
0x6a: {  	[tilespmem:s11], [sflag:$0x2] =	stream.indirect_vreg.gather [hbm4b:s3+s2], $0x80, v8, vm0, $0xb8;
	[tilespmem:$0x1F680] =	vst v63  }
0x6b: {  	s12 =	simm.s32 $0x15E80  }
0x6c: {  	[tilespmem:s12], [sflag:$0x2] =	stream.indirect_vreg.gather [hbm4b:s6+s2], $0x80, v8, vm0, $0xb8;
	[tilespmem:$0x1F680] =	vst v63  }
0x6d: {  	s13 =	simm.s32 $0x16680  }
0x6e: {  	[tilespmem:s13], [sflag:$0x2] =	stream.indirect_vreg.gather [hbm4b:s7+s2], $0x80, v8, vm0, $0xb8;
	[tilespmem:$0x1F680] =	vst v63  }
0x6f: {  	s14 =	simm.s32 $0x16E80  }
0x70: {  	[tilespmem:s14], [sflag:$0x2] =	stream.indirect_vreg.gather [hbm4b:s8+s2], $0x80, v8, vm0, $0xb8;
	[tilespmem:$0x1F680] =	vst v63  }
0x71: {  	v8 =	vld [tilespmem:$0x20];
	_ =	sdelay $0x4  }
0x72: {  	v62 =	vshll.u32 v8, $0x3  }
0x73: {  	v8 =	vand.u32 $0x7, v8;
	v9 =	vand.u32 $0xFFFFFFC0, v62  }
0x74: {  	v8 =	vor.u32 v8, v9  }
0x75: {  	v9 =	vperm.xlane v8, v3;
	_ =	sdelay $0x1  }
0x76: {  	v9 =	vadd.s32 v4, v9;
	_ =	sdelay $0x3  }
0x77: {  	s15 =	simm.s32 $0x17680  }
0x78: {  	[tilespmem:s15], [sflag:$0x3] =	stream.indirect_vreg.gather [hbm4b:s3+s2], $0x80, v9, vm0, $0xb8;
	[tilespmem:$0x1F680] =	vst v63  }
0x79: {  	s16 =	simm.s32 $0x17E80;
	v8 =	vperm.xlane v8, v6  }
0x7a: {  	[tilespmem:s16], [sflag:$0x3] =	stream.indirect_vreg.gather [hbm4b:s6+s2], $0x80, v9, vm0, $0xb8;
	[tilespmem:$0x1F680] =	vst v63  }
0x7b: {  	s17 =	simm.s32 $0x18680;
	v8 =	vadd.s32 v4, v8  }
0x7c: {  	[tilespmem:s17], [sflag:$0x3] =	stream.indirect_vreg.gather [hbm4b:s7+s2], $0x80, v9, vm0, $0xb8;
	[tilespmem:$0x1F680] =	vst v63  }
0x7d: {  	s30 =	simm.s32 $0x18E80  }
0x7e: {  	[tilespmem:s30], [sflag:$0x3] =	stream.indirect_vreg.gather [hbm4b:s8+s2], $0x80, v9, vm0, $0xb8;
	[tilespmem:$0x1F680] =	vst v63  }
0x7f: {  	s31 =	simm.s32 $0x19680  }
0x80: {  	[tilespmem:s31], [sflag:$0x3] =	stream.indirect_vreg.gather [hbm4b:s3+s2], $0x80, v8, vm0, $0xb8;
	[tilespmem:$0x1F680] =	vst v63  }
0x81: {  	s1 =	simm.s32 $0x19E80  }
0x82: {  	[tilespmem:s1], [sflag:$0x3] =	stream.indirect_vreg.gather [hbm4b:s6+s2], $0x80, v8, vm0, $0xb8;
	[tilespmem:$0x1F680] =	vst v63  }
0x83: {  	s4 =	simm.s32 $0x1A680  }
0x84: {  	[tilespmem:s4], [sflag:$0x3] =	stream.indirect_vreg.gather [hbm4b:s7+s2], $0x80, v8, vm0, $0xb8;
	[tilespmem:$0x1F680] =	vst v63  }
0x85: {  	s11 =	simm.s32 $0x1AE80  }
0x86: {  	[tilespmem:s11], [sflag:$0x3] =	stream.indirect_vreg.gather [hbm4b:s8+s2], $0x80, v8, vm0, $0xb8;
	[tilespmem:$0x1F680] =	vst v63  }
0x87: {  	v8 =	vld [tilespmem:$0x27A0];
	_ =	sdelay $0x4  }
0x88: {  	v63 =	vshll.u32 v8, $0x3  }
0x89: {  	v8 =	vand.u32 $0x7, v8;
	v9 =	vand.u32 $0xFFFFFFC0, v63  }
0x8a: {  	v8 =	vor.u32 v8, v9  }
0x8b: {  	v9 =	vperm.xlane v8, v3;
	_ =	sdelay $0x1  }
0x8c: {  	v9 =	vadd.s32 v4, v9;
	_ =	sdelay $0x3  }
0x8d: {  	s12 =	simm.s32 $0x1B680  }
0x8e: {  	[tilespmem:s12], [sflag:$0x3] =	stream.indirect_vreg.gather [hbm4b:s3+s2], $0x80, v9, vm0, $0xb8;
	[tilespmem:$0x1F680] =	vst v63  }
0x8f: {  	s13 =	simm.s32 $0x1BE80;
	v8 =	vperm.xlane v8, v6  }
0x90: {  	[tilespmem:s13], [sflag:$0x3] =	stream.indirect_vreg.gather [hbm4b:s6+s2], $0x80, v9, vm0, $0xb8;
	[tilespmem:$0x1F680] =	vst v63  }
0x91: {  	s14 =	simm.s32 $0x1C680;
	v8 =	vadd.s32 v4, v8  }
0x92: {  	[tilespmem:s14], [sflag:$0x3] =	stream.indirect_vreg.gather [hbm4b:s7+s2], $0x80, v9, vm0, $0xb8;
	[tilespmem:$0x1F680] =	vst v63  }
0x93: {  	s15 =	simm.s32 $0x1CE80  }
0x94: {  	[tilespmem:s15], [sflag:$0x3] =	stream.indirect_vreg.gather [hbm4b:s8+s2], $0x80, v9, vm0, $0xb8;
	[tilespmem:$0x1F680] =	vst v63  }
0x95: {  	s16 =	simm.s32 $0x1D680  }
0x96: {  	[tilespmem:s16], [sflag:$0x3] =	stream.indirect_vreg.gather [hbm4b:s3+s2], $0x80, v8, vm0, $0xb8;
	[tilespmem:$0x1F680] =	vst v63  }
0x97: {  	s17 =	simm.s32 $0x1DE80  }
0x98: {  	[tilespmem:s17], [sflag:$0x3] =	stream.indirect_vreg.gather [hbm4b:s6+s2], $0x80, v8, vm0, $0xb8;
	[tilespmem:$0x1F680] =	vst v63  }
0x99: {  	s30 =	simm.s32 $0x1E680  }
0x9a: {  	[tilespmem:s30], [sflag:$0x3] =	stream.indirect_vreg.gather [hbm4b:s7+s2], $0x80, v8, vm0, $0xb8;
	[tilespmem:$0x1F680] =	vst v63  }
0x9b: {  	s31 =	simm.s32 $0x1EE80;
	s11 =	simm.s32 $0x0  }
0x9c: {  	[tilespmem:s31], [sflag:$0x3] =	stream.indirect_vreg.gather [hbm4b:s8+s2], $0x80, v8, vm0, $0xb8;
	[tilespmem:$0x1F680] =	vst v63  }
.LBB2_2:
0x9d: {  	_ =	swait.ge [sflag:s5], $0x4000  }
0x9e: {  	[sflag:s5] =	ssyncset.done $0x0  }
0x9f: {  	[sflag:s5] =	ssyncadd.s32 $0xFFFFC000  }
0xa0: {  	s0 =	simm.s32 $0x0;
	_ =	swait.ge [sflag:s5], $0x4000  }
0xa1: {  	s1 =	sand.u32 $0x2000, s0;
	s4 =	sand.u32 $0x380, s0;
	[sflag:s5] =	ssyncset.done $0x0  }
0xa2: {  	s1 =	sor.u32 s4, s1;
	[sflag:s5] =	ssyncadd.s32 $0xFFFFC000  }
0xa3: {  	v8 =	vld [tilespmem:s1+$0x7680]  }
0xa4: {  	v9 =	vld [tilespmem:s1+$0xB680]  }
0xa5: {  	v10 =	vld [tilespmem:s1+$0x7690]  }
0xa6: {  	v11 =	vld [tilespmem:s1+$0xB690]  }
0xa7: {  	v12 =	vld [tilespmem:s1+$0x76A0]  }
0xa8: {  	v13 =	vld [tilespmem:s1+$0xB6A0]  }
0xa9: {  	v14 =	vld [tilespmem:s1+$0x76B0]  }
0xaa: {  	v15 =	vld [tilespmem:s1+$0xB6B0]  }
0xab: {  	v16 =	vld [tilespmem:s1+$0x76C0];
	v8 =	vmul.f32 v9, v8;
	v9 =	vmul.f32 v11, v10  }
0xac: {  	v10 =	vld [tilespmem:s1+$0xB6C0]  }
0xad: {  	v11 =	vld [tilespmem:s1+$0x76D0];
	v8 =	vadd.f32 v9, v8;
	v9 =	vmul.f32 v13, v12  }
0xae: {  	v12 =	vld [tilespmem:s1+$0xB6D0]  }
0xaf: {  	v13 =	vld [tilespmem:s1+$0x76E0];
	v8 =	vadd.f32 v9, v8;
	v9 =	vmul.f32 v15, v14  }
0xb0: {  	v14 =	vld [tilespmem:s1+$0xB6E0]  }
0xb1: {  	v15 =	vld [tilespmem:s1+$0x76F0];
	v8 =	vadd.f32 v9, v8;
	v9 =	vmul.f32 v10, v16  }
0xb2: {  	v10 =	vld [tilespmem:s1+$0xB6F0]  }
0xb3: {  	v16 =	vld [tilespmem:s1+$0x7A80];
	v8 =	vadd.f32 v9, v8;
	v9 =	vmul.f32 v12, v11  }
0xb4: {  	v11 =	vld [tilespmem:s1+$0xBA80]  }
0xb5: {  	v12 =	vld [tilespmem:s1+$0x7A90];
	v8 =	vadd.f32 v9, v8;
	v9 =	vmul.f32 v14, v13  }
0xb6: {  	v13 =	vld [tilespmem:s1+$0xBA90]  }
0xb7: {  	v14 =	vld [tilespmem:s1+$0x7AA0];
	v8 =	vadd.f32 v9, v8;
	v9 =	vmul.f32 v10, v15  }
0xb8: {  	v10 =	vld [tilespmem:s1+$0xBAA0]  }
0xb9: {  	v15 =	vld [tilespmem:s1+$0x7AB0];
	v8 =	vadd.f32 v9, v8;
	v9 =	vmul.f32 v11, v16  }
0xba: {  	v11 =	vld [tilespmem:s1+$0xBAB0]  }
0xbb: {  	v16 =	vld [tilespmem:s1+$0x7AC0];
	v8 =	vadd.f32 v9, v8;
	v9 =	vmul.f32 v13, v12  }
0xbc: {  	v12 =	vld [tilespmem:s1+$0xBAC0]  }
0xbd: {  	v13 =	vld [tilespmem:s1+$0x7AD0];
	v8 =	vadd.f32 v9, v8;
	v9 =	vmul.f32 v10, v14  }
0xbe: {  	v10 =	vld [tilespmem:s1+$0xBAD0]  }
0xbf: {  	v14 =	vld [tilespmem:s1+$0x7AE0];
	v8 =	vadd.f32 v9, v8;
	v9 =	vmul.f32 v11, v15  }
0xc0: {  	v11 =	vld [tilespmem:s1+$0xBAE0]  }
0xc1: {  	v15 =	vld [tilespmem:s1+$0x7AF0];
	v8 =	vadd.f32 v9, v8;
	v9 =	vmul.f32 v12, v16  }
0xc2: {  	v12 =	vld [tilespmem:s1+$0xBAF0]  }
0xc3: {  	v16 =	vld [tilespmem:s1+$0x7E80];
	v8 =	vadd.f32 v9, v8;
	v9 =	vmul.f32 v10, v13  }
0xc4: {  	v10 =	vld [tilespmem:s1+$0xBE80]  }
0xc5: {  	v13 =	vld [tilespmem:s1+$0x7E90];
	v8 =	vadd.f32 v9, v8;
	v9 =	vmul.f32 v11, v14  }
0xc6: {  	v11 =	vld [tilespmem:s1+$0xBE90]  }
0xc7: {  	v14 =	vld [tilespmem:s1+$0x7EA0];
	v8 =	vadd.f32 v9, v8;
	v9 =	vmul.f32 v12, v15  }
0xc8: {  	v12 =	vld [tilespmem:s1+$0xBEA0]  }
0xc9: {  	v15 =	vld [tilespmem:s1+$0x7EB0];
	v8 =	vadd.f32 v9, v8;
	v9 =	vmul.f32 v10, v16  }
0xca: {  	v10 =	vld [tilespmem:s1+$0xBEB0]  }
0xcb: {  	v16 =	vld [tilespmem:s1+$0x7EC0];
	v8 =	vadd.f32 v9, v8;
	v9 =	vmul.f32 v11, v13  }
0xcc: {  	v11 =	vld [tilespmem:s1+$0xBEC0]  }
0xcd: {  	v13 =	vld [tilespmem:s1+$0x7ED0];
	v8 =	vadd.f32 v9, v8;
	v9 =	vmul.f32 v12, v14  }
0xce: {  	v12 =	vld [tilespmem:s1+$0xBED0]  }
0xcf: {  	v14 =	vld [tilespmem:s1+$0x7EE0];
	v8 =	vadd.f32 v9, v8;
	v9 =	vmul.f32 v10, v15  }
0xd0: {  	v10 =	vld [tilespmem:s1+$0xBEE0]  }
0xd1: {  	v15 =	vld [tilespmem:s1+$0x7EF0];
	v8 =	vadd.f32 v9, v8;
	v9 =	vmul.f32 v11, v16  }
0xd2: {  	v11 =	vld [tilespmem:s1+$0xBEF0]  }
0xd3: {  	v16 =	vld [tilespmem:s1+$0x8280];
	v8 =	vadd.f32 v9, v8;
	v9 =	vmul.f32 v12, v13  }
0xd4: {  	v12 =	vld [tilespmem:s1+$0xC280]  }
0xd5: {  	v13 =	vld [tilespmem:s1+$0x8290];
	v8 =	vadd.f32 v9, v8;
	v9 =	vmul.f32 v10, v14  }
0xd6: {  	v10 =	vld [tilespmem:s1+$0xC290]  }
0xd7: {  	v14 =	vld [tilespmem:s1+$0x82A0];
	v8 =	vadd.f32 v9, v8;
	v9 =	vmul.f32 v11, v15  }
0xd8: {  	v11 =	vld [tilespmem:s1+$0xC2A0]  }
0xd9: {  	v15 =	vld [tilespmem:s1+$0x82B0];
	v8 =	vadd.f32 v9, v8;
	v9 =	vmul.f32 v12, v16  }
0xda: {  	v12 =	vld [tilespmem:s1+$0xC2B0]  }
0xdb: {  	v16 =	vld [tilespmem:s1+$0x82C0];
	v8 =	vadd.f32 v9, v8;
	v9 =	vmul.f32 v10, v13  }
0xdc: {  	v10 =	vld [tilespmem:s1+$0xC2C0]  }
0xdd: {  	v13 =	vld [tilespmem:s1+$0x82D0];
	v8 =	vadd.f32 v9, v8;
	v9 =	vmul.f32 v11, v14  }
0xde: {  	v11 =	vld [tilespmem:s1+$0xC2D0]  }
0xdf: {  	v14 =	vld [tilespmem:s1+$0x82E0];
	v8 =	vadd.f32 v9, v8;
	v9 =	vmul.f32 v12, v15  }
0xe0: {  	v12 =	vld [tilespmem:s1+$0xC2E0]  }
0xe1: {  	v15 =	vld [tilespmem:s1+$0x82F0];
	v8 =	vadd.f32 v9, v8;
	v9 =	vmul.f32 v10, v16  }
0xe2: {  	v10 =	vld [tilespmem:s1+$0xC2F0]  }
0xe3: {  	v16 =	vld [tilespmem:s1+$0x8680];
	v8 =	vadd.f32 v9, v8;
	v9 =	vmul.f32 v11, v13  }
0xe4: {  	v11 =	vld [tilespmem:s1+$0xC680]  }
0xe5: {  	v13 =	vld [tilespmem:s1+$0x8690];
	v8 =	vadd.f32 v9, v8;
	v9 =	vmul.f32 v12, v14  }
0xe6: {  	v12 =	vld [tilespmem:s1+$0xC690]  }
0xe7: {  	v14 =	vld [tilespmem:s1+$0x86A0];
	v8 =	vadd.f32 v9, v8;
	v9 =	vmul.f32 v10, v15  }
0xe8: {  	v10 =	vld [tilespmem:s1+$0xC6A0]  }
0xe9: {  	v15 =	vld [tilespmem:s1+$0x86B0];
	v8 =	vadd.f32 v9, v8;
	v9 =	vmul.f32 v11, v16  }
0xea: {  	v11 =	vld [tilespmem:s1+$0xC6B0]  }
0xeb: {  	v16 =	vld [tilespmem:s1+$0x86C0];
	v8 =	vadd.f32 v9, v8;
	v9 =	vmul.f32 v12, v13  }
0xec: {  	v12 =	vld [tilespmem:s1+$0xC6C0]  }
0xed: {  	v13 =	vld [tilespmem:s1+$0x86D0];
	v8 =	vadd.f32 v9, v8;
	v9 =	vmul.f32 v10, v14  }
0xee: {  	v10 =	vld [tilespmem:s1+$0xC6D0]  }
0xef: {  	v14 =	vld [tilespmem:s1+$0x86E0];
	v8 =	vadd.f32 v9, v8;
	v9 =	vmul.f32 v11, v15  }
0xf0: {  	v11 =	vld [tilespmem:s1+$0xC6E0]  }
0xf1: {  	v15 =	vld [tilespmem:s1+$0x86F0];
	v8 =	vadd.f32 v9, v8;
	v9 =	vmul.f32 v12, v16  }
0xf2: {  	v12 =	vld [tilespmem:s1+$0xC6F0]  }
0xf3: {  	v16 =	vld [tilespmem:s1+$0x8A80];
	v8 =	vadd.f32 v9, v8;
	v9 =	vmul.f32 v10, v13  }
0xf4: {  	v10 =	vld [tilespmem:s1+$0xCA80]  }
0xf5: {  	v13 =	vld [tilespmem:s1+$0x8A90];
	v8 =	vadd.f32 v9, v8;
	v9 =	vmul.f32 v11, v14  }
0xf6: {  	v11 =	vld [tilespmem:s1+$0xCA90]  }
0xf7: {  	v14 =	vld [tilespmem:s1+$0x8AA0];
	v8 =	vadd.f32 v9, v8;
	v9 =	vmul.f32 v12, v15  }
0xf8: {  	v12 =	vld [tilespmem:s1+$0xCAA0]  }
0xf9: {  	v15 =	vld [tilespmem:s1+$0x8AB0];
	v8 =	vadd.f32 v9, v8;
	v9 =	vmul.f32 v10, v16  }
0xfa: {  	v10 =	vld [tilespmem:s1+$0xCAB0]  }
0xfb: {  	v16 =	vld [tilespmem:s1+$0x8AC0];
	v8 =	vadd.f32 v9, v8;
	v9 =	vmul.f32 v11, v13  }
0xfc: {  	v11 =	vld [tilespmem:s1+$0xCAC0]  }
0xfd: {  	v13 =	vld [tilespmem:s1+$0x8AD0];
	v8 =	vadd.f32 v9, v8;
	v9 =	vmul.f32 v12, v14  }
0xfe: {  	v12 =	vld [tilespmem:s1+$0xCAD0]  }
0xff: {  	v14 =	vld [tilespmem:s1+$0x8AE0];
	v8 =	vadd.f32 v9, v8;
	v9 =	vmul.f32 v10, v15  }
0x100: {  	v10 =	vld [tilespmem:s1+$0xCAE0]  }
0x101: {  	v15 =	vld [tilespmem:s1+$0x8AF0];
	v8 =	vadd.f32 v9, v8;
	v9 =	vmul.f32 v11, v16  }
0x102: {  	v11 =	vld [tilespmem:s1+$0xCAF0]  }
0x103: {  	v16 =	vld [tilespmem:s1+$0x8E80];
	v8 =	vadd.f32 v9, v8;
	v9 =	vmul.f32 v12, v13  }
0x104: {  	v12 =	vld [tilespmem:s1+$0xCE80]  }
0x105: {  	v13 =	vld [tilespmem:s1+$0x8E90];
	v8 =	vadd.f32 v9, v8;
	v9 =	vmul.f32 v10, v14  }
0x106: {  	v10 =	vld [tilespmem:s1+$0xCE90]  }
0x107: {  	v14 =	vld [tilespmem:s1+$0x8EA0];
	v8 =	vadd.f32 v9, v8;
	v9 =	vmul.f32 v11, v15  }
0x108: {  	v11 =	vld [tilespmem:s1+$0xCEA0]  }
0x109: {  	v15 =	vld [tilespmem:s1+$0x8EB0];
	v8 =	vadd.f32 v9, v8;
	v9 =	vmul.f32 v12, v16  }
0x10a: {  	v12 =	vld [tilespmem:s1+$0xCEB0]  }
0x10b: {  	v16 =	vld [tilespmem:s1+$0x8EC0];
	v8 =	vadd.f32 v9, v8;
	v9 =	vmul.f32 v10, v13  }
0x10c: {  	v10 =	vld [tilespmem:s1+$0xCEC0]  }
0x10d: {  	v13 =	vld [tilespmem:s1+$0x8ED0];
	v8 =	vadd.f32 v9, v8;
	v9 =	vmul.f32 v11, v14  }
0x10e: {  	v11 =	vld [tilespmem:s1+$0xCED0]  }
0x10f: {  	s16 =	sand.u32 $0x7, s0;
	v14 =	vld [tilespmem:s1+$0x8EE0];
	v8 =	vadd.f32 v9, v8;
	v9 =	vmul.f32 v12, v15  }
0x110: {  	s4 =	sshll.u32 s16, $0x7;
	v12 =	vld [tilespmem:s1+$0xCEE0]  }
0x111: {  	s4 =	sadd.s32 $0x0, s4;
	v15 =	vld [tilespmem:s1+$0x8EF0];
	v8 =	vadd.f32 v9, v8;
	v9 =	vmul.f32 v10, v16  }
0x112: {  	s17 =	sor.u32 $0x1C00, s4;
	v10 =	vld [tilespmem:s1+$0xCEF0]  }
0x113: {  	v16 =	vld [tilespmem:s17+$0x7680];
	v8 =	vadd.f32 v9, v8;
	v9 =	vmul.f32 v11, v13  }
0x114: {  	s31 =	sor.u32 $0x1C10, s4;
	v11 =	vld [tilespmem:s17+$0xB680]  }
0x115: {  	v13 =	vld [tilespmem:s31+$0x7680];
	v8 =	vadd.f32 v9, v8;
	v9 =	vmul.f32 v12, v14  }
0x116: {  	s12 =	sor.u32 $0x1C20, s4;
	v12 =	vld [tilespmem:s31+$0xB680]  }
0x117: {  	v14 =	vld [tilespmem:s12+$0x7680];
	v8 =	vadd.f32 v9, v8;
	v9 =	vmul.f32 v10, v15  }
0x118: {  	s13 =	sor.u32 $0x1C30, s4;
	v10 =	vld [tilespmem:s12+$0xB680]  }
0x119: {  	v15 =	vld [tilespmem:s13+$0x7680];
	v8 =	vadd.f32 v9, v8;
	v9 =	vmul.f32 v11, v16  }
0x11a: {  	s14 =	sor.u32 $0x1C40, s4;
	v11 =	vld [tilespmem:s13+$0xB680]  }
0x11b: {  	v16 =	vld [tilespmem:s14+$0x7680];
	v8 =	vadd.f32 v9, v8;
	v9 =	vmul.f32 v12, v13  }
0x11c: {  	s15 =	sor.u32 $0x1C50, s4;
	v12 =	vld [tilespmem:s14+$0xB680]  }
0x11d: {  	v17 =	vld [tilespmem:s15+$0x7680];
	v10 =	vmul.f32 v10, v14;
	v8 =	vadd.f32 v9, v8  }
0x11e: {  	s16 =	sor.u32 $0x1C60, s4;
	v14 =	vld [tilespmem:s15+$0xB680]  }
0x11f: {  	v9 =	vld [tilespmem:s16+$0x7680];
	v13 =	vmul.f32 v11, v15;
	v8 =	vadd.f32 v10, v8  }
0x120: {  	s17 =	sor.u32 $0x1C70, s4;
	s12 =	simm.s32 $0x400;
	s13 =	simm.s32 $0x80;
	v10 =	vld [tilespmem:s16+$0xB680]  }
0x121: {  	s31 =	sand.u32 $0x2000, s12;
	s14 =	sand.u32 $0x380, s13;
	v11 =	vld [tilespmem:s17+$0x7680];
	v16 =	vmul.f32 v12, v16;
	v13 =	vadd.f32 v13, v8  }
0x122: {  	s4 =	sor.u32 s14, s31;
	v12 =	vld [tilespmem:s17+$0xB680]  }
0x123: {  	v15 =	vld [tilespmem:s4+$0x7680];
	v14 =	vmul.f32 v14, v17;
	v13 =	vadd.f32 v16, v13  }
0x124: {  	s30 =	simm.s32 $0x0;
	s1 =	simm.s32 $0x1;
	s14 =	simm.s32 $0x2;
	v8 =	vimm.f32 $0.0e+00;
	v16 =	vld [tilespmem:s4+$0xB680]  }
.LBB2_3:
0x125: {  	p0 =	sne.s32 s14, $0xF;
	v17 =	vld [tilespmem:s4+$0x7690];
	v13 =	vadd.f32 v14, v13;
	v9 =	vmul.f32 v10, v9  }
0x126: {  	v10 =	vld [tilespmem:s4+$0xB690]  }
0x127: {  	v14 =	vld [tilespmem:s4+$0x76A0];
	v9 =	vadd.f32 v9, v13;
	v11 =	vmul.f32 v12, v11  }
0x128: {  	v12 =	vld [tilespmem:s4+$0xB6A0]  }
0x129: {  	v13 =	vld [tilespmem:s4+$0x76B0];
	v9 =	vadd.f32 v11, v9  }
0x12a: {  	v11 =	vmul.f32 v16, v15;
	v15 =	vld [tilespmem:s4+$0xB6B0]  }
0x12b: {  	v10 =	vmul.f32 v10, v17;
	v16 =	vld [tilespmem:s4+$0x76C0];
	v17 =	vperm.xlane v9, v1  }
0x12c: {  	v18 =	vld [tilespmem:s4+$0xB6C0]  }
0x12d: {  	v10 =	vadd.f32 v10, v11;
	v11 =	vmul.f32 v12, v14;
	v12 =	vld [tilespmem:s4+$0x76D0];
	v9 =	vadd.f32 v9, v17  }
0x12e: {  	v14 =	vld [tilespmem:s4+$0xB6D0]  }
0x12f: {  	v10 =	vadd.f32 v11, v10;
	v11 =	vmul.f32 v15, v13;
	v13 =	vld [tilespmem:s4+$0x76E0];
	v15 =	vperm.xlane v9, v2  }
0x130: {  	v17 =	vld [tilespmem:s4+$0xB6E0]  }
0x131: {  	v10 =	vadd.f32 v11, v10;
	v11 =	vmul.f32 v18, v16;
	v16 =	vld [tilespmem:s4+$0x76F0];
	v9 =	vadd.f32 v9, v15  }
0x132: {  	v15 =	vld [tilespmem:s4+$0xB6F0]  }
0x133: {  	v10 =	vadd.f32 v11, v10;
	v11 =	vmul.f32 v14, v12;
	v12 =	vld [tilespmem:s4+$0x7A80];
	v14 =	vperm.xlane v9, v5  }
0x134: {  	v18 =	vld [tilespmem:s4+$0xBA80]  }
0x135: {  	v10 =	vadd.f32 v11, v10;
	v11 =	vmul.f32 v17, v13;
	v13 =	vld [tilespmem:s4+$0x7A90];
	v9 =	vadd.f32 v9, v14  }
0x136: {  	v14 =	vld [tilespmem:s4+$0xBA90]  }
0x137: {  	v10 =	vadd.f32 v11, v10;
	v11 =	vmul.f32 v15, v16;
	v15 =	vld [tilespmem:s4+$0x7AA0];
	v16 =	vperm.xlane v9, v7  }
0x138: {  	v19 =	vmov s0;
	s0 =	smov.u32 s1;
	s1 =	smov.u32 s14;
	v17 =	vld [tilespmem:s4+$0xBAA0]  }
0x139: {  	v10 =	vadd.f32 v11, v10;
	v11 =	vmul.f32 v18, v12;
	v12 =	vld [tilespmem:s4+$0x7AB0];
	v9 =	vadd.f32 v9, v16  }
0x13a: {  	vm1 =	veq.s32 v19, v0;
	v16 =	vld [tilespmem:s4+$0xBAB0]  }
0x13b: {  	v10 =	vadd.f32 v11, v10;
	v11 =	vmul.f32 v14, v13;
	v13 =	vld [tilespmem:s4+$0x7AC0];
	v8 =	vsel vm1, v9, v8  }
0x13c: {  	v9 =	vld [tilespmem:s4+$0xBAC0]  }
0x13d: {  	v10 =	vadd.f32 v11, v10;
	v11 =	vmul.f32 v17, v15;
	v14 =	vld [tilespmem:s4+$0x7AD0]  }
0x13e: {  	v15 =	vld [tilespmem:s4+$0xBAD0]  }
0x13f: {  	v10 =	vadd.f32 v11, v10;
	v11 =	vmul.f32 v16, v12;
	v12 =	vld [tilespmem:s4+$0x7AE0]  }
0x140: {  	v16 =	vld [tilespmem:s4+$0xBAE0]  }
0x141: {  	v10 =	vadd.f32 v11, v10;
	v9 =	vmul.f32 v9, v13;
	v11 =	vld [tilespmem:s4+$0x7AF0]  }
0x142: {  	v13 =	vld [tilespmem:s4+$0xBAF0]  }
0x143: {  	v9 =	vadd.f32 v9, v10;
	v10 =	vmul.f32 v15, v14;
	v14 =	vld [tilespmem:s4+$0x7E80]  }
0x144: {  	v15 =	vld [tilespmem:s4+$0xBE80]  }
0x145: {  	v9 =	vadd.f32 v10, v9;
	v10 =	vmul.f32 v16, v12;
	v12 =	vld [tilespmem:s4+$0x7E90]  }
0x146: {  	v16 =	vld [tilespmem:s4+$0xBE90]  }
0x147: {  	v9 =	vadd.f32 v10, v9;
	v10 =	vmul.f32 v13, v11;
	v11 =	vld [tilespmem:s4+$0x7EA0]  }
0x148: {  	v13 =	vld [tilespmem:s4+$0xBEA0]  }
0x149: {  	v9 =	vadd.f32 v10, v9;
	v10 =	vmul.f32 v15, v14;
	v14 =	vld [tilespmem:s4+$0x7EB0]  }
0x14a: {  	v15 =	vld [tilespmem:s4+$0xBEB0]  }
0x14b: {  	v9 =	vadd.f32 v10, v9;
	v10 =	vmul.f32 v16, v12;
	v12 =	vld [tilespmem:s4+$0x7EC0]  }
0x14c: {  	v16 =	vld [tilespmem:s4+$0xBEC0]  }
0x14d: {  	v9 =	vadd.f32 v10, v9;
	v10 =	vmul.f32 v13, v11;
	v11 =	vld [tilespmem:s4+$0x7ED0]  }
0x14e: {  	v13 =	vld [tilespmem:s4+$0xBED0]  }
0x14f: {  	v9 =	vadd.f32 v10, v9;
	v10 =	vmul.f32 v15, v14;
	v14 =	vld [tilespmem:s4+$0x7EE0]  }
0x150: {  	v15 =	vld [tilespmem:s4+$0xBEE0]  }
0x151: {  	v9 =	vadd.f32 v10, v9;
	v10 =	vmul.f32 v16, v12;
	v12 =	vld [tilespmem:s4+$0x7EF0]  }
0x152: {  	v16 =	vld [tilespmem:s4+$0xBEF0]  }
0x153: {  	v9 =	vadd.f32 v10, v9;
	v10 =	vmul.f32 v13, v11;
	v11 =	vld [tilespmem:s4+$0x8280]  }
0x154: {  	v13 =	vld [tilespmem:s4+$0xC280]  }
0x155: {  	v9 =	vadd.f32 v10, v9;
	v10 =	vmul.f32 v15, v14;
	v14 =	vld [tilespmem:s4+$0x8290]  }
0x156: {  	v15 =	vld [tilespmem:s4+$0xC290]  }
0x157: {  	v9 =	vadd.f32 v10, v9;
	v10 =	vmul.f32 v16, v12;
	v12 =	vld [tilespmem:s4+$0x82A0]  }
0x158: {  	v16 =	vld [tilespmem:s4+$0xC2A0]  }
0x159: {  	v9 =	vadd.f32 v10, v9;
	v10 =	vmul.f32 v13, v11;
	v11 =	vld [tilespmem:s4+$0x82B0]  }
0x15a: {  	v13 =	vld [tilespmem:s4+$0xC2B0]  }
0x15b: {  	v9 =	vadd.f32 v10, v9;
	v10 =	vmul.f32 v15, v14;
	v14 =	vld [tilespmem:s4+$0x82C0]  }
0x15c: {  	v15 =	vld [tilespmem:s4+$0xC2C0]  }
0x15d: {  	v9 =	vadd.f32 v10, v9;
	v10 =	vmul.f32 v16, v12;
	v12 =	vld [tilespmem:s4+$0x82D0]  }
0x15e: {  	v16 =	vld [tilespmem:s4+$0xC2D0]  }
0x15f: {  	v9 =	vadd.f32 v10, v9;
	v10 =	vmul.f32 v13, v11;
	v11 =	vld [tilespmem:s4+$0x82E0]  }
0x160: {  	v13 =	vld [tilespmem:s4+$0xC2E0]  }
0x161: {  	v9 =	vadd.f32 v10, v9;
	v10 =	vmul.f32 v15, v14;
	v14 =	vld [tilespmem:s4+$0x82F0]  }
0x162: {  	v15 =	vld [tilespmem:s4+$0xC2F0]  }
0x163: {  	v9 =	vadd.f32 v10, v9;
	v10 =	vmul.f32 v16, v12;
	v12 =	vld [tilespmem:s4+$0x8680]  }
0x164: {  	v16 =	vld [tilespmem:s4+$0xC680]  }
0x165: {  	v9 =	vadd.f32 v10, v9;
	v10 =	vmul.f32 v13, v11;
	v11 =	vld [tilespmem:s4+$0x8690]  }
0x166: {  	v13 =	vld [tilespmem:s4+$0xC690]  }
0x167: {  	v9 =	vadd.f32 v10, v9;
	v10 =	vmul.f32 v15, v14;
	v14 =	vld [tilespmem:s4+$0x86A0]  }
0x168: {  	v15 =	vld [tilespmem:s4+$0xC6A0]  }
0x169: {  	v9 =	vadd.f32 v10, v9;
	v10 =	vmul.f32 v16, v12;
	v12 =	vld [tilespmem:s4+$0x86B0]  }
0x16a: {  	v16 =	vld [tilespmem:s4+$0xC6B0]  }
0x16b: {  	v9 =	vadd.f32 v10, v9;
	v10 =	vmul.f32 v13, v11;
	v11 =	vld [tilespmem:s4+$0x86C0]  }
0x16c: {  	v13 =	vld [tilespmem:s4+$0xC6C0]  }
0x16d: {  	v9 =	vadd.f32 v10, v9;
	v10 =	vmul.f32 v15, v14;
	v14 =	vld [tilespmem:s4+$0x86D0]  }
0x16e: {  	v15 =	vld [tilespmem:s4+$0xC6D0]  }
0x16f: {  	v9 =	vadd.f32 v10, v9;
	v10 =	vmul.f32 v16, v12;
	v12 =	vld [tilespmem:s4+$0x86E0]  }
0x170: {  	v16 =	vld [tilespmem:s4+$0xC6E0]  }
0x171: {  	v9 =	vadd.f32 v10, v9;
	v10 =	vmul.f32 v13, v11;
	v11 =	vld [tilespmem:s4+$0x86F0]  }
0x172: {  	v13 =	vld [tilespmem:s4+$0xC6F0]  }
0x173: {  	v9 =	vadd.f32 v10, v9;
	v10 =	vmul.f32 v15, v14;
	v14 =	vld [tilespmem:s4+$0x8A80]  }
0x174: {  	v15 =	vld [tilespmem:s4+$0xCA80]  }
0x175: {  	v9 =	vadd.f32 v10, v9;
	v10 =	vmul.f32 v16, v12;
	v12 =	vld [tilespmem:s4+$0x8A90]  }
0x176: {  	v16 =	vld [tilespmem:s4+$0xCA90]  }
0x177: {  	v9 =	vadd.f32 v10, v9;
	v10 =	vmul.f32 v13, v11;
	v11 =	vld [tilespmem:s4+$0x8AA0]  }
0x178: {  	v13 =	vld [tilespmem:s4+$0xCAA0]  }
0x179: {  	v9 =	vadd.f32 v10, v9;
	v10 =	vmul.f32 v15, v14;
	v14 =	vld [tilespmem:s4+$0x8AB0]  }
0x17a: {  	v15 =	vld [tilespmem:s4+$0xCAB0]  }
0x17b: {  	v9 =	vadd.f32 v10, v9;
	v10 =	vmul.f32 v16, v12;
	v12 =	vld [tilespmem:s4+$0x8AC0]  }
0x17c: {  	v16 =	vld [tilespmem:s4+$0xCAC0]  }
0x17d: {  	v9 =	vadd.f32 v10, v9;
	v10 =	vmul.f32 v13, v11;
	v11 =	vld [tilespmem:s4+$0x8AD0]  }
0x17e: {  	v13 =	vld [tilespmem:s4+$0xCAD0]  }
0x17f: {  	v9 =	vadd.f32 v10, v9;
	v10 =	vmul.f32 v15, v14;
	v14 =	vld [tilespmem:s4+$0x8AE0]  }
0x180: {  	v15 =	vld [tilespmem:s4+$0xCAE0]  }
0x181: {  	v9 =	vadd.f32 v10, v9;
	v10 =	vmul.f32 v16, v12;
	v12 =	vld [tilespmem:s4+$0x8AF0]  }
0x182: {  	v16 =	vld [tilespmem:s4+$0xCAF0]  }
0x183: {  	v9 =	vadd.f32 v10, v9;
	v10 =	vmul.f32 v13, v11;
	v11 =	vld [tilespmem:s4+$0x8E80]  }
0x184: {  	v13 =	vld [tilespmem:s4+$0xCE80]  }
0x185: {  	v9 =	vadd.f32 v10, v9;
	v10 =	vmul.f32 v15, v14;
	v14 =	vld [tilespmem:s4+$0x8E90]  }
0x186: {  	v15 =	vld [tilespmem:s4+$0xCE90]  }
0x187: {  	v9 =	vadd.f32 v10, v9;
	v10 =	vmul.f32 v16, v12;
	v12 =	vld [tilespmem:s4+$0x8EA0]  }
0x188: {  	v16 =	vld [tilespmem:s4+$0xCEA0]  }
0x189: {  	v9 =	vadd.f32 v10, v9;
	v10 =	vmul.f32 v13, v11;
	v11 =	vld [tilespmem:s4+$0x8EB0]  }
0x18a: {  	v13 =	vld [tilespmem:s4+$0xCEB0]  }
0x18b: {  	v9 =	vadd.f32 v10, v9;
	v10 =	vmul.f32 v15, v14;
	v14 =	vld [tilespmem:s4+$0x8EC0]  }
0x18c: {  	v15 =	vld [tilespmem:s4+$0xCEC0]  }
0x18d: {  	v9 =	vadd.f32 v10, v9;
	v10 =	vmul.f32 v16, v12;
	v12 =	vld [tilespmem:s4+$0x8ED0]  }
0x18e: {  	s30 =	sadd.s32 $0x1, s30;
	v16 =	vld [tilespmem:s4+$0xCED0]  }
0x18f: {  	s15 =	sand.u32 $0x7, s30;
	v9 =	vadd.f32 v10, v9;
	v10 =	vmul.f32 v13, v11;
	v11 =	vld [tilespmem:s4+$0x8EE0]  }
0x190: {  	s15 =	sshll.u32 s15, $0x7;
	v13 =	vld [tilespmem:s4+$0xCEE0]  }
0x191: {  	s15 =	sadd.s32 s15, s12;
	v9 =	vadd.f32 v10, v9;
	v10 =	vmul.f32 v15, v14;
	v14 =	vld [tilespmem:s4+$0x8EF0]  }
0x192: {  	v15 =	vld [tilespmem:s4+$0xCEF0];
	s4 =	sor.u32 $0x1C00, s15  }
0x193: {  	v9 =	vadd.f32 v10, v9;
	v10 =	vmul.f32 v16, v12;
	v12 =	vld [tilespmem:s4+$0x7680]  }
0x194: {  	v16 =	vld [tilespmem:s4+$0xB680];
	s4 =	sor.u32 $0x1C10, s15  }
0x195: {  	v9 =	vadd.f32 v10, v9;
	v10 =	vmul.f32 v13, v11;
	v11 =	vld [tilespmem:s4+$0x7680]  }
0x196: {  	v13 =	vld [tilespmem:s4+$0xB680];
	s4 =	sor.u32 $0x1C20, s15  }
0x197: {  	v9 =	vadd.f32 v10, v9;
	v10 =	vmul.f32 v15, v14;
	v14 =	vld [tilespmem:s4+$0x7680]  }
0x198: {  	v15 =	vld [tilespmem:s4+$0xB680];
	s4 =	sor.u32 $0x1C30, s15  }
0x199: {  	v9 =	vadd.f32 v10, v9;
	v10 =	vmul.f32 v16, v12;
	v12 =	vld [tilespmem:s4+$0x7680]  }
0x19a: {  	v16 =	vld [tilespmem:s4+$0xB680];
	s4 =	sor.u32 $0x1C40, s15  }
0x19b: {  	v9 =	vadd.f32 v10, v9;
	v10 =	vmul.f32 v13, v11;
	v11 =	vld [tilespmem:s4+$0x7680]  }
0x19c: {  	v13 =	vld [tilespmem:s4+$0xB680];
	s4 =	sor.u32 $0x1C50, s15  }
0x19d: {  	v9 =	vadd.f32 v10, v9;
	v10 =	vmul.f32 v15, v14;
	v14 =	vld [tilespmem:s4+$0x7680]  }
0x19e: {  	v17 =	vld [tilespmem:s4+$0xB680];
	s4 =	sor.u32 $0x1C60, s15  }
0x19f: {  	s13 =	sadd.s32 $0x80, s13;
	v15 =	vadd.f32 v10, v9;
	v12 =	vmul.f32 v16, v12;
	v9 =	vld [tilespmem:s4+$0x7680]  }
.Ltmp0:
0x1a0: {  	s12 =	sadd.s32 $0x400, s12;
	s15 =	sor.u32 $0x1C70, s15;
	v10 =	vld [tilespmem:s4+$0xB680];
	(pc) =	sbr.rel @p0 .LBB2_3-.Ltmp0, $4  }
0x1a1: {  	s31 =	sand.u32 $0x380, s13;
	s4 =	sand.u32 $0x2000, s12;
	v16 =	vadd.f32 v12, v15;
	v13 =	vmul.f32 v13, v11;
	v11 =	vld [tilespmem:s15+$0x7680]  }
0x1a2: {  	s4 =	sor.u32 s31, s4;
	v12 =	vld [tilespmem:s15+$0xB680]  }
0x1a3: {  	v15 =	vld [tilespmem:s4+$0x7680];
	v13 =	vadd.f32 v13, v16;
	v14 =	vmul.f32 v17, v14  }
0x1a4: {  	s14 =	sadd.s32 $0x1, s14;
	v16 =	vld [tilespmem:s4+$0xB680]  }
0x1a5: {  	v17 =	vld [tilespmem:s4+$0x7690]  }
0x1a6: {  	v18 =	vld [tilespmem:s4+$0xB690]  }
0x1a7: {  	v19 =	vld [tilespmem:s4+$0x76A0]  }
0x1a8: {  	v20 =	vld [tilespmem:s4+$0xB6A0]  }
0x1a9: {  	v21 =	vld [tilespmem:s4+$0x76B0]  }
0x1aa: {  	v22 =	vld [tilespmem:s4+$0xB6B0]  }
0x1ab: {  	v15 =	vmul.f32 v16, v15;
	v16 =	vmul.f32 v18, v17;
	v17 =	vld [tilespmem:s4+$0x76C0]  }
0x1ac: {  	v18 =	vld [tilespmem:s4+$0xB6C0]  }
0x1ad: {  	v44 =	vld [tilespmem:s4+$0xB6D0];
	v15 =	vadd.f32 v16, v15;
	v16 =	vmul.f32 v20, v19  }
0x1ae: {  	v19 =	vld [tilespmem:s4+$0x76D0]  }
0x1af: {  	v45 =	vld [tilespmem:s4+$0x76E0];
	v15 =	vadd.f32 v16, v15;
	v16 =	vmul.f32 v22, v21  }
0x1b0: {  	v46 =	vld [tilespmem:s4+$0xB6E0]  }
0x1b1: {  	v15 =	vadd.f32 v16, v15;
	v16 =	vmul.f32 v18, v17;
	v17 =	vld [tilespmem:s4+$0x76F0]  }
0x1b2: {  	v18 =	vld [tilespmem:s4+$0xB6F0]  }
0x1b3: {  	v47 =	vld [tilespmem:s4+$0xBA80];
	v15 =	vadd.f32 v16, v15;
	v16 =	vmul.f32 v44, v19  }
0x1b4: {  	v19 =	vld [tilespmem:s4+$0x7A80]  }
0x1b5: {  	v48 =	vld [tilespmem:s4+$0x7A90];
	v15 =	vadd.f32 v16, v15;
	v16 =	vmul.f32 v46, v45  }
0x1b6: {  	v49 =	vld [tilespmem:s4+$0xBA90]  }
0x1b7: {  	v15 =	vadd.f32 v16, v15;
	v16 =	vmul.f32 v18, v17;
	v17 =	vld [tilespmem:s4+$0x7AA0]  }
0x1b8: {  	v18 =	vld [tilespmem:s4+$0xBAA0]  }
0x1b9: {  	v50 =	vld [tilespmem:s4+$0xBAB0];
	v15 =	vadd.f32 v16, v15;
	v16 =	vmul.f32 v47, v19  }
0x1ba: {  	v19 =	vld [tilespmem:s4+$0x7AB0]  }
0x1bb: {  	v51 =	vld [tilespmem:s4+$0x7AC0];
	v15 =	vadd.f32 v16, v15;
	v16 =	vmul.f32 v49, v48  }
0x1bc: {  	v52 =	vld [tilespmem:s4+$0xBAC0]  }
0x1bd: {  	v15 =	vadd.f32 v16, v15;
	v16 =	vmul.f32 v18, v17;
	v17 =	vld [tilespmem:s4+$0x7AD0]  }
0x1be: {  	v18 =	vld [tilespmem:s4+$0xBAD0]  }
0x1bf: {  	v53 =	vld [tilespmem:s4+$0xBAE0];
	v15 =	vadd.f32 v16, v15;
	v16 =	vmul.f32 v50, v19  }
0x1c0: {  	v19 =	vld [tilespmem:s4+$0x7AE0]  }
0x1c1: {  	v54 =	vld [tilespmem:s4+$0x7AF0];
	v15 =	vadd.f32 v16, v15;
	v16 =	vmul.f32 v52, v51  }
0x1c2: {  	v55 =	vld [tilespmem:s4+$0xBAF0]  }
0x1c3: {  	v15 =	vadd.f32 v16, v15;
	v16 =	vmul.f32 v18, v17;
	v17 =	vld [tilespmem:s4+$0x7E80]  }
0x1c4: {  	v18 =	vld [tilespmem:s4+$0xBE80]  }
0x1c5: {  	v56 =	vld [tilespmem:s4+$0xBE90];
	v15 =	vadd.f32 v16, v15;
	v16 =	vmul.f32 v53, v19  }
0x1c6: {  	v19 =	vld [tilespmem:s4+$0x7E90]  }
0x1c7: {  	v57 =	vld [tilespmem:s4+$0x7EA0];
	v15 =	vadd.f32 v16, v15;
	v16 =	vmul.f32 v55, v54  }
0x1c8: {  	v58 =	vld [tilespmem:s4+$0xBEA0]  }
0x1c9: {  	v15 =	vadd.f32 v16, v15;
	v16 =	vmul.f32 v18, v17;
	v17 =	vld [tilespmem:s4+$0x7EB0]  }
0x1ca: {  	v18 =	vld [tilespmem:s4+$0xBEB0]  }
0x1cb: {  	v59 =	vld [tilespmem:s4+$0xBEC0];
	v15 =	vadd.f32 v16, v15;
	v16 =	vmul.f32 v56, v19  }
0x1cc: {  	v19 =	vld [tilespmem:s4+$0x7EC0]  }
0x1cd: {  	v60 =	vld [tilespmem:s4+$0x7ED0];
	v15 =	vadd.f32 v16, v15;
	v16 =	vmul.f32 v58, v57  }
0x1ce: {  	v61 =	vld [tilespmem:s4+$0xBED0]  }
0x1cf: {  	v15 =	vadd.f32 v16, v15;
	v16 =	vmul.f32 v18, v17;
	v17 =	vld [tilespmem:s4+$0x7EE0]  }
0x1d0: {  	v18 =	vld [tilespmem:s4+$0xBEE0]  }
0x1d1: {  	v62 =	vld [tilespmem:s4+$0xBEF0];
	v15 =	vadd.f32 v16, v15;
	v16 =	vmul.f32 v59, v19  }
0x1d2: {  	v19 =	vld [tilespmem:s4+$0x7EF0]  }
0x1d3: {  	v63 =	vld [tilespmem:s4+$0x8280];
	v15 =	vadd.f32 v16, v15;
	v16 =	vmul.f32 v61, v60  }
0x1d4: {  	v24 =	vld [tilespmem:s4+$0xC280]  }
0x1d5: {  	v15 =	vadd.f32 v16, v15;
	v16 =	vmul.f32 v18, v17;
	v17 =	vld [tilespmem:s4+$0x8290]  }
0x1d6: {  	v18 =	vld [tilespmem:s4+$0xC290]  }
0x1d7: {  	v25 =	vld [tilespmem:s4+$0xC2A0];
	v15 =	vadd.f32 v16, v15;
	v16 =	vmul.f32 v62, v19  }
0x1d8: {  	v19 =	vld [tilespmem:s4+$0x82A0]  }
0x1d9: {  	v26 =	vld [tilespmem:s4+$0x82B0];
	v15 =	vadd.f32 v16, v15;
	v16 =	vmul.f32 v24, v63  }
0x1da: {  	v27 =	vld [tilespmem:s4+$0xC2B0]  }
0x1db: {  	v15 =	vadd.f32 v16, v15;
	v16 =	vmul.f32 v18, v17;
	v17 =	vld [tilespmem:s4+$0x82C0]  }
0x1dc: {  	v18 =	vld [tilespmem:s4+$0xC2C0]  }
0x1dd: {  	v28 =	vld [tilespmem:s4+$0xC2D0];
	v15 =	vadd.f32 v16, v15;
	v16 =	vmul.f32 v25, v19  }
0x1de: {  	v19 =	vld [tilespmem:s4+$0x82D0]  }
0x1df: {  	v29 =	vld [tilespmem:s4+$0x82E0];
	v15 =	vadd.f32 v16, v15;
	v16 =	vmul.f32 v27, v26  }
0x1e0: {  	v30 =	vld [tilespmem:s4+$0xC2E0]  }
0x1e1: {  	v15 =	vadd.f32 v16, v15;
	v16 =	vmul.f32 v18, v17;
	v17 =	vld [tilespmem:s4+$0x82F0]  }
0x1e2: {  	v18 =	vld [tilespmem:s4+$0xC2F0]  }
0x1e3: {  	v31 =	vld [tilespmem:s4+$0xC680];
	v15 =	vadd.f32 v16, v15;
	v16 =	vmul.f32 v28, v19  }
0x1e4: {  	v19 =	vld [tilespmem:s4+$0x8680]  }
0x1e5: {  	v32 =	vld [tilespmem:s4+$0x8690];
	v15 =	vadd.f32 v16, v15;
	v16 =	vmul.f32 v30, v29  }
0x1e6: {  	v33 =	vld [tilespmem:s4+$0xC690]  }
0x1e7: {  	v15 =	vadd.f32 v16, v15;
	v16 =	vmul.f32 v18, v17;
	v17 =	vld [tilespmem:s4+$0x86A0]  }
0x1e8: {  	v18 =	vld [tilespmem:s4+$0xC6A0]  }
0x1e9: {  	v34 =	vld [tilespmem:s4+$0xC6B0];
	v15 =	vadd.f32 v16, v15;
	v16 =	vmul.f32 v31, v19  }
0x1ea: {  	v19 =	vld [tilespmem:s4+$0x86B0]  }
0x1eb: {  	v35 =	vld [tilespmem:s4+$0x86C0];
	v15 =	vadd.f32 v16, v15;
	v16 =	vmul.f32 v33, v32  }
0x1ec: {  	v36 =	vld [tilespmem:s4+$0xC6C0]  }
0x1ed: {  	v15 =	vadd.f32 v16, v15;
	v16 =	vmul.f32 v18, v17;
	v17 =	vld [tilespmem:s4+$0x86D0]  }
0x1ee: {  	v18 =	vld [tilespmem:s4+$0xC6D0]  }
0x1ef: {  	v37 =	vld [tilespmem:s4+$0xC6E0];
	v15 =	vadd.f32 v16, v15;
	v16 =	vmul.f32 v34, v19  }
0x1f0: {  	v19 =	vld [tilespmem:s4+$0x86E0]  }
0x1f1: {  	v38 =	vld [tilespmem:s4+$0x86F0];
	v15 =	vadd.f32 v16, v15;
	v16 =	vmul.f32 v36, v35  }
0x1f2: {  	v39 =	vld [tilespmem:s4+$0xC6F0]  }
0x1f3: {  	v15 =	vadd.f32 v16, v15;
	v16 =	vmul.f32 v18, v17;
	v17 =	vld [tilespmem:s4+$0x8A80]  }
0x1f4: {  	v18 =	vld [tilespmem:s4+$0xCA80]  }
0x1f5: {  	v40 =	vld [tilespmem:s4+$0xCA90];
	v15 =	vadd.f32 v16, v15;
	v16 =	vmul.f32 v37, v19  }
0x1f6: {  	v19 =	vld [tilespmem:s4+$0x8A90]  }
0x1f7: {  	v41 =	vld [tilespmem:s4+$0x8AA0];
	v15 =	vadd.f32 v16, v15;
	v16 =	vmul.f32 v39, v38  }
0x1f8: {  	v42 =	vld [tilespmem:s4+$0xCAA0]  }
0x1f9: {  	v15 =	vadd.f32 v16, v15;
	v16 =	vmul.f32 v18, v17;
	v17 =	vld [tilespmem:s4+$0x8AB0]  }
0x1fa: {  	v18 =	vld [tilespmem:s4+$0xCAB0]  }
0x1fb: {  	v43 =	vld [tilespmem:s4+$0xCAC0];
	v15 =	vadd.f32 v16, v15;
	v16 =	vmul.f32 v40, v19  }
0x1fc: {  	v19 =	vld [tilespmem:s4+$0x8AC0]  }
0x1fd: {  	v44 =	vld [tilespmem:s4+$0x8AD0];
	v15 =	vadd.f32 v16, v15;
	v16 =	vmul.f32 v42, v41  }
0x1fe: {  	v45 =	vld [tilespmem:s4+$0xCAD0]  }
0x1ff: {  	v15 =	vadd.f32 v16, v15;
	v16 =	vmul.f32 v18, v17;
	v17 =	vld [tilespmem:s4+$0x8AE0]  }
0x200: {  	v18 =	vld [tilespmem:s4+$0xCAE0]  }
0x201: {  	v46 =	vld [tilespmem:s4+$0xCAF0];
	v15 =	vadd.f32 v16, v15;
	v16 =	vmul.f32 v43, v19  }
0x202: {  	v19 =	vld [tilespmem:s4+$0x8AF0]  }
0x203: {  	v47 =	vld [tilespmem:s4+$0x8E80];
	v15 =	vadd.f32 v16, v15;
	v16 =	vmul.f32 v45, v44  }
0x204: {  	v48 =	vld [tilespmem:s4+$0xCE80]  }
0x205: {  	v15 =	vadd.f32 v16, v15;
	v16 =	vmul.f32 v18, v17;
	v17 =	vld [tilespmem:s4+$0x8E90]  }
0x206: {  	v18 =	vld [tilespmem:s4+$0xCE90]  }
0x207: {  	v49 =	vld [tilespmem:s4+$0xCEA0];
	v15 =	vadd.f32 v16, v15;
	v16 =	vmul.f32 v46, v19  }
0x208: {  	v19 =	vld [tilespmem:s4+$0x8EA0]  }
0x209: {  	v50 =	vld [tilespmem:s4+$0x8EB0];
	v15 =	vadd.f32 v16, v15;
	v16 =	vmul.f32 v48, v47  }
0x20a: {  	v51 =	vld [tilespmem:s4+$0xCEB0]  }
0x20b: {  	v15 =	vadd.f32 v16, v15;
	v16 =	vmul.f32 v18, v17;
	v17 =	vld [tilespmem:s4+$0x8EC0]  }
0x20c: {  	v18 =	vld [tilespmem:s4+$0xCEC0]  }
0x20d: {  	v52 =	vld [tilespmem:s4+$0xCED0];
	v15 =	vadd.f32 v16, v15;
	v16 =	vmul.f32 v49, v19  }
0x20e: {  	s13 =	sadd.s32 $0x1, s30;
	v19 =	vld [tilespmem:s4+$0x8ED0]  }
0x20f: {  	s13 =	sand.u32 $0x7, s13;
	v53 =	vld [tilespmem:s4+$0x8EE0];
	v15 =	vadd.f32 v16, v15;
	v16 =	vmul.f32 v51, v50  }
0x210: {  	s13 =	sshll.u32 s13, $0x7;
	v54 =	vld [tilespmem:s4+$0xCEE0]  }
0x211: {  	s12 =	sadd.s32 s13, s12;
	v15 =	vadd.f32 v16, v15;
	v16 =	vmul.f32 v18, v17;
	v17 =	vld [tilespmem:s4+$0x8EF0]  }
0x212: {  	s17 =	sor.u32 $0x1C00, s12;
	v18 =	vld [tilespmem:s4+$0xCEF0]  }
0x213: {  	v55 =	vld [tilespmem:s17+$0xB680];
	v15 =	vadd.f32 v16, v15;
	v16 =	vmul.f32 v52, v19  }
0x214: {  	s13 =	sor.u32 $0x1C10, s12;
	v19 =	vld [tilespmem:s17+$0x7680]  }
0x215: {  	v56 =	vld [tilespmem:s13+$0x7680];
	v15 =	vadd.f32 v16, v15;
	v16 =	vmul.f32 v54, v53  }
0x216: {  	s14 =	sor.u32 $0x1C20, s12;
	v57 =	vld [tilespmem:s13+$0xB680]  }
0x217: {  	v15 =	vadd.f32 v16, v15;
	v16 =	vmul.f32 v18, v17;
	v17 =	vld [tilespmem:s14+$0x7680]  }
0x218: {  	s15 =	sor.u32 $0x1C30, s12;
	v18 =	vld [tilespmem:s14+$0xB680]  }
0x219: {  	v58 =	vld [tilespmem:s15+$0xB680];
	v15 =	vadd.f32 v16, v15;
	v16 =	vmul.f32 v55, v19  }
0x21a: {  	s16 =	sor.u32 $0x1C40, s12;
	v19 =	vld [tilespmem:s15+$0x7680]  }
0x21b: {  	v59 =	vld [tilespmem:s16+$0x7680];
	v15 =	vadd.f32 v16, v15;
	v16 =	vmul.f32 v57, v56  }
0x21c: {  	v60 =	vld [tilespmem:s16+$0xB680];
	s17 =	sor.u32 $0x1C50, s12  }
0x21d: {  	v15 =	vadd.f32 v16, v15;
	v16 =	vmul.f32 v18, v17;
	v17 =	vld [tilespmem:s17+$0x7680]  }
0x21e: {  	s13 =	sor.u32 $0x1C60, s12;
	v18 =	vld [tilespmem:s17+$0xB680]  }
0x21f: {  	v61 =	vld [tilespmem:s13+$0xB680];
	v15 =	vadd.f32 v16, v15;
	v16 =	vmul.f32 v58, v19  }
0x220: {  	s14 =	sor.u32 $0x1C70, s12;
	v19 =	vld [tilespmem:s13+$0x7680]  }
0x221: {  	v62 =	vld [tilespmem:s14+$0x7680];
	v15 =	vadd.f32 v16, v15;
	v16 =	vmul.f32 v60, v59  }
0x222: {  	v63 =	vld [tilespmem:s14+$0xB680]  }
0x223: {  	v15 =	vadd.f32 v16, v15;
	v16 =	vmul.f32 v18, v17  }
0x224: {  	v13 =	vadd.f32 v14, v13;
	v9 =	vmul.f32 v10, v9  }
0x225: {  	v14 =	vmul.f32 v61, v19;
	v10 =	vadd.f32 v16, v15  }
0x226: {  	v9 =	vadd.f32 v9, v13;
	v11 =	vmul.f32 v12, v11  }
0x227: {  	v12 =	vmul.f32 v63, v62;
	v10 =	vadd.f32 v14, v10  }
0x228: {  	v9 =	vadd.f32 v11, v9  }
0x229: {  	v10 =	vadd.f32 v12, v10  }
0x22a: {  	v11 =	vperm.xlane v9, v1  }
0x22b: {  	v12 =	vperm.xlane v10, v1  }
0x22c: {  	v9 =	vadd.f32 v9, v11  }
0x22d: {  	v10 =	vadd.f32 v10, v12  }
0x22e: {  	v11 =	vperm.xlane v9, v2  }
0x22f: {  	v12 =	vperm.xlane v10, v2  }
0x230: {  	v9 =	vadd.f32 v9, v11  }
0x231: {  	v10 =	vadd.f32 v10, v12  }
0x232: {  	v11 =	vperm.xlane v9, v5  }
0x233: {  	v12 =	vperm.xlane v10, v5  }
0x234: {  	v9 =	vadd.f32 v9, v11  }
0x235: {  	v10 =	vadd.f32 v10, v12  }
0x236: {  	v11 =	vperm.xlane v9, v7  }
0x237: {  	v12 =	vperm.xlane v10, v7  }
0x238: {  	v13 =	vmov s0;
	v9 =	vadd.f32 v9, v11  }
0x239: {  	vm1 =	veq.s32 v13, v0;
	v11 =	vmov s1;
	v10 =	vadd.f32 v10, v12  }
0x23a: {  	v8 =	vsel vm1, v9, v8;
	vm1 =	veq.s32 v11, v0  }
0x23b: {  	s15 =	smul.u32 $0xC0, s11;
	v8 =	vsel vm1, v10, v8  }
0x23c: {  	v8 =	vmax.f32 v8, $0.0e+00  }
0x23d: {  	s31 =	smul.u32 $0x30, s11;
	s1 =	sshra.s32 s15, $0x2;
	v8 =	vmin.f32 v8, $1.000000000e+00  }
0x23e: {  	[tilespmem:s1+$0x4F00] =	vst v8  }
0x23f: {  	v8 =	vld [tilespmem:s31+$0x30];
	_ =	sdelay $0x4  }
0x240: {  	v9 =	vshll.u32 v8, $0x3  }
0x241: {  	v8 =	vand.u32 $0x7, v8;
	v9 =	vand.u32 $0xFFFFFFC0, v9  }
0x242: {  	v8 =	vor.u32 v8, v9  }
0x243: {  	v9 =	vperm.xlane v8, v3;
	_ =	sdelay $0x1  }
0x244: {  	v9 =	vadd.s32 v4, v9;
	_ =	sdelay $0x3  }
0x245: {  	s0 =	simm.s32 $0x0;
	s16 =	simm.s32 $0x7680  }
0x246: {  	[tilespmem:s16], [sflag:$0x1] =	stream.indirect_vreg.gather [hbm4b:s3+s0], $0x80, v9, vm0, $0xb8;
	[tilespmem:$0x1F680] =	vst v63  }
0x247: {  	s17 =	simm.s32 $0x7E80;
	v8 =	vperm.xlane v8, v6  }
0x248: {  	[tilespmem:s17], [sflag:$0x1] =	stream.indirect_vreg.gather [hbm4b:s6+s0], $0x80, v9, vm0, $0xb8;
	[tilespmem:$0x1F680] =	vst v63  }
0x249: {  	s12 =	simm.s32 $0x8680;
	v8 =	vadd.s32 v4, v8  }
0x24a: {  	[tilespmem:s12], [sflag:$0x1] =	stream.indirect_vreg.gather [hbm4b:s7+s0], $0x80, v9, vm0, $0xb8;
	[tilespmem:$0x1F680] =	vst v63  }
0x24b: {  	s13 =	simm.s32 $0x8E80  }
0x24c: {  	[tilespmem:s13], [sflag:$0x1] =	stream.indirect_vreg.gather [hbm4b:s8+s0], $0x80, v9, vm0, $0xb8;
	[tilespmem:$0x1F680] =	vst v63  }
0x24d: {  	s14 =	simm.s32 $0x9680  }
0x24e: {  	[tilespmem:s14], [sflag:$0x1] =	stream.indirect_vreg.gather [hbm4b:s3+s0], $0x80, v8, vm0, $0xb8;
	[tilespmem:$0x1F680] =	vst v63  }
0x24f: {  	_ = 	snop  }
0x250: {  	[tilespmem:s18], [sflag:$0x1] =	stream.indirect_vreg.gather [hbm4b:s6+s0], $0x80, v8, vm0, $0xb8;
	[tilespmem:$0x1F680] =	vst v63  }
0x251: {  	_ = 	snop  }
0x252: {  	[tilespmem:s19], [sflag:$0x1] =	stream.indirect_vreg.gather [hbm4b:s7+s0], $0x80, v8, vm0, $0xb8;
	[tilespmem:$0x1F680] =	vst v63  }
0x253: {  	_ = 	snop  }
0x254: {  	[tilespmem:s20], [sflag:$0x1] =	stream.indirect_vreg.gather [hbm4b:s8+s0], $0x80, v8, vm0, $0xb8;
	[tilespmem:$0x1F680] =	vst v63  }
0x255: {  	v8 =	vld [tilespmem:s31+$0x27B0];
	_ =	sdelay $0x4  }
0x256: {  	v9 =	vshll.u32 v8, $0x3  }
0x257: {  	v8 =	vand.u32 $0x7, v8;
	v9 =	vand.u32 $0xFFFFFFC0, v9  }
0x258: {  	v8 =	vor.u32 v8, v9  }
0x259: {  	v9 =	vperm.xlane v8, v3;
	_ =	sdelay $0x1  }
0x25a: {  	v9 =	vadd.s32 v4, v9;
	_ =	sdelay $0x4  }
0x25b: {  	[tilespmem:s21], [sflag:$0x1] =	stream.indirect_vreg.gather [hbm4b:s3+s0], $0x80, v9, vm0, $0xb8;
	[tilespmem:$0x1F680] =	vst v63  }
0x25c: {  	v8 =	vperm.xlane v8, v6  }
0x25d: {  	[tilespmem:s22], [sflag:$0x1] =	stream.indirect_vreg.gather [hbm4b:s6+s0], $0x80, v9, vm0, $0xb8;
	[tilespmem:$0x1F680] =	vst v63  }
0x25e: {  	v8 =	vadd.s32 v4, v8  }
0x25f: {  	[tilespmem:s23], [sflag:$0x1] =	stream.indirect_vreg.gather [hbm4b:s7+s0], $0x80, v9, vm0, $0xb8;
	[tilespmem:$0x1F680] =	vst v63  }
0x260: {  	_ = 	snop  }
0x261: {  	[tilespmem:s24], [sflag:$0x1] =	stream.indirect_vreg.gather [hbm4b:s8+s0], $0x80, v9, vm0, $0xb8;
	[tilespmem:$0x1F680] =	vst v63  }
0x262: {  	_ = 	snop  }
0x263: {  	[tilespmem:s25], [sflag:$0x1] =	stream.indirect_vreg.gather [hbm4b:s3+s0], $0x80, v8, vm0, $0xb8;
	[tilespmem:$0x1F680] =	vst v63  }
0x264: {  	_ = 	snop  }
0x265: {  	[tilespmem:s26], [sflag:$0x1] =	stream.indirect_vreg.gather [hbm4b:s6+s0], $0x80, v8, vm0, $0xb8;
	[tilespmem:$0x1F680] =	vst v63  }
0x266: {  	_ = 	snop  }
0x267: {  	[tilespmem:s28], [sflag:$0x1] =	stream.indirect_vreg.gather [hbm4b:s7+s0], $0x80, v8, vm0, $0xb8;
	[tilespmem:$0x1F680] =	vst v63  }
0x268: {  	_ = 	snop  }
0x269: {  	[tilespmem:s29], [sflag:$0x1] =	stream.indirect_vreg.gather [hbm4b:s8+s0], $0x80, v8, vm0, $0xb8;
	[tilespmem:$0x1F680] =	vst v63  }
0x26a: {  	_ =	swait.ge [sflag:s9], $0x4000  }
0x26b: {  	[sflag:s9] =	ssyncset.done $0x0  }
0x26c: {  	[sflag:s9] =	ssyncadd.s32 $0xFFFFC000  }
0x26d: {  	_ =	swait.ge [sflag:s9], $0x4000  }
0x26e: {  	s15 =	sand.u32 $0x2000, s0;
	s16 =	sand.u32 $0x380, s0;
	[sflag:s9] =	ssyncset.done $0x0  }
0x26f: {  	s4 =	sor.u32 s16, s15;
	[sflag:s9] =	ssyncadd.s32 $0xFFFFC000  }
0x270: {  	v8 =	vld [tilespmem:s4+$0xF680]  }
0x271: {  	v9 =	vld [tilespmem:s4+$0x13680]  }
0x272: {  	v10 =	vld [tilespmem:s4+$0xF690]  }
0x273: {  	v11 =	vld [tilespmem:s4+$0x13690]  }
0x274: {  	v12 =	vld [tilespmem:s4+$0xF6A0]  }
0x275: {  	v13 =	vld [tilespmem:s4+$0x136A0]  }
0x276: {  	v14 =	vld [tilespmem:s4+$0xF6B0]  }
0x277: {  	v15 =	vld [tilespmem:s4+$0x136B0]  }
0x278: {  	v16 =	vld [tilespmem:s4+$0xF6C0];
	v8 =	vmul.f32 v9, v8;
	v9 =	vmul.f32 v11, v10  }
0x279: {  	v10 =	vld [tilespmem:s4+$0x136C0]  }
0x27a: {  	v11 =	vld [tilespmem:s4+$0xF6D0];
	v8 =	vadd.f32 v9, v8;
	v9 =	vmul.f32 v13, v12  }
0x27b: {  	v12 =	vld [tilespmem:s4+$0x136D0]  }
0x27c: {  	v13 =	vld [tilespmem:s4+$0xF6E0];
	v8 =	vadd.f32 v9, v8;
	v9 =	vmul.f32 v15, v14  }
0x27d: {  	v14 =	vld [tilespmem:s4+$0x136E0]  }
0x27e: {  	v15 =	vld [tilespmem:s4+$0xF6F0];
	v8 =	vadd.f32 v9, v8;
	v9 =	vmul.f32 v10, v16  }
0x27f: {  	v10 =	vld [tilespmem:s4+$0x136F0]  }
0x280: {  	v16 =	vld [tilespmem:s4+$0xFA80];
	v8 =	vadd.f32 v9, v8;
	v9 =	vmul.f32 v12, v11  }
0x281: {  	v11 =	vld [tilespmem:s4+$0x13A80]  }
0x282: {  	v12 =	vld [tilespmem:s4+$0xFA90];
	v8 =	vadd.f32 v9, v8;
	v9 =	vmul.f32 v14, v13  }
0x283: {  	v13 =	vld [tilespmem:s4+$0x13A90]  }
0x284: {  	v14 =	vld [tilespmem:s4+$0xFAA0];
	v8 =	vadd.f32 v9, v8;
	v9 =	vmul.f32 v10, v15  }
0x285: {  	v10 =	vld [tilespmem:s4+$0x13AA0]  }
0x286: {  	v15 =	vld [tilespmem:s4+$0xFAB0];
	v8 =	vadd.f32 v9, v8;
	v9 =	vmul.f32 v11, v16  }
0x287: {  	v11 =	vld [tilespmem:s4+$0x13AB0]  }
0x288: {  	v16 =	vld [tilespmem:s4+$0xFAC0];
	v8 =	vadd.f32 v9, v8;
	v9 =	vmul.f32 v13, v12  }
0x289: {  	v12 =	vld [tilespmem:s4+$0x13AC0]  }
0x28a: {  	v13 =	vld [tilespmem:s4+$0xFAD0];
	v8 =	vadd.f32 v9, v8;
	v9 =	vmul.f32 v10, v14  }
0x28b: {  	v10 =	vld [tilespmem:s4+$0x13AD0]  }
0x28c: {  	v14 =	vld [tilespmem:s4+$0xFAE0];
	v8 =	vadd.f32 v9, v8;
	v9 =	vmul.f32 v11, v15  }
0x28d: {  	v11 =	vld [tilespmem:s4+$0x13AE0]  }
0x28e: {  	v15 =	vld [tilespmem:s4+$0xFAF0];
	v8 =	vadd.f32 v9, v8;
	v9 =	vmul.f32 v12, v16  }
0x28f: {  	v12 =	vld [tilespmem:s4+$0x13AF0]  }
0x290: {  	v16 =	vld [tilespmem:s4+$0xFE80];
	v8 =	vadd.f32 v9, v8;
	v9 =	vmul.f32 v10, v13  }
0x291: {  	v10 =	vld [tilespmem:s4+$0x13E80]  }
0x292: {  	v13 =	vld [tilespmem:s4+$0xFE90];
	v8 =	vadd.f32 v9, v8;
	v9 =	vmul.f32 v11, v14  }
0x293: {  	v11 =	vld [tilespmem:s4+$0x13E90]  }
0x294: {  	v14 =	vld [tilespmem:s4+$0xFEA0];
	v8 =	vadd.f32 v9, v8;
	v9 =	vmul.f32 v12, v15  }
0x295: {  	v12 =	vld [tilespmem:s4+$0x13EA0]  }
0x296: {  	v15 =	vld [tilespmem:s4+$0xFEB0];
	v8 =	vadd.f32 v9, v8;
	v9 =	vmul.f32 v10, v16  }
0x297: {  	v10 =	vld [tilespmem:s4+$0x13EB0]  }
0x298: {  	v16 =	vld [tilespmem:s4+$0xFEC0];
	v8 =	vadd.f32 v9, v8;
	v9 =	vmul.f32 v11, v13  }
0x299: {  	v11 =	vld [tilespmem:s4+$0x13EC0]  }
0x29a: {  	v13 =	vld [tilespmem:s4+$0xFED0];
	v8 =	vadd.f32 v9, v8;
	v9 =	vmul.f32 v12, v14  }
0x29b: {  	v12 =	vld [tilespmem:s4+$0x13ED0]  }
0x29c: {  	v14 =	vld [tilespmem:s4+$0xFEE0];
	v8 =	vadd.f32 v9, v8;
	v9 =	vmul.f32 v10, v15  }
0x29d: {  	v10 =	vld [tilespmem:s4+$0x13EE0]  }
0x29e: {  	v15 =	vld [tilespmem:s4+$0xFEF0];
	v8 =	vadd.f32 v9, v8;
	v9 =	vmul.f32 v11, v16  }
0x29f: {  	v11 =	vld [tilespmem:s4+$0x13EF0]  }
0x2a0: {  	v16 =	vld [tilespmem:s4+$0x10280];
	v8 =	vadd.f32 v9, v8;
	v9 =	vmul.f32 v12, v13  }
0x2a1: {  	v12 =	vld [tilespmem:s4+$0x14280]  }
0x2a2: {  	v13 =	vld [tilespmem:s4+$0x10290];
	v8 =	vadd.f32 v9, v8;
	v9 =	vmul.f32 v10, v14  }
0x2a3: {  	v10 =	vld [tilespmem:s4+$0x14290]  }
0x2a4: {  	v14 =	vld [tilespmem:s4+$0x102A0];
	v8 =	vadd.f32 v9, v8;
	v9 =	vmul.f32 v11, v15  }
0x2a5: {  	v11 =	vld [tilespmem:s4+$0x142A0]  }
0x2a6: {  	v15 =	vld [tilespmem:s4+$0x102B0];
	v8 =	vadd.f32 v9, v8;
	v9 =	vmul.f32 v12, v16  }
0x2a7: {  	v12 =	vld [tilespmem:s4+$0x142B0]  }
0x2a8: {  	v16 =	vld [tilespmem:s4+$0x102C0];
	v8 =	vadd.f32 v9, v8;
	v9 =	vmul.f32 v10, v13  }
0x2a9: {  	v10 =	vld [tilespmem:s4+$0x142C0]  }
0x2aa: {  	v13 =	vld [tilespmem:s4+$0x102D0];
	v8 =	vadd.f32 v9, v8;
	v9 =	vmul.f32 v11, v14  }
0x2ab: {  	v11 =	vld [tilespmem:s4+$0x142D0]  }
0x2ac: {  	v14 =	vld [tilespmem:s4+$0x102E0];
	v8 =	vadd.f32 v9, v8;
	v9 =	vmul.f32 v12, v15  }
0x2ad: {  	v12 =	vld [tilespmem:s4+$0x142E0]  }
0x2ae: {  	v15 =	vld [tilespmem:s4+$0x102F0];
	v8 =	vadd.f32 v9, v8;
	v9 =	vmul.f32 v10, v16  }
0x2af: {  	v10 =	vld [tilespmem:s4+$0x142F0]  }
0x2b0: {  	v16 =	vld [tilespmem:s4+$0x10680];
	v8 =	vadd.f32 v9, v8;
	v9 =	vmul.f32 v11, v13  }
0x2b1: {  	v11 =	vld [tilespmem:s4+$0x14680]  }
0x2b2: {  	v13 =	vld [tilespmem:s4+$0x10690];
	v8 =	vadd.f32 v9, v8;
	v9 =	vmul.f32 v12, v14  }
0x2b3: {  	v12 =	vld [tilespmem:s4+$0x14690]  }
0x2b4: {  	v14 =	vld [tilespmem:s4+$0x106A0];
	v8 =	vadd.f32 v9, v8;
	v9 =	vmul.f32 v10, v15  }
0x2b5: {  	v10 =	vld [tilespmem:s4+$0x146A0]  }
0x2b6: {  	v15 =	vld [tilespmem:s4+$0x106B0];
	v8 =	vadd.f32 v9, v8;
	v9 =	vmul.f32 v11, v16  }
0x2b7: {  	v11 =	vld [tilespmem:s4+$0x146B0]  }
0x2b8: {  	v16 =	vld [tilespmem:s4+$0x106C0];
	v8 =	vadd.f32 v9, v8;
	v9 =	vmul.f32 v12, v13  }
0x2b9: {  	v12 =	vld [tilespmem:s4+$0x146C0]  }
0x2ba: {  	v13 =	vld [tilespmem:s4+$0x106D0];
	v8 =	vadd.f32 v9, v8;
	v9 =	vmul.f32 v10, v14  }
0x2bb: {  	v10 =	vld [tilespmem:s4+$0x146D0]  }
0x2bc: {  	v14 =	vld [tilespmem:s4+$0x106E0];
	v8 =	vadd.f32 v9, v8;
	v9 =	vmul.f32 v11, v15  }
0x2bd: {  	v11 =	vld [tilespmem:s4+$0x146E0]  }
0x2be: {  	v15 =	vld [tilespmem:s4+$0x106F0];
	v8 =	vadd.f32 v9, v8;
	v9 =	vmul.f32 v12, v16  }
0x2bf: {  	v12 =	vld [tilespmem:s4+$0x146F0]  }
0x2c0: {  	v16 =	vld [tilespmem:s4+$0x10A80];
	v8 =	vadd.f32 v9, v8;
	v9 =	vmul.f32 v10, v13  }
0x2c1: {  	v10 =	vld [tilespmem:s4+$0x14A80]  }
0x2c2: {  	v13 =	vld [tilespmem:s4+$0x10A90];
	v8 =	vadd.f32 v9, v8;
	v9 =	vmul.f32 v11, v14  }
0x2c3: {  	v11 =	vld [tilespmem:s4+$0x14A90]  }
0x2c4: {  	v14 =	vld [tilespmem:s4+$0x10AA0];
	v8 =	vadd.f32 v9, v8;
	v9 =	vmul.f32 v12, v15  }
0x2c5: {  	v12 =	vld [tilespmem:s4+$0x14AA0]  }
0x2c6: {  	v15 =	vld [tilespmem:s4+$0x10AB0];
	v8 =	vadd.f32 v9, v8;
	v9 =	vmul.f32 v10, v16  }
0x2c7: {  	v10 =	vld [tilespmem:s4+$0x14AB0]  }
0x2c8: {  	v16 =	vld [tilespmem:s4+$0x10AC0];
	v8 =	vadd.f32 v9, v8;
	v9 =	vmul.f32 v11, v13  }
0x2c9: {  	v11 =	vld [tilespmem:s4+$0x14AC0]  }
0x2ca: {  	v13 =	vld [tilespmem:s4+$0x10AD0];
	v8 =	vadd.f32 v9, v8;
	v9 =	vmul.f32 v12, v14  }
0x2cb: {  	v12 =	vld [tilespmem:s4+$0x14AD0]  }
0x2cc: {  	v14 =	vld [tilespmem:s4+$0x10AE0];
	v8 =	vadd.f32 v9, v8;
	v9 =	vmul.f32 v10, v15  }
0x2cd: {  	v10 =	vld [tilespmem:s4+$0x14AE0]  }
0x2ce: {  	v15 =	vld [tilespmem:s4+$0x10AF0];
	v8 =	vadd.f32 v9, v8;
	v9 =	vmul.f32 v11, v16  }
0x2cf: {  	v11 =	vld [tilespmem:s4+$0x14AF0]  }
0x2d0: {  	v16 =	vld [tilespmem:s4+$0x10E80];
	v8 =	vadd.f32 v9, v8;
	v9 =	vmul.f32 v12, v13  }
0x2d1: {  	v12 =	vld [tilespmem:s4+$0x14E80]  }
0x2d2: {  	v13 =	vld [tilespmem:s4+$0x10E90];
	v8 =	vadd.f32 v9, v8;
	v9 =	vmul.f32 v10, v14  }
0x2d3: {  	v10 =	vld [tilespmem:s4+$0x14E90]  }
0x2d4: {  	v14 =	vld [tilespmem:s4+$0x10EA0];
	v8 =	vadd.f32 v9, v8;
	v9 =	vmul.f32 v11, v15  }
0x2d5: {  	v11 =	vld [tilespmem:s4+$0x14EA0]  }
0x2d6: {  	v15 =	vld [tilespmem:s4+$0x10EB0];
	v8 =	vadd.f32 v9, v8;
	v9 =	vmul.f32 v12, v16  }
0x2d7: {  	v12 =	vld [tilespmem:s4+$0x14EB0]  }
0x2d8: {  	v16 =	vld [tilespmem:s4+$0x10EC0];
	v8 =	vadd.f32 v9, v8;
	v9 =	vmul.f32 v10, v13  }
0x2d9: {  	v10 =	vld [tilespmem:s4+$0x14EC0]  }
0x2da: {  	v13 =	vld [tilespmem:s4+$0x10ED0];
	v8 =	vadd.f32 v9, v8;
	v9 =	vmul.f32 v11, v14  }
0x2db: {  	v11 =	vld [tilespmem:s4+$0x14ED0]  }
0x2dc: {  	s17 =	sand.u32 $0x7, s0;
	v14 =	vld [tilespmem:s4+$0x10EE0];
	v8 =	vadd.f32 v9, v8;
	v9 =	vmul.f32 v12, v15  }
0x2dd: {  	s12 =	sshll.u32 s17, $0x7;
	v12 =	vld [tilespmem:s4+$0x14EE0]  }
0x2de: {  	s12 =	sadd.s32 $0x0, s12;
	v15 =	vld [tilespmem:s4+$0x10EF0];
	v8 =	vadd.f32 v9, v8;
	v9 =	vmul.f32 v10, v16  }
0x2df: {  	s13 =	sor.u32 $0x1C00, s12;
	v10 =	vld [tilespmem:s4+$0x14EF0]  }
0x2e0: {  	v16 =	vld [tilespmem:s13+$0xF680];
	v8 =	vadd.f32 v9, v8;
	v9 =	vmul.f32 v11, v13  }
0x2e1: {  	s14 =	sor.u32 $0x1C10, s12;
	v11 =	vld [tilespmem:s13+$0x13680]  }
0x2e2: {  	v13 =	vld [tilespmem:s14+$0xF680];
	v8 =	vadd.f32 v9, v8;
	v9 =	vmul.f32 v12, v14  }
0x2e3: {  	s15 =	sor.u32 $0x1C20, s12;
	v12 =	vld [tilespmem:s14+$0x13680]  }
0x2e4: {  	v14 =	vld [tilespmem:s15+$0xF680];
	v8 =	vadd.f32 v9, v8;
	v9 =	vmul.f32 v10, v15  }
0x2e5: {  	s16 =	sor.u32 $0x1C30, s12;
	v10 =	vld [tilespmem:s15+$0x13680]  }
0x2e6: {  	v15 =	vld [tilespmem:s16+$0xF680];
	v8 =	vadd.f32 v9, v8;
	v9 =	vmul.f32 v11, v16  }
0x2e7: {  	s17 =	sor.u32 $0x1C40, s12;
	v11 =	vld [tilespmem:s16+$0x13680]  }
0x2e8: {  	v16 =	vld [tilespmem:s17+$0xF680];
	v8 =	vadd.f32 v9, v8;
	v9 =	vmul.f32 v12, v13  }
0x2e9: {  	s13 =	sor.u32 $0x1C50, s12;
	v12 =	vld [tilespmem:s17+$0x13680]  }
0x2ea: {  	v17 =	vld [tilespmem:s13+$0xF680];
	v10 =	vmul.f32 v10, v14;
	v8 =	vadd.f32 v9, v8  }
0x2eb: {  	s14 =	sor.u32 $0x1C60, s12;
	v14 =	vld [tilespmem:s13+$0x13680]  }
0x2ec: {  	v9 =	vld [tilespmem:s14+$0xF680];
	v13 =	vmul.f32 v11, v15;
	v8 =	vadd.f32 v10, v8  }
0x2ed: {  	s30 =	simm.s32 $0x400;
	s15 =	sor.u32 $0x1C70, s12;
	v10 =	vld [tilespmem:s14+$0x13680];
	s14 =	simm.s32 $0x80  }
0x2ee: {  	s16 =	sand.u32 $0x2000, s30;
	v11 =	vld [tilespmem:s15+$0xF680];
	s17 =	sand.u32 $0x380, s14;
	v16 =	vmul.f32 v12, v16;
	v13 =	vadd.f32 v13, v8  }
0x2ef: {  	v12 =	vld [tilespmem:s15+$0x13680];
	s13 =	sor.u32 s17, s16  }
0x2f0: {  	v14 =	vmul.f32 v14, v17;
	v15 =	vld [tilespmem:s13+$0xF680];
	v13 =	vadd.f32 v16, v13  }
0x2f1: {  	s4 =	simm.s32 $0x0;
	s12 =	simm.s32 $0x1;
	s15 =	simm.s32 $0x2;
	v8 =	vimm.f32 $0.0e+00;
	v16 =	vld [tilespmem:s13+$0x13680]  }
.LBB2_5:
0x2f2: {  	p0 =	sne.s32 s15, $0xF;
	v17 =	vld [tilespmem:s13+$0xF690];
	v13 =	vadd.f32 v14, v13;
	v9 =	vmul.f32 v10, v9  }
0x2f3: {  	v10 =	vld [tilespmem:s13+$0x13690]  }
0x2f4: {  	v14 =	vld [tilespmem:s13+$0xF6A0];
	v9 =	vadd.f32 v9, v13;
	v11 =	vmul.f32 v12, v11  }
0x2f5: {  	v12 =	vld [tilespmem:s13+$0x136A0]  }
0x2f6: {  	v13 =	vld [tilespmem:s13+$0xF6B0];
	v9 =	vadd.f32 v11, v9  }
0x2f7: {  	v11 =	vmul.f32 v16, v15;
	v15 =	vld [tilespmem:s13+$0x136B0]  }
0x2f8: {  	v10 =	vmul.f32 v10, v17;
	v16 =	vld [tilespmem:s13+$0xF6C0];
	v17 =	vperm.xlane v9, v1  }
0x2f9: {  	v18 =	vld [tilespmem:s13+$0x136C0]  }
0x2fa: {  	v10 =	vadd.f32 v10, v11;
	v11 =	vmul.f32 v12, v14;
	v12 =	vld [tilespmem:s13+$0xF6D0];
	v9 =	vadd.f32 v9, v17  }
0x2fb: {  	v14 =	vld [tilespmem:s13+$0x136D0]  }
0x2fc: {  	v10 =	vadd.f32 v11, v10;
	v11 =	vmul.f32 v15, v13;
	v13 =	vld [tilespmem:s13+$0xF6E0];
	v15 =	vperm.xlane v9, v2  }
0x2fd: {  	v17 =	vld [tilespmem:s13+$0x136E0]  }
0x2fe: {  	v10 =	vadd.f32 v11, v10;
	v11 =	vmul.f32 v18, v16;
	v16 =	vld [tilespmem:s13+$0xF6F0];
	v9 =	vadd.f32 v9, v15  }
0x2ff: {  	v15 =	vld [tilespmem:s13+$0x136F0]  }
0x300: {  	v10 =	vadd.f32 v11, v10;
	v11 =	vmul.f32 v14, v12;
	v12 =	vld [tilespmem:s13+$0xFA80];
	v14 =	vperm.xlane v9, v5  }
0x301: {  	v18 =	vld [tilespmem:s13+$0x13A80]  }
0x302: {  	v10 =	vadd.f32 v11, v10;
	v11 =	vmul.f32 v17, v13;
	v13 =	vld [tilespmem:s13+$0xFA90];
	v9 =	vadd.f32 v9, v14  }
0x303: {  	v14 =	vld [tilespmem:s13+$0x13A90]  }
0x304: {  	v10 =	vadd.f32 v11, v10;
	v11 =	vmul.f32 v15, v16;
	v15 =	vld [tilespmem:s13+$0xFAA0];
	v16 =	vperm.xlane v9, v7  }
0x305: {  	v19 =	vmov s0;
	s0 =	smov.u32 s12;
	s12 =	smov.u32 s15;
	v17 =	vld [tilespmem:s13+$0x13AA0]  }
0x306: {  	v10 =	vadd.f32 v11, v10;
	v11 =	vmul.f32 v18, v12;
	v12 =	vld [tilespmem:s13+$0xFAB0];
	v9 =	vadd.f32 v9, v16  }
0x307: {  	vm1 =	veq.s32 v19, v0;
	v16 =	vld [tilespmem:s13+$0x13AB0]  }
0x308: {  	v10 =	vadd.f32 v11, v10;
	v11 =	vmul.f32 v14, v13;
	v13 =	vld [tilespmem:s13+$0xFAC0];
	v8 =	vsel vm1, v9, v8  }
0x309: {  	v9 =	vld [tilespmem:s13+$0x13AC0]  }
0x30a: {  	v10 =	vadd.f32 v11, v10;
	v11 =	vmul.f32 v17, v15;
	v14 =	vld [tilespmem:s13+$0xFAD0]  }
0x30b: {  	v15 =	vld [tilespmem:s13+$0x13AD0]  }
0x30c: {  	v10 =	vadd.f32 v11, v10;
	v11 =	vmul.f32 v16, v12;
	v12 =	vld [tilespmem:s13+$0xFAE0]  }
0x30d: {  	v16 =	vld [tilespmem:s13+$0x13AE0]  }
0x30e: {  	v10 =	vadd.f32 v11, v10;
	v9 =	vmul.f32 v9, v13;
	v11 =	vld [tilespmem:s13+$0xFAF0]  }
0x30f: {  	v13 =	vld [tilespmem:s13+$0x13AF0]  }
0x310: {  	v9 =	vadd.f32 v9, v10;
	v10 =	vmul.f32 v15, v14;
	v14 =	vld [tilespmem:s13+$0xFE80]  }
0x311: {  	v15 =	vld [tilespmem:s13+$0x13E80]  }
0x312: {  	v9 =	vadd.f32 v10, v9;
	v10 =	vmul.f32 v16, v12;
	v12 =	vld [tilespmem:s13+$0xFE90]  }
0x313: {  	v16 =	vld [tilespmem:s13+$0x13E90]  }
0x314: {  	v9 =	vadd.f32 v10, v9;
	v10 =	vmul.f32 v13, v11;
	v11 =	vld [tilespmem:s13+$0xFEA0]  }
0x315: {  	v13 =	vld [tilespmem:s13+$0x13EA0]  }
0x316: {  	v9 =	vadd.f32 v10, v9;
	v10 =	vmul.f32 v15, v14;
	v14 =	vld [tilespmem:s13+$0xFEB0]  }
0x317: {  	v15 =	vld [tilespmem:s13+$0x13EB0]  }
0x318: {  	v9 =	vadd.f32 v10, v9;
	v10 =	vmul.f32 v16, v12;
	v12 =	vld [tilespmem:s13+$0xFEC0]  }
0x319: {  	v16 =	vld [tilespmem:s13+$0x13EC0]  }
0x31a: {  	v9 =	vadd.f32 v10, v9;
	v10 =	vmul.f32 v13, v11;
	v11 =	vld [tilespmem:s13+$0xFED0]  }
0x31b: {  	v13 =	vld [tilespmem:s13+$0x13ED0]  }
0x31c: {  	v9 =	vadd.f32 v10, v9;
	v10 =	vmul.f32 v15, v14;
	v14 =	vld [tilespmem:s13+$0xFEE0]  }
0x31d: {  	v15 =	vld [tilespmem:s13+$0x13EE0]  }
0x31e: {  	v9 =	vadd.f32 v10, v9;
	v10 =	vmul.f32 v16, v12;
	v12 =	vld [tilespmem:s13+$0xFEF0]  }
0x31f: {  	v16 =	vld [tilespmem:s13+$0x13EF0]  }
0x320: {  	v9 =	vadd.f32 v10, v9;
	v10 =	vmul.f32 v13, v11;
	v11 =	vld [tilespmem:s13+$0x10280]  }
0x321: {  	v13 =	vld [tilespmem:s13+$0x14280]  }
0x322: {  	v9 =	vadd.f32 v10, v9;
	v10 =	vmul.f32 v15, v14;
	v14 =	vld [tilespmem:s13+$0x10290]  }
0x323: {  	v15 =	vld [tilespmem:s13+$0x14290]  }
0x324: {  	v9 =	vadd.f32 v10, v9;
	v10 =	vmul.f32 v16, v12;
	v12 =	vld [tilespmem:s13+$0x102A0]  }
0x325: {  	v16 =	vld [tilespmem:s13+$0x142A0]  }
0x326: {  	v9 =	vadd.f32 v10, v9;
	v10 =	vmul.f32 v13, v11;
	v11 =	vld [tilespmem:s13+$0x102B0]  }
0x327: {  	v13 =	vld [tilespmem:s13+$0x142B0]  }
0x328: {  	v9 =	vadd.f32 v10, v9;
	v10 =	vmul.f32 v15, v14;
	v14 =	vld [tilespmem:s13+$0x102C0]  }
0x329: {  	v15 =	vld [tilespmem:s13+$0x142C0]  }
0x32a: {  	v9 =	vadd.f32 v10, v9;
	v10 =	vmul.f32 v16, v12;
	v12 =	vld [tilespmem:s13+$0x102D0]  }
0x32b: {  	v16 =	vld [tilespmem:s13+$0x142D0]  }
0x32c: {  	v9 =	vadd.f32 v10, v9;
	v10 =	vmul.f32 v13, v11;
	v11 =	vld [tilespmem:s13+$0x102E0]  }
0x32d: {  	v13 =	vld [tilespmem:s13+$0x142E0]  }
0x32e: {  	v9 =	vadd.f32 v10, v9;
	v10 =	vmul.f32 v15, v14;
	v14 =	vld [tilespmem:s13+$0x102F0]  }
0x32f: {  	v15 =	vld [tilespmem:s13+$0x142F0]  }
0x330: {  	v9 =	vadd.f32 v10, v9;
	v10 =	vmul.f32 v16, v12;
	v12 =	vld [tilespmem:s13+$0x10680]  }
0x331: {  	v16 =	vld [tilespmem:s13+$0x14680]  }
0x332: {  	v9 =	vadd.f32 v10, v9;
	v10 =	vmul.f32 v13, v11;
	v11 =	vld [tilespmem:s13+$0x10690]  }
0x333: {  	v13 =	vld [tilespmem:s13+$0x14690]  }
0x334: {  	v9 =	vadd.f32 v10, v9;
	v10 =	vmul.f32 v15, v14;
	v14 =	vld [tilespmem:s13+$0x106A0]  }
0x335: {  	v15 =	vld [tilespmem:s13+$0x146A0]  }
0x336: {  	v9 =	vadd.f32 v10, v9;
	v10 =	vmul.f32 v16, v12;
	v12 =	vld [tilespmem:s13+$0x106B0]  }
0x337: {  	v16 =	vld [tilespmem:s13+$0x146B0]  }
0x338: {  	v9 =	vadd.f32 v10, v9;
	v10 =	vmul.f32 v13, v11;
	v11 =	vld [tilespmem:s13+$0x106C0]  }
0x339: {  	v13 =	vld [tilespmem:s13+$0x146C0]  }
0x33a: {  	v9 =	vadd.f32 v10, v9;
	v10 =	vmul.f32 v15, v14;
	v14 =	vld [tilespmem:s13+$0x106D0]  }
0x33b: {  	v15 =	vld [tilespmem:s13+$0x146D0]  }
0x33c: {  	v9 =	vadd.f32 v10, v9;
	v10 =	vmul.f32 v16, v12;
	v12 =	vld [tilespmem:s13+$0x106E0]  }
0x33d: {  	v16 =	vld [tilespmem:s13+$0x146E0]  }
0x33e: {  	v9 =	vadd.f32 v10, v9;
	v10 =	vmul.f32 v13, v11;
	v11 =	vld [tilespmem:s13+$0x106F0]  }
0x33f: {  	v13 =	vld [tilespmem:s13+$0x146F0]  }
0x340: {  	v9 =	vadd.f32 v10, v9;
	v10 =	vmul.f32 v15, v14;
	v14 =	vld [tilespmem:s13+$0x10A80]  }
0x341: {  	v15 =	vld [tilespmem:s13+$0x14A80]  }
0x342: {  	v9 =	vadd.f32 v10, v9;
	v10 =	vmul.f32 v16, v12;
	v12 =	vld [tilespmem:s13+$0x10A90]  }
0x343: {  	v16 =	vld [tilespmem:s13+$0x14A90]  }
0x344: {  	v9 =	vadd.f32 v10, v9;
	v10 =	vmul.f32 v13, v11;
	v11 =	vld [tilespmem:s13+$0x10AA0]  }
0x345: {  	v13 =	vld [tilespmem:s13+$0x14AA0]  }
0x346: {  	v9 =	vadd.f32 v10, v9;
	v10 =	vmul.f32 v15, v14;
	v14 =	vld [tilespmem:s13+$0x10AB0]  }
0x347: {  	v15 =	vld [tilespmem:s13+$0x14AB0]  }
0x348: {  	v9 =	vadd.f32 v10, v9;
	v10 =	vmul.f32 v16, v12;
	v12 =	vld [tilespmem:s13+$0x10AC0]  }
0x349: {  	v16 =	vld [tilespmem:s13+$0x14AC0]  }
0x34a: {  	v9 =	vadd.f32 v10, v9;
	v10 =	vmul.f32 v13, v11;
	v11 =	vld [tilespmem:s13+$0x10AD0]  }
0x34b: {  	v13 =	vld [tilespmem:s13+$0x14AD0]  }
0x34c: {  	v9 =	vadd.f32 v10, v9;
	v10 =	vmul.f32 v15, v14;
	v14 =	vld [tilespmem:s13+$0x10AE0]  }
0x34d: {  	v15 =	vld [tilespmem:s13+$0x14AE0]  }
0x34e: {  	v9 =	vadd.f32 v10, v9;
	v10 =	vmul.f32 v16, v12;
	v12 =	vld [tilespmem:s13+$0x10AF0]  }
0x34f: {  	v16 =	vld [tilespmem:s13+$0x14AF0]  }
0x350: {  	v9 =	vadd.f32 v10, v9;
	v10 =	vmul.f32 v13, v11;
	v11 =	vld [tilespmem:s13+$0x10E80]  }
0x351: {  	v13 =	vld [tilespmem:s13+$0x14E80]  }
0x352: {  	v9 =	vadd.f32 v10, v9;
	v10 =	vmul.f32 v15, v14;
	v14 =	vld [tilespmem:s13+$0x10E90]  }
0x353: {  	v15 =	vld [tilespmem:s13+$0x14E90]  }
0x354: {  	v9 =	vadd.f32 v10, v9;
	v10 =	vmul.f32 v16, v12;
	v12 =	vld [tilespmem:s13+$0x10EA0]  }
0x355: {  	v16 =	vld [tilespmem:s13+$0x14EA0]  }
0x356: {  	v9 =	vadd.f32 v10, v9;
	v10 =	vmul.f32 v13, v11;
	v11 =	vld [tilespmem:s13+$0x10EB0]  }
0x357: {  	v13 =	vld [tilespmem:s13+$0x14EB0]  }
0x358: {  	v9 =	vadd.f32 v10, v9;
	v10 =	vmul.f32 v15, v14;
	v14 =	vld [tilespmem:s13+$0x10EC0]  }
0x359: {  	v15 =	vld [tilespmem:s13+$0x14EC0]  }
0x35a: {  	v9 =	vadd.f32 v10, v9;
	v10 =	vmul.f32 v16, v12;
	v12 =	vld [tilespmem:s13+$0x10ED0]  }
0x35b: {  	s4 =	sadd.s32 $0x1, s4;
	v16 =	vld [tilespmem:s13+$0x14ED0]  }
0x35c: {  	s16 =	sand.u32 $0x7, s4;
	v9 =	vadd.f32 v10, v9;
	v10 =	vmul.f32 v13, v11;
	v11 =	vld [tilespmem:s13+$0x10EE0]  }
0x35d: {  	s16 =	sshll.u32 s16, $0x7;
	v13 =	vld [tilespmem:s13+$0x14EE0]  }
0x35e: {  	s16 =	sadd.s32 s16, s30;
	v9 =	vadd.f32 v10, v9;
	v10 =	vmul.f32 v15, v14;
	v14 =	vld [tilespmem:s13+$0x10EF0]  }
0x35f: {  	v15 =	vld [tilespmem:s13+$0x14EF0];
	s13 =	sor.u32 $0x1C00, s16  }
0x360: {  	v9 =	vadd.f32 v10, v9;
	v10 =	vmul.f32 v16, v12;
	v12 =	vld [tilespmem:s13+$0xF680]  }
0x361: {  	v16 =	vld [tilespmem:s13+$0x13680];
	s13 =	sor.u32 $0x1C10, s16  }
0x362: {  	v9 =	vadd.f32 v10, v9;
	v10 =	vmul.f32 v13, v11;
	v11 =	vld [tilespmem:s13+$0xF680]  }
0x363: {  	v13 =	vld [tilespmem:s13+$0x13680];
	s13 =	sor.u32 $0x1C20, s16  }
0x364: {  	v9 =	vadd.f32 v10, v9;
	v10 =	vmul.f32 v15, v14;
	v14 =	vld [tilespmem:s13+$0xF680]  }
0x365: {  	v15 =	vld [tilespmem:s13+$0x13680];
	s13 =	sor.u32 $0x1C30, s16  }
0x366: {  	v9 =	vadd.f32 v10, v9;
	v10 =	vmul.f32 v16, v12;
	v12 =	vld [tilespmem:s13+$0xF680]  }
0x367: {  	v16 =	vld [tilespmem:s13+$0x13680];
	s13 =	sor.u32 $0x1C40, s16  }
0x368: {  	v9 =	vadd.f32 v10, v9;
	v10 =	vmul.f32 v13, v11;
	v11 =	vld [tilespmem:s13+$0xF680]  }
0x369: {  	v13 =	vld [tilespmem:s13+$0x13680];
	s13 =	sor.u32 $0x1C50, s16  }
0x36a: {  	v9 =	vadd.f32 v10, v9;
	v10 =	vmul.f32 v15, v14;
	v14 =	vld [tilespmem:s13+$0xF680]  }
0x36b: {  	v17 =	vld [tilespmem:s13+$0x13680];
	s13 =	sor.u32 $0x1C60, s16  }
0x36c: {  	s14 =	sadd.s32 $0x80, s14;
	v15 =	vadd.f32 v10, v9;
	v12 =	vmul.f32 v16, v12;
	v9 =	vld [tilespmem:s13+$0xF680]  }
.Ltmp1:
0x36d: {  	s30 =	sadd.s32 $0x400, s30;
	s16 =	sor.u32 $0x1C70, s16;
	v10 =	vld [tilespmem:s13+$0x13680];
	(pc) =	sbr.rel @p0 .LBB2_5-.Ltmp1, $4  }
0x36e: {  	s17 =	sand.u32 $0x380, s14;
	s13 =	sand.u32 $0x2000, s30;
	v16 =	vadd.f32 v12, v15;
	v13 =	vmul.f32 v13, v11;
	v11 =	vld [tilespmem:s16+$0xF680]  }
0x36f: {  	s13 =	sor.u32 s17, s13;
	v12 =	vld [tilespmem:s16+$0x13680]  }
0x370: {  	v15 =	vld [tilespmem:s13+$0xF680];
	v13 =	vadd.f32 v13, v16;
	v14 =	vmul.f32 v17, v14  }
0x371: {  	s15 =	sadd.s32 $0x1, s15;
	v16 =	vld [tilespmem:s13+$0x13680]  }
0x372: {  	v17 =	vld [tilespmem:s13+$0xF690]  }
0x373: {  	v18 =	vld [tilespmem:s13+$0x13690]  }
0x374: {  	v19 =	vld [tilespmem:s13+$0xF6A0]  }
0x375: {  	v20 =	vld [tilespmem:s13+$0x136A0]  }
0x376: {  	v21 =	vld [tilespmem:s13+$0xF6B0]  }
0x377: {  	v22 =	vld [tilespmem:s13+$0x136B0]  }
0x378: {  	v15 =	vmul.f32 v16, v15;
	v16 =	vmul.f32 v18, v17;
	v17 =	vld [tilespmem:s13+$0xF6C0]  }
0x379: {  	v18 =	vld [tilespmem:s13+$0x136C0]  }
0x37a: {  	v44 =	vld [tilespmem:s13+$0x136D0];
	v15 =	vadd.f32 v16, v15;
	v16 =	vmul.f32 v20, v19  }
0x37b: {  	v19 =	vld [tilespmem:s13+$0xF6D0]  }
0x37c: {  	v45 =	vld [tilespmem:s13+$0xF6E0];
	v15 =	vadd.f32 v16, v15;
	v16 =	vmul.f32 v22, v21  }
0x37d: {  	v46 =	vld [tilespmem:s13+$0x136E0]  }
0x37e: {  	v15 =	vadd.f32 v16, v15;
	v16 =	vmul.f32 v18, v17;
	v17 =	vld [tilespmem:s13+$0xF6F0]  }
0x37f: {  	v18 =	vld [tilespmem:s13+$0x136F0]  }
0x380: {  	v47 =	vld [tilespmem:s13+$0x13A80];
	v15 =	vadd.f32 v16, v15;
	v16 =	vmul.f32 v44, v19  }
0x381: {  	v19 =	vld [tilespmem:s13+$0xFA80]  }
0x382: {  	v48 =	vld [tilespmem:s13+$0xFA90];
	v15 =	vadd.f32 v16, v15;
	v16 =	vmul.f32 v46, v45  }
0x383: {  	v49 =	vld [tilespmem:s13+$0x13A90]  }
0x384: {  	v15 =	vadd.f32 v16, v15;
	v16 =	vmul.f32 v18, v17;
	v17 =	vld [tilespmem:s13+$0xFAA0]  }
0x385: {  	v18 =	vld [tilespmem:s13+$0x13AA0]  }
0x386: {  	v50 =	vld [tilespmem:s13+$0x13AB0];
	v15 =	vadd.f32 v16, v15;
	v16 =	vmul.f32 v47, v19  }
0x387: {  	v19 =	vld [tilespmem:s13+$0xFAB0]  }
0x388: {  	v51 =	vld [tilespmem:s13+$0xFAC0];
	v15 =	vadd.f32 v16, v15;
	v16 =	vmul.f32 v49, v48  }
0x389: {  	v52 =	vld [tilespmem:s13+$0x13AC0]  }
0x38a: {  	v15 =	vadd.f32 v16, v15;
	v16 =	vmul.f32 v18, v17;
	v17 =	vld [tilespmem:s13+$0xFAD0]  }
0x38b: {  	v18 =	vld [tilespmem:s13+$0x13AD0]  }
0x38c: {  	v53 =	vld [tilespmem:s13+$0x13AE0];
	v15 =	vadd.f32 v16, v15;
	v16 =	vmul.f32 v50, v19  }
0x38d: {  	v19 =	vld [tilespmem:s13+$0xFAE0]  }
0x38e: {  	v54 =	vld [tilespmem:s13+$0xFAF0];
	v15 =	vadd.f32 v16, v15;
	v16 =	vmul.f32 v52, v51  }
0x38f: {  	v55 =	vld [tilespmem:s13+$0x13AF0]  }
0x390: {  	v15 =	vadd.f32 v16, v15;
	v16 =	vmul.f32 v18, v17;
	v17 =	vld [tilespmem:s13+$0xFE80]  }
0x391: {  	v18 =	vld [tilespmem:s13+$0x13E80]  }
0x392: {  	v56 =	vld [tilespmem:s13+$0x13E90];
	v15 =	vadd.f32 v16, v15;
	v16 =	vmul.f32 v53, v19  }
0x393: {  	v19 =	vld [tilespmem:s13+$0xFE90]  }
0x394: {  	v57 =	vld [tilespmem:s13+$0xFEA0];
	v15 =	vadd.f32 v16, v15;
	v16 =	vmul.f32 v55, v54  }
0x395: {  	v58 =	vld [tilespmem:s13+$0x13EA0]  }
0x396: {  	v15 =	vadd.f32 v16, v15;
	v16 =	vmul.f32 v18, v17;
	v17 =	vld [tilespmem:s13+$0xFEB0]  }
0x397: {  	v18 =	vld [tilespmem:s13+$0x13EB0]  }
0x398: {  	v59 =	vld [tilespmem:s13+$0x13EC0];
	v15 =	vadd.f32 v16, v15;
	v16 =	vmul.f32 v56, v19  }
0x399: {  	v19 =	vld [tilespmem:s13+$0xFEC0]  }
0x39a: {  	v60 =	vld [tilespmem:s13+$0xFED0];
	v15 =	vadd.f32 v16, v15;
	v16 =	vmul.f32 v58, v57  }
0x39b: {  	v61 =	vld [tilespmem:s13+$0x13ED0]  }
0x39c: {  	v15 =	vadd.f32 v16, v15;
	v16 =	vmul.f32 v18, v17;
	v17 =	vld [tilespmem:s13+$0xFEE0]  }
0x39d: {  	v18 =	vld [tilespmem:s13+$0x13EE0]  }
0x39e: {  	v62 =	vld [tilespmem:s13+$0x13EF0];
	v15 =	vadd.f32 v16, v15;
	v16 =	vmul.f32 v59, v19  }
0x39f: {  	v19 =	vld [tilespmem:s13+$0xFEF0]  }
0x3a0: {  	v63 =	vld [tilespmem:s13+$0x10280];
	v15 =	vadd.f32 v16, v15;
	v16 =	vmul.f32 v61, v60  }
0x3a1: {  	v24 =	vld [tilespmem:s13+$0x14280]  }
0x3a2: {  	v15 =	vadd.f32 v16, v15;
	v16 =	vmul.f32 v18, v17;
	v17 =	vld [tilespmem:s13+$0x10290]  }
0x3a3: {  	v18 =	vld [tilespmem:s13+$0x14290]  }
0x3a4: {  	v25 =	vld [tilespmem:s13+$0x142A0];
	v15 =	vadd.f32 v16, v15;
	v16 =	vmul.f32 v62, v19  }
0x3a5: {  	v19 =	vld [tilespmem:s13+$0x102A0]  }
0x3a6: {  	v26 =	vld [tilespmem:s13+$0x102B0];
	v15 =	vadd.f32 v16, v15;
	v16 =	vmul.f32 v24, v63  }
0x3a7: {  	v27 =	vld [tilespmem:s13+$0x142B0]  }
0x3a8: {  	v15 =	vadd.f32 v16, v15;
	v16 =	vmul.f32 v18, v17;
	v17 =	vld [tilespmem:s13+$0x102C0]  }
0x3a9: {  	v18 =	vld [tilespmem:s13+$0x142C0]  }
0x3aa: {  	v28 =	vld [tilespmem:s13+$0x142D0];
	v15 =	vadd.f32 v16, v15;
	v16 =	vmul.f32 v25, v19  }
0x3ab: {  	v19 =	vld [tilespmem:s13+$0x102D0]  }
0x3ac: {  	v29 =	vld [tilespmem:s13+$0x102E0];
	v15 =	vadd.f32 v16, v15;
	v16 =	vmul.f32 v27, v26  }
0x3ad: {  	v30 =	vld [tilespmem:s13+$0x142E0]  }
0x3ae: {  	v15 =	vadd.f32 v16, v15;
	v16 =	vmul.f32 v18, v17;
	v17 =	vld [tilespmem:s13+$0x102F0]  }
0x3af: {  	v18 =	vld [tilespmem:s13+$0x142F0]  }
0x3b0: {  	v31 =	vld [tilespmem:s13+$0x14680];
	v15 =	vadd.f32 v16, v15;
	v16 =	vmul.f32 v28, v19  }
0x3b1: {  	v19 =	vld [tilespmem:s13+$0x10680]  }
0x3b2: {  	v32 =	vld [tilespmem:s13+$0x10690];
	v15 =	vadd.f32 v16, v15;
	v16 =	vmul.f32 v30, v29  }
0x3b3: {  	v33 =	vld [tilespmem:s13+$0x14690]  }
0x3b4: {  	v15 =	vadd.f32 v16, v15;
	v16 =	vmul.f32 v18, v17;
	v17 =	vld [tilespmem:s13+$0x106A0]  }
0x3b5: {  	v18 =	vld [tilespmem:s13+$0x146A0]  }
0x3b6: {  	v34 =	vld [tilespmem:s13+$0x146B0];
	v15 =	vadd.f32 v16, v15;
	v16 =	vmul.f32 v31, v19  }
0x3b7: {  	v19 =	vld [tilespmem:s13+$0x106B0]  }
0x3b8: {  	v35 =	vld [tilespmem:s13+$0x106C0];
	v15 =	vadd.f32 v16, v15;
	v16 =	vmul.f32 v33, v32  }
0x3b9: {  	v36 =	vld [tilespmem:s13+$0x146C0]  }
0x3ba: {  	v15 =	vadd.f32 v16, v15;
	v16 =	vmul.f32 v18, v17;
	v17 =	vld [tilespmem:s13+$0x106D0]  }
0x3bb: {  	v18 =	vld [tilespmem:s13+$0x146D0]  }
0x3bc: {  	v37 =	vld [tilespmem:s13+$0x146E0];
	v15 =	vadd.f32 v16, v15;
	v16 =	vmul.f32 v34, v19  }
0x3bd: {  	v19 =	vld [tilespmem:s13+$0x106E0]  }
0x3be: {  	v38 =	vld [tilespmem:s13+$0x106F0];
	v15 =	vadd.f32 v16, v15;
	v16 =	vmul.f32 v36, v35  }
0x3bf: {  	v39 =	vld [tilespmem:s13+$0x146F0]  }
0x3c0: {  	v15 =	vadd.f32 v16, v15;
	v16 =	vmul.f32 v18, v17;
	v17 =	vld [tilespmem:s13+$0x10A80]  }
0x3c1: {  	v18 =	vld [tilespmem:s13+$0x14A80]  }
0x3c2: {  	v40 =	vld [tilespmem:s13+$0x14A90];
	v15 =	vadd.f32 v16, v15;
	v16 =	vmul.f32 v37, v19  }
0x3c3: {  	v19 =	vld [tilespmem:s13+$0x10A90]  }
0x3c4: {  	v41 =	vld [tilespmem:s13+$0x10AA0];
	v15 =	vadd.f32 v16, v15;
	v16 =	vmul.f32 v39, v38  }
0x3c5: {  	v42 =	vld [tilespmem:s13+$0x14AA0]  }
0x3c6: {  	v15 =	vadd.f32 v16, v15;
	v16 =	vmul.f32 v18, v17;
	v17 =	vld [tilespmem:s13+$0x10AB0]  }
0x3c7: {  	v18 =	vld [tilespmem:s13+$0x14AB0]  }
0x3c8: {  	v43 =	vld [tilespmem:s13+$0x14AC0];
	v15 =	vadd.f32 v16, v15;
	v16 =	vmul.f32 v40, v19  }
0x3c9: {  	v19 =	vld [tilespmem:s13+$0x10AC0]  }
0x3ca: {  	v44 =	vld [tilespmem:s13+$0x10AD0];
	v15 =	vadd.f32 v16, v15;
	v16 =	vmul.f32 v42, v41  }
0x3cb: {  	v45 =	vld [tilespmem:s13+$0x14AD0]  }
0x3cc: {  	v15 =	vadd.f32 v16, v15;
	v16 =	vmul.f32 v18, v17;
	v17 =	vld [tilespmem:s13+$0x10AE0]  }
0x3cd: {  	v18 =	vld [tilespmem:s13+$0x14AE0]  }
0x3ce: {  	v46 =	vld [tilespmem:s13+$0x14AF0];
	v15 =	vadd.f32 v16, v15;
	v16 =	vmul.f32 v43, v19  }
0x3cf: {  	v19 =	vld [tilespmem:s13+$0x10AF0]  }
0x3d0: {  	v47 =	vld [tilespmem:s13+$0x10E80];
	v15 =	vadd.f32 v16, v15;
	v16 =	vmul.f32 v45, v44  }
0x3d1: {  	v48 =	vld [tilespmem:s13+$0x14E80]  }
0x3d2: {  	v15 =	vadd.f32 v16, v15;
	v16 =	vmul.f32 v18, v17;
	v17 =	vld [tilespmem:s13+$0x10E90]  }
0x3d3: {  	v18 =	vld [tilespmem:s13+$0x14E90]  }
0x3d4: {  	v49 =	vld [tilespmem:s13+$0x14EA0];
	v15 =	vadd.f32 v16, v15;
	v16 =	vmul.f32 v46, v19  }
0x3d5: {  	v19 =	vld [tilespmem:s13+$0x10EA0]  }
0x3d6: {  	v50 =	vld [tilespmem:s13+$0x10EB0];
	v15 =	vadd.f32 v16, v15;
	v16 =	vmul.f32 v48, v47  }
0x3d7: {  	v51 =	vld [tilespmem:s13+$0x14EB0]  }
0x3d8: {  	v15 =	vadd.f32 v16, v15;
	v16 =	vmul.f32 v18, v17;
	v17 =	vld [tilespmem:s13+$0x10EC0]  }
0x3d9: {  	v18 =	vld [tilespmem:s13+$0x14EC0]  }
0x3da: {  	v52 =	vld [tilespmem:s13+$0x14ED0];
	v15 =	vadd.f32 v16, v15;
	v16 =	vmul.f32 v49, v19  }
0x3db: {  	s4 =	sadd.s32 $0x1, s4;
	v19 =	vld [tilespmem:s13+$0x10ED0]  }
0x3dc: {  	s4 =	sand.u32 $0x7, s4;
	v53 =	vld [tilespmem:s13+$0x10EE0];
	v15 =	vadd.f32 v16, v15;
	v16 =	vmul.f32 v51, v50  }
0x3dd: {  	s4 =	sshll.u32 s4, $0x7;
	v54 =	vld [tilespmem:s13+$0x14EE0]  }
0x3de: {  	s4 =	sadd.s32 s4, s30;
	v15 =	vadd.f32 v16, v15;
	v16 =	vmul.f32 v18, v17;
	v17 =	vld [tilespmem:s13+$0x10EF0]  }
0x3df: {  	s16 =	sor.u32 $0x1C00, s4;
	v18 =	vld [tilespmem:s13+$0x14EF0]  }
0x3e0: {  	v55 =	vld [tilespmem:s16+$0x13680];
	v15 =	vadd.f32 v16, v15;
	v16 =	vmul.f32 v52, v19  }
0x3e1: {  	s17 =	sor.u32 $0x1C10, s4;
	v19 =	vld [tilespmem:s16+$0xF680]  }
0x3e2: {  	v56 =	vld [tilespmem:s17+$0xF680];
	v15 =	vadd.f32 v16, v15;
	v16 =	vmul.f32 v54, v53  }
0x3e3: {  	s14 =	sor.u32 $0x1C20, s4;
	v57 =	vld [tilespmem:s17+$0x13680]  }
0x3e4: {  	v15 =	vadd.f32 v16, v15;
	v16 =	vmul.f32 v18, v17;
	v17 =	vld [tilespmem:s14+$0xF680]  }
0x3e5: {  	s15 =	sor.u32 $0x1C30, s4;
	v18 =	vld [tilespmem:s14+$0x13680]  }
0x3e6: {  	v58 =	vld [tilespmem:s15+$0x13680];
	v15 =	vadd.f32 v16, v15;
	v16 =	vmul.f32 v55, v19  }
0x3e7: {  	s16 =	sor.u32 $0x1C40, s4;
	v19 =	vld [tilespmem:s15+$0xF680]  }
0x3e8: {  	v59 =	vld [tilespmem:s16+$0xF680];
	v15 =	vadd.f32 v16, v15;
	v16 =	vmul.f32 v57, v56  }
0x3e9: {  	s17 =	sor.u32 $0x1C50, s4;
	v60 =	vld [tilespmem:s16+$0x13680]  }
0x3ea: {  	v15 =	vadd.f32 v16, v15;
	v16 =	vmul.f32 v18, v17;
	v17 =	vld [tilespmem:s17+$0xF680]  }
0x3eb: {  	s14 =	sor.u32 $0x1C60, s4;
	v18 =	vld [tilespmem:s17+$0x13680]  }
0x3ec: {  	v61 =	vld [tilespmem:s14+$0x13680];
	v15 =	vadd.f32 v16, v15;
	v16 =	vmul.f32 v58, v19  }
0x3ed: {  	s4 =	sor.u32 $0x1C70, s4;
	v19 =	vld [tilespmem:s14+$0xF680]  }
0x3ee: {  	v62 =	vld [tilespmem:s4+$0xF680];
	v15 =	vadd.f32 v16, v15;
	v16 =	vmul.f32 v60, v59  }
0x3ef: {  	v63 =	vld [tilespmem:s4+$0x13680]  }
0x3f0: {  	v15 =	vadd.f32 v16, v15;
	v16 =	vmul.f32 v18, v17  }
0x3f1: {  	v13 =	vadd.f32 v14, v13;
	v9 =	vmul.f32 v10, v9  }
0x3f2: {  	v14 =	vmul.f32 v61, v19;
	v10 =	vadd.f32 v16, v15  }
0x3f3: {  	v9 =	vadd.f32 v9, v13;
	v11 =	vmul.f32 v12, v11  }
0x3f4: {  	v12 =	vmul.f32 v63, v62;
	v10 =	vadd.f32 v14, v10  }
0x3f5: {  	v9 =	vadd.f32 v11, v9  }
0x3f6: {  	v10 =	vadd.f32 v12, v10  }
0x3f7: {  	v11 =	vperm.xlane v9, v1  }
0x3f8: {  	v12 =	vperm.xlane v10, v1  }
0x3f9: {  	v9 =	vadd.f32 v9, v11  }
0x3fa: {  	v10 =	vadd.f32 v10, v12  }
0x3fb: {  	v11 =	vperm.xlane v9, v2  }
0x3fc: {  	v12 =	vperm.xlane v10, v2  }
0x3fd: {  	v9 =	vadd.f32 v9, v11  }
0x3fe: {  	v10 =	vadd.f32 v10, v12  }
0x3ff: {  	v11 =	vperm.xlane v9, v5  }
0x400: {  	v12 =	vperm.xlane v10, v5  }
0x401: {  	v9 =	vadd.f32 v9, v11  }
0x402: {  	v10 =	vadd.f32 v10, v12  }
0x403: {  	v11 =	vperm.xlane v9, v7  }
0x404: {  	v12 =	vperm.xlane v10, v7  }
0x405: {  	v13 =	vmov s0;
	v9 =	vadd.f32 v9, v11  }
0x406: {  	vm1 =	veq.s32 v13, v0;
	v11 =	vmov s12;
	v10 =	vadd.f32 v10, v12  }
0x407: {  	v8 =	vsel vm1, v9, v8;
	vm1 =	veq.s32 v11, v0  }
0x408: {  	v8 =	vsel vm1, v10, v8  }
0x409: {  	v8 =	vmax.f32 v8, $0.0e+00  }
0x40a: {  	v8 =	vmin.f32 v8, $1.000000000e+00  }
0x40b: {  	p0 =	seq.s32 s11, $0xCF;
	[tilespmem:s1+$0x4F10] =	vst v8  }
0x40c: {  	v8 =	vld @!p0 [tilespmem:s31+$0x40];
	_ =	sdelay $0x4  }
0x40d: {  	v9 =	vshll.u32 @!p0 v8, $0x3  }
0x40e: {  	v10 =	vlaneseq.u32 @!p0;
	v8 =	vand.u32 @!p0 $0x7, v8;
	v9 =	vand.u32 @!p0 $0xFFFFFFC0, v9  }
0x40f: {  	v11 =	vshrl.u32 @!p0 v10, $0x3;
	v8 =	vor.u32 @!p0 v8, v9;
	v9 =	vand.u32 @!p0 $0x7, v10  }
0x410: {  	v11 =	vmul.u32 @!p0 $0x8, v11;
	v12 =	vperm.xlane @!p0 v8, v9;
	_ =	sdelay $0x1  }
0x411: {  	v12 =	vadd.s32 @!p0 v11, v12;
	_ =	sdelay $0x3  }
0x412: {  	s0 =	simm.s32 @!p0 $0x0;
	s4 =	simm.s32 @!p0 $0xF680;
	vm1 =	vmmov @!p0 $0xffff  }
0x413: {  	v10 =	vor.u32 @!p0 $0x8, v10;
	[tilespmem:s4], [sflag:$0x2] =	stream.indirect_vreg.gather @!p0 [hbm4b:s3+s0], $0x80, v12, vm1, $0xb8;
	[tilespmem:$0x1F680] =	vst v63  }
0x414: {  	v8 =	vperm.xlane @!p0 v8, v10;
	s4 =	simm.s32 @!p0 $0xFE80  }
0x415: {  	[tilespmem:s4], [sflag:$0x2] =	stream.indirect_vreg.gather @!p0 [hbm4b:s6+s0], $0x80, v12, vm1, $0xb8;
	[tilespmem:$0x1F680] =	vst v63  }
0x416: {  	v8 =	vadd.s32 @!p0 v11, v8;
	s4 =	simm.s32 @!p0 $0x10680  }
0x417: {  	[tilespmem:s4], [sflag:$0x2] =	stream.indirect_vreg.gather @!p0 [hbm4b:s7+s0], $0x80, v12, vm1, $0xb8;
	[tilespmem:$0x1F680] =	vst v63  }
0x418: {  	s4 =	simm.s32 @!p0 $0x10E80  }
0x419: {  	[tilespmem:s4], [sflag:$0x2] =	stream.indirect_vreg.gather @!p0 [hbm4b:s8+s0], $0x80, v12, vm1, $0xb8;
	[tilespmem:$0x1F680] =	vst v63  }
0x41a: {  	s4 =	simm.s32 @!p0 $0x11680  }
0x41b: {  	[tilespmem:s4], [sflag:$0x2] =	stream.indirect_vreg.gather @!p0 [hbm4b:s3+s0], $0x80, v8, vm1, $0xb8;
	[tilespmem:$0x1F680] =	vst v63  }
0x41c: {  	s4 =	simm.s32 @!p0 $0x11E80  }
0x41d: {  	[tilespmem:s4], [sflag:$0x2] =	stream.indirect_vreg.gather @!p0 [hbm4b:s6+s0], $0x80, v8, vm1, $0xb8;
	[tilespmem:$0x1F680] =	vst v63  }
0x41e: {  	s4 =	simm.s32 @!p0 $0x12680  }
0x41f: {  	[tilespmem:s4], [sflag:$0x2] =	stream.indirect_vreg.gather @!p0 [hbm4b:s7+s0], $0x80, v8, vm1, $0xb8;
	[tilespmem:$0x1F680] =	vst v63  }
0x420: {  	s4 =	simm.s32 @!p0 $0x12E80  }
0x421: {  	[tilespmem:s4], [sflag:$0x2] =	stream.indirect_vreg.gather @!p0 [hbm4b:s8+s0], $0x80, v8, vm1, $0xb8;
	[tilespmem:$0x1F680] =	vst v63  }
0x422: {  	v8 =	vld @!p0 [tilespmem:s31+$0x27C0];
	_ =	sdelay $0x4  }
0x423: {  	v12 =	vshll.u32 @!p0 v8, $0x3  }
0x424: {  	v8 =	vand.u32 @!p0 $0x7, v8;
	v12 =	vand.u32 @!p0 $0xFFFFFFC0, v12  }
0x425: {  	v8 =	vor.u32 @!p0 v8, v12  }
0x426: {  	v9 =	vperm.xlane @!p0 v8, v9;
	_ =	sdelay $0x1  }
0x427: {  	v9 =	vadd.s32 @!p0 v11, v9;
	_ =	sdelay $0x3  }
0x428: {  	s4 =	simm.s32 @!p0 $0x13680  }
0x429: {  	[tilespmem:s4], [sflag:$0x2] =	stream.indirect_vreg.gather @!p0 [hbm4b:s3+s0], $0x80, v9, vm1, $0xb8;
	[tilespmem:$0x1F680] =	vst v63  }
0x42a: {  	v8 =	vperm.xlane @!p0 v8, v10;
	s4 =	simm.s32 @!p0 $0x13E80  }
0x42b: {  	[tilespmem:s4], [sflag:$0x2] =	stream.indirect_vreg.gather @!p0 [hbm4b:s6+s0], $0x80, v9, vm1, $0xb8;
	[tilespmem:$0x1F680] =	vst v63  }
0x42c: {  	v8 =	vadd.s32 @!p0 v11, v8;
	s4 =	simm.s32 @!p0 $0x14680  }
0x42d: {  	[tilespmem:s4], [sflag:$0x2] =	stream.indirect_vreg.gather @!p0 [hbm4b:s7+s0], $0x80, v9, vm1, $0xb8;
	[tilespmem:$0x1F680] =	vst v63  }
0x42e: {  	s4 =	simm.s32 @!p0 $0x14E80  }
0x42f: {  	[tilespmem:s4], [sflag:$0x2] =	stream.indirect_vreg.gather @!p0 [hbm4b:s8+s0], $0x80, v9, vm1, $0xb8;
	[tilespmem:$0x1F680] =	vst v63  }
0x430: {  	s4 =	simm.s32 @!p0 $0x15680  }
0x431: {  	[tilespmem:s4], [sflag:$0x2] =	stream.indirect_vreg.gather @!p0 [hbm4b:s3+s0], $0x80, v8, vm1, $0xb8;
	[tilespmem:$0x1F680] =	vst v63  }
0x432: {  	s4 =	simm.s32 @!p0 $0x15E80  }
0x433: {  	[tilespmem:s4], [sflag:$0x2] =	stream.indirect_vreg.gather @!p0 [hbm4b:s6+s0], $0x80, v8, vm1, $0xb8;
	[tilespmem:$0x1F680] =	vst v63  }
0x434: {  	s4 =	simm.s32 @!p0 $0x16680  }
0x435: {  	[tilespmem:s4], [sflag:$0x2] =	stream.indirect_vreg.gather @!p0 [hbm4b:s7+s0], $0x80, v8, vm1, $0xb8;
	[tilespmem:$0x1F680] =	vst v63  }
0x436: {  	s4 =	simm.s32 @!p0 $0x16E80  }
0x437: {  	[tilespmem:s4], [sflag:$0x2] =	stream.indirect_vreg.gather @!p0 [hbm4b:s8+s0], $0x80, v8, vm1, $0xb8;
	[tilespmem:$0x1F680] =	vst v63  }
0x438: {  	_ =	swait.ge [sflag:s10], $0x4000  }
0x439: {  	[sflag:s10] =	ssyncset.done $0x0  }
0x43a: {  	[sflag:s10] =	ssyncadd.s32 $0xFFFFC000  }
0x43b: {  	s0 =	simm.s32 $0x0;
	_ =	swait.ge [sflag:s10], $0x4000  }
0x43c: {  	s15 =	sand.u32 $0x2000, s0;
	s16 =	sand.u32 $0x380, s0;
	[sflag:s10] =	ssyncset.done $0x0  }
0x43d: {  	s4 =	sor.u32 s16, s15;
	[sflag:s10] =	ssyncadd.s32 $0xFFFFC000  }
0x43e: {  	v8 =	vld [tilespmem:s4+$0x17680]  }
0x43f: {  	v9 =	vld [tilespmem:s4+$0x1B680]  }
0x440: {  	v10 =	vld [tilespmem:s4+$0x17690]  }
0x441: {  	v11 =	vld [tilespmem:s4+$0x1B690]  }
0x442: {  	v12 =	vld [tilespmem:s4+$0x176A0]  }
0x443: {  	v13 =	vld [tilespmem:s4+$0x1B6A0]  }
0x444: {  	v14 =	vld [tilespmem:s4+$0x176B0]  }
0x445: {  	v15 =	vld [tilespmem:s4+$0x1B6B0]  }
0x446: {  	v16 =	vld [tilespmem:s4+$0x176C0];
	v8 =	vmul.f32 v9, v8;
	v9 =	vmul.f32 v11, v10  }
0x447: {  	v10 =	vld [tilespmem:s4+$0x1B6C0]  }
0x448: {  	v11 =	vld [tilespmem:s4+$0x176D0];
	v8 =	vadd.f32 v9, v8;
	v9 =	vmul.f32 v13, v12  }
0x449: {  	v12 =	vld [tilespmem:s4+$0x1B6D0]  }
0x44a: {  	v13 =	vld [tilespmem:s4+$0x176E0];
	v8 =	vadd.f32 v9, v8;
	v9 =	vmul.f32 v15, v14  }
0x44b: {  	v14 =	vld [tilespmem:s4+$0x1B6E0]  }
0x44c: {  	v15 =	vld [tilespmem:s4+$0x176F0];
	v8 =	vadd.f32 v9, v8;
	v9 =	vmul.f32 v10, v16  }
0x44d: {  	v10 =	vld [tilespmem:s4+$0x1B6F0]  }
0x44e: {  	v16 =	vld [tilespmem:s4+$0x17A80];
	v8 =	vadd.f32 v9, v8;
	v9 =	vmul.f32 v12, v11  }
0x44f: {  	v11 =	vld [tilespmem:s4+$0x1BA80]  }
0x450: {  	v12 =	vld [tilespmem:s4+$0x17A90];
	v8 =	vadd.f32 v9, v8;
	v9 =	vmul.f32 v14, v13  }
0x451: {  	v13 =	vld [tilespmem:s4+$0x1BA90]  }
0x452: {  	v14 =	vld [tilespmem:s4+$0x17AA0];
	v8 =	vadd.f32 v9, v8;
	v9 =	vmul.f32 v10, v15  }
0x453: {  	v10 =	vld [tilespmem:s4+$0x1BAA0]  }
0x454: {  	v15 =	vld [tilespmem:s4+$0x17AB0];
	v8 =	vadd.f32 v9, v8;
	v9 =	vmul.f32 v11, v16  }
0x455: {  	v11 =	vld [tilespmem:s4+$0x1BAB0]  }
0x456: {  	v16 =	vld [tilespmem:s4+$0x17AC0];
	v8 =	vadd.f32 v9, v8;
	v9 =	vmul.f32 v13, v12  }
0x457: {  	v12 =	vld [tilespmem:s4+$0x1BAC0]  }
0x458: {  	v13 =	vld [tilespmem:s4+$0x17AD0];
	v8 =	vadd.f32 v9, v8;
	v9 =	vmul.f32 v10, v14  }
0x459: {  	v10 =	vld [tilespmem:s4+$0x1BAD0]  }
0x45a: {  	v14 =	vld [tilespmem:s4+$0x17AE0];
	v8 =	vadd.f32 v9, v8;
	v9 =	vmul.f32 v11, v15  }
0x45b: {  	v11 =	vld [tilespmem:s4+$0x1BAE0]  }
0x45c: {  	v15 =	vld [tilespmem:s4+$0x17AF0];
	v8 =	vadd.f32 v9, v8;
	v9 =	vmul.f32 v12, v16  }
0x45d: {  	v12 =	vld [tilespmem:s4+$0x1BAF0]  }
0x45e: {  	v16 =	vld [tilespmem:s4+$0x17E80];
	v8 =	vadd.f32 v9, v8;
	v9 =	vmul.f32 v10, v13  }
0x45f: {  	v10 =	vld [tilespmem:s4+$0x1BE80]  }
0x460: {  	v13 =	vld [tilespmem:s4+$0x17E90];
	v8 =	vadd.f32 v9, v8;
	v9 =	vmul.f32 v11, v14  }
0x461: {  	v11 =	vld [tilespmem:s4+$0x1BE90]  }
0x462: {  	v14 =	vld [tilespmem:s4+$0x17EA0];
	v8 =	vadd.f32 v9, v8;
	v9 =	vmul.f32 v12, v15  }
0x463: {  	v12 =	vld [tilespmem:s4+$0x1BEA0]  }
0x464: {  	v15 =	vld [tilespmem:s4+$0x17EB0];
	v8 =	vadd.f32 v9, v8;
	v9 =	vmul.f32 v10, v16  }
0x465: {  	v10 =	vld [tilespmem:s4+$0x1BEB0]  }
0x466: {  	v16 =	vld [tilespmem:s4+$0x17EC0];
	v8 =	vadd.f32 v9, v8;
	v9 =	vmul.f32 v11, v13  }
0x467: {  	v11 =	vld [tilespmem:s4+$0x1BEC0]  }
0x468: {  	v13 =	vld [tilespmem:s4+$0x17ED0];
	v8 =	vadd.f32 v9, v8;
	v9 =	vmul.f32 v12, v14  }
0x469: {  	v12 =	vld [tilespmem:s4+$0x1BED0]  }
0x46a: {  	v14 =	vld [tilespmem:s4+$0x17EE0];
	v8 =	vadd.f32 v9, v8;
	v9 =	vmul.f32 v10, v15  }
0x46b: {  	v10 =	vld [tilespmem:s4+$0x1BEE0]  }
0x46c: {  	v15 =	vld [tilespmem:s4+$0x17EF0];
	v8 =	vadd.f32 v9, v8;
	v9 =	vmul.f32 v11, v16  }
0x46d: {  	v11 =	vld [tilespmem:s4+$0x1BEF0]  }
0x46e: {  	v16 =	vld [tilespmem:s4+$0x18280];
	v8 =	vadd.f32 v9, v8;
	v9 =	vmul.f32 v12, v13  }
0x46f: {  	v12 =	vld [tilespmem:s4+$0x1C280]  }
0x470: {  	v13 =	vld [tilespmem:s4+$0x18290];
	v8 =	vadd.f32 v9, v8;
	v9 =	vmul.f32 v10, v14  }
0x471: {  	v10 =	vld [tilespmem:s4+$0x1C290]  }
0x472: {  	v14 =	vld [tilespmem:s4+$0x182A0];
	v8 =	vadd.f32 v9, v8;
	v9 =	vmul.f32 v11, v15  }
0x473: {  	v11 =	vld [tilespmem:s4+$0x1C2A0]  }
0x474: {  	v15 =	vld [tilespmem:s4+$0x182B0];
	v8 =	vadd.f32 v9, v8;
	v9 =	vmul.f32 v12, v16  }
0x475: {  	v12 =	vld [tilespmem:s4+$0x1C2B0]  }
0x476: {  	v16 =	vld [tilespmem:s4+$0x182C0];
	v8 =	vadd.f32 v9, v8;
	v9 =	vmul.f32 v10, v13  }
0x477: {  	v10 =	vld [tilespmem:s4+$0x1C2C0]  }
0x478: {  	v13 =	vld [tilespmem:s4+$0x182D0];
	v8 =	vadd.f32 v9, v8;
	v9 =	vmul.f32 v11, v14  }
0x479: {  	v11 =	vld [tilespmem:s4+$0x1C2D0]  }
0x47a: {  	v14 =	vld [tilespmem:s4+$0x182E0];
	v8 =	vadd.f32 v9, v8;
	v9 =	vmul.f32 v12, v15  }
0x47b: {  	v12 =	vld [tilespmem:s4+$0x1C2E0]  }
0x47c: {  	v15 =	vld [tilespmem:s4+$0x182F0];
	v8 =	vadd.f32 v9, v8;
	v9 =	vmul.f32 v10, v16  }
0x47d: {  	v10 =	vld [tilespmem:s4+$0x1C2F0]  }
0x47e: {  	v16 =	vld [tilespmem:s4+$0x18680];
	v8 =	vadd.f32 v9, v8;
	v9 =	vmul.f32 v11, v13  }
0x47f: {  	v11 =	vld [tilespmem:s4+$0x1C680]  }
0x480: {  	v13 =	vld [tilespmem:s4+$0x18690];
	v8 =	vadd.f32 v9, v8;
	v9 =	vmul.f32 v12, v14  }
0x481: {  	v12 =	vld [tilespmem:s4+$0x1C690]  }
0x482: {  	v14 =	vld [tilespmem:s4+$0x186A0];
	v8 =	vadd.f32 v9, v8;
	v9 =	vmul.f32 v10, v15  }
0x483: {  	v10 =	vld [tilespmem:s4+$0x1C6A0]  }
0x484: {  	v15 =	vld [tilespmem:s4+$0x186B0];
	v8 =	vadd.f32 v9, v8;
	v9 =	vmul.f32 v11, v16  }
0x485: {  	v11 =	vld [tilespmem:s4+$0x1C6B0]  }
0x486: {  	v16 =	vld [tilespmem:s4+$0x186C0];
	v8 =	vadd.f32 v9, v8;
	v9 =	vmul.f32 v12, v13  }
0x487: {  	v12 =	vld [tilespmem:s4+$0x1C6C0]  }
0x488: {  	v13 =	vld [tilespmem:s4+$0x186D0];
	v8 =	vadd.f32 v9, v8;
	v9 =	vmul.f32 v10, v14  }
0x489: {  	v10 =	vld [tilespmem:s4+$0x1C6D0]  }
0x48a: {  	v14 =	vld [tilespmem:s4+$0x186E0];
	v8 =	vadd.f32 v9, v8;
	v9 =	vmul.f32 v11, v15  }
0x48b: {  	v11 =	vld [tilespmem:s4+$0x1C6E0]  }
0x48c: {  	v15 =	vld [tilespmem:s4+$0x186F0];
	v8 =	vadd.f32 v9, v8;
	v9 =	vmul.f32 v12, v16  }
0x48d: {  	v12 =	vld [tilespmem:s4+$0x1C6F0]  }
0x48e: {  	v16 =	vld [tilespmem:s4+$0x18A80];
	v8 =	vadd.f32 v9, v8;
	v9 =	vmul.f32 v10, v13  }
0x48f: {  	v10 =	vld [tilespmem:s4+$0x1CA80]  }
0x490: {  	v13 =	vld [tilespmem:s4+$0x18A90];
	v8 =	vadd.f32 v9, v8;
	v9 =	vmul.f32 v11, v14  }
0x491: {  	v11 =	vld [tilespmem:s4+$0x1CA90]  }
0x492: {  	v14 =	vld [tilespmem:s4+$0x18AA0];
	v8 =	vadd.f32 v9, v8;
	v9 =	vmul.f32 v12, v15  }
0x493: {  	v12 =	vld [tilespmem:s4+$0x1CAA0]  }
0x494: {  	v15 =	vld [tilespmem:s4+$0x18AB0];
	v8 =	vadd.f32 v9, v8;
	v9 =	vmul.f32 v10, v16  }
0x495: {  	v10 =	vld [tilespmem:s4+$0x1CAB0]  }
0x496: {  	v16 =	vld [tilespmem:s4+$0x18AC0];
	v8 =	vadd.f32 v9, v8;
	v9 =	vmul.f32 v11, v13  }
0x497: {  	v11 =	vld [tilespmem:s4+$0x1CAC0]  }
0x498: {  	v13 =	vld [tilespmem:s4+$0x18AD0];
	v8 =	vadd.f32 v9, v8;
	v9 =	vmul.f32 v12, v14  }
0x499: {  	v12 =	vld [tilespmem:s4+$0x1CAD0]  }
0x49a: {  	v14 =	vld [tilespmem:s4+$0x18AE0];
	v8 =	vadd.f32 v9, v8;
	v9 =	vmul.f32 v10, v15  }
0x49b: {  	v10 =	vld [tilespmem:s4+$0x1CAE0]  }
0x49c: {  	v15 =	vld [tilespmem:s4+$0x18AF0];
	v8 =	vadd.f32 v9, v8;
	v9 =	vmul.f32 v11, v16  }
0x49d: {  	v11 =	vld [tilespmem:s4+$0x1CAF0]  }
0x49e: {  	v16 =	vld [tilespmem:s4+$0x18E80];
	v8 =	vadd.f32 v9, v8;
	v9 =	vmul.f32 v12, v13  }
0x49f: {  	v12 =	vld [tilespmem:s4+$0x1CE80]  }
0x4a0: {  	v13 =	vld [tilespmem:s4+$0x18E90];
	v8 =	vadd.f32 v9, v8;
	v9 =	vmul.f32 v10, v14  }
0x4a1: {  	v10 =	vld [tilespmem:s4+$0x1CE90]  }
0x4a2: {  	v14 =	vld [tilespmem:s4+$0x18EA0];
	v8 =	vadd.f32 v9, v8;
	v9 =	vmul.f32 v11, v15  }
0x4a3: {  	v11 =	vld [tilespmem:s4+$0x1CEA0]  }
0x4a4: {  	v15 =	vld [tilespmem:s4+$0x18EB0];
	v8 =	vadd.f32 v9, v8;
	v9 =	vmul.f32 v12, v16  }
0x4a5: {  	v12 =	vld [tilespmem:s4+$0x1CEB0]  }
0x4a6: {  	v16 =	vld [tilespmem:s4+$0x18EC0];
	v8 =	vadd.f32 v9, v8;
	v9 =	vmul.f32 v10, v13  }
0x4a7: {  	v10 =	vld [tilespmem:s4+$0x1CEC0]  }
0x4a8: {  	v13 =	vld [tilespmem:s4+$0x18ED0];
	v8 =	vadd.f32 v9, v8;
	v9 =	vmul.f32 v11, v14  }
0x4a9: {  	v11 =	vld [tilespmem:s4+$0x1CED0]  }
0x4aa: {  	s17 =	sand.u32 $0x7, s0;
	v14 =	vld [tilespmem:s4+$0x18EE0];
	v8 =	vadd.f32 v9, v8;
	v9 =	vmul.f32 v12, v15  }
0x4ab: {  	s12 =	sshll.u32 s17, $0x7;
	v12 =	vld [tilespmem:s4+$0x1CEE0]  }
0x4ac: {  	s12 =	sadd.s32 $0x0, s12;
	v15 =	vld [tilespmem:s4+$0x18EF0];
	v8 =	vadd.f32 v9, v8;
	v9 =	vmul.f32 v10, v16  }
0x4ad: {  	s13 =	sor.u32 $0x1C00, s12;
	v10 =	vld [tilespmem:s4+$0x1CEF0]  }
0x4ae: {  	v16 =	vld [tilespmem:s13+$0x17680];
	v8 =	vadd.f32 v9, v8;
	v9 =	vmul.f32 v11, v13  }
0x4af: {  	s14 =	sor.u32 $0x1C10, s12;
	v11 =	vld [tilespmem:s13+$0x1B680]  }
0x4b0: {  	v13 =	vld [tilespmem:s14+$0x17680];
	v8 =	vadd.f32 v9, v8;
	v9 =	vmul.f32 v12, v14  }
0x4b1: {  	s15 =	sor.u32 $0x1C20, s12;
	v12 =	vld [tilespmem:s14+$0x1B680]  }
0x4b2: {  	v14 =	vld [tilespmem:s15+$0x17680];
	v8 =	vadd.f32 v9, v8;
	v9 =	vmul.f32 v10, v15  }
0x4b3: {  	s16 =	sor.u32 $0x1C30, s12;
	v10 =	vld [tilespmem:s15+$0x1B680]  }
0x4b4: {  	v15 =	vld [tilespmem:s16+$0x17680];
	v8 =	vadd.f32 v9, v8;
	v9 =	vmul.f32 v11, v16  }
0x4b5: {  	s17 =	sor.u32 $0x1C40, s12;
	v11 =	vld [tilespmem:s16+$0x1B680]  }
0x4b6: {  	v16 =	vld [tilespmem:s17+$0x17680];
	v8 =	vadd.f32 v9, v8;
	v9 =	vmul.f32 v12, v13  }
0x4b7: {  	s13 =	sor.u32 $0x1C50, s12;
	v12 =	vld [tilespmem:s17+$0x1B680]  }
0x4b8: {  	v17 =	vld [tilespmem:s13+$0x17680];
	v10 =	vmul.f32 v10, v14;
	v8 =	vadd.f32 v9, v8  }
0x4b9: {  	s14 =	sor.u32 $0x1C60, s12;
	v14 =	vld [tilespmem:s13+$0x1B680]  }
0x4ba: {  	v9 =	vld [tilespmem:s14+$0x17680];
	v13 =	vmul.f32 v11, v15;
	v8 =	vadd.f32 v10, v8  }
0x4bb: {  	s30 =	simm.s32 $0x400;
	s15 =	sor.u32 $0x1C70, s12;
	v10 =	vld [tilespmem:s14+$0x1B680];
	s14 =	simm.s32 $0x80  }
0x4bc: {  	s16 =	sand.u32 $0x2000, s30;
	v11 =	vld [tilespmem:s15+$0x17680];
	s17 =	sand.u32 $0x380, s14;
	v16 =	vmul.f32 v12, v16;
	v13 =	vadd.f32 v13, v8  }
0x4bd: {  	v12 =	vld [tilespmem:s15+$0x1B680];
	s13 =	sor.u32 s17, s16  }
0x4be: {  	v14 =	vmul.f32 v14, v17;
	v15 =	vld [tilespmem:s13+$0x17680];
	v13 =	vadd.f32 v16, v13  }
0x4bf: {  	s4 =	simm.s32 $0x0;
	s12 =	simm.s32 $0x1;
	s15 =	simm.s32 $0x2;
	v8 =	vimm.f32 $0.0e+00;
	v16 =	vld [tilespmem:s13+$0x1B680]  }
.LBB2_7:
0x4c0: {  	p1 =	sne.s32 s15, $0xF;
	v17 =	vld [tilespmem:s13+$0x17690];
	v13 =	vadd.f32 v14, v13;
	v9 =	vmul.f32 v10, v9  }
0x4c1: {  	v10 =	vld [tilespmem:s13+$0x1B690]  }
0x4c2: {  	v14 =	vld [tilespmem:s13+$0x176A0];
	v9 =	vadd.f32 v9, v13;
	v11 =	vmul.f32 v12, v11  }
0x4c3: {  	v12 =	vld [tilespmem:s13+$0x1B6A0]  }
0x4c4: {  	v13 =	vld [tilespmem:s13+$0x176B0];
	v9 =	vadd.f32 v11, v9  }
0x4c5: {  	v11 =	vmul.f32 v16, v15;
	v15 =	vld [tilespmem:s13+$0x1B6B0]  }
0x4c6: {  	v10 =	vmul.f32 v10, v17;
	v16 =	vld [tilespmem:s13+$0x176C0];
	v17 =	vperm.xlane v9, v1  }
0x4c7: {  	v18 =	vld [tilespmem:s13+$0x1B6C0]  }
0x4c8: {  	v10 =	vadd.f32 v10, v11;
	v11 =	vmul.f32 v12, v14;
	v12 =	vld [tilespmem:s13+$0x176D0];
	v9 =	vadd.f32 v9, v17  }
0x4c9: {  	v14 =	vld [tilespmem:s13+$0x1B6D0]  }
0x4ca: {  	v10 =	vadd.f32 v11, v10;
	v11 =	vmul.f32 v15, v13;
	v13 =	vld [tilespmem:s13+$0x176E0];
	v15 =	vperm.xlane v9, v2  }
0x4cb: {  	v17 =	vld [tilespmem:s13+$0x1B6E0]  }
0x4cc: {  	v10 =	vadd.f32 v11, v10;
	v11 =	vmul.f32 v18, v16;
	v16 =	vld [tilespmem:s13+$0x176F0];
	v9 =	vadd.f32 v9, v15  }
0x4cd: {  	v15 =	vld [tilespmem:s13+$0x1B6F0]  }
0x4ce: {  	v10 =	vadd.f32 v11, v10;
	v11 =	vmul.f32 v14, v12;
	v12 =	vld [tilespmem:s13+$0x17A80];
	v14 =	vperm.xlane v9, v5  }
0x4cf: {  	v18 =	vld [tilespmem:s13+$0x1BA80]  }
0x4d0: {  	v10 =	vadd.f32 v11, v10;
	v11 =	vmul.f32 v17, v13;
	v13 =	vld [tilespmem:s13+$0x17A90];
	v9 =	vadd.f32 v9, v14  }
0x4d1: {  	v14 =	vld [tilespmem:s13+$0x1BA90]  }
0x4d2: {  	v10 =	vadd.f32 v11, v10;
	v11 =	vmul.f32 v15, v16;
	v15 =	vld [tilespmem:s13+$0x17AA0];
	v16 =	vperm.xlane v9, v7  }
0x4d3: {  	v19 =	vmov s0;
	s0 =	smov.u32 s12;
	s12 =	smov.u32 s15;
	v17 =	vld [tilespmem:s13+$0x1BAA0]  }
0x4d4: {  	v10 =	vadd.f32 v11, v10;
	v11 =	vmul.f32 v18, v12;
	v12 =	vld [tilespmem:s13+$0x17AB0];
	v9 =	vadd.f32 v9, v16  }
0x4d5: {  	vm1 =	veq.s32 v19, v0;
	v16 =	vld [tilespmem:s13+$0x1BAB0]  }
0x4d6: {  	v10 =	vadd.f32 v11, v10;
	v11 =	vmul.f32 v14, v13;
	v13 =	vld [tilespmem:s13+$0x17AC0];
	v8 =	vsel vm1, v9, v8  }
0x4d7: {  	v9 =	vld [tilespmem:s13+$0x1BAC0]  }
0x4d8: {  	v10 =	vadd.f32 v11, v10;
	v11 =	vmul.f32 v17, v15;
	v14 =	vld [tilespmem:s13+$0x17AD0]  }
0x4d9: {  	v15 =	vld [tilespmem:s13+$0x1BAD0]  }
0x4da: {  	v10 =	vadd.f32 v11, v10;
	v11 =	vmul.f32 v16, v12;
	v12 =	vld [tilespmem:s13+$0x17AE0]  }
0x4db: {  	v16 =	vld [tilespmem:s13+$0x1BAE0]  }
0x4dc: {  	v10 =	vadd.f32 v11, v10;
	v9 =	vmul.f32 v9, v13;
	v11 =	vld [tilespmem:s13+$0x17AF0]  }
0x4dd: {  	v13 =	vld [tilespmem:s13+$0x1BAF0]  }
0x4de: {  	v9 =	vadd.f32 v9, v10;
	v10 =	vmul.f32 v15, v14;
	v14 =	vld [tilespmem:s13+$0x17E80]  }
0x4df: {  	v15 =	vld [tilespmem:s13+$0x1BE80]  }
0x4e0: {  	v9 =	vadd.f32 v10, v9;
	v10 =	vmul.f32 v16, v12;
	v12 =	vld [tilespmem:s13+$0x17E90]  }
0x4e1: {  	v16 =	vld [tilespmem:s13+$0x1BE90]  }
0x4e2: {  	v9 =	vadd.f32 v10, v9;
	v10 =	vmul.f32 v13, v11;
	v11 =	vld [tilespmem:s13+$0x17EA0]  }
0x4e3: {  	v13 =	vld [tilespmem:s13+$0x1BEA0]  }
0x4e4: {  	v9 =	vadd.f32 v10, v9;
	v10 =	vmul.f32 v15, v14;
	v14 =	vld [tilespmem:s13+$0x17EB0]  }
0x4e5: {  	v15 =	vld [tilespmem:s13+$0x1BEB0]  }
0x4e6: {  	v9 =	vadd.f32 v10, v9;
	v10 =	vmul.f32 v16, v12;
	v12 =	vld [tilespmem:s13+$0x17EC0]  }
0x4e7: {  	v16 =	vld [tilespmem:s13+$0x1BEC0]  }
0x4e8: {  	v9 =	vadd.f32 v10, v9;
	v10 =	vmul.f32 v13, v11;
	v11 =	vld [tilespmem:s13+$0x17ED0]  }
0x4e9: {  	v13 =	vld [tilespmem:s13+$0x1BED0]  }
0x4ea: {  	v9 =	vadd.f32 v10, v9;
	v10 =	vmul.f32 v15, v14;
	v14 =	vld [tilespmem:s13+$0x17EE0]  }
0x4eb: {  	v15 =	vld [tilespmem:s13+$0x1BEE0]  }
0x4ec: {  	v9 =	vadd.f32 v10, v9;
	v10 =	vmul.f32 v16, v12;
	v12 =	vld [tilespmem:s13+$0x17EF0]  }
0x4ed: {  	v16 =	vld [tilespmem:s13+$0x1BEF0]  }
0x4ee: {  	v9 =	vadd.f32 v10, v9;
	v10 =	vmul.f32 v13, v11;
	v11 =	vld [tilespmem:s13+$0x18280]  }
0x4ef: {  	v13 =	vld [tilespmem:s13+$0x1C280]  }
0x4f0: {  	v9 =	vadd.f32 v10, v9;
	v10 =	vmul.f32 v15, v14;
	v14 =	vld [tilespmem:s13+$0x18290]  }
0x4f1: {  	v15 =	vld [tilespmem:s13+$0x1C290]  }
0x4f2: {  	v9 =	vadd.f32 v10, v9;
	v10 =	vmul.f32 v16, v12;
	v12 =	vld [tilespmem:s13+$0x182A0]  }
0x4f3: {  	v16 =	vld [tilespmem:s13+$0x1C2A0]  }
0x4f4: {  	v9 =	vadd.f32 v10, v9;
	v10 =	vmul.f32 v13, v11;
	v11 =	vld [tilespmem:s13+$0x182B0]  }
0x4f5: {  	v13 =	vld [tilespmem:s13+$0x1C2B0]  }
0x4f6: {  	v9 =	vadd.f32 v10, v9;
	v10 =	vmul.f32 v15, v14;
	v14 =	vld [tilespmem:s13+$0x182C0]  }
0x4f7: {  	v15 =	vld [tilespmem:s13+$0x1C2C0]  }
0x4f8: {  	v9 =	vadd.f32 v10, v9;
	v10 =	vmul.f32 v16, v12;
	v12 =	vld [tilespmem:s13+$0x182D0]  }
0x4f9: {  	v16 =	vld [tilespmem:s13+$0x1C2D0]  }
0x4fa: {  	v9 =	vadd.f32 v10, v9;
	v10 =	vmul.f32 v13, v11;
	v11 =	vld [tilespmem:s13+$0x182E0]  }
0x4fb: {  	v13 =	vld [tilespmem:s13+$0x1C2E0]  }
0x4fc: {  	v9 =	vadd.f32 v10, v9;
	v10 =	vmul.f32 v15, v14;
	v14 =	vld [tilespmem:s13+$0x182F0]  }
0x4fd: {  	v15 =	vld [tilespmem:s13+$0x1C2F0]  }
0x4fe: {  	v9 =	vadd.f32 v10, v9;
	v10 =	vmul.f32 v16, v12;
	v12 =	vld [tilespmem:s13+$0x18680]  }
0x4ff: {  	v16 =	vld [tilespmem:s13+$0x1C680]  }
0x500: {  	v9 =	vadd.f32 v10, v9;
	v10 =	vmul.f32 v13, v11;
	v11 =	vld [tilespmem:s13+$0x18690]  }
0x501: {  	v13 =	vld [tilespmem:s13+$0x1C690]  }
0x502: {  	v9 =	vadd.f32 v10, v9;
	v10 =	vmul.f32 v15, v14;
	v14 =	vld [tilespmem:s13+$0x186A0]  }
0x503: {  	v15 =	vld [tilespmem:s13+$0x1C6A0]  }
0x504: {  	v9 =	vadd.f32 v10, v9;
	v10 =	vmul.f32 v16, v12;
	v12 =	vld [tilespmem:s13+$0x186B0]  }
0x505: {  	v16 =	vld [tilespmem:s13+$0x1C6B0]  }
0x506: {  	v9 =	vadd.f32 v10, v9;
	v10 =	vmul.f32 v13, v11;
	v11 =	vld [tilespmem:s13+$0x186C0]  }
0x507: {  	v13 =	vld [tilespmem:s13+$0x1C6C0]  }
0x508: {  	v9 =	vadd.f32 v10, v9;
	v10 =	vmul.f32 v15, v14;
	v14 =	vld [tilespmem:s13+$0x186D0]  }
0x509: {  	v15 =	vld [tilespmem:s13+$0x1C6D0]  }
0x50a: {  	v9 =	vadd.f32 v10, v9;
	v10 =	vmul.f32 v16, v12;
	v12 =	vld [tilespmem:s13+$0x186E0]  }
0x50b: {  	v16 =	vld [tilespmem:s13+$0x1C6E0]  }
0x50c: {  	v9 =	vadd.f32 v10, v9;
	v10 =	vmul.f32 v13, v11;
	v11 =	vld [tilespmem:s13+$0x186F0]  }
0x50d: {  	v13 =	vld [tilespmem:s13+$0x1C6F0]  }
0x50e: {  	v9 =	vadd.f32 v10, v9;
	v10 =	vmul.f32 v15, v14;
	v14 =	vld [tilespmem:s13+$0x18A80]  }
0x50f: {  	v15 =	vld [tilespmem:s13+$0x1CA80]  }
0x510: {  	v9 =	vadd.f32 v10, v9;
	v10 =	vmul.f32 v16, v12;
	v12 =	vld [tilespmem:s13+$0x18A90]  }
0x511: {  	v16 =	vld [tilespmem:s13+$0x1CA90]  }
0x512: {  	v9 =	vadd.f32 v10, v9;
	v10 =	vmul.f32 v13, v11;
	v11 =	vld [tilespmem:s13+$0x18AA0]  }
0x513: {  	v13 =	vld [tilespmem:s13+$0x1CAA0]  }
0x514: {  	v9 =	vadd.f32 v10, v9;
	v10 =	vmul.f32 v15, v14;
	v14 =	vld [tilespmem:s13+$0x18AB0]  }
0x515: {  	v15 =	vld [tilespmem:s13+$0x1CAB0]  }
0x516: {  	v9 =	vadd.f32 v10, v9;
	v10 =	vmul.f32 v16, v12;
	v12 =	vld [tilespmem:s13+$0x18AC0]  }
0x517: {  	v16 =	vld [tilespmem:s13+$0x1CAC0]  }
0x518: {  	v9 =	vadd.f32 v10, v9;
	v10 =	vmul.f32 v13, v11;
	v11 =	vld [tilespmem:s13+$0x18AD0]  }
0x519: {  	v13 =	vld [tilespmem:s13+$0x1CAD0]  }
0x51a: {  	v9 =	vadd.f32 v10, v9;
	v10 =	vmul.f32 v15, v14;
	v14 =	vld [tilespmem:s13+$0x18AE0]  }
0x51b: {  	v15 =	vld [tilespmem:s13+$0x1CAE0]  }
0x51c: {  	v9 =	vadd.f32 v10, v9;
	v10 =	vmul.f32 v16, v12;
	v12 =	vld [tilespmem:s13+$0x18AF0]  }
0x51d: {  	v16 =	vld [tilespmem:s13+$0x1CAF0]  }
0x51e: {  	v9 =	vadd.f32 v10, v9;
	v10 =	vmul.f32 v13, v11;
	v11 =	vld [tilespmem:s13+$0x18E80]  }
0x51f: {  	v13 =	vld [tilespmem:s13+$0x1CE80]  }
0x520: {  	v9 =	vadd.f32 v10, v9;
	v10 =	vmul.f32 v15, v14;
	v14 =	vld [tilespmem:s13+$0x18E90]  }
0x521: {  	v15 =	vld [tilespmem:s13+$0x1CE90]  }
0x522: {  	v9 =	vadd.f32 v10, v9;
	v10 =	vmul.f32 v16, v12;
	v12 =	vld [tilespmem:s13+$0x18EA0]  }
0x523: {  	v16 =	vld [tilespmem:s13+$0x1CEA0]  }
0x524: {  	v9 =	vadd.f32 v10, v9;
	v10 =	vmul.f32 v13, v11;
	v11 =	vld [tilespmem:s13+$0x18EB0]  }
0x525: {  	v13 =	vld [tilespmem:s13+$0x1CEB0]  }
0x526: {  	v9 =	vadd.f32 v10, v9;
	v10 =	vmul.f32 v15, v14;
	v14 =	vld [tilespmem:s13+$0x18EC0]  }
0x527: {  	v15 =	vld [tilespmem:s13+$0x1CEC0]  }
0x528: {  	v9 =	vadd.f32 v10, v9;
	v10 =	vmul.f32 v16, v12;
	v12 =	vld [tilespmem:s13+$0x18ED0]  }
0x529: {  	s4 =	sadd.s32 $0x1, s4;
	v16 =	vld [tilespmem:s13+$0x1CED0]  }
0x52a: {  	s16 =	sand.u32 $0x7, s4;
	v9 =	vadd.f32 v10, v9;
	v10 =	vmul.f32 v13, v11;
	v11 =	vld [tilespmem:s13+$0x18EE0]  }
0x52b: {  	s16 =	sshll.u32 s16, $0x7;
	v13 =	vld [tilespmem:s13+$0x1CEE0]  }
0x52c: {  	s16 =	sadd.s32 s16, s30;
	v9 =	vadd.f32 v10, v9;
	v10 =	vmul.f32 v15, v14;
	v14 =	vld [tilespmem:s13+$0x18EF0]  }
0x52d: {  	v15 =	vld [tilespmem:s13+$0x1CEF0];
	s13 =	sor.u32 $0x1C00, s16  }
0x52e: {  	v9 =	vadd.f32 v10, v9;
	v10 =	vmul.f32 v16, v12;
	v12 =	vld [tilespmem:s13+$0x17680]  }
0x52f: {  	v16 =	vld [tilespmem:s13+$0x1B680];
	s13 =	sor.u32 $0x1C10, s16  }
0x530: {  	v9 =	vadd.f32 v10, v9;
	v10 =	vmul.f32 v13, v11;
	v11 =	vld [tilespmem:s13+$0x17680]  }
0x531: {  	v13 =	vld [tilespmem:s13+$0x1B680];
	s13 =	sor.u32 $0x1C20, s16  }
0x532: {  	v9 =	vadd.f32 v10, v9;
	v10 =	vmul.f32 v15, v14;
	v14 =	vld [tilespmem:s13+$0x17680]  }
0x533: {  	v15 =	vld [tilespmem:s13+$0x1B680];
	s13 =	sor.u32 $0x1C30, s16  }
0x534: {  	v9 =	vadd.f32 v10, v9;
	v10 =	vmul.f32 v16, v12;
	v12 =	vld [tilespmem:s13+$0x17680]  }
0x535: {  	v16 =	vld [tilespmem:s13+$0x1B680];
	s13 =	sor.u32 $0x1C40, s16  }
0x536: {  	v9 =	vadd.f32 v10, v9;
	v10 =	vmul.f32 v13, v11;
	v11 =	vld [tilespmem:s13+$0x17680]  }
0x537: {  	v13 =	vld [tilespmem:s13+$0x1B680];
	s13 =	sor.u32 $0x1C50, s16  }
0x538: {  	v9 =	vadd.f32 v10, v9;
	v10 =	vmul.f32 v15, v14;
	v14 =	vld [tilespmem:s13+$0x17680]  }
0x539: {  	v17 =	vld [tilespmem:s13+$0x1B680];
	s13 =	sor.u32 $0x1C60, s16  }
0x53a: {  	s14 =	sadd.s32 $0x80, s14;
	v15 =	vadd.f32 v10, v9;
	v12 =	vmul.f32 v16, v12;
	v9 =	vld [tilespmem:s13+$0x17680]  }
.Ltmp2:
0x53b: {  	s30 =	sadd.s32 $0x400, s30;
	s16 =	sor.u32 $0x1C70, s16;
	v10 =	vld [tilespmem:s13+$0x1B680];
	(pc) =	sbr.rel @p1 .LBB2_7-.Ltmp2, $4  }
0x53c: {  	s17 =	sand.u32 $0x380, s14;
	s13 =	sand.u32 $0x2000, s30;
	v16 =	vadd.f32 v12, v15;
	v13 =	vmul.f32 v13, v11;
	v11 =	vld [tilespmem:s16+$0x17680]  }
0x53d: {  	s13 =	sor.u32 s17, s13;
	v12 =	vld [tilespmem:s16+$0x1B680]  }
0x53e: {  	v15 =	vld [tilespmem:s13+$0x17680];
	v13 =	vadd.f32 v13, v16;
	v14 =	vmul.f32 v17, v14  }
0x53f: {  	s15 =	sadd.s32 $0x1, s15;
	v16 =	vld [tilespmem:s13+$0x1B680]  }
0x540: {  	v17 =	vld [tilespmem:s13+$0x17690]  }
0x541: {  	v18 =	vld [tilespmem:s13+$0x1B690]  }
0x542: {  	v19 =	vld [tilespmem:s13+$0x176A0]  }
0x543: {  	v20 =	vld [tilespmem:s13+$0x1B6A0]  }
0x544: {  	v21 =	vld [tilespmem:s13+$0x176B0]  }
0x545: {  	v22 =	vld [tilespmem:s13+$0x1B6B0]  }
0x546: {  	v39 =	vld [tilespmem:s13+$0x176C0];
	v15 =	vmul.f32 v16, v15;
	v38 =	vmul.f32 v18, v17  }
0x547: {  	v40 =	vld [tilespmem:s13+$0x1B6C0]  }
0x548: {  	v42 =	vld [tilespmem:s13+$0x176D0];
	v41 =	vmul.f32 v20, v19;
	v15 =	vadd.f32 v38, v15  }
0x549: {  	v43 =	vld [tilespmem:s13+$0x1B6D0]  }
0x54a: {  	v45 =	vld [tilespmem:s13+$0x176E0];
	v44 =	vmul.f32 v22, v21;
	v15 =	vadd.f32 v41, v15  }
0x54b: {  	v46 =	vld [tilespmem:s13+$0x1B6E0]  }
0x54c: {  	v48 =	vld [tilespmem:s13+$0x176F0];
	v47 =	vmul.f32 v40, v39;
	v15 =	vadd.f32 v44, v15  }
0x54d: {  	v49 =	vld [tilespmem:s13+$0x1B6F0]  }
0x54e: {  	v51 =	vld [tilespmem:s13+$0x17A80];
	v50 =	vmul.f32 v43, v42;
	v15 =	vadd.f32 v47, v15  }
0x54f: {  	v52 =	vld [tilespmem:s13+$0x1BA80]  }
0x550: {  	v54 =	vld [tilespmem:s13+$0x17A90];
	v53 =	vmul.f32 v46, v45;
	v15 =	vadd.f32 v50, v15  }
0x551: {  	v55 =	vld [tilespmem:s13+$0x1BA90]  }
0x552: {  	v57 =	vld [tilespmem:s13+$0x17AA0];
	v56 =	vmul.f32 v49, v48;
	v15 =	vadd.f32 v53, v15  }
0x553: {  	v58 =	vld [tilespmem:s13+$0x1BAA0]  }
0x554: {  	v60 =	vld [tilespmem:s13+$0x17AB0];
	v59 =	vmul.f32 v52, v51;
	v15 =	vadd.f32 v56, v15  }
0x555: {  	v61 =	vld [tilespmem:s13+$0x1BAB0]  }
0x556: {  	v63 =	vld [tilespmem:s13+$0x17AC0];
	v62 =	vmul.f32 v55, v54;
	v15 =	vadd.f32 v59, v15  }
0x557: {  	v24 =	vld [tilespmem:s13+$0x1BAC0]  }
0x558: {  	v26 =	vld [tilespmem:s13+$0x17AD0];
	v25 =	vmul.f32 v58, v57;
	v15 =	vadd.f32 v62, v15  }
0x559: {  	v27 =	vld [tilespmem:s13+$0x1BAD0]  }
0x55a: {  	v29 =	vld [tilespmem:s13+$0x17AE0];
	v28 =	vmul.f32 v61, v60;
	v15 =	vadd.f32 v25, v15  }
0x55b: {  	v30 =	vld [tilespmem:s13+$0x1BAE0]  }
0x55c: {  	v32 =	vld [tilespmem:s13+$0x17AF0];
	v31 =	vmul.f32 v24, v63;
	v15 =	vadd.f32 v28, v15  }
0x55d: {  	v33 =	vld [tilespmem:s13+$0x1BAF0]  }
0x55e: {  	v35 =	vld [tilespmem:s13+$0x17E80];
	v34 =	vmul.f32 v27, v26;
	v15 =	vadd.f32 v31, v15  }
0x55f: {  	v36 =	vld [tilespmem:s13+$0x1BE80]  }
0x560: {  	v37 =	vmul.f32 v30, v29;
	v39 =	vld [tilespmem:s13+$0x1BE90];
	v15 =	vadd.f32 v34, v15  }
0x561: {  	v38 =	vld [tilespmem:s13+$0x17E90]  }
0x562: {  	v40 =	vmul.f32 v33, v32;
	v42 =	vld [tilespmem:s13+$0x1BEA0];
	v15 =	vadd.f32 v37, v15  }
0x563: {  	v41 =	vld [tilespmem:s13+$0x17EA0]  }
0x564: {  	v43 =	vmul.f32 v36, v35;
	v45 =	vld [tilespmem:s13+$0x1BEB0];
	v15 =	vadd.f32 v40, v15  }
0x565: {  	v44 =	vld [tilespmem:s13+$0x17EB0]  }
0x566: {  	v48 =	vld [tilespmem:s13+$0x1BEC0];
	v46 =	vmul.f32 v39, v38;
	v15 =	vadd.f32 v43, v15  }
0x567: {  	v47 =	vld [tilespmem:s13+$0x17EC0]  }
0x568: {  	v51 =	vld [tilespmem:s13+$0x1BED0];
	v49 =	vmul.f32 v42, v41;
	v15 =	vadd.f32 v46, v15  }
0x569: {  	v50 =	vld [tilespmem:s13+$0x17ED0]  }
0x56a: {  	v54 =	vld [tilespmem:s13+$0x1BEE0];
	v52 =	vmul.f32 v45, v44;
	v15 =	vadd.f32 v49, v15  }
0x56b: {  	v53 =	vld [tilespmem:s13+$0x17EE0]  }
0x56c: {  	v57 =	vld [tilespmem:s13+$0x1BEF0];
	v55 =	vmul.f32 v48, v47;
	v15 =	vadd.f32 v52, v15  }
0x56d: {  	v56 =	vld [tilespmem:s13+$0x17EF0]  }
0x56e: {  	v60 =	vld [tilespmem:s13+$0x1C280];
	v58 =	vmul.f32 v51, v50;
	v15 =	vadd.f32 v55, v15  }
0x56f: {  	v59 =	vld [tilespmem:s13+$0x18280]  }
0x570: {  	v63 =	vld [tilespmem:s13+$0x1C290];
	v61 =	vmul.f32 v54, v53;
	v15 =	vadd.f32 v58, v15  }
0x571: {  	v62 =	vld [tilespmem:s13+$0x18290]  }
0x572: {  	v26 =	vld [tilespmem:s13+$0x1C2A0];
	v24 =	vmul.f32 v57, v56;
	v15 =	vadd.f32 v61, v15  }
0x573: {  	v25 =	vld [tilespmem:s13+$0x182A0]  }
0x574: {  	v29 =	vld [tilespmem:s13+$0x1C2B0];
	v27 =	vmul.f32 v60, v59;
	v15 =	vadd.f32 v24, v15  }
0x575: {  	v28 =	vld [tilespmem:s13+$0x182B0]  }
0x576: {  	v32 =	vld [tilespmem:s13+$0x1C2C0];
	v30 =	vmul.f32 v63, v62;
	v15 =	vadd.f32 v27, v15  }
0x577: {  	v31 =	vld [tilespmem:s13+$0x182C0]  }
0x578: {  	v35 =	vld [tilespmem:s13+$0x1C2D0];
	v33 =	vmul.f32 v26, v25;
	v15 =	vadd.f32 v30, v15  }
0x579: {  	v34 =	vld [tilespmem:s13+$0x182D0]  }
0x57a: {  	v38 =	vld [tilespmem:s13+$0x1C2E0];
	v36 =	vmul.f32 v29, v28;
	v15 =	vadd.f32 v33, v15  }
0x57b: {  	v37 =	vld [tilespmem:s13+$0x182E0]  }
0x57c: {  	v41 =	vld [tilespmem:s13+$0x1C2F0];
	v39 =	vmul.f32 v32, v31;
	v15 =	vadd.f32 v36, v15  }
0x57d: {  	v40 =	vld [tilespmem:s13+$0x182F0]  }
0x57e: {  	v44 =	vld [tilespmem:s13+$0x1C680];
	v42 =	vmul.f32 v35, v34;
	v15 =	vadd.f32 v39, v15  }
0x57f: {  	v43 =	vld [tilespmem:s13+$0x18680]  }
0x580: {  	v47 =	vld [tilespmem:s13+$0x1C690];
	v45 =	vmul.f32 v38, v37;
	v15 =	vadd.f32 v42, v15  }
0x581: {  	v46 =	vld [tilespmem:s13+$0x18690]  }
0x582: {  	v50 =	vld [tilespmem:s13+$0x1C6A0];
	v48 =	vmul.f32 v41, v40;
	v15 =	vadd.f32 v45, v15  }
0x583: {  	v49 =	vld [tilespmem:s13+$0x186A0]  }
0x584: {  	v53 =	vld [tilespmem:s13+$0x1C6B0];
	v51 =	vmul.f32 v44, v43;
	v15 =	vadd.f32 v48, v15  }
0x585: {  	v52 =	vld [tilespmem:s13+$0x186B0]  }
0x586: {  	v56 =	vld [tilespmem:s13+$0x1C6C0];
	v54 =	vmul.f32 v47, v46;
	v15 =	vadd.f32 v51, v15  }
0x587: {  	v55 =	vld [tilespmem:s13+$0x186C0]  }
0x588: {  	v59 =	vld [tilespmem:s13+$0x1C6D0];
	v57 =	vmul.f32 v50, v49;
	v15 =	vadd.f32 v54, v15  }
0x589: {  	v58 =	vld [tilespmem:s13+$0x186D0]  }
0x58a: {  	v62 =	vld [tilespmem:s13+$0x1C6E0];
	v60 =	vmul.f32 v53, v52;
	v15 =	vadd.f32 v57, v15  }
0x58b: {  	v61 =	vld [tilespmem:s13+$0x186E0]  }
0x58c: {  	v25 =	vld [tilespmem:s13+$0x1C6F0];
	v63 =	vmul.f32 v56, v55;
	v15 =	vadd.f32 v60, v15  }
0x58d: {  	v24 =	vld [tilespmem:s13+$0x186F0]  }
0x58e: {  	v28 =	vld [tilespmem:s13+$0x1CA80];
	v26 =	vmul.f32 v59, v58;
	v15 =	vadd.f32 v63, v15  }
0x58f: {  	v27 =	vld [tilespmem:s13+$0x18A80]  }
0x590: {  	v31 =	vld [tilespmem:s13+$0x1CA90];
	v29 =	vmul.f32 v62, v61;
	v15 =	vadd.f32 v26, v15  }
0x591: {  	v30 =	vld [tilespmem:s13+$0x18A90]  }
0x592: {  	v34 =	vld [tilespmem:s13+$0x1CAA0];
	v32 =	vmul.f32 v25, v24;
	v15 =	vadd.f32 v29, v15  }
0x593: {  	v33 =	vld [tilespmem:s13+$0x18AA0]  }
0x594: {  	v37 =	vld [tilespmem:s13+$0x1CAB0];
	v35 =	vmul.f32 v28, v27;
	v15 =	vadd.f32 v32, v15  }
0x595: {  	v36 =	vld [tilespmem:s13+$0x18AB0]  }
0x596: {  	v40 =	vld [tilespmem:s13+$0x1CAC0];
	v38 =	vmul.f32 v31, v30;
	v15 =	vadd.f32 v35, v15  }
0x597: {  	v39 =	vld [tilespmem:s13+$0x18AC0]  }
0x598: {  	v43 =	vld [tilespmem:s13+$0x1CAD0];
	v41 =	vmul.f32 v34, v33;
	v15 =	vadd.f32 v38, v15  }
0x599: {  	v42 =	vld [tilespmem:s13+$0x18AD0]  }
0x59a: {  	v46 =	vld [tilespmem:s13+$0x1CAE0];
	v44 =	vmul.f32 v37, v36;
	v15 =	vadd.f32 v41, v15  }
0x59b: {  	v45 =	vld [tilespmem:s13+$0x18AE0]  }
0x59c: {  	v49 =	vld [tilespmem:s13+$0x1CAF0];
	v47 =	vmul.f32 v40, v39;
	v15 =	vadd.f32 v44, v15  }
0x59d: {  	v48 =	vld [tilespmem:s13+$0x18AF0]  }
0x59e: {  	v52 =	vld [tilespmem:s13+$0x1CE80];
	v50 =	vmul.f32 v43, v42;
	v15 =	vadd.f32 v47, v15  }
0x59f: {  	v51 =	vld [tilespmem:s13+$0x18E80]  }
0x5a0: {  	v55 =	vld [tilespmem:s13+$0x1CE90];
	v53 =	vmul.f32 v46, v45;
	v15 =	vadd.f32 v50, v15  }
0x5a1: {  	v54 =	vld [tilespmem:s13+$0x18E90]  }
0x5a2: {  	v58 =	vld [tilespmem:s13+$0x1CEA0];
	v56 =	vmul.f32 v49, v48;
	v15 =	vadd.f32 v53, v15  }
0x5a3: {  	v57 =	vld [tilespmem:s13+$0x18EA0]  }
0x5a4: {  	v61 =	vld [tilespmem:s13+$0x1CEB0];
	v59 =	vmul.f32 v52, v51;
	v15 =	vadd.f32 v56, v15  }
0x5a5: {  	v60 =	vld [tilespmem:s13+$0x18EB0]  }
0x5a6: {  	v24 =	vld [tilespmem:s13+$0x1CEC0];
	v62 =	vmul.f32 v55, v54;
	v15 =	vadd.f32 v59, v15  }
0x5a7: {  	v63 =	vld [tilespmem:s13+$0x18EC0]  }
0x5a8: {  	v27 =	vld [tilespmem:s13+$0x1CED0];
	v25 =	vmul.f32 v58, v57;
	v15 =	vadd.f32 v62, v15  }
0x5a9: {  	s4 =	sadd.s32 $0x1, s4;
	v26 =	vld [tilespmem:s13+$0x18ED0]  }
0x5aa: {  	s4 =	sand.u32 $0x7, s4;
	v30 =	vld [tilespmem:s13+$0x1CEE0];
	v28 =	vmul.f32 v61, v60;
	v15 =	vadd.f32 v25, v15  }
0x5ab: {  	s4 =	sshll.u32 s4, $0x7;
	v29 =	vld [tilespmem:s13+$0x18EE0]  }
0x5ac: {  	s4 =	sadd.s32 s4, s30;
	v33 =	vld [tilespmem:s13+$0x1CEF0];
	v31 =	vmul.f32 v24, v63;
	v15 =	vadd.f32 v28, v15  }
0x5ad: {  	s17 =	sor.u32 $0x1C00, s4;
	v32 =	vld [tilespmem:s13+$0x18EF0]  }
0x5ae: {  	v36 =	vld [tilespmem:s17+$0x1B680];
	v34 =	vmul.f32 v27, v26;
	v15 =	vadd.f32 v31, v15  }
0x5af: {  	s30 =	sor.u32 $0x1C10, s4;
	v35 =	vld [tilespmem:s17+$0x17680]  }
0x5b0: {  	v39 =	vld [tilespmem:s30+$0x1B680];
	v37 =	vmul.f32 v30, v29;
	v15 =	vadd.f32 v34, v15  }
0x5b1: {  	s14 =	sor.u32 $0x1C20, s4;
	v38 =	vld [tilespmem:s30+$0x17680]  }
0x5b2: {  	v42 =	vld [tilespmem:s14+$0x1B680];
	v40 =	vmul.f32 v33, v32;
	v15 =	vadd.f32 v37, v15  }
0x5b3: {  	s15 =	sor.u32 $0x1C30, s4;
	v41 =	vld [tilespmem:s14+$0x17680]  }
0x5b4: {  	v45 =	vld [tilespmem:s15+$0x1B680];
	v43 =	vmul.f32 v36, v35;
	v15 =	vadd.f32 v40, v15  }
0x5b5: {  	s16 =	sor.u32 $0x1C40, s4;
	v44 =	vld [tilespmem:s15+$0x17680]  }
0x5b6: {  	v48 =	vld [tilespmem:s16+$0x1B680];
	v46 =	vmul.f32 v39, v38;
	v15 =	vadd.f32 v43, v15  }
0x5b7: {  	s17 =	sor.u32 $0x1C50, s4;
	v47 =	vld [tilespmem:s16+$0x17680]  }
0x5b8: {  	v51 =	vld [tilespmem:s17+$0x1B680];
	v49 =	vmul.f32 v42, v41;
	v15 =	vadd.f32 v46, v15  }
0x5b9: {  	s30 =	sor.u32 $0x1C60, s4;
	v50 =	vld [tilespmem:s17+$0x17680]  }
0x5ba: {  	v54 =	vld [tilespmem:s30+$0x1B680];
	v52 =	vmul.f32 v45, v44;
	v15 =	vadd.f32 v49, v15  }
0x5bb: {  	s4 =	sor.u32 $0x1C70, s4;
	v53 =	vld [tilespmem:s30+$0x17680]  }
0x5bc: {  	v57 =	vld [tilespmem:s4+$0x1B680];
	v55 =	vmul.f32 v48, v47;
	v15 =	vadd.f32 v52, v15  }
0x5bd: {  	v56 =	vld [tilespmem:s4+$0x17680]  }
0x5be: {  	v58 =	vmul.f32 v51, v50;
	v15 =	vadd.f32 v55, v15  }
0x5bf: {  	v13 =	vadd.f32 v14, v13;
	v9 =	vmul.f32 v10, v9  }
0x5c0: {  	v60 =	vmul.f32 v54, v53;
	v59 =	vadd.f32 v58, v15  }
0x5c1: {  	v9 =	vadd.f32 v9, v13;
	v11 =	vmul.f32 v12, v11  }
0x5c2: {  	v61 =	vmul.f32 v57, v56;
	v10 =	vadd.f32 v60, v59  }
0x5c3: {  	v9 =	vadd.f32 v11, v9  }
0x5c4: {  	v10 =	vadd.f32 v61, v10  }
0x5c5: {  	v11 =	vperm.xlane v9, v1  }
0x5c6: {  	v12 =	vperm.xlane v10, v1  }
0x5c7: {  	v9 =	vadd.f32 v9, v11  }
0x5c8: {  	v10 =	vadd.f32 v10, v12  }
0x5c9: {  	v11 =	vperm.xlane v9, v2  }
0x5ca: {  	v12 =	vperm.xlane v10, v2  }
0x5cb: {  	v9 =	vadd.f32 v9, v11  }
0x5cc: {  	v10 =	vadd.f32 v10, v12  }
0x5cd: {  	v11 =	vperm.xlane v9, v5  }
0x5ce: {  	v12 =	vperm.xlane v10, v5  }
0x5cf: {  	v9 =	vadd.f32 v9, v11  }
0x5d0: {  	v10 =	vadd.f32 v10, v12  }
0x5d1: {  	v11 =	vperm.xlane v9, v7  }
0x5d2: {  	v12 =	vperm.xlane v10, v7  }
0x5d3: {  	v9 =	vadd.f32 v9, v11;
	v62 =	vmov s0  }
0x5d4: {  	v63 =	vmov s12;
	vm1 =	veq.s32 v62, v0;
	v10 =	vadd.f32 v10, v12  }
.Ltmp3:
0x5d5: {  	v8 =	vsel vm1, v9, v8;
	vm1 =	veq.s32 v63, v0;
	(pc) =	sbr.rel @p0 .LBB2_10-.Ltmp3, $4  }
0x5d6: {  	v8 =	vsel vm1, v10, v8  }
0x5d7: {  	v8 =	vmax.f32 v8, $0.0e+00  }
0x5d8: {  	v8 =	vmin.f32 v8, $1.000000000e+00  }
0x5d9: {  	[tilespmem:s1+$0x4F20] =	vst v8  }
0x5da: {  	v8 =	vld [tilespmem:s31+$0x50];
	_ =	sdelay $0x4  }
0x5db: {  	v9 =	vshll.u32 v8, $0x3  }
0x5dc: {  	v8 =	vand.u32 $0x7, v8;
	v9 =	vand.u32 $0xFFFFFFC0, v9  }
0x5dd: {  	v8 =	vor.u32 v8, v9  }
0x5de: {  	v9 =	vperm.xlane v8, v3;
	_ =	sdelay $0x1  }
0x5df: {  	v9 =	vadd.s32 v4, v9;
	_ =	sdelay $0x3  }
0x5e0: {  	s0 =	simm.s32 $0x17680  }
0x5e1: {  	[tilespmem:s0], [sflag:$0x3] =	stream.indirect_vreg.gather [hbm4b:s3+s2], $0x80, v9, vm0, $0xb8;
	[tilespmem:$0x1F680] =	vst v63  }
0x5e2: {  	s14 =	simm.s32 $0x17E80;
	v8 =	vperm.xlane v8, v6  }
0x5e3: {  	[tilespmem:s14], [sflag:$0x3] =	stream.indirect_vreg.gather [hbm4b:s6+s2], $0x80, v9, vm0, $0xb8;
	[tilespmem:$0x1F680] =	vst v63  }
0x5e4: {  	s15 =	simm.s32 $0x18680;
	v8 =	vadd.s32 v4, v8  }
0x5e5: {  	[tilespmem:s15], [sflag:$0x3] =	stream.indirect_vreg.gather [hbm4b:s7+s2], $0x80, v9, vm0, $0xb8;
	[tilespmem:$0x1F680] =	vst v63  }
0x5e6: {  	s16 =	simm.s32 $0x18E80  }
0x5e7: {  	[tilespmem:s16], [sflag:$0x3] =	stream.indirect_vreg.gather [hbm4b:s8+s2], $0x80, v9, vm0, $0xb8;
	[tilespmem:$0x1F680] =	vst v63  }
0x5e8: {  	s17 =	simm.s32 $0x19680  }
0x5e9: {  	[tilespmem:s17], [sflag:$0x3] =	stream.indirect_vreg.gather [hbm4b:s3+s2], $0x80, v8, vm0, $0xb8;
	[tilespmem:$0x1F680] =	vst v63  }
0x5ea: {  	s30 =	simm.s32 $0x19E80  }
0x5eb: {  	[tilespmem:s30], [sflag:$0x3] =	stream.indirect_vreg.gather [hbm4b:s6+s2], $0x80, v8, vm0, $0xb8;
	[tilespmem:$0x1F680] =	vst v63  }
0x5ec: {  	s1 =	simm.s32 $0x1A680  }
0x5ed: {  	[tilespmem:s1], [sflag:$0x3] =	stream.indirect_vreg.gather [hbm4b:s7+s2], $0x80, v8, vm0, $0xb8;
	[tilespmem:$0x1F680] =	vst v63  }
0x5ee: {  	s4 =	simm.s32 $0x1AE80  }
0x5ef: {  	[tilespmem:s4], [sflag:$0x3] =	stream.indirect_vreg.gather [hbm4b:s8+s2], $0x80, v8, vm0, $0xb8;
	[tilespmem:$0x1F680] =	vst v63  }
0x5f0: {  	v8 =	vld [tilespmem:s31+$0x27D0];
	_ =	sdelay $0x4  }
0x5f1: {  	v63 =	vshll.u32 v8, $0x3  }
0x5f2: {  	v8 =	vand.u32 $0x7, v8;
	v9 =	vand.u32 $0xFFFFFFC0, v63  }
0x5f3: {  	v8 =	vor.u32 v8, v9  }
0x5f4: {  	v9 =	vperm.xlane v8, v3;
	_ =	sdelay $0x1  }
0x5f5: {  	v9 =	vadd.s32 v4, v9;
	_ =	sdelay $0x3  }
0x5f6: {  	s12 =	simm.s32 $0x1B680  }
0x5f7: {  	[tilespmem:s12], [sflag:$0x3] =	stream.indirect_vreg.gather [hbm4b:s3+s2], $0x80, v9, vm0, $0xb8;
	[tilespmem:$0x1F680] =	vst v63  }
0x5f8: {  	s13 =	simm.s32 $0x1BE80;
	v8 =	vperm.xlane v8, v6  }
0x5f9: {  	[tilespmem:s13], [sflag:$0x3] =	stream.indirect_vreg.gather [hbm4b:s6+s2], $0x80, v9, vm0, $0xb8;
	[tilespmem:$0x1F680] =	vst v63  }
0x5fa: {  	s14 =	simm.s32 $0x1C680;
	v8 =	vadd.s32 v4, v8  }
0x5fb: {  	[tilespmem:s14], [sflag:$0x3] =	stream.indirect_vreg.gather [hbm4b:s7+s2], $0x80, v9, vm0, $0xb8;
	[tilespmem:$0x1F680] =	vst v63  }
0x5fc: {  	s15 =	simm.s32 $0x1CE80  }
0x5fd: {  	[tilespmem:s15], [sflag:$0x3] =	stream.indirect_vreg.gather [hbm4b:s8+s2], $0x80, v9, vm0, $0xb8;
	[tilespmem:$0x1F680] =	vst v63  }
0x5fe: {  	s16 =	simm.s32 $0x1D680  }
0x5ff: {  	[tilespmem:s16], [sflag:$0x3] =	stream.indirect_vreg.gather [hbm4b:s3+s2], $0x80, v8, vm0, $0xb8;
	[tilespmem:$0x1F680] =	vst v63  }
0x600: {  	s17 =	simm.s32 $0x1DE80  }
0x601: {  	[tilespmem:s17], [sflag:$0x3] =	stream.indirect_vreg.gather [hbm4b:s6+s2], $0x80, v8, vm0, $0xb8;
	[tilespmem:$0x1F680] =	vst v63  }
.Ltmp4:
0x602: {  	_ = 	snop;
	(pc) =	sbr.rel .LBB2_2-.Ltmp4, $4  }
0x603: {  	s30 =	simm.s32 $0x1E680  }
0x604: {  	[tilespmem:s30], [sflag:$0x3] =	stream.indirect_vreg.gather [hbm4b:s7+s2], $0x80, v8, vm0, $0xb8;
	[tilespmem:$0x1F680] =	vst v63  }
0x605: {  	s11 =	sadd.s32 $0x1, s11;
	s31 =	simm.s32 $0x1EE80  }
0x606: {  	[tilespmem:s31], [sflag:$0x3] =	stream.indirect_vreg.gather [hbm4b:s8+s2], $0x80, v8, vm0, $0xb8;
	[tilespmem:$0x1F680] =	vst v63  }
.LBB2_10:
0x607: {  	_ =	swait.ge [sflag:s5], $0x4000  }
0x608: {  	[sflag:s5] =	ssyncset.done $0x0  }
0x609: {  	[sflag:s5] =	ssyncadd.s32 $0xFFFFC000  }
0x60a: {  	s0 =	simm.s32 $0x0;
	_ =	swait.ge [sflag:s5], $0x4000  }
0x60b: {  	s1 =	sand.u32 $0x2000, s0;
	s4 =	sand.u32 $0x380, s0;
	[sflag:s5] =	ssyncset.done $0x0  }
0x60c: {  	s1 =	sor.u32 s4, s1;
	[sflag:s5] =	ssyncadd.s32 $0xFFFFC000  }
0x60d: {  	v8 =	vld [tilespmem:s1+$0x7680]  }
0x60e: {  	v9 =	vld [tilespmem:s1+$0xB680]  }
0x60f: {  	v10 =	vld [tilespmem:s1+$0x7690]  }
0x610: {  	v11 =	vld [tilespmem:s1+$0xB690]  }
0x611: {  	v12 =	vld [tilespmem:s1+$0x76A0]  }
0x612: {  	v13 =	vld [tilespmem:s1+$0xB6A0]  }
0x613: {  	v14 =	vld [tilespmem:s1+$0x76B0]  }
0x614: {  	v15 =	vld [tilespmem:s1+$0xB6B0]  }
0x615: {  	v16 =	vld [tilespmem:s1+$0x76C0];
	v8 =	vmul.f32 v9, v8;
	v9 =	vmul.f32 v11, v10  }
0x616: {  	v10 =	vld [tilespmem:s1+$0xB6C0]  }
0x617: {  	v11 =	vld [tilespmem:s1+$0x76D0];
	v8 =	vadd.f32 v9, v8;
	v9 =	vmul.f32 v13, v12  }
0x618: {  	v12 =	vld [tilespmem:s1+$0xB6D0]  }
0x619: {  	v13 =	vld [tilespmem:s1+$0x76E0];
	v8 =	vadd.f32 v9, v8;
	v9 =	vmul.f32 v15, v14  }
0x61a: {  	v14 =	vld [tilespmem:s1+$0xB6E0]  }
0x61b: {  	v15 =	vld [tilespmem:s1+$0x76F0];
	v8 =	vadd.f32 v9, v8;
	v9 =	vmul.f32 v10, v16  }
0x61c: {  	v10 =	vld [tilespmem:s1+$0xB6F0]  }
0x61d: {  	v16 =	vld [tilespmem:s1+$0x7A80];
	v8 =	vadd.f32 v9, v8;
	v9 =	vmul.f32 v12, v11  }
0x61e: {  	v11 =	vld [tilespmem:s1+$0xBA80]  }
0x61f: {  	v12 =	vld [tilespmem:s1+$0x7A90];
	v8 =	vadd.f32 v9, v8;
	v9 =	vmul.f32 v14, v13  }
0x620: {  	v13 =	vld [tilespmem:s1+$0xBA90]  }
0x621: {  	v14 =	vld [tilespmem:s1+$0x7AA0];
	v8 =	vadd.f32 v9, v8;
	v9 =	vmul.f32 v10, v15  }
0x622: {  	v10 =	vld [tilespmem:s1+$0xBAA0]  }
0x623: {  	v15 =	vld [tilespmem:s1+$0x7AB0];
	v8 =	vadd.f32 v9, v8;
	v9 =	vmul.f32 v11, v16  }
0x624: {  	v11 =	vld [tilespmem:s1+$0xBAB0]  }
0x625: {  	v16 =	vld [tilespmem:s1+$0x7AC0];
	v8 =	vadd.f32 v9, v8;
	v9 =	vmul.f32 v13, v12  }
0x626: {  	v12 =	vld [tilespmem:s1+$0xBAC0]  }
0x627: {  	v13 =	vld [tilespmem:s1+$0x7AD0];
	v8 =	vadd.f32 v9, v8;
	v9 =	vmul.f32 v10, v14  }
0x628: {  	v10 =	vld [tilespmem:s1+$0xBAD0]  }
0x629: {  	v14 =	vld [tilespmem:s1+$0x7AE0];
	v8 =	vadd.f32 v9, v8;
	v9 =	vmul.f32 v11, v15  }
0x62a: {  	v11 =	vld [tilespmem:s1+$0xBAE0]  }
0x62b: {  	v15 =	vld [tilespmem:s1+$0x7AF0];
	v8 =	vadd.f32 v9, v8;
	v9 =	vmul.f32 v12, v16  }
0x62c: {  	v12 =	vld [tilespmem:s1+$0xBAF0]  }
0x62d: {  	v16 =	vld [tilespmem:s1+$0x7E80];
	v8 =	vadd.f32 v9, v8;
	v9 =	vmul.f32 v10, v13  }
0x62e: {  	v10 =	vld [tilespmem:s1+$0xBE80]  }
0x62f: {  	v13 =	vld [tilespmem:s1+$0x7E90];
	v8 =	vadd.f32 v9, v8;
	v9 =	vmul.f32 v11, v14  }
0x630: {  	v11 =	vld [tilespmem:s1+$0xBE90]  }
0x631: {  	v14 =	vld [tilespmem:s1+$0x7EA0];
	v8 =	vadd.f32 v9, v8;
	v9 =	vmul.f32 v12, v15  }
0x632: {  	v12 =	vld [tilespmem:s1+$0xBEA0]  }
0x633: {  	v15 =	vld [tilespmem:s1+$0x7EB0];
	v8 =	vadd.f32 v9, v8;
	v9 =	vmul.f32 v10, v16  }
0x634: {  	v10 =	vld [tilespmem:s1+$0xBEB0]  }
0x635: {  	v16 =	vld [tilespmem:s1+$0x7EC0];
	v8 =	vadd.f32 v9, v8;
	v9 =	vmul.f32 v11, v13  }
0x636: {  	v11 =	vld [tilespmem:s1+$0xBEC0]  }
0x637: {  	v13 =	vld [tilespmem:s1+$0x7ED0];
	v8 =	vadd.f32 v9, v8;
	v9 =	vmul.f32 v12, v14  }
0x638: {  	v12 =	vld [tilespmem:s1+$0xBED0]  }
0x639: {  	v14 =	vld [tilespmem:s1+$0x7EE0];
	v8 =	vadd.f32 v9, v8;
	v9 =	vmul.f32 v10, v15  }
0x63a: {  	v10 =	vld [tilespmem:s1+$0xBEE0]  }
0x63b: {  	v15 =	vld [tilespmem:s1+$0x7EF0];
	v8 =	vadd.f32 v9, v8;
	v9 =	vmul.f32 v11, v16  }
0x63c: {  	v11 =	vld [tilespmem:s1+$0xBEF0]  }
0x63d: {  	v16 =	vld [tilespmem:s1+$0x8280];
	v8 =	vadd.f32 v9, v8;
	v9 =	vmul.f32 v12, v13  }
0x63e: {  	v12 =	vld [tilespmem:s1+$0xC280]  }
0x63f: {  	v13 =	vld [tilespmem:s1+$0x8290];
	v8 =	vadd.f32 v9, v8;
	v9 =	vmul.f32 v10, v14  }
0x640: {  	v10 =	vld [tilespmem:s1+$0xC290]  }
0x641: {  	v14 =	vld [tilespmem:s1+$0x82A0];
	v8 =	vadd.f32 v9, v8;
	v9 =	vmul.f32 v11, v15  }
0x642: {  	v11 =	vld [tilespmem:s1+$0xC2A0]  }
0x643: {  	v15 =	vld [tilespmem:s1+$0x82B0];
	v8 =	vadd.f32 v9, v8;
	v9 =	vmul.f32 v12, v16  }
0x644: {  	v12 =	vld [tilespmem:s1+$0xC2B0]  }
0x645: {  	v16 =	vld [tilespmem:s1+$0x82C0];
	v8 =	vadd.f32 v9, v8;
	v9 =	vmul.f32 v10, v13  }
0x646: {  	v10 =	vld [tilespmem:s1+$0xC2C0]  }
0x647: {  	v13 =	vld [tilespmem:s1+$0x82D0];
	v8 =	vadd.f32 v9, v8;
	v9 =	vmul.f32 v11, v14  }
0x648: {  	v11 =	vld [tilespmem:s1+$0xC2D0]  }
0x649: {  	v14 =	vld [tilespmem:s1+$0x82E0];
	v8 =	vadd.f32 v9, v8;
	v9 =	vmul.f32 v12, v15  }
0x64a: {  	v12 =	vld [tilespmem:s1+$0xC2E0]  }
0x64b: {  	v15 =	vld [tilespmem:s1+$0x82F0];
	v8 =	vadd.f32 v9, v8;
	v9 =	vmul.f32 v10, v16  }
0x64c: {  	v10 =	vld [tilespmem:s1+$0xC2F0]  }
0x64d: {  	v16 =	vld [tilespmem:s1+$0x8680];
	v8 =	vadd.f32 v9, v8;
	v9 =	vmul.f32 v11, v13  }
0x64e: {  	v11 =	vld [tilespmem:s1+$0xC680]  }
0x64f: {  	v13 =	vld [tilespmem:s1+$0x8690];
	v8 =	vadd.f32 v9, v8;
	v9 =	vmul.f32 v12, v14  }
0x650: {  	v12 =	vld [tilespmem:s1+$0xC690]  }
0x651: {  	v14 =	vld [tilespmem:s1+$0x86A0];
	v8 =	vadd.f32 v9, v8;
	v9 =	vmul.f32 v10, v15  }
0x652: {  	v10 =	vld [tilespmem:s1+$0xC6A0]  }
0x653: {  	v15 =	vld [tilespmem:s1+$0x86B0];
	v8 =	vadd.f32 v9, v8;
	v9 =	vmul.f32 v11, v16  }
0x654: {  	v11 =	vld [tilespmem:s1+$0xC6B0]  }
0x655: {  	v16 =	vld [tilespmem:s1+$0x86C0];
	v8 =	vadd.f32 v9, v8;
	v9 =	vmul.f32 v12, v13  }
0x656: {  	v12 =	vld [tilespmem:s1+$0xC6C0]  }
0x657: {  	v13 =	vld [tilespmem:s1+$0x86D0];
	v8 =	vadd.f32 v9, v8;
	v9 =	vmul.f32 v10, v14  }
0x658: {  	v10 =	vld [tilespmem:s1+$0xC6D0]  }
0x659: {  	v14 =	vld [tilespmem:s1+$0x86E0];
	v8 =	vadd.f32 v9, v8;
	v9 =	vmul.f32 v11, v15  }
0x65a: {  	v11 =	vld [tilespmem:s1+$0xC6E0]  }
0x65b: {  	v15 =	vld [tilespmem:s1+$0x86F0];
	v8 =	vadd.f32 v9, v8;
	v9 =	vmul.f32 v12, v16  }
0x65c: {  	v12 =	vld [tilespmem:s1+$0xC6F0]  }
0x65d: {  	v16 =	vld [tilespmem:s1+$0x8A80];
	v8 =	vadd.f32 v9, v8;
	v9 =	vmul.f32 v10, v13  }
0x65e: {  	v10 =	vld [tilespmem:s1+$0xCA80]  }
0x65f: {  	v13 =	vld [tilespmem:s1+$0x8A90];
	v8 =	vadd.f32 v9, v8;
	v9 =	vmul.f32 v11, v14  }
0x660: {  	v11 =	vld [tilespmem:s1+$0xCA90]  }
0x661: {  	v14 =	vld [tilespmem:s1+$0x8AA0];
	v8 =	vadd.f32 v9, v8;
	v9 =	vmul.f32 v12, v15  }
0x662: {  	v12 =	vld [tilespmem:s1+$0xCAA0]  }
0x663: {  	v15 =	vld [tilespmem:s1+$0x8AB0];
	v8 =	vadd.f32 v9, v8;
	v9 =	vmul.f32 v10, v16  }
0x664: {  	v10 =	vld [tilespmem:s1+$0xCAB0]  }
0x665: {  	v16 =	vld [tilespmem:s1+$0x8AC0];
	v8 =	vadd.f32 v9, v8;
	v9 =	vmul.f32 v11, v13  }
0x666: {  	v11 =	vld [tilespmem:s1+$0xCAC0]  }
0x667: {  	v13 =	vld [tilespmem:s1+$0x8AD0];
	v8 =	vadd.f32 v9, v8;
	v9 =	vmul.f32 v12, v14  }
0x668: {  	v12 =	vld [tilespmem:s1+$0xCAD0]  }
0x669: {  	v14 =	vld [tilespmem:s1+$0x8AE0];
	v8 =	vadd.f32 v9, v8;
	v9 =	vmul.f32 v10, v15  }
0x66a: {  	v10 =	vld [tilespmem:s1+$0xCAE0]  }
0x66b: {  	v15 =	vld [tilespmem:s1+$0x8AF0];
	v8 =	vadd.f32 v9, v8;
	v9 =	vmul.f32 v11, v16  }
0x66c: {  	v11 =	vld [tilespmem:s1+$0xCAF0]  }
0x66d: {  	v16 =	vld [tilespmem:s1+$0x8E80];
	v8 =	vadd.f32 v9, v8;
	v9 =	vmul.f32 v12, v13  }
0x66e: {  	v12 =	vld [tilespmem:s1+$0xCE80]  }
0x66f: {  	v13 =	vld [tilespmem:s1+$0x8E90];
	v8 =	vadd.f32 v9, v8;
	v9 =	vmul.f32 v10, v14  }
0x670: {  	v10 =	vld [tilespmem:s1+$0xCE90]  }
0x671: {  	v14 =	vld [tilespmem:s1+$0x8EA0];
	v8 =	vadd.f32 v9, v8;
	v9 =	vmul.f32 v11, v15  }
0x672: {  	v11 =	vld [tilespmem:s1+$0xCEA0]  }
0x673: {  	v15 =	vld [tilespmem:s1+$0x8EB0];
	v8 =	vadd.f32 v9, v8;
	v9 =	vmul.f32 v12, v16  }
0x674: {  	v12 =	vld [tilespmem:s1+$0xCEB0]  }
0x675: {  	v16 =	vld [tilespmem:s1+$0x8EC0];
	v8 =	vadd.f32 v9, v8;
	v9 =	vmul.f32 v10, v13  }
0x676: {  	v10 =	vld [tilespmem:s1+$0xCEC0]  }
0x677: {  	v13 =	vld [tilespmem:s1+$0x8ED0];
	v8 =	vadd.f32 v9, v8;
	v9 =	vmul.f32 v11, v14  }
0x678: {  	v11 =	vld [tilespmem:s1+$0xCED0]  }
0x679: {  	s31 =	sand.u32 $0x7, s0;
	v14 =	vld [tilespmem:s1+$0x8EE0];
	v8 =	vadd.f32 v9, v8;
	v9 =	vmul.f32 v12, v15  }
0x67a: {  	s4 =	sshll.u32 s31, $0x7;
	v12 =	vld [tilespmem:s1+$0xCEE0]  }
0x67b: {  	s4 =	sadd.s32 $0x0, s4;
	v15 =	vld [tilespmem:s1+$0x8EF0];
	v8 =	vadd.f32 v9, v8;
	v9 =	vmul.f32 v10, v16  }
0x67c: {  	s11 =	sor.u32 $0x1C00, s4;
	v10 =	vld [tilespmem:s1+$0xCEF0]  }
0x67d: {  	v16 =	vld [tilespmem:s11+$0x7680];
	v8 =	vadd.f32 v9, v8;
	v9 =	vmul.f32 v11, v13  }
0x67e: {  	s12 =	sor.u32 $0x1C10, s4;
	v11 =	vld [tilespmem:s11+$0xB680]  }
0x67f: {  	v13 =	vld [tilespmem:s12+$0x7680];
	v8 =	vadd.f32 v9, v8;
	v9 =	vmul.f32 v12, v14  }
0x680: {  	s13 =	sor.u32 $0x1C20, s4;
	v12 =	vld [tilespmem:s12+$0xB680]  }
0x681: {  	v14 =	vld [tilespmem:s13+$0x7680];
	v8 =	vadd.f32 v9, v8;
	v9 =	vmul.f32 v10, v15  }
0x682: {  	s14 =	sor.u32 $0x1C30, s4;
	v10 =	vld [tilespmem:s13+$0xB680]  }
0x683: {  	v15 =	vld [tilespmem:s14+$0x7680];
	v8 =	vadd.f32 v9, v8;
	v9 =	vmul.f32 v11, v16  }
0x684: {  	s15 =	sor.u32 $0x1C40, s4;
	v11 =	vld [tilespmem:s14+$0xB680]  }
0x685: {  	v16 =	vld [tilespmem:s15+$0x7680];
	v8 =	vadd.f32 v9, v8;
	v9 =	vmul.f32 v12, v13  }
0x686: {  	s16 =	sor.u32 $0x1C50, s4;
	v12 =	vld [tilespmem:s15+$0xB680]  }
0x687: {  	v17 =	vld [tilespmem:s16+$0x7680];
	v10 =	vmul.f32 v10, v14;
	v8 =	vadd.f32 v9, v8  }
0x688: {  	s17 =	sor.u32 $0x1C60, s4;
	v14 =	vld [tilespmem:s16+$0xB680]  }
0x689: {  	v9 =	vld [tilespmem:s17+$0x7680];
	v13 =	vmul.f32 v11, v15;
	v8 =	vadd.f32 v10, v8  }
0x68a: {  	s30 =	sor.u32 $0x1C70, s4;
	s11 =	simm.s32 $0x400;
	s13 =	simm.s32 $0x80;
	v10 =	vld [tilespmem:s17+$0xB680]  }
0x68b: {  	s31 =	sand.u32 $0x2000, s11;
	s12 =	sand.u32 $0x380, s13;
	v11 =	vld [tilespmem:s30+$0x7680];
	v16 =	vmul.f32 v12, v16;
	v13 =	vadd.f32 v13, v8  }
0x68c: {  	s12 =	sor.u32 s12, s31;
	v12 =	vld [tilespmem:s30+$0xB680]  }
0x68d: {  	v15 =	vld [tilespmem:s12+$0x7680];
	v14 =	vmul.f32 v14, v17;
	v13 =	vadd.f32 v16, v13  }
0x68e: {  	s4 =	simm.s32 $0x0;
	s1 =	simm.s32 $0x1;
	s14 =	simm.s32 $0x2;
	v8 =	vimm.f32 $0.0e+00;
	v16 =	vld [tilespmem:s12+$0xB680]  }
.LBB2_11:
0x68f: {  	p0 =	sne.s32 s14, $0xF;
	v17 =	vld [tilespmem:s12+$0x7690];
	v13 =	vadd.f32 v14, v13;
	v9 =	vmul.f32 v10, v9  }
0x690: {  	v10 =	vld [tilespmem:s12+$0xB690]  }
0x691: {  	v14 =	vld [tilespmem:s12+$0x76A0];
	v9 =	vadd.f32 v9, v13;
	v11 =	vmul.f32 v12, v11  }
0x692: {  	v12 =	vld [tilespmem:s12+$0xB6A0]  }
0x693: {  	v13 =	vld [tilespmem:s12+$0x76B0];
	v9 =	vadd.f32 v11, v9  }
0x694: {  	v11 =	vmul.f32 v16, v15;
	v15 =	vld [tilespmem:s12+$0xB6B0]  }
0x695: {  	v10 =	vmul.f32 v10, v17;
	v16 =	vld [tilespmem:s12+$0x76C0];
	v17 =	vperm.xlane v9, v1  }
0x696: {  	v18 =	vld [tilespmem:s12+$0xB6C0]  }
0x697: {  	v10 =	vadd.f32 v10, v11;
	v11 =	vmul.f32 v12, v14;
	v12 =	vld [tilespmem:s12+$0x76D0];
	v9 =	vadd.f32 v9, v17  }
0x698: {  	v14 =	vld [tilespmem:s12+$0xB6D0]  }
0x699: {  	v10 =	vadd.f32 v11, v10;
	v11 =	vmul.f32 v15, v13;
	v13 =	vld [tilespmem:s12+$0x76E0];
	v15 =	vperm.xlane v9, v2  }
0x69a: {  	v17 =	vld [tilespmem:s12+$0xB6E0]  }
0x69b: {  	v10 =	vadd.f32 v11, v10;
	v11 =	vmul.f32 v18, v16;
	v16 =	vld [tilespmem:s12+$0x76F0];
	v9 =	vadd.f32 v9, v15  }
0x69c: {  	v15 =	vld [tilespmem:s12+$0xB6F0]  }
0x69d: {  	v10 =	vadd.f32 v11, v10;
	v11 =	vmul.f32 v14, v12;
	v12 =	vld [tilespmem:s12+$0x7A80];
	v14 =	vperm.xlane v9, v5  }
0x69e: {  	v18 =	vld [tilespmem:s12+$0xBA80]  }
0x69f: {  	v10 =	vadd.f32 v11, v10;
	v11 =	vmul.f32 v17, v13;
	v13 =	vld [tilespmem:s12+$0x7A90];
	v9 =	vadd.f32 v9, v14  }
0x6a0: {  	v14 =	vld [tilespmem:s12+$0xBA90]  }
0x6a1: {  	v10 =	vadd.f32 v11, v10;
	v11 =	vmul.f32 v15, v16;
	v15 =	vld [tilespmem:s12+$0x7AA0];
	v16 =	vperm.xlane v9, v7  }
0x6a2: {  	v19 =	vmov s0;
	s0 =	smov.u32 s1;
	s1 =	smov.u32 s14;
	v17 =	vld [tilespmem:s12+$0xBAA0]  }
0x6a3: {  	v10 =	vadd.f32 v11, v10;
	v11 =	vmul.f32 v18, v12;
	v12 =	vld [tilespmem:s12+$0x7AB0];
	v9 =	vadd.f32 v9, v16  }
0x6a4: {  	vm1 =	veq.s32 v19, v0;
	v16 =	vld [tilespmem:s12+$0xBAB0]  }
0x6a5: {  	v10 =	vadd.f32 v11, v10;
	v11 =	vmul.f32 v14, v13;
	v13 =	vld [tilespmem:s12+$0x7AC0];
	v8 =	vsel vm1, v9, v8  }
0x6a6: {  	v9 =	vld [tilespmem:s12+$0xBAC0]  }
0x6a7: {  	v10 =	vadd.f32 v11, v10;
	v11 =	vmul.f32 v17, v15;
	v14 =	vld [tilespmem:s12+$0x7AD0]  }
0x6a8: {  	v15 =	vld [tilespmem:s12+$0xBAD0]  }
0x6a9: {  	v10 =	vadd.f32 v11, v10;
	v11 =	vmul.f32 v16, v12;
	v12 =	vld [tilespmem:s12+$0x7AE0]  }
0x6aa: {  	v16 =	vld [tilespmem:s12+$0xBAE0]  }
0x6ab: {  	v10 =	vadd.f32 v11, v10;
	v9 =	vmul.f32 v9, v13;
	v11 =	vld [tilespmem:s12+$0x7AF0]  }
0x6ac: {  	v13 =	vld [tilespmem:s12+$0xBAF0]  }
0x6ad: {  	v9 =	vadd.f32 v9, v10;
	v10 =	vmul.f32 v15, v14;
	v14 =	vld [tilespmem:s12+$0x7E80]  }
0x6ae: {  	v15 =	vld [tilespmem:s12+$0xBE80]  }
0x6af: {  	v9 =	vadd.f32 v10, v9;
	v10 =	vmul.f32 v16, v12;
	v12 =	vld [tilespmem:s12+$0x7E90]  }
0x6b0: {  	v16 =	vld [tilespmem:s12+$0xBE90]  }
0x6b1: {  	v9 =	vadd.f32 v10, v9;
	v10 =	vmul.f32 v13, v11;
	v11 =	vld [tilespmem:s12+$0x7EA0]  }
0x6b2: {  	v13 =	vld [tilespmem:s12+$0xBEA0]  }
0x6b3: {  	v9 =	vadd.f32 v10, v9;
	v10 =	vmul.f32 v15, v14;
	v14 =	vld [tilespmem:s12+$0x7EB0]  }
0x6b4: {  	v15 =	vld [tilespmem:s12+$0xBEB0]  }
0x6b5: {  	v9 =	vadd.f32 v10, v9;
	v10 =	vmul.f32 v16, v12;
	v12 =	vld [tilespmem:s12+$0x7EC0]  }
0x6b6: {  	v16 =	vld [tilespmem:s12+$0xBEC0]  }
0x6b7: {  	v9 =	vadd.f32 v10, v9;
	v10 =	vmul.f32 v13, v11;
	v11 =	vld [tilespmem:s12+$0x7ED0]  }
0x6b8: {  	v13 =	vld [tilespmem:s12+$0xBED0]  }
0x6b9: {  	v9 =	vadd.f32 v10, v9;
	v10 =	vmul.f32 v15, v14;
	v14 =	vld [tilespmem:s12+$0x7EE0]  }
0x6ba: {  	v15 =	vld [tilespmem:s12+$0xBEE0]  }
0x6bb: {  	v9 =	vadd.f32 v10, v9;
	v10 =	vmul.f32 v16, v12;
	v12 =	vld [tilespmem:s12+$0x7EF0]  }
0x6bc: {  	v16 =	vld [tilespmem:s12+$0xBEF0]  }
0x6bd: {  	v9 =	vadd.f32 v10, v9;
	v10 =	vmul.f32 v13, v11;
	v11 =	vld [tilespmem:s12+$0x8280]  }
0x6be: {  	v13 =	vld [tilespmem:s12+$0xC280]  }
0x6bf: {  	v9 =	vadd.f32 v10, v9;
	v10 =	vmul.f32 v15, v14;
	v14 =	vld [tilespmem:s12+$0x8290]  }
0x6c0: {  	v15 =	vld [tilespmem:s12+$0xC290]  }
0x6c1: {  	v9 =	vadd.f32 v10, v9;
	v10 =	vmul.f32 v16, v12;
	v12 =	vld [tilespmem:s12+$0x82A0]  }
0x6c2: {  	v16 =	vld [tilespmem:s12+$0xC2A0]  }
0x6c3: {  	v9 =	vadd.f32 v10, v9;
	v10 =	vmul.f32 v13, v11;
	v11 =	vld [tilespmem:s12+$0x82B0]  }
0x6c4: {  	v13 =	vld [tilespmem:s12+$0xC2B0]  }
0x6c5: {  	v9 =	vadd.f32 v10, v9;
	v10 =	vmul.f32 v15, v14;
	v14 =	vld [tilespmem:s12+$0x82C0]  }
0x6c6: {  	v15 =	vld [tilespmem:s12+$0xC2C0]  }
0x6c7: {  	v9 =	vadd.f32 v10, v9;
	v10 =	vmul.f32 v16, v12;
	v12 =	vld [tilespmem:s12+$0x82D0]  }
0x6c8: {  	v16 =	vld [tilespmem:s12+$0xC2D0]  }
0x6c9: {  	v9 =	vadd.f32 v10, v9;
	v10 =	vmul.f32 v13, v11;
	v11 =	vld [tilespmem:s12+$0x82E0]  }
0x6ca: {  	v13 =	vld [tilespmem:s12+$0xC2E0]  }
0x6cb: {  	v9 =	vadd.f32 v10, v9;
	v10 =	vmul.f32 v15, v14;
	v14 =	vld [tilespmem:s12+$0x82F0]  }
0x6cc: {  	v15 =	vld [tilespmem:s12+$0xC2F0]  }
0x6cd: {  	v9 =	vadd.f32 v10, v9;
	v10 =	vmul.f32 v16, v12;
	v12 =	vld [tilespmem:s12+$0x8680]  }
0x6ce: {  	v16 =	vld [tilespmem:s12+$0xC680]  }
0x6cf: {  	v9 =	vadd.f32 v10, v9;
	v10 =	vmul.f32 v13, v11;
	v11 =	vld [tilespmem:s12+$0x8690]  }
0x6d0: {  	v13 =	vld [tilespmem:s12+$0xC690]  }
0x6d1: {  	v9 =	vadd.f32 v10, v9;
	v10 =	vmul.f32 v15, v14;
	v14 =	vld [tilespmem:s12+$0x86A0]  }
0x6d2: {  	v15 =	vld [tilespmem:s12+$0xC6A0]  }
0x6d3: {  	v9 =	vadd.f32 v10, v9;
	v10 =	vmul.f32 v16, v12;
	v12 =	vld [tilespmem:s12+$0x86B0]  }
0x6d4: {  	v16 =	vld [tilespmem:s12+$0xC6B0]  }
0x6d5: {  	v9 =	vadd.f32 v10, v9;
	v10 =	vmul.f32 v13, v11;
	v11 =	vld [tilespmem:s12+$0x86C0]  }
0x6d6: {  	v13 =	vld [tilespmem:s12+$0xC6C0]  }
0x6d7: {  	v9 =	vadd.f32 v10, v9;
	v10 =	vmul.f32 v15, v14;
	v14 =	vld [tilespmem:s12+$0x86D0]  }
0x6d8: {  	v15 =	vld [tilespmem:s12+$0xC6D0]  }
0x6d9: {  	v9 =	vadd.f32 v10, v9;
	v10 =	vmul.f32 v16, v12;
	v12 =	vld [tilespmem:s12+$0x86E0]  }
0x6da: {  	v16 =	vld [tilespmem:s12+$0xC6E0]  }
0x6db: {  	v9 =	vadd.f32 v10, v9;
	v10 =	vmul.f32 v13, v11;
	v11 =	vld [tilespmem:s12+$0x86F0]  }
0x6dc: {  	v13 =	vld [tilespmem:s12+$0xC6F0]  }
0x6dd: {  	v9 =	vadd.f32 v10, v9;
	v10 =	vmul.f32 v15, v14;
	v14 =	vld [tilespmem:s12+$0x8A80]  }
0x6de: {  	v15 =	vld [tilespmem:s12+$0xCA80]  }
0x6df: {  	v9 =	vadd.f32 v10, v9;
	v10 =	vmul.f32 v16, v12;
	v12 =	vld [tilespmem:s12+$0x8A90]  }
0x6e0: {  	v16 =	vld [tilespmem:s12+$0xCA90]  }
0x6e1: {  	v9 =	vadd.f32 v10, v9;
	v10 =	vmul.f32 v13, v11;
	v11 =	vld [tilespmem:s12+$0x8AA0]  }
0x6e2: {  	v13 =	vld [tilespmem:s12+$0xCAA0]  }
0x6e3: {  	v9 =	vadd.f32 v10, v9;
	v10 =	vmul.f32 v15, v14;
	v14 =	vld [tilespmem:s12+$0x8AB0]  }
0x6e4: {  	v15 =	vld [tilespmem:s12+$0xCAB0]  }
0x6e5: {  	v9 =	vadd.f32 v10, v9;
	v10 =	vmul.f32 v16, v12;
	v12 =	vld [tilespmem:s12+$0x8AC0]  }
0x6e6: {  	v16 =	vld [tilespmem:s12+$0xCAC0]  }
0x6e7: {  	v9 =	vadd.f32 v10, v9;
	v10 =	vmul.f32 v13, v11;
	v11 =	vld [tilespmem:s12+$0x8AD0]  }
0x6e8: {  	v13 =	vld [tilespmem:s12+$0xCAD0]  }
0x6e9: {  	v9 =	vadd.f32 v10, v9;
	v10 =	vmul.f32 v15, v14;
	v14 =	vld [tilespmem:s12+$0x8AE0]  }
0x6ea: {  	v15 =	vld [tilespmem:s12+$0xCAE0]  }
0x6eb: {  	v9 =	vadd.f32 v10, v9;
	v10 =	vmul.f32 v16, v12;
	v12 =	vld [tilespmem:s12+$0x8AF0]  }
0x6ec: {  	v16 =	vld [tilespmem:s12+$0xCAF0]  }
0x6ed: {  	v9 =	vadd.f32 v10, v9;
	v10 =	vmul.f32 v13, v11;
	v11 =	vld [tilespmem:s12+$0x8E80]  }
0x6ee: {  	v13 =	vld [tilespmem:s12+$0xCE80]  }
0x6ef: {  	v9 =	vadd.f32 v10, v9;
	v10 =	vmul.f32 v15, v14;
	v14 =	vld [tilespmem:s12+$0x8E90]  }
0x6f0: {  	v15 =	vld [tilespmem:s12+$0xCE90]  }
0x6f1: {  	v9 =	vadd.f32 v10, v9;
	v10 =	vmul.f32 v16, v12;
	v12 =	vld [tilespmem:s12+$0x8EA0]  }
0x6f2: {  	v16 =	vld [tilespmem:s12+$0xCEA0]  }
0x6f3: {  	v9 =	vadd.f32 v10, v9;
	v10 =	vmul.f32 v13, v11;
	v11 =	vld [tilespmem:s12+$0x8EB0]  }
0x6f4: {  	v13 =	vld [tilespmem:s12+$0xCEB0]  }
0x6f5: {  	v9 =	vadd.f32 v10, v9;
	v10 =	vmul.f32 v15, v14;
	v14 =	vld [tilespmem:s12+$0x8EC0]  }
0x6f6: {  	v15 =	vld [tilespmem:s12+$0xCEC0]  }
0x6f7: {  	v9 =	vadd.f32 v10, v9;
	v10 =	vmul.f32 v16, v12;
	v12 =	vld [tilespmem:s12+$0x8ED0]  }
0x6f8: {  	s4 =	sadd.s32 $0x1, s4;
	v16 =	vld [tilespmem:s12+$0xCED0]  }
0x6f9: {  	s15 =	sand.u32 $0x7, s4;
	v9 =	vadd.f32 v10, v9;
	v10 =	vmul.f32 v13, v11;
	v11 =	vld [tilespmem:s12+$0x8EE0]  }
0x6fa: {  	s15 =	sshll.u32 s15, $0x7;
	v13 =	vld [tilespmem:s12+$0xCEE0]  }
0x6fb: {  	s15 =	sadd.s32 s15, s11;
	v9 =	vadd.f32 v10, v9;
	v10 =	vmul.f32 v15, v14;
	v14 =	vld [tilespmem:s12+$0x8EF0]  }
0x6fc: {  	v15 =	vld [tilespmem:s12+$0xCEF0];
	s12 =	sor.u32 $0x1C00, s15  }
0x6fd: {  	v9 =	vadd.f32 v10, v9;
	v10 =	vmul.f32 v16, v12;
	v12 =	vld [tilespmem:s12+$0x7680]  }
0x6fe: {  	v16 =	vld [tilespmem:s12+$0xB680];
	s12 =	sor.u32 $0x1C10, s15  }
0x6ff: {  	v9 =	vadd.f32 v10, v9;
	v10 =	vmul.f32 v13, v11;
	v11 =	vld [tilespmem:s12+$0x7680]  }
0x700: {  	v13 =	vld [tilespmem:s12+$0xB680];
	s12 =	sor.u32 $0x1C20, s15  }
0x701: {  	v9 =	vadd.f32 v10, v9;
	v10 =	vmul.f32 v15, v14;
	v14 =	vld [tilespmem:s12+$0x7680]  }
0x702: {  	v15 =	vld [tilespmem:s12+$0xB680];
	s12 =	sor.u32 $0x1C30, s15  }
0x703: {  	v9 =	vadd.f32 v10, v9;
	v10 =	vmul.f32 v16, v12;
	v12 =	vld [tilespmem:s12+$0x7680]  }
0x704: {  	v16 =	vld [tilespmem:s12+$0xB680];
	s12 =	sor.u32 $0x1C40, s15  }
0x705: {  	v9 =	vadd.f32 v10, v9;
	v10 =	vmul.f32 v13, v11;
	v11 =	vld [tilespmem:s12+$0x7680]  }
0x706: {  	v13 =	vld [tilespmem:s12+$0xB680];
	s12 =	sor.u32 $0x1C50, s15  }
0x707: {  	v9 =	vadd.f32 v10, v9;
	v10 =	vmul.f32 v15, v14;
	v14 =	vld [tilespmem:s12+$0x7680]  }
0x708: {  	v17 =	vld [tilespmem:s12+$0xB680];
	s12 =	sor.u32 $0x1C60, s15  }
0x709: {  	s13 =	sadd.s32 $0x80, s13;
	v15 =	vadd.f32 v10, v9;
	v12 =	vmul.f32 v16, v12;
	v9 =	vld [tilespmem:s12+$0x7680]  }
.Ltmp5:
0x70a: {  	s11 =	sadd.s32 $0x400, s11;
	s15 =	sor.u32 $0x1C70, s15;
	v10 =	vld [tilespmem:s12+$0xB680];
	(pc) =	sbr.rel @p0 .LBB2_11-.Ltmp5, $4  }
0x70b: {  	s16 =	sand.u32 $0x380, s13;
	s12 =	sand.u32 $0x2000, s11;
	v16 =	vadd.f32 v12, v15;
	v13 =	vmul.f32 v13, v11;
	v11 =	vld [tilespmem:s15+$0x7680]  }
0x70c: {  	s12 =	sor.u32 s16, s12;
	v12 =	vld [tilespmem:s15+$0xB680]  }
0x70d: {  	v15 =	vld [tilespmem:s12+$0x7680];
	v13 =	vadd.f32 v13, v16;
	v14 =	vmul.f32 v17, v14  }
0x70e: {  	s14 =	sadd.s32 $0x1, s14;
	v16 =	vld [tilespmem:s12+$0xB680]  }
0x70f: {  	v17 =	vld [tilespmem:s12+$0x7690]  }
0x710: {  	v18 =	vld [tilespmem:s12+$0xB690]  }
0x711: {  	v19 =	vld [tilespmem:s12+$0x76A0]  }
0x712: {  	v20 =	vld [tilespmem:s12+$0xB6A0]  }
0x713: {  	v21 =	vld [tilespmem:s12+$0x76B0]  }
0x714: {  	v22 =	vld [tilespmem:s12+$0xB6B0]  }
0x715: {  	v39 =	vld [tilespmem:s12+$0x76C0];
	v15 =	vmul.f32 v16, v15;
	v38 =	vmul.f32 v18, v17  }
0x716: {  	v40 =	vld [tilespmem:s12+$0xB6C0]  }
0x717: {  	v42 =	vld [tilespmem:s12+$0x76D0];
	v41 =	vmul.f32 v20, v19;
	v15 =	vadd.f32 v38, v15  }
0x718: {  	v43 =	vld [tilespmem:s12+$0xB6D0]  }
0x719: {  	v45 =	vld [tilespmem:s12+$0x76E0];
	v44 =	vmul.f32 v22, v21;
	v15 =	vadd.f32 v41, v15  }
0x71a: {  	v46 =	vld [tilespmem:s12+$0xB6E0]  }
0x71b: {  	v48 =	vld [tilespmem:s12+$0x76F0];
	v47 =	vmul.f32 v40, v39;
	v15 =	vadd.f32 v44, v15  }
0x71c: {  	v49 =	vld [tilespmem:s12+$0xB6F0]  }
0x71d: {  	v51 =	vld [tilespmem:s12+$0x7A80];
	v50 =	vmul.f32 v43, v42;
	v15 =	vadd.f32 v47, v15  }
0x71e: {  	v52 =	vld [tilespmem:s12+$0xBA80]  }
0x71f: {  	v54 =	vld [tilespmem:s12+$0x7A90];
	v53 =	vmul.f32 v46, v45;
	v15 =	vadd.f32 v50, v15  }
0x720: {  	v55 =	vld [tilespmem:s12+$0xBA90]  }
0x721: {  	v57 =	vld [tilespmem:s12+$0x7AA0];
	v56 =	vmul.f32 v49, v48;
	v15 =	vadd.f32 v53, v15  }
0x722: {  	v58 =	vld [tilespmem:s12+$0xBAA0]  }
0x723: {  	v60 =	vld [tilespmem:s12+$0x7AB0];
	v59 =	vmul.f32 v52, v51;
	v15 =	vadd.f32 v56, v15  }
0x724: {  	v61 =	vld [tilespmem:s12+$0xBAB0]  }
0x725: {  	v63 =	vld [tilespmem:s12+$0x7AC0];
	v62 =	vmul.f32 v55, v54;
	v15 =	vadd.f32 v59, v15  }
0x726: {  	v24 =	vld [tilespmem:s12+$0xBAC0]  }
0x727: {  	v26 =	vld [tilespmem:s12+$0x7AD0];
	v25 =	vmul.f32 v58, v57;
	v15 =	vadd.f32 v62, v15  }
0x728: {  	v27 =	vld [tilespmem:s12+$0xBAD0]  }
0x729: {  	v29 =	vld [tilespmem:s12+$0x7AE0];
	v28 =	vmul.f32 v61, v60;
	v15 =	vadd.f32 v25, v15  }
0x72a: {  	v30 =	vld [tilespmem:s12+$0xBAE0]  }
0x72b: {  	v32 =	vld [tilespmem:s12+$0x7AF0];
	v31 =	vmul.f32 v24, v63;
	v15 =	vadd.f32 v28, v15  }
0x72c: {  	v33 =	vld [tilespmem:s12+$0xBAF0]  }
0x72d: {  	v35 =	vld [tilespmem:s12+$0x7E80];
	v34 =	vmul.f32 v27, v26;
	v15 =	vadd.f32 v31, v15  }
0x72e: {  	v36 =	vld [tilespmem:s12+$0xBE80]  }
0x72f: {  	v37 =	vmul.f32 v30, v29;
	v39 =	vld [tilespmem:s12+$0xBE90];
	v15 =	vadd.f32 v34, v15  }
0x730: {  	v38 =	vld [tilespmem:s12+$0x7E90]  }
0x731: {  	v40 =	vmul.f32 v33, v32;
	v42 =	vld [tilespmem:s12+$0xBEA0];
	v15 =	vadd.f32 v37, v15  }
0x732: {  	v41 =	vld [tilespmem:s12+$0x7EA0]  }
0x733: {  	v43 =	vmul.f32 v36, v35;
	v45 =	vld [tilespmem:s12+$0xBEB0];
	v15 =	vadd.f32 v40, v15  }
0x734: {  	v44 =	vld [tilespmem:s12+$0x7EB0]  }
0x735: {  	v48 =	vld [tilespmem:s12+$0xBEC0];
	v46 =	vmul.f32 v39, v38;
	v15 =	vadd.f32 v43, v15  }
0x736: {  	v47 =	vld [tilespmem:s12+$0x7EC0]  }
0x737: {  	v51 =	vld [tilespmem:s12+$0xBED0];
	v49 =	vmul.f32 v42, v41;
	v15 =	vadd.f32 v46, v15  }
0x738: {  	v50 =	vld [tilespmem:s12+$0x7ED0]  }
0x739: {  	v54 =	vld [tilespmem:s12+$0xBEE0];
	v52 =	vmul.f32 v45, v44;
	v15 =	vadd.f32 v49, v15  }
0x73a: {  	v53 =	vld [tilespmem:s12+$0x7EE0]  }
0x73b: {  	v57 =	vld [tilespmem:s12+$0xBEF0];
	v55 =	vmul.f32 v48, v47;
	v15 =	vadd.f32 v52, v15  }
0x73c: {  	v56 =	vld [tilespmem:s12+$0x7EF0]  }
0x73d: {  	v60 =	vld [tilespmem:s12+$0xC280];
	v58 =	vmul.f32 v51, v50;
	v15 =	vadd.f32 v55, v15  }
0x73e: {  	v59 =	vld [tilespmem:s12+$0x8280]  }
0x73f: {  	v63 =	vld [tilespmem:s12+$0xC290];
	v61 =	vmul.f32 v54, v53;
	v15 =	vadd.f32 v58, v15  }
0x740: {  	v62 =	vld [tilespmem:s12+$0x8290]  }
0x741: {  	v26 =	vld [tilespmem:s12+$0xC2A0];
	v24 =	vmul.f32 v57, v56;
	v15 =	vadd.f32 v61, v15  }
0x742: {  	v25 =	vld [tilespmem:s12+$0x82A0]  }
0x743: {  	v29 =	vld [tilespmem:s12+$0xC2B0];
	v27 =	vmul.f32 v60, v59;
	v15 =	vadd.f32 v24, v15  }
0x744: {  	v28 =	vld [tilespmem:s12+$0x82B0]  }
0x745: {  	v32 =	vld [tilespmem:s12+$0xC2C0];
	v30 =	vmul.f32 v63, v62;
	v15 =	vadd.f32 v27, v15  }
0x746: {  	v31 =	vld [tilespmem:s12+$0x82C0]  }
0x747: {  	v35 =	vld [tilespmem:s12+$0xC2D0];
	v33 =	vmul.f32 v26, v25;
	v15 =	vadd.f32 v30, v15  }
0x748: {  	v34 =	vld [tilespmem:s12+$0x82D0]  }
0x749: {  	v38 =	vld [tilespmem:s12+$0xC2E0];
	v36 =	vmul.f32 v29, v28;
	v15 =	vadd.f32 v33, v15  }
0x74a: {  	v37 =	vld [tilespmem:s12+$0x82E0]  }
0x74b: {  	v41 =	vld [tilespmem:s12+$0xC2F0];
	v39 =	vmul.f32 v32, v31;
	v15 =	vadd.f32 v36, v15  }
0x74c: {  	v40 =	vld [tilespmem:s12+$0x82F0]  }
0x74d: {  	v44 =	vld [tilespmem:s12+$0xC680];
	v42 =	vmul.f32 v35, v34;
	v15 =	vadd.f32 v39, v15  }
0x74e: {  	v43 =	vld [tilespmem:s12+$0x8680]  }
0x74f: {  	v47 =	vld [tilespmem:s12+$0xC690];
	v45 =	vmul.f32 v38, v37;
	v15 =	vadd.f32 v42, v15  }
0x750: {  	v46 =	vld [tilespmem:s12+$0x8690]  }
0x751: {  	v50 =	vld [tilespmem:s12+$0xC6A0];
	v48 =	vmul.f32 v41, v40;
	v15 =	vadd.f32 v45, v15  }
0x752: {  	v49 =	vld [tilespmem:s12+$0x86A0]  }
0x753: {  	v53 =	vld [tilespmem:s12+$0xC6B0];
	v51 =	vmul.f32 v44, v43;
	v15 =	vadd.f32 v48, v15  }
0x754: {  	v52 =	vld [tilespmem:s12+$0x86B0]  }
0x755: {  	v56 =	vld [tilespmem:s12+$0xC6C0];
	v54 =	vmul.f32 v47, v46;
	v15 =	vadd.f32 v51, v15  }
0x756: {  	v55 =	vld [tilespmem:s12+$0x86C0]  }
0x757: {  	v59 =	vld [tilespmem:s12+$0xC6D0];
	v57 =	vmul.f32 v50, v49;
	v15 =	vadd.f32 v54, v15  }
0x758: {  	v58 =	vld [tilespmem:s12+$0x86D0]  }
0x759: {  	v62 =	vld [tilespmem:s12+$0xC6E0];
	v60 =	vmul.f32 v53, v52;
	v15 =	vadd.f32 v57, v15  }
0x75a: {  	v61 =	vld [tilespmem:s12+$0x86E0]  }
0x75b: {  	v25 =	vld [tilespmem:s12+$0xC6F0];
	v63 =	vmul.f32 v56, v55;
	v15 =	vadd.f32 v60, v15  }
0x75c: {  	v24 =	vld [tilespmem:s12+$0x86F0]  }
0x75d: {  	v28 =	vld [tilespmem:s12+$0xCA80];
	v26 =	vmul.f32 v59, v58;
	v15 =	vadd.f32 v63, v15  }
0x75e: {  	v27 =	vld [tilespmem:s12+$0x8A80]  }
0x75f: {  	v31 =	vld [tilespmem:s12+$0xCA90];
	v29 =	vmul.f32 v62, v61;
	v15 =	vadd.f32 v26, v15  }
0x760: {  	v30 =	vld [tilespmem:s12+$0x8A90]  }
0x761: {  	v34 =	vld [tilespmem:s12+$0xCAA0];
	v32 =	vmul.f32 v25, v24;
	v15 =	vadd.f32 v29, v15  }
0x762: {  	v33 =	vld [tilespmem:s12+$0x8AA0]  }
0x763: {  	v37 =	vld [tilespmem:s12+$0xCAB0];
	v35 =	vmul.f32 v28, v27;
	v15 =	vadd.f32 v32, v15  }
0x764: {  	v36 =	vld [tilespmem:s12+$0x8AB0]  }
0x765: {  	v40 =	vld [tilespmem:s12+$0xCAC0];
	v38 =	vmul.f32 v31, v30;
	v15 =	vadd.f32 v35, v15  }
0x766: {  	v39 =	vld [tilespmem:s12+$0x8AC0]  }
0x767: {  	v43 =	vld [tilespmem:s12+$0xCAD0];
	v41 =	vmul.f32 v34, v33;
	v15 =	vadd.f32 v38, v15  }
0x768: {  	v42 =	vld [tilespmem:s12+$0x8AD0]  }
0x769: {  	v46 =	vld [tilespmem:s12+$0xCAE0];
	v44 =	vmul.f32 v37, v36;
	v15 =	vadd.f32 v41, v15  }
0x76a: {  	v45 =	vld [tilespmem:s12+$0x8AE0]  }
0x76b: {  	v49 =	vld [tilespmem:s12+$0xCAF0];
	v47 =	vmul.f32 v40, v39;
	v15 =	vadd.f32 v44, v15  }
0x76c: {  	v48 =	vld [tilespmem:s12+$0x8AF0]  }
0x76d: {  	v52 =	vld [tilespmem:s12+$0xCE80];
	v50 =	vmul.f32 v43, v42;
	v15 =	vadd.f32 v47, v15  }
0x76e: {  	v51 =	vld [tilespmem:s12+$0x8E80]  }
0x76f: {  	v55 =	vld [tilespmem:s12+$0xCE90];
	v53 =	vmul.f32 v46, v45;
	v15 =	vadd.f32 v50, v15  }
0x770: {  	v54 =	vld [tilespmem:s12+$0x8E90]  }
0x771: {  	v58 =	vld [tilespmem:s12+$0xCEA0];
	v56 =	vmul.f32 v49, v48;
	v15 =	vadd.f32 v53, v15  }
0x772: {  	v57 =	vld [tilespmem:s12+$0x8EA0]  }
0x773: {  	v61 =	vld [tilespmem:s12+$0xCEB0];
	v59 =	vmul.f32 v52, v51;
	v15 =	vadd.f32 v56, v15  }
0x774: {  	v60 =	vld [tilespmem:s12+$0x8EB0]  }
0x775: {  	v24 =	vld [tilespmem:s12+$0xCEC0];
	v62 =	vmul.f32 v55, v54;
	v15 =	vadd.f32 v59, v15  }
0x776: {  	v63 =	vld [tilespmem:s12+$0x8EC0]  }
0x777: {  	v27 =	vld [tilespmem:s12+$0xCED0];
	v25 =	vmul.f32 v58, v57;
	v15 =	vadd.f32 v62, v15  }
0x778: {  	s4 =	sadd.s32 $0x1, s4;
	v26 =	vld [tilespmem:s12+$0x8ED0]  }
0x779: {  	s4 =	sand.u32 $0x7, s4;
	v30 =	vld [tilespmem:s12+$0xCEE0];
	v28 =	vmul.f32 v61, v60;
	v15 =	vadd.f32 v25, v15  }
0x77a: {  	s4 =	sshll.u32 s4, $0x7;
	v29 =	vld [tilespmem:s12+$0x8EE0]  }
0x77b: {  	s4 =	sadd.s32 s4, s11;
	v33 =	vld [tilespmem:s12+$0xCEF0];
	v31 =	vmul.f32 v24, v63;
	v15 =	vadd.f32 v28, v15  }
0x77c: {  	s11 =	sor.u32 $0x1C00, s4;
	v32 =	vld [tilespmem:s12+$0x8EF0]  }
0x77d: {  	v36 =	vld [tilespmem:s11+$0xB680];
	v34 =	vmul.f32 v27, v26;
	v15 =	vadd.f32 v31, v15  }
0x77e: {  	s30 =	sor.u32 $0x1C10, s4;
	v35 =	vld [tilespmem:s11+$0x7680]  }
0x77f: {  	v39 =	vld [tilespmem:s30+$0xB680];
	v37 =	vmul.f32 v30, v29;
	v15 =	vadd.f32 v34, v15  }
0x780: {  	s31 =	sor.u32 $0x1C20, s4;
	v38 =	vld [tilespmem:s30+$0x7680]  }
0x781: {  	v42 =	vld [tilespmem:s31+$0xB680];
	v40 =	vmul.f32 v33, v32;
	v15 =	vadd.f32 v37, v15  }
0x782: {  	s12 =	sor.u32 $0x1C30, s4;
	v41 =	vld [tilespmem:s31+$0x7680]  }
0x783: {  	v45 =	vld [tilespmem:s12+$0xB680];
	v43 =	vmul.f32 v36, v35;
	v15 =	vadd.f32 v40, v15  }
0x784: {  	s13 =	sor.u32 $0x1C40, s4;
	v44 =	vld [tilespmem:s12+$0x7680]  }
0x785: {  	v48 =	vld [tilespmem:s13+$0xB680];
	v46 =	vmul.f32 v39, v38;
	v15 =	vadd.f32 v43, v15  }
0x786: {  	s14 =	sor.u32 $0x1C50, s4;
	v47 =	vld [tilespmem:s13+$0x7680]  }
0x787: {  	v51 =	vld [tilespmem:s14+$0xB680];
	v49 =	vmul.f32 v42, v41;
	v15 =	vadd.f32 v46, v15  }
0x788: {  	s15 =	sor.u32 $0x1C60, s4;
	v50 =	vld [tilespmem:s14+$0x7680]  }
0x789: {  	v54 =	vld [tilespmem:s15+$0xB680];
	v52 =	vmul.f32 v45, v44;
	v15 =	vadd.f32 v49, v15  }
0x78a: {  	s4 =	sor.u32 $0x1C70, s4;
	v53 =	vld [tilespmem:s15+$0x7680]  }
0x78b: {  	v57 =	vld [tilespmem:s4+$0xB680];
	v55 =	vmul.f32 v48, v47;
	v15 =	vadd.f32 v52, v15  }
0x78c: {  	v56 =	vld [tilespmem:s4+$0x7680]  }
0x78d: {  	v58 =	vmul.f32 v51, v50;
	v15 =	vadd.f32 v55, v15  }
0x78e: {  	v13 =	vadd.f32 v14, v13;
	v9 =	vmul.f32 v10, v9  }
0x78f: {  	v60 =	vmul.f32 v54, v53;
	v59 =	vadd.f32 v58, v15  }
0x790: {  	v9 =	vadd.f32 v9, v13;
	v11 =	vmul.f32 v12, v11  }
0x791: {  	v61 =	vmul.f32 v57, v56;
	v10 =	vadd.f32 v60, v59  }
0x792: {  	v9 =	vadd.f32 v11, v9  }
0x793: {  	v10 =	vadd.f32 v61, v10  }
0x794: {  	v11 =	vperm.xlane v9, v1  }
0x795: {  	v12 =	vperm.xlane v10, v1  }
0x796: {  	v9 =	vadd.f32 v9, v11  }
0x797: {  	v10 =	vadd.f32 v10, v12  }
0x798: {  	v11 =	vperm.xlane v9, v2  }
0x799: {  	v12 =	vperm.xlane v10, v2  }
0x79a: {  	v9 =	vadd.f32 v9, v11  }
0x79b: {  	v10 =	vadd.f32 v10, v12  }
0x79c: {  	v11 =	vperm.xlane v9, v5  }
0x79d: {  	v12 =	vperm.xlane v10, v5  }
0x79e: {  	v9 =	vadd.f32 v9, v11  }
0x79f: {  	v10 =	vadd.f32 v10, v12  }
0x7a0: {  	v11 =	vperm.xlane v9, v7  }
0x7a1: {  	v12 =	vperm.xlane v10, v7  }
0x7a2: {  	v9 =	vadd.f32 v9, v11;
	v62 =	vmov s0  }
0x7a3: {  	v63 =	vmov s1;
	vm1 =	veq.s32 v62, v0;
	v10 =	vadd.f32 v10, v12  }
0x7a4: {  	v8 =	vsel vm1, v9, v8;
	vm1 =	veq.s32 v63, v0  }
0x7a5: {  	v8 =	vsel vm1, v10, v8  }
0x7a6: {  	v8 =	vmax.f32 v8, $0.0e+00  }
0x7a7: {  	v8 =	vmin.f32 v8, $1.000000000e+00  }
0x7a8: {  	s16 =	rddreg [dreg:$0x5];
	s17 =	simm.s32 $0x4F00;
	s1 =	simm.s32 $0x4;
	[tilespmem:$0x7600] =	vst v8  }
0x7a9: {  	[hbm4b:s16+s2] =	stream.linear.scatter [tilespmem:s17], [sflag:$0x4], $0x2710, $0x38;
	[tilespmem:$0x1F680] =	vst v63  }
0x7aa: {  	_ =	swait.ge [sflag:s1], $0x2710  }
0x7ab: {  	s30 =	rddreg [dreg:$0x7]  }
0x7ac: {  	s31 =	rddreg [dreg:$0x6];
	s4 =	sadd.s32 $0x1, s30  }
0x7ad: {  	p0 =	sne.s32 s4, s31  }
.Ltmp6:
0x7ae: {  	_ = 	snop;
	(pc) =	sbr.rel @p0 .LBB2_1-.Ltmp6, $3  }
0x7af: {  	_ =	sdelay $0x1  }
0x7b0: {  	[sflag:s1] =	ssyncset.done $0x0  }
0x7b1: {  	[sflag:s1] =	ssyncadd.s32 $0xFFFFD8F0  }
0x7b2: {  	_ =	sfence.sel $0x180000  }
0x7b3: {  	[bflag:$0x0] =	sbarrier.arrive $0xFFFF  }
0x7b4: {  	_ =	strace $0x90000047  }
0x7b5: {  	s0 =	stileid.u32;
	[bflag:$0x2] =	sbarrier.arrive $0xFFFF  }
0x7b6: {  	p0 =	sne.s32 s0, $0x0;
	s0 =	rddreg [dreg:$0x2]  }
0x7b7: {  	s0 =	sadd.s32 @!p0 $0x100000, s0  }
0x7b8: {  	[sflag:s0] =	ssyncadd.tile.s32 @!p0 $0x1;
	_ =	shalt  }
.Lfunc_end2:
_tile_overlayer_lowered:
.L_overlay_start_2:
0x7b9: {  	(tag) =	ssettag $0x2  }
0x7ba: {  	s0 =	rddreg [dreg:$0x0];
	s2 =	stileid.u32  }
0x7bb: {  	s1 =	rddreg [dreg:$0x1];
	p0 =	sne.s32 s2, $0x0  }
0x7bc: {  	s3 =	rddreg [dreg:$0x2];
	[bflag:$0x3] =	sbarrier.arrive $0xFFFF;
	s2 =	simm.s32 @!p0 $0x1C04  }
0x7bd: {  	[timem:s3], [sflag:s2] =	dma.local @!p0 [hbm:s0], s1  }
0x7be: {  	s0 =	simm.s32 @!p0 $0x4  }
0x7bf: {  	_ =	swait.ge @!p0 [sflag:s0], s1  }
0x7c0: {  	s1 =	ssub.s32 @!p0 $0x0, s1;
	[sflag:s0] =	ssyncset.done @!p0 $0x0  }
0x7c1: {  	[sflag:s0] =	ssyncadd.s32 @!p0 s1  }
0x7c2: {  	[bflag:$0x3] =	sbarrier.arrive $0xFFFF  }
0x7c3: {  	_ =	shalt  }

</sc_bundles>
